<compile_context>
chip_gen: v7x
topology: tpu7x:2x2x1
jax: 0.10.2.dev20260603
libtpu: 0.0.44.dev20260713+nightly
codegen_flags: <defaults>
</compile_context>

<pallas_src>
import jax
import jax.numpy as jnp
from jax import lax
from jax.experimental import pallas as pl
from jax.experimental.pallas import tpu as pltpu
from jax.experimental.pallas import tpu_sc as plsc

_OUT = 7
_C = 256
_BOXES_PER_W = 16
_NROW = 25088


_GATHER_DN = lax.GatherDimensionNumbers(
    offset_dims=(), collapsed_slice_dims=(0,), start_index_map=(0,))


def _splat16(v, i):
    iv = (jnp.zeros((16,), jnp.int32) + i)[:, None]
    return lax.gather(v, iv, _GATHER_DN, (1,),
                      mode=lax.GatherScatterMode.PROMISE_IN_BOUNDS)


def _sc_body(table, px1, py1, pbw, pbh, pbase, pwid, out,
             x1v, y1v, bwv, bhv, basev, wv,
             idxb0, idxb1, wtb0, wtb1, gbuf0, gbuf1, obuf, sem0, sem1):
    wid = lax.axis_index("s") * 2 + lax.axis_index("c")
    b0 = wid * _BOXES_PER_W

    pltpu.sync_copy(px1.at[pl.ds(b0, 16)], x1v)
    pltpu.sync_copy(py1.at[pl.ds(b0, 16)], y1v)
    pltpu.sync_copy(pbw.at[pl.ds(b0, 16)], bwv)
    pltpu.sync_copy(pbh.at[pl.ds(b0, 16)], bhv)
    pltpu.sync_copy(pbase.at[pl.ds(b0, 16)], basev)
    pltpu.sync_copy(pwid.at[pl.ds(b0, 16)], wv)
    x1a = x1v[...]
    y1a = y1v[...]
    bwa = bwv[...]
    bha = bhv[...]
    basea = basev[...]
    wa = wv[...]

    ii = lax.iota(jnp.int32, 16)
    pos = ((ii >> 1).astype(jnp.float32)
           + (ii & 1).astype(jnp.float32) * 0.5 + 0.25)

    def corners(v, wm1, wm1f):
        v = jnp.maximum(v, 0.0)
        lo = v.astype(jnp.int32)
        cl = lo >= wm1
        lo = jnp.where(cl, wm1, lo)
        hi = jnp.where(cl, wm1, lo + 1)
        vf = jnp.where(cl, wm1f, v)
        return lo, hi, vf - lo.astype(jnp.float32)

    def box_body(lb, carry):
        base = _splat16(basea, lb)
        w = _splat16(wa, lb)
        wm1 = w - 1
        wm1f = wm1.astype(jnp.float32)
        xl, xh, lx = corners(_splat16(x1a, lb) + pos * _splat16(bwa, lb),
                             wm1, wm1f)
        yl, yh, ly = corners(_splat16(y1a, lb) + pos * _splat16(bha, lb),
                             wm1, wm1f)
        hx = 1.0 - lx

        def build_row(pyr, idxb, wtb):
            for il in range(2):
                i = 2 * pyr + il
                yl_s = _splat16(yl, i)
                yh_s = _splat16(yh, i)
                ly_s = _splat16(ly, i)
                hy_s = 1.0 - ly_s
                for cy in range(2):
                    rb = base + (yl_s if cy == 0 else yh_s) * w
                    wy = (hy_s if cy == 0 else ly_s) * 0.25
                    for cx in range(2):
                        q = (cy * 2 + cx) * 2 + il
                        idxb[pl.ds(q * 16, 16)] = rb + (xl if cx == 0 else xh)
                        wtb[q, :] = wy * (hx if cx == 0 else lx)

        def fire(idxb, gbuf, sem):
            pltpu.make_async_copy(table.at[idxb], gbuf, sem).start()

        def wait(idxb, gbuf, sem):
            pltpu.make_async_copy(table.at[idxb], gbuf, sem).wait()

        def combine_row(pyr, gbuf, wtb):
            def px_body(px, carry3):
                def u_body(u, acc):
                    il = u >> 1
                    jj = u & 1
                    lane = 2 * px + jj
                    iv = (jnp.zeros((16,), jnp.int32) + lane)[:, None]
                    nb = il * 16 + lane
                    new = list(acc)
                    for c in range(4):
                        wgt = lax.gather(
                            wtb[c * 2 + il, :], iv, _GATHER_DN, (1,),
                            mode=lax.GatherScatterMode.PROMISE_IN_BOUNDS)
                        n = nb + c * 32
                        for g in range(8):
                            v = gbuf[n, pl.ds(g * 16, 16)]
                            lo = lax.bitcast_convert_type(
                                jnp.left_shift(v, 16), jnp.float32)
                            hi = lax.bitcast_convert_type(
                                v & jnp.int32(-65536), jnp.float32)
                            new[g] = new[g] + wgt * lo
                            new[8 + g] = new[8 + g] + wgt * hi
                    return tuple(new)
                acc0 = tuple(jnp.zeros((16,), jnp.float32) for _ in range(16))
                acc = lax.fori_loop(0, 4, u_body, acc0)
                for g in range(8):
                    obuf[pyr * _OUT + px, pl.ds(g * 16, 16)] = acc[g]
                    obuf[pyr * _OUT + px, pl.ds(128 + g * 16, 16)] = acc[8 + g]
                return carry3
            lax.fori_loop(0, _OUT, px_body, 0)

        build_row(0, idxb0, wtb0)
        fire(idxb0, gbuf0, sem0)

        def two_rows(kk, carry2):
            c0 = 2 * kk
            build_row(c0 + 1, idxb1, wtb1)
            fire(idxb1, gbuf1, sem1)
            wait(idxb0, gbuf0, sem0)
            combine_row(c0, gbuf0, wtb0)
            build_row(c0 + 2, idxb0, wtb0)
            fire(idxb0, gbuf0, sem0)
            wait(idxb1, gbuf1, sem1)
            combine_row(c0 + 1, gbuf1, wtb1)
            return carry2
        lax.fori_loop(0, 3, two_rows, 0)
        wait(idxb0, gbuf0, sem0)
        combine_row(6, gbuf0, wtb0)
        pltpu.sync_copy(obuf, out.at[b0 + lb])
        return carry
    lax.fori_loop(0, _BOXES_PER_W, box_body, 0)


def kernel(x0, x1, x2, x3, boxes0, boxes1):
    feats = (x0, x1, x2, x3)
    table = jnp.concatenate(
        [jnp.transpose(f, (0, 2, 3, 1)).reshape(-1, _C) for f in feats],
        axis=0)

    def _rtne(f32):
        u = lax.bitcast_convert_type(f32, jnp.uint32)
        return (u + 0x7FFF + ((u >> 16) & 1)) >> 16

    table = lax.bitcast_convert_type(
        _rtne(table[:, :128]) | (_rtne(table[:, 128:]) << 16), jnp.int32)

    boxes = jnp.concatenate([boxes0, boxes1], axis=0)
    nb0 = boxes0.shape[0]
    b_idx = jnp.concatenate([
        jnp.zeros((nb0,), jnp.int32),
        jnp.ones((boxes.shape[0] - nb0,), jnp.int32)])
    areas = (boxes[:, 2] - boxes[:, 0]) * (boxes[:, 3] - boxes[:, 1])
    sizes = jnp.sqrt(areas)
    lvl = jnp.floor(4.0 + jnp.log2(sizes / 224.0 + 1e-8))
    k = jnp.clip(lvl, 2, 5).astype(jnp.int32) - 2
    scale = jnp.take(jnp.array((0.25, 0.125, 0.0625, 0.03125), jnp.float32), k)
    wlv = jnp.take(jnp.array([128, 64, 32, 16], jnp.int32), k)
    lvl_off = jnp.take(jnp.array([0, 32768, 40960, 43008], jnp.int32), k)
    base = lvl_off + b_idx * wlv * wlv
    bx1 = boxes[:, 0] * scale - 0.5
    by1 = boxes[:, 1] * scale - 0.5
    bx2 = boxes[:, 2] * scale - 0.5
    by2 = boxes[:, 3] * scale - 0.5
    bw = (bx2 - bx1) / _OUT
    bh = (by2 - by1) / _OUT

    mesh = plsc.VectorSubcoreMesh(core_axis_name="c", subcore_axis_name="s")
    out_t = pl.kernel(
        _sc_body,
        out_type=jax.ShapeDtypeStruct((512, 49, _C), jnp.float32),
        mesh=mesh,
        scratch_types=[
            pltpu.VMEM((16,), jnp.float32),
            pltpu.VMEM((16,), jnp.float32),
            pltpu.VMEM((16,), jnp.float32),
            pltpu.VMEM((16,), jnp.float32),
            pltpu.VMEM((16,), jnp.int32),
            pltpu.VMEM((16,), jnp.int32),
            pltpu.VMEM((128,), jnp.int32),
            pltpu.VMEM((128,), jnp.int32),
            pltpu.VMEM((8, 16), jnp.float32),
            pltpu.VMEM((8, 16), jnp.float32),
            pltpu.VMEM((128, _C // 2), jnp.int32),
            pltpu.VMEM((128, _C // 2), jnp.int32),
            pltpu.VMEM((49, _C), jnp.float32),
            pltpu.SemaphoreType.DMA,
            pltpu.SemaphoreType.DMA,
        ],
    )(table, bx1, by1, bw, bh, base, wlv)

    return out_t.reshape(512, _OUT, _OUT, _C).transpose(0, 3, 1, 2)

# --- scband reference (transcript-rebuilt; emitter-appended) ---
"""Pipeline reference for scband-roipooler-3642132267627 (READ-ONLY COPY).

The authoritative reference and input builder live on the scoring server;
editing this copy changes nothing except your own understanding.
"""

import jax, jax.numpy as jnp
import numpy as np

OUT = 7
RATIO = 2
SCALES = (0.25, 0.125, 0.0625, 0.03125)
MIN_LEVEL = 2
MAX_LEVEL = 5
CANON_SIZE = 224.0
CANON_LEVEL = 4.0
IMG = 512.0


def _bilinear_gather(feat, b_idx, y, x):
    # feat: [B,C,H,W]; b_idx: [R]; y: [R,Ny]; x: [R,Nx] -> [R,C,Ny,Nx]
    B, C, H, W = feat.shape
    vy = (y >= -1.0) & (y <= float(H))
    vx = (x >= -1.0) & (x <= float(W))
    y = jnp.maximum(y, 0.0)
    x = jnp.maximum(x, 0.0)
    y_low = jnp.floor(y).astype(jnp.int32)
    x_low = jnp.floor(x).astype(jnp.int32)
    yc = y_low >= H - 1
    xc = x_low >= W - 1
    y_low = jnp.where(yc, H - 1, y_low)
    x_low = jnp.where(xc, W - 1, x_low)
    y_high = jnp.where(yc, H - 1, y_low + 1)
    x_high = jnp.where(xc, W - 1, x_low + 1)
    y = jnp.where(yc, y_low.astype(y.dtype), y)
    x = jnp.where(xc, x_low.astype(x.dtype), x)
    ly = y - y_low.astype(y.dtype)
    lx = x - x_low.astype(x.dtype)
    hy = 1.0 - ly
    hx = 1.0 - lx
    b = b_idx[:, None, None]

    def g(yi, xi):
        v = feat[b, :, yi[:, :, None], xi[:, None, :]]  # [R,Ny,Nx,C]
        return jnp.transpose(v, (0, 3, 1, 2))  # [R,C,Ny,Nx]

    v = (hy[:, None, :, None] * hx[:, None, None, :] * g(y_low, x_low)
         + hy[:, None, :, None] * lx[:, None, None, :] * g(y_low, x_high)
         + ly[:, None, :, None] * hx[:, None, None, :] * g(y_high, x_low)
         + ly[:, None, :, None] * lx[:, None, None, :] * g(y_high, x_high))
    mask = (vy[:, None, :, None] & vx[:, None, None, :]).astype(v.dtype)
    return v * mask


def _roi_align(feat, boxes, b_idx, scale):
    # torchvision RoIAlign with aligned=True
    R = boxes.shape[0]
    C = feat.shape[1]
    x1 = boxes[:, 0] * scale - 0.5
    y1 = boxes[:, 1] * scale - 0.5
    x2 = boxes[:, 2] * scale - 0.5
    y2 = boxes[:, 3] * scale - 0.5
    bin_w = (x2 - x1) / OUT
    bin_h = (y2 - y1) / OUT
    n = OUT * RATIO
    p = (jnp.arange(n) // RATIO).astype(jnp.float32)
    s = (jnp.arange(n) % RATIO).astype(jnp.float32)
    xs = x1[:, None] + p[None, :] * bin_w[:, None] + (s[None, :] + 0.5) * bin_w[:, None] / RATIO
    ys = y1[:, None] + p[None, :] * bin_h[:, None] + (s[None, :] + 0.5) * bin_h[:, None] / RATIO
    val = _bilinear_gather(feat, b_idx, ys, xs)  # [R,C,n,n]
    val = val.reshape(R, C, OUT, RATIO, OUT, RATIO).mean(axis=(3, 5))
    return val


def _make_boxes(k1, k2, k3, k4, n):
    w = jax.random.uniform(k1, (n,), minval=8.0, maxval=448.0)
    h = jax.random.uniform(k2, (n,), minval=8.0, maxval=448.0)
    xa = jax.random.uniform(k3, (n,)) * (IMG - w)
    ya = jax.random.uniform(k4, (n,)) * (IMG - h)
    return jnp.stack([xa, ya, xa + w, ya + h], axis=1)


def setup_inputs(seed: int = 0):
    key = jax.random.key(seed)
    ks = jax.random.split(key, 12)
    x0 = jax.random.normal(ks[0], (2, 256, 128, 128), dtype=jnp.float32)
    x1 = jax.random.normal(ks[1], (2, 256, 64, 64), dtype=jnp.float32)
    x2 = jax.random.normal(ks[2], (2, 256, 32, 32), dtype=jnp.float32)
    x3 = jax.random.normal(ks[3], (2, 256, 16, 16), dtype=jnp.float32)
    boxes0 = _make_boxes(ks[4], ks[5], ks[6], ks[7], 256)
    boxes1 = _make_boxes(ks[8], ks[9], ks[10], ks[11], 256)
    return {"x0": x0, "x1": x1, "x2": x2, "x3": x3, "boxes0": boxes0, "boxes1": boxes1}


def reference(x0, x1, x2, x3, boxes0, boxes1):
    feats = [x0, x1, x2, x3]
    boxes = jnp.concatenate([boxes0, boxes1], axis=0)
    b_idx = jnp.concatenate([
        jnp.zeros((boxes0.shape[0],), jnp.int32),
        jnp.ones((boxes1.shape[0],), jnp.int32),
    ], axis=0)
    areas = (boxes[:, 2] - boxes[:, 0]) * (boxes[:, 3] - boxes[:, 1])
    sizes = jnp.sqrt(areas)
    lvl = jnp.floor(CANON_LEVEL + jnp.log2(sizes / CANON_SIZE + 1e-8))
    lvl = jnp.clip(lvl, MIN_LEVEL, MAX_LEVEL).astype(jnp.int32) - MIN_LEVEL
    out = jnp.zeros((boxes.shape[0], x0.shape[1], OUT, OUT), x0.dtype)
    for L, (f, sc) in enumerate(zip(feats, SCALES)):
        pooled = _roi_align(f, boxes, b_idx, sc)
        m = (lvl == L).astype(f.dtype)[:, None, None, None]
        out = out + m * pooled
    return out

if __name__ == "__main__":
    import jax
    _d = setup_inputs()
    print(jax.jit(kernel)(*tuple(_d.values())))

</pallas_src>

<mosaic_0001>
#map = affine_map<(d0, d1) -> (0, 0)>
#map1 = affine_map<(d0, d1) -> (0)>
#map2 = affine_map<(d0, d1) -> (0, 0, 0)>
module attributes {stable_mosaic.version = 14 : i64} {
  func.func @_sc_body(%arg0: i32, %arg1: i32, %arg2: memref<43520x128xi32, #tpu.memory_space<hbm>>, %arg3: memref<512xf32, #tpu.memory_space<hbm>>, %arg4: memref<512xf32, #tpu.memory_space<hbm>>, %arg5: memref<512xf32, #tpu.memory_space<hbm>>, %arg6: memref<512xf32, #tpu.memory_space<hbm>>, %arg7: memref<512xi32, #tpu.memory_space<hbm>>, %arg8: memref<512xi32, #tpu.memory_space<hbm>>, %arg9: memref<512x49x256xf32, #tpu.memory_space<hbm>>, %arg10: memref<16xf32, #tpu.memory_space<vmem>>, %arg11: memref<16xf32, #tpu.memory_space<vmem>>, %arg12: memref<16xf32, #tpu.memory_space<vmem>>, %arg13: memref<16xf32, #tpu.memory_space<vmem>>, %arg14: memref<16xi32, #tpu.memory_space<vmem>>, %arg15: memref<16xi32, #tpu.memory_space<vmem>>, %arg16: memref<128xi32, #tpu.memory_space<vmem>>, %arg17: memref<128xi32, #tpu.memory_space<vmem>>, %arg18: memref<8x16xf32, #tpu.memory_space<vmem>>, %arg19: memref<8x16xf32, #tpu.memory_space<vmem>>, %arg20: memref<128x128xi32, #tpu.memory_space<vmem>>, %arg21: memref<128x128xi32, #tpu.memory_space<vmem>>, %arg22: memref<49x256xf32, #tpu.memory_space<vmem>>, %arg23: memref<!tpu.dma_semaphore, #tpu.memory_space<semaphore_mem>>, %arg24: memref<!tpu.dma_semaphore, #tpu.memory_space<semaphore_mem>>) attributes {dimension_semantics = [#tpu.dimension_semantics<core_parallel>, #tpu.dimension_semantics<subcore_parallel>], iteration_bounds = array<i64: 2, 16>, scalar_prefetch = 0 : i64, scratch_operands = 15 : i64, tpu.core_type = #tpu.core_type<sc_vector_subcore>, window_params = [{transform_indices = #map}, {transform_indices = #map1}, {transform_indices = #map1}, {transform_indices = #map1}, {transform_indices = #map1}, {transform_indices = #map1}, {transform_indices = #map1}, {transform_indices = #map2}]} {
    %mul3A = arith.constant 2 : i32
    %mul3A_0 = arith.muli %arg1, %mul3A : i32
    %add3A = arith.addi %mul3A_0, %arg0 : i32
    %mul3A_1 = arith.constant 16 : i32
    %mul3A_2 = arith.muli %add3A, %mul3A_1 : i32
    "tpu.region"() ({
      %run_scoped3A = tpu.sem_alloc : memref<!tpu.dma_semaphore, #tpu.memory_space<semaphore_mem>>
      %dma_start3A = tpu.memref_slice %arg3[%mul3A_2] : memref<512xf32, #tpu.memory_space<hbm>> -> memref<16xf32, #tpu.memory_space<hbm>>
      %dma_start3A_37 = tpu.memref_slice %arg3[%mul3A_2] : memref<512xf32, #tpu.memory_space<hbm>> -> memref<16xf32, #tpu.memory_space<hbm>>
      tpu.enqueue_dma source(%dma_start3A_37 : memref<16xf32, #tpu.memory_space<hbm>>) target(%arg10 : memref<16xf32, #tpu.memory_space<vmem>>) target_semaphore(%run_scoped3A : memref<!tpu.dma_semaphore, #tpu.memory_space<semaphore_mem>>)
      %dma_wait3A = tpu.memref_slice %arg3[%mul3A_2] : memref<512xf32, #tpu.memory_space<hbm>> -> memref<16xf32, #tpu.memory_space<hbm>>
      %dma_wait3A_38 = tpu.memref_slice %arg3[%mul3A_2] : memref<512xf32, #tpu.memory_space<hbm>> -> memref<16xf32, #tpu.memory_space<hbm>>
      tpu.wait_dma2 semaphore(%run_scoped3A : memref<!tpu.dma_semaphore, #tpu.memory_space<semaphore_mem>>) src(%dma_wait3A_38 : memref<16xf32, #tpu.memory_space<hbm>>) dst(%arg10 : memref<16xf32, #tpu.memory_space<vmem>>)
      tpu.yield
    }) : () -> ()
    "tpu.region"() ({
      %run_scoped3A = tpu.sem_alloc : memref<!tpu.dma_semaphore, #tpu.memory_space<semaphore_mem>>
      %dma_start3A = tpu.memref_slice %arg4[%mul3A_2] : memref<512xf32, #tpu.memory_space<hbm>> -> memref<16xf32, #tpu.memory_space<hbm>>
      %dma_start3A_37 = tpu.memref_slice %arg4[%mul3A_2] : memref<512xf32, #tpu.memory_space<hbm>> -> memref<16xf32, #tpu.memory_space<hbm>>
      tpu.enqueue_dma source(%dma_start3A_37 : memref<16xf32, #tpu.memory_space<hbm>>) target(%arg11 : memref<16xf32, #tpu.memory_space<vmem>>) target_semaphore(%run_scoped3A : memref<!tpu.dma_semaphore, #tpu.memory_space<semaphore_mem>>)
      %dma_wait3A = tpu.memref_slice %arg4[%mul3A_2] : memref<512xf32, #tpu.memory_space<hbm>> -> memref<16xf32, #tpu.memory_space<hbm>>
      %dma_wait3A_38 = tpu.memref_slice %arg4[%mul3A_2] : memref<512xf32, #tpu.memory_space<hbm>> -> memref<16xf32, #tpu.memory_space<hbm>>
      tpu.wait_dma2 semaphore(%run_scoped3A : memref<!tpu.dma_semaphore, #tpu.memory_space<semaphore_mem>>) src(%dma_wait3A_38 : memref<16xf32, #tpu.memory_space<hbm>>) dst(%arg11 : memref<16xf32, #tpu.memory_space<vmem>>)
      tpu.yield
    }) : () -> ()
    "tpu.region"() ({
      %run_scoped3A = tpu.sem_alloc : memref<!tpu.dma_semaphore, #tpu.memory_space<semaphore_mem>>
      %dma_start3A = tpu.memref_slice %arg5[%mul3A_2] : memref<512xf32, #tpu.memory_space<hbm>> -> memref<16xf32, #tpu.memory_space<hbm>>
      %dma_start3A_37 = tpu.memref_slice %arg5[%mul3A_2] : memref<512xf32, #tpu.memory_space<hbm>> -> memref<16xf32, #tpu.memory_space<hbm>>
      tpu.enqueue_dma source(%dma_start3A_37 : memref<16xf32, #tpu.memory_space<hbm>>) target(%arg12 : memref<16xf32, #tpu.memory_space<vmem>>) target_semaphore(%run_scoped3A : memref<!tpu.dma_semaphore, #tpu.memory_space<semaphore_mem>>)
      %dma_wait3A = tpu.memref_slice %arg5[%mul3A_2] : memref<512xf32, #tpu.memory_space<hbm>> -> memref<16xf32, #tpu.memory_space<hbm>>
      %dma_wait3A_38 = tpu.memref_slice %arg5[%mul3A_2] : memref<512xf32, #tpu.memory_space<hbm>> -> memref<16xf32, #tpu.memory_space<hbm>>
      tpu.wait_dma2 semaphore(%run_scoped3A : memref<!tpu.dma_semaphore, #tpu.memory_space<semaphore_mem>>) src(%dma_wait3A_38 : memref<16xf32, #tpu.memory_space<hbm>>) dst(%arg12 : memref<16xf32, #tpu.memory_space<vmem>>)
      tpu.yield
    }) : () -> ()
    "tpu.region"() ({
      %run_scoped3A = tpu.sem_alloc : memref<!tpu.dma_semaphore, #tpu.memory_space<semaphore_mem>>
      %dma_start3A = tpu.memref_slice %arg6[%mul3A_2] : memref<512xf32, #tpu.memory_space<hbm>> -> memref<16xf32, #tpu.memory_space<hbm>>
      %dma_start3A_37 = tpu.memref_slice %arg6[%mul3A_2] : memref<512xf32, #tpu.memory_space<hbm>> -> memref<16xf32, #tpu.memory_space<hbm>>
      tpu.enqueue_dma source(%dma_start3A_37 : memref<16xf32, #tpu.memory_space<hbm>>) target(%arg13 : memref<16xf32, #tpu.memory_space<vmem>>) target_semaphore(%run_scoped3A : memref<!tpu.dma_semaphore, #tpu.memory_space<semaphore_mem>>)
      %dma_wait3A = tpu.memref_slice %arg6[%mul3A_2] : memref<512xf32, #tpu.memory_space<hbm>> -> memref<16xf32, #tpu.memory_space<hbm>>
      %dma_wait3A_38 = tpu.memref_slice %arg6[%mul3A_2] : memref<512xf32, #tpu.memory_space<hbm>> -> memref<16xf32, #tpu.memory_space<hbm>>
      tpu.wait_dma2 semaphore(%run_scoped3A : memref<!tpu.dma_semaphore, #tpu.memory_space<semaphore_mem>>) src(%dma_wait3A_38 : memref<16xf32, #tpu.memory_space<hbm>>) dst(%arg13 : memref<16xf32, #tpu.memory_space<vmem>>)
      tpu.yield
    }) : () -> ()
    "tpu.region"() ({
      %run_scoped3A = tpu.sem_alloc : memref<!tpu.dma_semaphore, #tpu.memory_space<semaphore_mem>>
      %dma_start3A = tpu.memref_slice %arg7[%mul3A_2] : memref<512xi32, #tpu.memory_space<hbm>> -> memref<16xi32, #tpu.memory_space<hbm>>
      %dma_start3A_37 = tpu.memref_slice %arg7[%mul3A_2] : memref<512xi32, #tpu.memory_space<hbm>> -> memref<16xi32, #tpu.memory_space<hbm>>
      tpu.enqueue_dma source(%dma_start3A_37 : memref<16xi32, #tpu.memory_space<hbm>>) target(%arg14 : memref<16xi32, #tpu.memory_space<vmem>>) target_semaphore(%run_scoped3A : memref<!tpu.dma_semaphore, #tpu.memory_space<semaphore_mem>>)
      %dma_wait3A = tpu.memref_slice %arg7[%mul3A_2] : memref<512xi32, #tpu.memory_space<hbm>> -> memref<16xi32, #tpu.memory_space<hbm>>
      %dma_wait3A_38 = tpu.memref_slice %arg7[%mul3A_2] : memref<512xi32, #tpu.memory_space<hbm>> -> memref<16xi32, #tpu.memory_space<hbm>>
      tpu.wait_dma2 semaphore(%run_scoped3A : memref<!tpu.dma_semaphore, #tpu.memory_space<semaphore_mem>>) src(%dma_wait3A_38 : memref<16xi32, #tpu.memory_space<hbm>>) dst(%arg14 : memref<16xi32, #tpu.memory_space<vmem>>)
      tpu.yield
    }) : () -> ()
    "tpu.region"() ({
      %run_scoped3A = tpu.sem_alloc : memref<!tpu.dma_semaphore, #tpu.memory_space<semaphore_mem>>
      %dma_start3A = tpu.memref_slice %arg8[%mul3A_2] : memref<512xi32, #tpu.memory_space<hbm>> -> memref<16xi32, #tpu.memory_space<hbm>>
      %dma_start3A_37 = tpu.memref_slice %arg8[%mul3A_2] : memref<512xi32, #tpu.memory_space<hbm>> -> memref<16xi32, #tpu.memory_space<hbm>>
      tpu.enqueue_dma source(%dma_start3A_37 : memref<16xi32, #tpu.memory_space<hbm>>) target(%arg15 : memref<16xi32, #tpu.memory_space<vmem>>) target_semaphore(%run_scoped3A : memref<!tpu.dma_semaphore, #tpu.memory_space<semaphore_mem>>)
      %dma_wait3A = tpu.memref_slice %arg8[%mul3A_2] : memref<512xi32, #tpu.memory_space<hbm>> -> memref<16xi32, #tpu.memory_space<hbm>>
      %dma_wait3A_38 = tpu.memref_slice %arg8[%mul3A_2] : memref<512xi32, #tpu.memory_space<hbm>> -> memref<16xi32, #tpu.memory_space<hbm>>
      tpu.wait_dma2 semaphore(%run_scoped3A : memref<!tpu.dma_semaphore, #tpu.memory_space<semaphore_mem>>) src(%dma_wait3A_38 : memref<16xi32, #tpu.memory_space<hbm>>) dst(%arg15 : memref<16xi32, #tpu.memory_space<vmem>>)
      tpu.yield
    }) : () -> ()
    %get3A = arith.constant 0 : index
    %get3A_3 = tpu.vector_load %arg10[%get3A] {strides = array<i32>} : memref<16xf32, #tpu.memory_space<vmem>>, vector<16xf32>,
    %get3A_4 = vector.shape_cast %get3A_3 : vector<16xf32> to vector<16xf32>
    %get3A_5 = arith.constant 0 : index
    %get3A_6 = tpu.vector_load %arg11[%get3A_5] {strides = array<i32>} : memref<16xf32, #tpu.memory_space<vmem>>, vector<16xf32>,
    %get3A_7 = vector.shape_cast %get3A_6 : vector<16xf32> to vector<16xf32>
    %get3A_8 = arith.constant 0 : index
    %get3A_9 = tpu.vector_load %arg12[%get3A_8] {strides = array<i32>} : memref<16xf32, #tpu.memory_space<vmem>>, vector<16xf32>,
    %get3A_10 = vector.shape_cast %get3A_9 : vector<16xf32> to vector<16xf32>
    %get3A_11 = arith.constant 0 : index
    %get3A_12 = tpu.vector_load %arg13[%get3A_11] {strides = array<i32>} : memref<16xf32, #tpu.memory_space<vmem>>, vector<16xf32>,
    %get3A_13 = vector.shape_cast %get3A_12 : vector<16xf32> to vector<16xf32>
    %get3A_14 = arith.constant 0 : index
    %get3A_15 = tpu.vector_load %arg14[%get3A_14] {strides = array<i32>} : memref<16xi32, #tpu.memory_space<vmem>>, vector<16xi32>,
    %get3A_16 = vector.shape_cast %get3A_15 : vector<16xi32> to vector<16xi32>
    %get3A_17 = arith.constant 0 : index
    %get3A_18 = tpu.vector_load %arg15[%get3A_17] {strides = array<i32>} : memref<16xi32, #tpu.memory_space<vmem>>, vector<16xi32>,
    %get3A_19 = vector.shape_cast %get3A_18 : vector<16xi32> to vector<16xi32>
    %iota3A = tpu.iota {dimensions = array<i32: 0>} : vector<16xi32>
    %shift_right_arithmetic3A = arith.constant 1 : i32
    %shift_right_arithmetic3A_20 = vector.broadcast %shift_right_arithmetic3A : i32 to vector<16xi32>
    %shift_right_arithmetic3A_21 = arith.shrsi %iota3A, %shift_right_arithmetic3A_20 : vector<16xi32>
    %convert_element_type3A = arith.sitofp %shift_right_arithmetic3A_21 : vector<16xi32> to vector<16xf32>
    %and3A = arith.constant 1 : i32
    %and3A_22 = vector.broadcast %and3A : i32 to vector<16xi32>
    %and3A_23 = arith.andi %iota3A, %and3A_22 : vector<16xi32>
    %convert_element_type3A_24 = arith.sitofp %and3A_23 : vector<16xi32> to vector<16xf32>
    %mul3A_25 = arith.constant 5.000000e-01 : f32
    %mul3A_26 = vector.broadcast %mul3A_25 : f32 to vector<16xf32>
    %mul3A_27 = arith.mulf %convert_element_type3A_24, %mul3A_26 : vector<16xf32>
    %add3A_28 = arith.addf %convert_element_type3A, %mul3A_27 : vector<16xf32>
    %add3A_29 = arith.constant 2.500000e-01 : f32
    %add3A_30 = vector.broadcast %add3A_29 : f32 to vector<16xf32>
    %add3A_31 = arith.addf %add3A_28, %add3A_30 : vector<16xf32>
    %scan3A = arith.constant 0 : i32
    %scan3A_32 = arith.constant 0 : i32
    %scan3A_33 = arith.constant 16 : i32
    %scan3A_34 = arith.addi %scan3A_32, %scan3A_33 : i32
    %scan3A_35 = arith.constant 1 : i32
    scf.for %scan3A_37 = %scan3A_32 to %scan3A_34 step %scan3A_35  : i32 {
      %broadcast_in_dim3A = arith.constant 0 : i32
      %broadcast_in_dim3A_38 = vector.broadcast %broadcast_in_dim3A : i32 to vector<16xi32>
      %add3A_39 = vector.broadcast %scan3A_37 : i32 to vector<16xi32>
      %add3A_40 = arith.addi %broadcast_in_dim3A_38, %add3A_39 : vector<16xi32>
      %broadcast_in_dim3A_41 = vector.shape_cast %add3A_40 : vector<16xi32> to vector<16x1xi32>
      %gather3A = vector.shape_cast %broadcast_in_dim3A_41 : vector<16x1xi32> to vector<16xi32>
      %gather3A_42 = tpu.dynamic_gather %get3A_16[%gather3A] in [0] : vector<16xi32>, vector<16xi32> -> vector<16xi32>
      %broadcast_in_dim3A_43 = arith.constant 0 : i32
      %broadcast_in_dim3A_44 = vector.broadcast %broadcast_in_dim3A_43 : i32 to vector<16xi32>
      %add3A_45 = vector.broadcast %scan3A_37 : i32 to vector<16xi32>
      %add3A_46 = arith.addi %broadcast_in_dim3A_44, %add3A_45 : vector<16xi32>
      %broadcast_in_dim3A_47 = vector.shape_cast %add3A_46 : vector<16xi32> to vector<16x1xi32>
      %gather3A_48 = vector.shape_cast %broadcast_in_dim3A_47 : vector<16x1xi32> to vector<16xi32>
      %gather3A_49 = tpu.dynamic_gather %get3A_19[%gather3A_48] in [0] : vector<16xi32>, vector<16xi32> -> vector<16xi32>
      %sub3A = arith.constant 1 : i32
      %sub3A_50 = vector.broadcast %sub3A : i32 to vector<16xi32>
      %sub3A_51 = arith.subi %gather3A_49, %sub3A_50 : vector<16xi32>
      %convert_element_type3A_52 = arith.sitofp %sub3A_51 : vector<16xi32> to vector<16xf32>
      %broadcast_in_dim3A_53 = arith.constant 0 : i32
      %broadcast_in_dim3A_54 = vector.broadcast %broadcast_in_dim3A_53 : i32 to vector<16xi32>
      %add3A_55 = vector.broadcast %scan3A_37 : i32 to vector<16xi32>
      %add3A_56 = arith.addi %broadcast_in_dim3A_54, %add3A_55 : vector<16xi32>
      %broadcast_in_dim3A_57 = vector.shape_cast %add3A_56 : vector<16xi32> to vector<16x1xi32>
      %gather3A_58 = vector.shape_cast %broadcast_in_dim3A_57 : vector<16x1xi32> to vector<16xi32>
      %gather3A_59 = tpu.dynamic_gather %get3A_4[%gather3A_58] in [0] : vector<16xf32>, vector<16xi32> -> vector<16xf32>
      %broadcast_in_dim3A_60 = arith.constant 0 : i32
      %broadcast_in_dim3A_61 = vector.broadcast %broadcast_in_dim3A_60 : i32 to vector<16xi32>
      %add3A_62 = vector.broadcast %scan3A_37 : i32 to vector<16xi32>
      %add3A_63 = arith.addi %broadcast_in_dim3A_61, %add3A_62 : vector<16xi32>
      %broadcast_in_dim3A_64 = vector.shape_cast %add3A_63 : vector<16xi32> to vector<16x1xi32>
      %gather3A_65 = vector.shape_cast %broadcast_in_dim3A_64 : vector<16x1xi32> to vector<16xi32>
      %gather3A_66 = tpu.dynamic_gather %get3A_10[%gather3A_65] in [0] : vector<16xf32>, vector<16xi32> -> vector<16xf32>
      %mul3A_67 = arith.mulf %add3A_31, %gather3A_66 : vector<16xf32>
      %add3A_68 = arith.addf %gather3A_59, %mul3A_67 : vector<16xf32>
      %max3A = arith.constant 0.000000e+00 : f32
      %max3A_69 = vector.broadcast %max3A : f32 to vector<16xf32>
      %max3A_70 = arith.maximumf %add3A_68, %max3A_69 : vector<16xf32>
      %convert_element_type3A_71 = arith.fptosi %max3A_70 : vector<16xf32> to vector<16xi32>
      %ge3A = arith.cmpi sge, %convert_element_type3A_71, %sub3A_51 : vector<16xi32>
      %select_n3A = arith.select %ge3A, %sub3A_51, %convert_element_type3A_71 : vector<16xi1>, vector<16xi32>
      %add3A_72 = arith.constant 1 : i32
      %add3A_73 = vector.broadcast %add3A_72 : i32 to vector<16xi32>
      %add3A_74 = arith.addi %select_n3A, %add3A_73 : vector<16xi32>
      %select_n3A_75 = arith.select %ge3A, %sub3A_51, %add3A_74 : vector<16xi1>, vector<16xi32>
      %select_n3A_76 = arith.select %ge3A, %convert_element_type3A_52, %max3A_70 : vector<16xi1>, vector<16xf32>
      %convert_element_type3A_77 = arith.sitofp %select_n3A : vector<16xi32> to vector<16xf32>
      %sub3A_78 = arith.subf %select_n3A_76, %convert_element_type3A_77 : vector<16xf32>
      %broadcast_in_dim3A_79 = arith.constant 0 : i32
      %broadcast_in_dim3A_80 = vector.broadcast %broadcast_in_dim3A_79 : i32 to vector<16xi32>
      %add3A_81 = vector.broadcast %scan3A_37 : i32 to vector<16xi32>
      %add3A_82 = arith.addi %broadcast_in_dim3A_80, %add3A_81 : vector<16xi32>
      %broadcast_in_dim3A_83 = vector.shape_cast %add3A_82 : vector<16xi32> to vector<16x1xi32>
      %gather3A_84 = vector.shape_cast %broadcast_in_dim3A_83 : vector<16x1xi32> to vector<16xi32>
      %gather3A_85 = tpu.dynamic_gather %get3A_7[%gather3A_84] in [0] : vector<16xf32>, vector<16xi32> -> vector<16xf32>
      %broadcast_in_dim3A_86 = arith.constant 0 : i32
      %broadcast_in_dim3A_87 = vector.broadcast %broadcast_in_dim3A_86 : i32 to vector<16xi32>
      %add3A_88 = vector.broadcast %scan3A_37 : i32 to vector<16xi32>
      %add3A_89 = arith.addi %broadcast_in_dim3A_87, %add3A_88 : vector<16xi32>
      %broadcast_in_dim3A_90 = vector.shape_cast %add3A_89 : vector<16xi32> to vector<16x1xi32>
      %gather3A_91 = vector.shape_cast %broadcast_in_dim3A_90 : vector<16x1xi32> to vector<16xi32>
      %gather3A_92 = tpu.dynamic_gather %get3A_13[%gather3A_91] in [0] : vector<16xf32>, vector<16xi32> -> vector<16xf32>
      %mul3A_93 = arith.mulf %add3A_31, %gather3A_92 : vector<16xf32>
      %add3A_94 = arith.addf %gather3A_85, %mul3A_93 : vector<16xf32>
      %max3A_95 = arith.constant 0.000000e+00 : f32
      %max3A_96 = vector.broadcast %max3A_95 : f32 to vector<16xf32>
      %max3A_97 = arith.maximumf %add3A_94, %max3A_96 : vector<16xf32>
      %convert_element_type3A_98 = arith.fptosi %max3A_97 : vector<16xf32> to vector<16xi32>
      %ge3A_99 = arith.cmpi sge, %convert_element_type3A_98, %sub3A_51 : vector<16xi32>
      %select_n3A_100 = arith.select %ge3A_99, %sub3A_51, %convert_element_type3A_98 : vector<16xi1>, vector<16xi32>
      %add3A_101 = arith.constant 1 : i32
      %add3A_102 = vector.broadcast %add3A_101 : i32 to vector<16xi32>
      %add3A_103 = arith.addi %select_n3A_100, %add3A_102 : vector<16xi32>
      %select_n3A_104 = arith.select %ge3A_99, %sub3A_51, %add3A_103 : vector<16xi1>, vector<16xi32>
      %select_n3A_105 = arith.select %ge3A_99, %convert_element_type3A_52, %max3A_97 : vector<16xi1>, vector<16xf32>
      %convert_element_type3A_106 = arith.sitofp %select_n3A_100 : vector<16xi32> to vector<16xf32>
      %sub3A_107 = arith.subf %select_n3A_105, %convert_element_type3A_106 : vector<16xf32>
      %sub3A_108 = arith.constant 1.000000e+00 : f32
      %sub3A_109 = vector.broadcast %sub3A_108 : f32 to vector<16xf32>
      %sub3A_110 = arith.subf %sub3A_109, %sub3A_78 : vector<16xf32>
      %broadcast_in_dim3A_111 = arith.constant 0 : i32
      %broadcast_in_dim3A_112 = vector.broadcast %broadcast_in_dim3A_111 : i32 to vector<16xi32>
      %add3A_113 = arith.constant 0 : i32
      %add3A_114 = vector.broadcast %add3A_113 : i32 to vector<16xi32>
      %add3A_115 = arith.addi %broadcast_in_dim3A_112, %add3A_114 : vector<16xi32>
      %broadcast_in_dim3A_116 = vector.shape_cast %add3A_115 : vector<16xi32> to vector<16x1xi32>
      %gather3A_117 = vector.shape_cast %broadcast_in_dim3A_116 : vector<16x1xi32> to vector<16xi32>
      %gather3A_118 = tpu.dynamic_gather %select_n3A_100[%gather3A_117] in [0] : vector<16xi32>, vector<16xi32> -> vector<16xi32>
      %broadcast_in_dim3A_119 = arith.constant 0 : i32
      %broadcast_in_dim3A_120 = vector.broadcast %broadcast_in_dim3A_119 : i32 to vector<16xi32>
      %add3A_121 = arith.constant 0 : i32
      %add3A_122 = vector.broadcast %add3A_121 : i32 to vector<16xi32>
      %add3A_123 = arith.addi %broadcast_in_dim3A_120, %add3A_122 : vector<16xi32>
      %broadcast_in_dim3A_124 = vector.shape_cast %add3A_123 : vector<16xi32> to vector<16x1xi32>
      %gather3A_125 = vector.shape_cast %broadcast_in_dim3A_124 : vector<16x1xi32> to vector<16xi32>
      %gather3A_126 = tpu.dynamic_gather %select_n3A_104[%gather3A_125] in [0] : vector<16xi32>, vector<16xi32> -> vector<16xi32>
      %broadcast_in_dim3A_127 = arith.constant 0 : i32
      %broadcast_in_dim3A_128 = vector.broadcast %broadcast_in_dim3A_127 : i32 to vector<16xi32>
      %add3A_129 = arith.constant 0 : i32
      %add3A_130 = vector.broadcast %add3A_129 : i32 to vector<16xi32>
      %add3A_131 = arith.addi %broadcast_in_dim3A_128, %add3A_130 : vector<16xi32>
      %broadcast_in_dim3A_132 = vector.shape_cast %add3A_131 : vector<16xi32> to vector<16x1xi32>
      %gather3A_133 = vector.shape_cast %broadcast_in_dim3A_132 : vector<16x1xi32> to vector<16xi32>
      %gather3A_134 = tpu.dynamic_gather %sub3A_107[%gather3A_133] in [0] : vector<16xf32>, vector<16xi32> -> vector<16xf32>
      %sub3A_135 = arith.constant 1.000000e+00 : f32
      %sub3A_136 = vector.broadcast %sub3A_135 : f32 to vector<16xf32>
      %sub3A_137 = arith.subf %sub3A_136, %gather3A_134 : vector<16xf32>
      %mul3A_138 = arith.muli %gather3A_118, %gather3A_49 : vector<16xi32>
      %add3A_139 = arith.addi %gather3A_42, %mul3A_138 : vector<16xi32>
      %mul3A_140 = arith.constant 2.500000e-01 : f32
      %mul3A_141 = vector.broadcast %mul3A_140 : f32 to vector<16xf32>
      %mul3A_142 = arith.mulf %sub3A_137, %mul3A_141 : vector<16xf32>
      %add3A_143 = arith.addi %add3A_139, %select_n3A : vector<16xi32>
      %swap3A = arith.constant 0 : index
      %swap3A_144 = tpu.vector_load %arg16[%swap3A] {strides = array<i32>} : memref<128xi32, #tpu.memory_space<vmem>>, vector<16xi32>,
      %swap3A_145 = vector.shape_cast %swap3A_144 : vector<16xi32> to vector<16xi32>
      %swap3A_146 = vector.shape_cast %add3A_143 : vector<16xi32> to vector<16xi32>
      tpu.vector_store %arg16[%swap3A], %swap3A_146 {strides = array<i32>} : memref<128xi32, #tpu.memory_space<vmem>>, vector<16xi32>,
      %mul3A_147 = arith.mulf %mul3A_142, %sub3A_110 : vector<16xf32>
      %swap3A_148 = arith.constant 0 : i32
      %swap3A_149 = arith.index_cast %swap3A_148 : i32 to index
      %swap3A_150 = arith.constant 0 : index
      %swap3A_151 = tpu.vector_load %arg18[%swap3A_149, %swap3A_150] {strides = array<i32>} : memref<8x16xf32, #tpu.memory_space<vmem>>, vector<1x16xf32>,
      %swap3A_152 = vector.shape_cast %swap3A_151 : vector<1x16xf32> to vector<16xf32>
      %swap3A_153 = vector.shape_cast %mul3A_147 : vector<16xf32> to vector<1x16xf32>
      tpu.vector_store %arg18[%swap3A_149, %swap3A_150], %swap3A_153 {strides = array<i32>} : memref<8x16xf32, #tpu.memory_space<vmem>>, vector<1x16xf32>,
      %add3A_154 = arith.addi %add3A_139, %select_n3A_75 : vector<16xi32>
      %swap3A_155 = arith.constant 32 : index
      %swap3A_156 = tpu.vector_load %arg16[%swap3A_155] {strides = array<i32>} : memref<128xi32, #tpu.memory_space<vmem>>, vector<16xi32>,
      %swap3A_157 = vector.shape_cast %swap3A_156 : vector<16xi32> to vector<16xi32>
      %swap3A_158 = vector.shape_cast %add3A_154 : vector<16xi32> to vector<16xi32>
      tpu.vector_store %arg16[%swap3A_155], %swap3A_158 {strides = array<i32>} : memref<128xi32, #tpu.memory_space<vmem>>, vector<16xi32>,
      %mul3A_159 = arith.mulf %mul3A_142, %sub3A_78 : vector<16xf32>
      %swap3A_160 = arith.constant 2 : i32
      %swap3A_161 = arith.index_cast %swap3A_160 : i32 to index
      %swap3A_162 = arith.constant 0 : index
      %swap3A_163 = tpu.vector_load %arg18[%swap3A_161, %swap3A_162] {strides = array<i32>} : memref<8x16xf32, #tpu.memory_space<vmem>>, vector<1x16xf32>,
      %swap3A_164 = vector.shape_cast %swap3A_163 : vector<1x16xf32> to vector<16xf32>
      %swap3A_165 = vector.shape_cast %mul3A_159 : vector<16xf32> to vector<1x16xf32>
      tpu.vector_store %arg18[%swap3A_161, %swap3A_162], %swap3A_165 {strides = array<i32>} : memref<8x16xf32, #tpu.memory_space<vmem>>, vector<1x16xf32>,
      %mul3A_166 = arith.muli %gather3A_126, %gather3A_49 : vector<16xi32>
      %add3A_167 = arith.addi %gather3A_42, %mul3A_166 : vector<16xi32>
      %mul3A_168 = arith.constant 2.500000e-01 : f32
      %mul3A_169 = vector.broadcast %mul3A_168 : f32 to vector<16xf32>
      %mul3A_170 = arith.mulf %gather3A_134, %mul3A_169 : vector<16xf32>
      %add3A_171 = arith.addi %add3A_167, %select_n3A : vector<16xi32>
      %swap3A_172 = arith.constant 64 : index
      %swap3A_173 = tpu.vector_load %arg16[%swap3A_172] {strides = array<i32>} : memref<128xi32, #tpu.memory_space<vmem>>, vector<16xi32>,
      %swap3A_174 = vector.shape_cast %swap3A_173 : vector<16xi32> to vector<16xi32>
      %swap3A_175 = vector.shape_cast %add3A_171 : vector<16xi32> to vector<16xi32>
      tpu.vector_store %arg16[%swap3A_172], %swap3A_175 {strides = array<i32>} : memref<128xi32, #tpu.memory_space<vmem>>, vector<16xi32>,
      %mul3A_176 = arith.mulf %mul3A_170, %sub3A_110 : vector<16xf32>
      %swap3A_177 = arith.constant 4 : i32
      %swap3A_178 = arith.index_cast %swap3A_177 : i32 to index
      %swap3A_179 = arith.constant 0 : index
      %swap3A_180 = tpu.vector_load %arg18[%swap3A_178, %swap3A_179] {strides = array<i32>} : memref<8x16xf32, #tpu.memory_space<vmem>>, vector<1x16xf32>,
      %swap3A_181 = vector.shape_cast %swap3A_180 : vector<1x16xf32> to vector<16xf32>
      %swap3A_182 = vector.shape_cast %mul3A_176 : vector<16xf32> to vector<1x16xf32>
      tpu.vector_store %arg18[%swap3A_178, %swap3A_179], %swap3A_182 {strides = array<i32>} : memref<8x16xf32, #tpu.memory_space<vmem>>, vector<1x16xf32>,
      %add3A_183 = arith.addi %add3A_167, %select_n3A_75 : vector<16xi32>
      %swap3A_184 = arith.constant 96 : index
      %swap3A_185 = tpu.vector_load %arg16[%swap3A_184] {strides = array<i32>} : memref<128xi32, #tpu.memory_space<vmem>>, vector<16xi32>,
      %swap3A_186 = vector.shape_cast %swap3A_185 : vector<16xi32> to vector<16xi32>
      %swap3A_187 = vector.shape_cast %add3A_183 : vector<16xi32> to vector<16xi32>
      tpu.vector_store %arg16[%swap3A_184], %swap3A_187 {strides = array<i32>} : memref<128xi32, #tpu.memory_space<vmem>>, vector<16xi32>,
      %mul3A_188 = arith.mulf %mul3A_170, %sub3A_78 : vector<16xf32>
      %swap3A_189 = arith.constant 6 : i32
      %swap3A_190 = arith.index_cast %swap3A_189 : i32 to index
      %swap3A_191 = arith.constant 0 : index
      %swap3A_192 = tpu.vector_load %arg18[%swap3A_190, %swap3A_191] {strides = array<i32>} : memref<8x16xf32, #tpu.memory_space<vmem>>, vector<1x16xf32>,
      %swap3A_193 = vector.shape_cast %swap3A_192 : vector<1x16xf32> to vector<16xf32>
      %swap3A_194 = vector.shape_cast %mul3A_188 : vector<16xf32> to vector<1x16xf32>
      tpu.vector_store %arg18[%swap3A_190, %swap3A_191], %swap3A_194 {strides = array<i32>} : memref<8x16xf32, #tpu.memory_space<vmem>>, vector<1x16xf32>,
      %broadcast_in_dim3A_195 = arith.constant 0 : i32
      %broadcast_in_dim3A_196 = vector.broadcast %broadcast_in_dim3A_195 : i32 to vector<16xi32>
      %add3A_197 = arith.constant 1 : i32
      %add3A_198 = vector.broadcast %add3A_197 : i32 to vector<16xi32>
      %add3A_199 = arith.addi %broadcast_in_dim3A_196, %add3A_198 : vector<16xi32>
      %broadcast_in_dim3A_200 = vector.shape_cast %add3A_199 : vector<16xi32> to vector<16x1xi32>
      %gather3A_201 = vector.shape_cast %broadcast_in_dim3A_200 : vector<16x1xi32> to vector<16xi32>
      %gather3A_202 = tpu.dynamic_gather %select_n3A_100[%gather3A_201] in [0] : vector<16xi32>, vector<16xi32> -> vector<16xi32>
      %broadcast_in_dim3A_203 = arith.constant 0 : i32
      %broadcast_in_dim3A_204 = vector.broadcast %broadcast_in_dim3A_203 : i32 to vector<16xi32>
      %add3A_205 = arith.constant 1 : i32
      %add3A_206 = vector.broadcast %add3A_205 : i32 to vector<16xi32>
      %add3A_207 = arith.addi %broadcast_in_dim3A_204, %add3A_206 : vector<16xi32>
      %broadcast_in_dim3A_208 = vector.shape_cast %add3A_207 : vector<16xi32> to vector<16x1xi32>
      %gather3A_209 = vector.shape_cast %broadcast_in_dim3A_208 : vector<16x1xi32> to vector<16xi32>
      %gather3A_210 = tpu.dynamic_gather %select_n3A_104[%gather3A_209] in [0] : vector<16xi32>, vector<16xi32> -> vector<16xi32>
      %broadcast_in_dim3A_211 = arith.constant 0 : i32
      %broadcast_in_dim3A_212 = vector.broadcast %broadcast_in_dim3A_211 : i32 to vector<16xi32>
      %add3A_213 = arith.constant 1 : i32
      %add3A_214 = vector.broadcast %add3A_213 : i32 to vector<16xi32>
      %add3A_215 = arith.addi %broadcast_in_dim3A_212, %add3A_214 : vector<16xi32>
      %broadcast_in_dim3A_216 = vector.shape_cast %add3A_215 : vector<16xi32> to vector<16x1xi32>
      %gather3A_217 = vector.shape_cast %broadcast_in_dim3A_216 : vector<16x1xi32> to vector<16xi32>
      %gather3A_218 = tpu.dynamic_gather %sub3A_107[%gather3A_217] in [0] : vector<16xf32>, vector<16xi32> -> vector<16xf32>
      %sub3A_219 = arith.constant 1.000000e+00 : f32
      %sub3A_220 = vector.broadcast %sub3A_219 : f32 to vector<16xf32>
      %sub3A_221 = arith.subf %sub3A_220, %gather3A_218 : vector<16xf32>
      %mul3A_222 = arith.muli %gather3A_202, %gather3A_49 : vector<16xi32>
      %add3A_223 = arith.addi %gather3A_42, %mul3A_222 : vector<16xi32>
      %mul3A_224 = arith.constant 2.500000e-01 : f32
      %mul3A_225 = vector.broadcast %mul3A_224 : f32 to vector<16xf32>
      %mul3A_226 = arith.mulf %sub3A_221, %mul3A_225 : vector<16xf32>
      %add3A_227 = arith.addi %add3A_223, %select_n3A : vector<16xi32>
      %swap3A_228 = arith.constant 16 : index
      %swap3A_229 = tpu.vector_load %arg16[%swap3A_228] {strides = array<i32>} : memref<128xi32, #tpu.memory_space<vmem>>, vector<16xi32>,
      %swap3A_230 = vector.shape_cast %swap3A_229 : vector<16xi32> to vector<16xi32>
      %swap3A_231 = vector.shape_cast %add3A_227 : vector<16xi32> to vector<16xi32>
      tpu.vector_store %arg16[%swap3A_228], %swap3A_231 {strides = array<i32>} : memref<128xi32, #tpu.memory_space<vmem>>, vector<16xi32>,
      %mul3A_232 = arith.mulf %mul3A_226, %sub3A_110 : vector<16xf32>
      %swap3A_233 = arith.constant 1 : i32
      %swap3A_234 = arith.index_cast %swap3A_233 : i32 to index
      %swap3A_235 = arith.constant 0 : index
      %swap3A_236 = tpu.vector_load %arg18[%swap3A_234, %swap3A_235] {strides = array<i32>} : memref<8x16xf32, #tpu.memory_space<vmem>>, vector<1x16xf32>,
      %swap3A_237 = vector.shape_cast %swap3A_236 : vector<1x16xf32> to vector<16xf32>
      %swap3A_238 = vector.shape_cast %mul3A_232 : vector<16xf32> to vector<1x16xf32>
      tpu.vector_store %arg18[%swap3A_234, %swap3A_235], %swap3A_238 {strides = array<i32>} : memref<8x16xf32, #tpu.memory_space<vmem>>, vector<1x16xf32>,
      %add3A_239 = arith.addi %add3A_223, %select_n3A_75 : vector<16xi32>
      %swap3A_240 = arith.constant 48 : index
      %swap3A_241 = tpu.vector_load %arg16[%swap3A_240] {strides = array<i32>} : memref<128xi32, #tpu.memory_space<vmem>>, vector<16xi32>,
      %swap3A_242 = vector.shape_cast %swap3A_241 : vector<16xi32> to vector<16xi32>
      %swap3A_243 = vector.shape_cast %add3A_239 : vector<16xi32> to vector<16xi32>
      tpu.vector_store %arg16[%swap3A_240], %swap3A_243 {strides = array<i32>} : memref<128xi32, #tpu.memory_space<vmem>>, vector<16xi32>,
      %mul3A_244 = arith.mulf %mul3A_226, %sub3A_78 : vector<16xf32>
      %swap3A_245 = arith.constant 3 : i32
      %swap3A_246 = arith.index_cast %swap3A_245 : i32 to index
      %swap3A_247 = arith.constant 0 : index
      %swap3A_248 = tpu.vector_load %arg18[%swap3A_246, %swap3A_247] {strides = array<i32>} : memref<8x16xf32, #tpu.memory_space<vmem>>, vector<1x16xf32>,
      %swap3A_249 = vector.shape_cast %swap3A_248 : vector<1x16xf32> to vector<16xf32>
      %swap3A_250 = vector.shape_cast %mul3A_244 : vector<16xf32> to vector<1x16xf32>
      tpu.vector_store %arg18[%swap3A_246, %swap3A_247], %swap3A_250 {strides = array<i32>} : memref<8x16xf32, #tpu.memory_space<vmem>>, vector<1x16xf32>,
      %mul3A_251 = arith.muli %gather3A_210, %gather3A_49 : vector<16xi32>
      %add3A_252 = arith.addi %gather3A_42, %mul3A_251 : vector<16xi32>
      %mul3A_253 = arith.constant 2.500000e-01 : f32
      %mul3A_254 = vector.broadcast %mul3A_253 : f32 to vector<16xf32>
      %mul3A_255 = arith.mulf %gather3A_218, %mul3A_254 : vector<16xf32>
      %add3A_256 = arith.addi %add3A_252, %select_n3A : vector<16xi32>
      %swap3A_257 = arith.constant 80 : index
      %swap3A_258 = tpu.vector_load %arg16[%swap3A_257] {strides = array<i32>} : memref<128xi32, #tpu.memory_space<vmem>>, vector<16xi32>,
      %swap3A_259 = vector.shape_cast %swap3A_258 : vector<16xi32> to vector<16xi32>
      %swap3A_260 = vector.shape_cast %add3A_256 : vector<16xi32> to vector<16xi32>
      tpu.vector_store %arg16[%swap3A_257], %swap3A_260 {strides = array<i32>} : memref<128xi32, #tpu.memory_space<vmem>>, vector<16xi32>,
      %mul3A_261 = arith.mulf %mul3A_255, %sub3A_110 : vector<16xf32>
      %swap3A_262 = arith.constant 5 : i32
      %swap3A_263 = arith.index_cast %swap3A_262 : i32 to index
      %swap3A_264 = arith.constant 0 : index
      %swap3A_265 = tpu.vector_load %arg18[%swap3A_263, %swap3A_264] {strides = array<i32>} : memref<8x16xf32, #tpu.memory_space<vmem>>, vector<1x16xf32>,
      %swap3A_266 = vector.shape_cast %swap3A_265 : vector<1x16xf32> to vector<16xf32>
      %swap3A_267 = vector.shape_cast %mul3A_261 : vector<16xf32> to vector<1x16xf32>
      tpu.vector_store %arg18[%swap3A_263, %swap3A_264], %swap3A_267 {strides = array<i32>} : memref<8x16xf32, #tpu.memory_space<vmem>>, vector<1x16xf32>,
      %add3A_268 = arith.addi %add3A_252, %select_n3A_75 : vector<16xi32>
      %swap3A_269 = arith.constant 112 : index
      %swap3A_270 = tpu.vector_load %arg16[%swap3A_269] {strides = array<i32>} : memref<128xi32, #tpu.memory_space<vmem>>, vector<16xi32>,
      %swap3A_271 = vector.shape_cast %swap3A_270 : vector<16xi32> to vector<16xi32>
      %swap3A_272 = vector.shape_cast %add3A_268 : vector<16xi32> to vector<16xi32>
      tpu.vector_store %arg16[%swap3A_269], %swap3A_272 {strides = array<i32>} : memref<128xi32, #tpu.memory_space<vmem>>, vector<16xi32>,
      %mul3A_273 = arith.mulf %mul3A_255, %sub3A_78 : vector<16xf32>
      %swap3A_274 = arith.constant 7 : i32
      %swap3A_275 = arith.index_cast %swap3A_274 : i32 to index
      %swap3A_276 = arith.constant 0 : index
      %swap3A_277 = tpu.vector_load %arg18[%swap3A_275, %swap3A_276] {strides = array<i32>} : memref<8x16xf32, #tpu.memory_space<vmem>>, vector<1x16xf32>,
      %swap3A_278 = vector.shape_cast %swap3A_277 : vector<1x16xf32> to vector<16xf32>
      %swap3A_279 = vector.shape_cast %mul3A_273 : vector<16xf32> to vector<1x16xf32>
      tpu.vector_store %arg18[%swap3A_275, %swap3A_276], %swap3A_279 {strides = array<i32>} : memref<8x16xf32, #tpu.memory_space<vmem>>, vector<1x16xf32>,
      %dma_start3A = arith.constant 0 : i32
      %dma_start3A_280 = arith.constant 0 : i32
      %dma_start3A_281 = tpu.memref_slice %arg2[%dma_start3A, %dma_start3A_280] : memref<43520x128xi32, #tpu.memory_space<hbm>> -> memref<43520x128xi32, #tpu.memory_space<hbm>>
      tpu.enqueue_indirect_dma source(%dma_start3A_281 : memref<43520x128xi32, #tpu.memory_space<hbm>>) target(%arg20 : memref<128x128xi32, #tpu.memory_space<vmem>>) offsets(%arg16 : memref<128xi32, #tpu.memory_space<vmem>>) semaphore(%arg23 : memref<!tpu.dma_semaphore, #tpu.memory_space<semaphore_mem>>)
      %scan3A_282 = arith.constant 0 : i32
      %scan3A_283 = arith.constant 0 : i32
      %scan3A_284 = arith.constant 3 : i32
      %scan3A_285 = arith.addi %scan3A_283, %scan3A_284 : i32
      %scan3A_286 = arith.constant 1 : i32
      scf.for %scan3A_297 = %scan3A_283 to %scan3A_285 step %scan3A_286  : i32 {
        %mul3A_298 = arith.constant 2 : i32
        %mul3A_299 = arith.muli %mul3A_298, %scan3A_297 : i32
        %add3A_300 = arith.constant 1 : i32
        %add3A_301 = arith.addi %mul3A_299, %add3A_300 : i32
        %mul3A_302 = arith.constant 2 : i32
        %mul3A_303 = arith.muli %mul3A_302, %add3A_301 : i32
        %add3A_304 = arith.constant 0 : i32
        %add3A_305 = arith.addi %mul3A_303, %add3A_304 : i32
        %broadcast_in_dim3A_306 = arith.constant 0 : i32
        %broadcast_in_dim3A_307 = vector.broadcast %broadcast_in_dim3A_306 : i32 to vector<16xi32>
        %add3A_308 = vector.broadcast %add3A_305 : i32 to vector<16xi32>
        %add3A_309 = arith.addi %broadcast_in_dim3A_307, %add3A_308 : vector<16xi32>
        %broadcast_in_dim3A_310 = vector.shape_cast %add3A_309 : vector<16xi32> to vector<16x1xi32>
        %gather3A_311 = vector.shape_cast %broadcast_in_dim3A_310 : vector<16x1xi32> to vector<16xi32>
        %gather3A_312 = tpu.dynamic_gather %select_n3A_100[%gather3A_311] in [0] : vector<16xi32>, vector<16xi32> -> vector<16xi32>
        %broadcast_in_dim3A_313 = arith.constant 0 : i32
        %broadcast_in_dim3A_314 = vector.broadcast %broadcast_in_dim3A_313 : i32 to vector<16xi32>
        %add3A_315 = vector.broadcast %add3A_305 : i32 to vector<16xi32>
        %add3A_316 = arith.addi %broadcast_in_dim3A_314, %add3A_315 : vector<16xi32>
        %broadcast_in_dim3A_317 = vector.shape_cast %add3A_316 : vector<16xi32> to vector<16x1xi32>
        %gather3A_318 = vector.shape_cast %broadcast_in_dim3A_317 : vector<16x1xi32> to vector<16xi32>
        %gather3A_319 = tpu.dynamic_gather %select_n3A_104[%gather3A_318] in [0] : vector<16xi32>, vector<16xi32> -> vector<16xi32>
        %broadcast_in_dim3A_320 = arith.constant 0 : i32
        %broadcast_in_dim3A_321 = vector.broadcast %broadcast_in_dim3A_320 : i32 to vector<16xi32>
        %add3A_322 = vector.broadcast %add3A_305 : i32 to vector<16xi32>
        %add3A_323 = arith.addi %broadcast_in_dim3A_321, %add3A_322 : vector<16xi32>
        %broadcast_in_dim3A_324 = vector.shape_cast %add3A_323 : vector<16xi32> to vector<16x1xi32>
        %gather3A_325 = vector.shape_cast %broadcast_in_dim3A_324 : vector<16x1xi32> to vector<16xi32>
        %gather3A_326 = tpu.dynamic_gather %sub3A_107[%gather3A_325] in [0] : vector<16xf32>, vector<16xi32> -> vector<16xf32>
        %sub3A_327 = arith.constant 1.000000e+00 : f32
        %sub3A_328 = vector.broadcast %sub3A_327 : f32 to vector<16xf32>
        %sub3A_329 = arith.subf %sub3A_328, %gather3A_326 : vector<16xf32>
        %mul3A_330 = arith.muli %gather3A_312, %gather3A_49 : vector<16xi32>
        %add3A_331 = arith.addi %gather3A_42, %mul3A_330 : vector<16xi32>
        %mul3A_332 = arith.constant 2.500000e-01 : f32
        %mul3A_333 = vector.broadcast %mul3A_332 : f32 to vector<16xf32>
        %mul3A_334 = arith.mulf %sub3A_329, %mul3A_333 : vector<16xf32>
        %add3A_335 = arith.addi %add3A_331, %select_n3A : vector<16xi32>
        %swap3A_336 = arith.constant 0 : index
        %swap3A_337 = tpu.vector_load %arg17[%swap3A_336] {strides = array<i32>} : memref<128xi32, #tpu.memory_space<vmem>>, vector<16xi32>,
        %swap3A_338 = vector.shape_cast %swap3A_337 : vector<16xi32> to vector<16xi32>
        %swap3A_339 = vector.shape_cast %add3A_335 : vector<16xi32> to vector<16xi32>
        tpu.vector_store %arg17[%swap3A_336], %swap3A_339 {strides = array<i32>} : memref<128xi32, #tpu.memory_space<vmem>>, vector<16xi32>,
        %mul3A_340 = arith.mulf %mul3A_334, %sub3A_110 : vector<16xf32>
        %swap3A_341 = arith.constant 0 : i32
        %swap3A_342 = arith.index_cast %swap3A_341 : i32 to index
        %swap3A_343 = arith.constant 0 : index
        %swap3A_344 = tpu.vector_load %arg19[%swap3A_342, %swap3A_343] {strides = array<i32>} : memref<8x16xf32, #tpu.memory_space<vmem>>, vector<1x16xf32>,
        %swap3A_345 = vector.shape_cast %swap3A_344 : vector<1x16xf32> to vector<16xf32>
        %swap3A_346 = vector.shape_cast %mul3A_340 : vector<16xf32> to vector<1x16xf32>
        tpu.vector_store %arg19[%swap3A_342, %swap3A_343], %swap3A_346 {strides = array<i32>} : memref<8x16xf32, #tpu.memory_space<vmem>>, vector<1x16xf32>,
        %add3A_347 = arith.addi %add3A_331, %select_n3A_75 : vector<16xi32>
        %swap3A_348 = arith.constant 32 : index
        %swap3A_349 = tpu.vector_load %arg17[%swap3A_348] {strides = array<i32>} : memref<128xi32, #tpu.memory_space<vmem>>, vector<16xi32>,
        %swap3A_350 = vector.shape_cast %swap3A_349 : vector<16xi32> to vector<16xi32>
        %swap3A_351 = vector.shape_cast %add3A_347 : vector<16xi32> to vector<16xi32>
        tpu.vector_store %arg17[%swap3A_348], %swap3A_351 {strides = array<i32>} : memref<128xi32, #tpu.memory_space<vmem>>, vector<16xi32>,
        %mul3A_352 = arith.mulf %mul3A_334, %sub3A_78 : vector<16xf32>
        %swap3A_353 = arith.constant 2 : i32
        %swap3A_354 = arith.index_cast %swap3A_353 : i32 to index
        %swap3A_355 = arith.constant 0 : index
        %swap3A_356 = tpu.vector_load %arg19[%swap3A_354, %swap3A_355] {strides = array<i32>} : memref<8x16xf32, #tpu.memory_space<vmem>>, vector<1x16xf32>,
        %swap3A_357 = vector.shape_cast %swap3A_356 : vector<1x16xf32> to vector<16xf32>
        %swap3A_358 = vector.shape_cast %mul3A_352 : vector<16xf32> to vector<1x16xf32>
        tpu.vector_store %arg19[%swap3A_354, %swap3A_355], %swap3A_358 {strides = array<i32>} : memref<8x16xf32, #tpu.memory_space<vmem>>, vector<1x16xf32>,
        %mul3A_359 = arith.muli %gather3A_319, %gather3A_49 : vector<16xi32>
        %add3A_360 = arith.addi %gather3A_42, %mul3A_359 : vector<16xi32>
        %mul3A_361 = arith.constant 2.500000e-01 : f32
        %mul3A_362 = vector.broadcast %mul3A_361 : f32 to vector<16xf32>
        %mul3A_363 = arith.mulf %gather3A_326, %mul3A_362 : vector<16xf32>
        %add3A_364 = arith.addi %add3A_360, %select_n3A : vector<16xi32>
        %swap3A_365 = arith.constant 64 : index
        %swap3A_366 = tpu.vector_load %arg17[%swap3A_365] {strides = array<i32>} : memref<128xi32, #tpu.memory_space<vmem>>, vector<16xi32>,
        %swap3A_367 = vector.shape_cast %swap3A_366 : vector<16xi32> to vector<16xi32>
        %swap3A_368 = vector.shape_cast %add3A_364 : vector<16xi32> to vector<16xi32>
        tpu.vector_store %arg17[%swap3A_365], %swap3A_368 {strides = array<i32>} : memref<128xi32, #tpu.memory_space<vmem>>, vector<16xi32>,
        %mul3A_369 = arith.mulf %mul3A_363, %sub3A_110 : vector<16xf32>
        %swap3A_370 = arith.constant 4 : i32
        %swap3A_371 = arith.index_cast %swap3A_370 : i32 to index
        %swap3A_372 = arith.constant 0 : index
        %swap3A_373 = tpu.vector_load %arg19[%swap3A_371, %swap3A_372] {strides = array<i32>} : memref<8x16xf32, #tpu.memory_space<vmem>>, vector<1x16xf32>,
        %swap3A_374 = vector.shape_cast %swap3A_373 : vector<1x16xf32> to vector<16xf32>
        %swap3A_375 = vector.shape_cast %mul3A_369 : vector<16xf32> to vector<1x16xf32>
        tpu.vector_store %arg19[%swap3A_371, %swap3A_372], %swap3A_375 {strides = array<i32>} : memref<8x16xf32, #tpu.memory_space<vmem>>, vector<1x16xf32>,
        %add3A_376 = arith.addi %add3A_360, %select_n3A_75 : vector<16xi32>
        %swap3A_377 = arith.constant 96 : index
        %swap3A_378 = tpu.vector_load %arg17[%swap3A_377] {strides = array<i32>} : memref<128xi32, #tpu.memory_space<vmem>>, vector<16xi32>,
        %swap3A_379 = vector.shape_cast %swap3A_378 : vector<16xi32> to vector<16xi32>
        %swap3A_380 = vector.shape_cast %add3A_376 : vector<16xi32> to vector<16xi32>
        tpu.vector_store %arg17[%swap3A_377], %swap3A_380 {strides = array<i32>} : memref<128xi32, #tpu.memory_space<vmem>>, vector<16xi32>,
        %mul3A_381 = arith.mulf %mul3A_363, %sub3A_78 : vector<16xf32>
        %swap3A_382 = arith.constant 6 : i32
        %swap3A_383 = arith.index_cast %swap3A_382 : i32 to index
        %swap3A_384 = arith.constant 0 : index
        %swap3A_385 = tpu.vector_load %arg19[%swap3A_383, %swap3A_384] {strides = array<i32>} : memref<8x16xf32, #tpu.memory_space<vmem>>, vector<1x16xf32>,
        %swap3A_386 = vector.shape_cast %swap3A_385 : vector<1x16xf32> to vector<16xf32>
        %swap3A_387 = vector.shape_cast %mul3A_381 : vector<16xf32> to vector<1x16xf32>
        tpu.vector_store %arg19[%swap3A_383, %swap3A_384], %swap3A_387 {strides = array<i32>} : memref<8x16xf32, #tpu.memory_space<vmem>>, vector<1x16xf32>,
        %mul3A_388 = arith.constant 2 : i32
        %mul3A_389 = arith.muli %mul3A_388, %add3A_301 : i32
        %add3A_390 = arith.constant 1 : i32
        %add3A_391 = arith.addi %mul3A_389, %add3A_390 : i32
        %broadcast_in_dim3A_392 = arith.constant 0 : i32
        %broadcast_in_dim3A_393 = vector.broadcast %broadcast_in_dim3A_392 : i32 to vector<16xi32>
        %add3A_394 = vector.broadcast %add3A_391 : i32 to vector<16xi32>
        %add3A_395 = arith.addi %broadcast_in_dim3A_393, %add3A_394 : vector<16xi32>
        %broadcast_in_dim3A_396 = vector.shape_cast %add3A_395 : vector<16xi32> to vector<16x1xi32>
        %gather3A_397 = vector.shape_cast %broadcast_in_dim3A_396 : vector<16x1xi32> to vector<16xi32>
        %gather3A_398 = tpu.dynamic_gather %select_n3A_100[%gather3A_397] in [0] : vector<16xi32>, vector<16xi32> -> vector<16xi32>
        %broadcast_in_dim3A_399 = arith.constant 0 : i32
        %broadcast_in_dim3A_400 = vector.broadcast %broadcast_in_dim3A_399 : i32 to vector<16xi32>
        %add3A_401 = vector.broadcast %add3A_391 : i32 to vector<16xi32>
        %add3A_402 = arith.addi %broadcast_in_dim3A_400, %add3A_401 : vector<16xi32>
        %broadcast_in_dim3A_403 = vector.shape_cast %add3A_402 : vector<16xi32> to vector<16x1xi32>
        %gather3A_404 = vector.shape_cast %broadcast_in_dim3A_403 : vector<16x1xi32> to vector<16xi32>
        %gather3A_405 = tpu.dynamic_gather %select_n3A_104[%gather3A_404] in [0] : vector<16xi32>, vector<16xi32> -> vector<16xi32>
        %broadcast_in_dim3A_406 = arith.constant 0 : i32
        %broadcast_in_dim3A_407 = vector.broadcast %broadcast_in_dim3A_406 : i32 to vector<16xi32>
        %add3A_408 = vector.broadcast %add3A_391 : i32 to vector<16xi32>
        %add3A_409 = arith.addi %broadcast_in_dim3A_407, %add3A_408 : vector<16xi32>
        %broadcast_in_dim3A_410 = vector.shape_cast %add3A_409 : vector<16xi32> to vector<16x1xi32>
        %gather3A_411 = vector.shape_cast %broadcast_in_dim3A_410 : vector<16x1xi32> to vector<16xi32>
        %gather3A_412 = tpu.dynamic_gather %sub3A_107[%gather3A_411] in [0] : vector<16xf32>, vector<16xi32> -> vector<16xf32>
        %sub3A_413 = arith.constant 1.000000e+00 : f32
        %sub3A_414 = vector.broadcast %sub3A_413 : f32 to vector<16xf32>
        %sub3A_415 = arith.subf %sub3A_414, %gather3A_412 : vector<16xf32>
        %mul3A_416 = arith.muli %gather3A_398, %gather3A_49 : vector<16xi32>
        %add3A_417 = arith.addi %gather3A_42, %mul3A_416 : vector<16xi32>
        %mul3A_418 = arith.constant 2.500000e-01 : f32
        %mul3A_419 = vector.broadcast %mul3A_418 : f32 to vector<16xf32>
        %mul3A_420 = arith.mulf %sub3A_415, %mul3A_419 : vector<16xf32>
        %add3A_421 = arith.addi %add3A_417, %select_n3A : vector<16xi32>
        %swap3A_422 = arith.constant 16 : index
        %swap3A_423 = tpu.vector_load %arg17[%swap3A_422] {strides = array<i32>} : memref<128xi32, #tpu.memory_space<vmem>>, vector<16xi32>,
        %swap3A_424 = vector.shape_cast %swap3A_423 : vector<16xi32> to vector<16xi32>
        %swap3A_425 = vector.shape_cast %add3A_421 : vector<16xi32> to vector<16xi32>
        tpu.vector_store %arg17[%swap3A_422], %swap3A_425 {strides = array<i32>} : memref<128xi32, #tpu.memory_space<vmem>>, vector<16xi32>,
        %mul3A_426 = arith.mulf %mul3A_420, %sub3A_110 : vector<16xf32>
        %swap3A_427 = arith.constant 1 : i32
        %swap3A_428 = arith.index_cast %swap3A_427 : i32 to index
        %swap3A_429 = arith.constant 0 : index
        %swap3A_430 = tpu.vector_load %arg19[%swap3A_428, %swap3A_429] {strides = array<i32>} : memref<8x16xf32, #tpu.memory_space<vmem>>, vector<1x16xf32>,
        %swap3A_431 = vector.shape_cast %swap3A_430 : vector<1x16xf32> to vector<16xf32>
        %swap3A_432 = vector.shape_cast %mul3A_426 : vector<16xf32> to vector<1x16xf32>
        tpu.vector_store %arg19[%swap3A_428, %swap3A_429], %swap3A_432 {strides = array<i32>} : memref<8x16xf32, #tpu.memory_space<vmem>>, vector<1x16xf32>,
        %add3A_433 = arith.addi %add3A_417, %select_n3A_75 : vector<16xi32>
        %swap3A_434 = arith.constant 48 : index
        %swap3A_435 = tpu.vector_load %arg17[%swap3A_434] {strides = array<i32>} : memref<128xi32, #tpu.memory_space<vmem>>, vector<16xi32>,
        %swap3A_436 = vector.shape_cast %swap3A_435 : vector<16xi32> to vector<16xi32>
        %swap3A_437 = vector.shape_cast %add3A_433 : vector<16xi32> to vector<16xi32>
        tpu.vector_store %arg17[%swap3A_434], %swap3A_437 {strides = array<i32>} : memref<128xi32, #tpu.memory_space<vmem>>, vector<16xi32>,
        %mul3A_438 = arith.mulf %mul3A_420, %sub3A_78 : vector<16xf32>
        %swap3A_439 = arith.constant 3 : i32
        %swap3A_440 = arith.index_cast %swap3A_439 : i32 to index
        %swap3A_441 = arith.constant 0 : index
        %swap3A_442 = tpu.vector_load %arg19[%swap3A_440, %swap3A_441] {strides = array<i32>} : memref<8x16xf32, #tpu.memory_space<vmem>>, vector<1x16xf32>,
        %swap3A_443 = vector.shape_cast %swap3A_442 : vector<1x16xf32> to vector<16xf32>
        %swap3A_444 = vector.shape_cast %mul3A_438 : vector<16xf32> to vector<1x16xf32>
        tpu.vector_store %arg19[%swap3A_440, %swap3A_441], %swap3A_444 {strides = array<i32>} : memref<8x16xf32, #tpu.memory_space<vmem>>, vector<1x16xf32>,
        %mul3A_445 = arith.muli %gather3A_405, %gather3A_49 : vector<16xi32>
        %add3A_446 = arith.addi %gather3A_42, %mul3A_445 : vector<16xi32>
        %mul3A_447 = arith.constant 2.500000e-01 : f32
        %mul3A_448 = vector.broadcast %mul3A_447 : f32 to vector<16xf32>
        %mul3A_449 = arith.mulf %gather3A_412, %mul3A_448 : vector<16xf32>
        %add3A_450 = arith.addi %add3A_446, %select_n3A : vector<16xi32>
        %swap3A_451 = arith.constant 80 : index
        %swap3A_452 = tpu.vector_load %arg17[%swap3A_451] {strides = array<i32>} : memref<128xi32, #tpu.memory_space<vmem>>, vector<16xi32>,
        %swap3A_453 = vector.shape_cast %swap3A_452 : vector<16xi32> to vector<16xi32>
        %swap3A_454 = vector.shape_cast %add3A_450 : vector<16xi32> to vector<16xi32>
        tpu.vector_store %arg17[%swap3A_451], %swap3A_454 {strides = array<i32>} : memref<128xi32, #tpu.memory_space<vmem>>, vector<16xi32>,
        %mul3A_455 = arith.mulf %mul3A_449, %sub3A_110 : vector<16xf32>
        %swap3A_456 = arith.constant 5 : i32
        %swap3A_457 = arith.index_cast %swap3A_456 : i32 to index
        %swap3A_458 = arith.constant 0 : index
        %swap3A_459 = tpu.vector_load %arg19[%swap3A_457, %swap3A_458] {strides = array<i32>} : memref<8x16xf32, #tpu.memory_space<vmem>>, vector<1x16xf32>,
        %swap3A_460 = vector.shape_cast %swap3A_459 : vector<1x16xf32> to vector<16xf32>
        %swap3A_461 = vector.shape_cast %mul3A_455 : vector<16xf32> to vector<1x16xf32>
        tpu.vector_store %arg19[%swap3A_457, %swap3A_458], %swap3A_461 {strides = array<i32>} : memref<8x16xf32, #tpu.memory_space<vmem>>, vector<1x16xf32>,
        %add3A_462 = arith.addi %add3A_446, %select_n3A_75 : vector<16xi32>
        %swap3A_463 = arith.constant 112 : index
        %swap3A_464 = tpu.vector_load %arg17[%swap3A_463] {strides = array<i32>} : memref<128xi32, #tpu.memory_space<vmem>>, vector<16xi32>,
        %swap3A_465 = vector.shape_cast %swap3A_464 : vector<16xi32> to vector<16xi32>
        %swap3A_466 = vector.shape_cast %add3A_462 : vector<16xi32> to vector<16xi32>
        tpu.vector_store %arg17[%swap3A_463], %swap3A_466 {strides = array<i32>} : memref<128xi32, #tpu.memory_space<vmem>>, vector<16xi32>,
        %mul3A_467 = arith.mulf %mul3A_449, %sub3A_78 : vector<16xf32>
        %swap3A_468 = arith.constant 7 : i32
        %swap3A_469 = arith.index_cast %swap3A_468 : i32 to index
        %swap3A_470 = arith.constant 0 : index
        %swap3A_471 = tpu.vector_load %arg19[%swap3A_469, %swap3A_470] {strides = array<i32>} : memref<8x16xf32, #tpu.memory_space<vmem>>, vector<1x16xf32>,
        %swap3A_472 = vector.shape_cast %swap3A_471 : vector<1x16xf32> to vector<16xf32>
        %swap3A_473 = vector.shape_cast %mul3A_467 : vector<16xf32> to vector<1x16xf32>
        tpu.vector_store %arg19[%swap3A_469, %swap3A_470], %swap3A_473 {strides = array<i32>} : memref<8x16xf32, #tpu.memory_space<vmem>>, vector<1x16xf32>,
        %dma_start3A_474 = arith.constant 0 : i32
        %dma_start3A_475 = arith.constant 0 : i32
        %dma_start3A_476 = tpu.memref_slice %arg2[%dma_start3A_474, %dma_start3A_475] : memref<43520x128xi32, #tpu.memory_space<hbm>> -> memref<43520x128xi32, #tpu.memory_space<hbm>>
        tpu.enqueue_indirect_dma source(%dma_start3A_476 : memref<43520x128xi32, #tpu.memory_space<hbm>>) target(%arg21 : memref<128x128xi32, #tpu.memory_space<vmem>>) offsets(%arg17 : memref<128xi32, #tpu.memory_space<vmem>>) semaphore(%arg24 : memref<!tpu.dma_semaphore, #tpu.memory_space<semaphore_mem>>)
        %dma_wait3A_477 = arith.constant 0 : i32
        %dma_wait3A_478 = arith.constant 0 : i32
        %dma_wait3A_479 = tpu.memref_slice %arg2[%dma_wait3A_477, %dma_wait3A_478] : memref<43520x128xi32, #tpu.memory_space<hbm>> -> memref<43520x128xi32, #tpu.memory_space<hbm>>
        tpu.wait_indirect_dma semaphore(%arg23 : memref<!tpu.dma_semaphore, #tpu.memory_space<semaphore_mem>>) src(%dma_wait3A_479 : memref<43520x128xi32, #tpu.memory_space<hbm>>) dst(%arg20 : memref<128x128xi32, #tpu.memory_space<vmem>>)
        %scan3A_480 = arith.constant 0 : i32
        %scan3A_481 = arith.constant 0 : i32
        %scan3A_482 = arith.constant 7 : i32
        %scan3A_483 = arith.addi %scan3A_481, %scan3A_482 : i32
        %scan3A_484 = arith.constant 1 : i32
        scf.for %scan3A_674 = %scan3A_481 to %scan3A_483 step %scan3A_484  : i32 {
          %broadcast_in_dim3A_675 = arith.constant 0.000000e+00 : f32
          %broadcast_in_dim3A_676 = vector.broadcast %broadcast_in_dim3A_675 : f32 to vector<16xf32>
          %broadcast_in_dim3A_677 = arith.constant 0.000000e+00 : f32
          %broadcast_in_dim3A_678 = vector.broadcast %broadcast_in_dim3A_677 : f32 to vector<16xf32>
          %broadcast_in_dim3A_679 = arith.constant 0.000000e+00 : f32
          %broadcast_in_dim3A_680 = vector.broadcast %broadcast_in_dim3A_679 : f32 to vector<16xf32>
          %broadcast_in_dim3A_681 = arith.constant 0.000000e+00 : f32
          %broadcast_in_dim3A_682 = vector.broadcast %broadcast_in_dim3A_681 : f32 to vector<16xf32>
          %broadcast_in_dim3A_683 = arith.constant 0.000000e+00 : f32
          %broadcast_in_dim3A_684 = vector.broadcast %broadcast_in_dim3A_683 : f32 to vector<16xf32>
          %broadcast_in_dim3A_685 = arith.constant 0.000000e+00 : f32
          %broadcast_in_dim3A_686 = vector.broadcast %broadcast_in_dim3A_685 : f32 to vector<16xf32>
          %broadcast_in_dim3A_687 = arith.constant 0.000000e+00 : f32
          %broadcast_in_dim3A_688 = vector.broadcast %broadcast_in_dim3A_687 : f32 to vector<16xf32>
          %broadcast_in_dim3A_689 = arith.constant 0.000000e+00 : f32
          %broadcast_in_dim3A_690 = vector.broadcast %broadcast_in_dim3A_689 : f32 to vector<16xf32>
          %broadcast_in_dim3A_691 = arith.constant 0.000000e+00 : f32
          %broadcast_in_dim3A_692 = vector.broadcast %broadcast_in_dim3A_691 : f32 to vector<16xf32>
          %broadcast_in_dim3A_693 = arith.constant 0.000000e+00 : f32
          %broadcast_in_dim3A_694 = vector.broadcast %broadcast_in_dim3A_693 : f32 to vector<16xf32>
          %broadcast_in_dim3A_695 = arith.constant 0.000000e+00 : f32
          %broadcast_in_dim3A_696 = vector.broadcast %broadcast_in_dim3A_695 : f32 to vector<16xf32>
          %broadcast_in_dim3A_697 = arith.constant 0.000000e+00 : f32
          %broadcast_in_dim3A_698 = vector.broadcast %broadcast_in_dim3A_697 : f32 to vector<16xf32>
          %broadcast_in_dim3A_699 = arith.constant 0.000000e+00 : f32
          %broadcast_in_dim3A_700 = vector.broadcast %broadcast_in_dim3A_699 : f32 to vector<16xf32>
          %broadcast_in_dim3A_701 = arith.constant 0.000000e+00 : f32
          %broadcast_in_dim3A_702 = vector.broadcast %broadcast_in_dim3A_701 : f32 to vector<16xf32>
          %broadcast_in_dim3A_703 = arith.constant 0.000000e+00 : f32
          %broadcast_in_dim3A_704 = vector.broadcast %broadcast_in_dim3A_703 : f32 to vector<16xf32>
          %broadcast_in_dim3A_705 = arith.constant 0.000000e+00 : f32
          %broadcast_in_dim3A_706 = vector.broadcast %broadcast_in_dim3A_705 : f32 to vector<16xf32>
          %scan3A_707 = arith.constant 0 : i32
          %scan3A_708 = arith.constant 4 : i32
          %scan3A_709 = arith.addi %scan3A_707, %scan3A_708 : i32
          %scan3A_710 = arith.constant 1 : i32
          %scan3A_711:16 = scf.for %scan3A_841 = %scan3A_707 to %scan3A_709 step %scan3A_710 iter_args(%scan3A_842 = %broadcast_in_dim3A_676, %scan3A_843 = %broadcast_in_dim3A_678, %scan3A_844 = %broadcast_in_dim3A_680, %scan3A_845 = %broadcast_in_dim3A_682, %scan3A_846 = %broadcast_in_dim3A_684, %scan3A_847 = %broadcast_in_dim3A_686, %scan3A_848 = %broadcast_in_dim3A_688, %scan3A_849 = %broadcast_in_dim3A_690, %scan3A_850 = %broadcast_in_dim3A_692, %scan3A_851 = %broadcast_in_dim3A_694, %scan3A_852 = %broadcast_in_dim3A_696, %scan3A_853 = %broadcast_in_dim3A_698, %scan3A_854 = %broadcast_in_dim3A_700, %scan3A_855 = %broadcast_in_dim3A_702, %scan3A_856 = %broadcast_in_dim3A_704, %scan3A_857 = %broadcast_in_dim3A_706) -> (vector<16xf32>, vector<16xf32>, vector<16xf32>, vector<16xf32>, vector<16xf32>, vector<16xf32>, vector<16xf32>, vector<16xf32>, vector<16xf32>, vector<16xf32>, vector<16xf32>, vector<16xf32>, vector<16xf32>, vector<16xf32>, vector<16xf32>, vector<16xf32>)  : i32 {
            %shift_right_arithmetic3A_858 = arith.constant 1 : i32
            %shift_right_arithmetic3A_859 = arith.shrsi %scan3A_841, %shift_right_arithmetic3A_858 : i32
            %and3A_860 = arith.constant 1 : i32
            %and3A_861 = arith.andi %scan3A_841, %and3A_860 : i32
            %mul3A_862 = arith.constant 2 : i32
            %mul3A_863 = arith.muli %mul3A_862, %scan3A_674 : i32
            %add3A_864 = arith.addi %mul3A_863, %and3A_861 : i32
            %broadcast_in_dim3A_865 = arith.constant 0 : i32
            %broadcast_in_dim3A_866 = vector.broadcast %broadcast_in_dim3A_865 : i32 to vector<16xi32>
            %add3A_867 = vector.broadcast %add3A_864 : i32 to vector<16xi32>
            %add3A_868 = arith.addi %broadcast_in_dim3A_866, %add3A_867 : vector<16xi32>
            %broadcast_in_dim3A_869 = vector.shape_cast %add3A_868 : vector<16xi32> to vector<16x1xi32>
            %mul3A_870 = arith.constant 16 : i32
            %mul3A_871 = arith.muli %shift_right_arithmetic3A_859, %mul3A_870 : i32
            %add3A_872 = arith.addi %mul3A_871, %add3A_864 : i32
            %add3A_873 = arith.constant 0 : i32
            %add3A_874 = arith.addi %add3A_873, %shift_right_arithmetic3A_859 : i32
            %get3A_875 = arith.index_cast %add3A_874 : i32 to index
            %get3A_876 = arith.constant 0 : index
            %get3A_877 = tpu.vector_load %arg18[%get3A_875, %get3A_876] {strides = array<i32>} : memref<8x16xf32, #tpu.memory_space<vmem>>, vector<1x16xf32>,
            %get3A_878 = vector.shape_cast %get3A_877 : vector<1x16xf32> to vector<16xf32>
            %gather3A_879 = vector.shape_cast %broadcast_in_dim3A_869 : vector<16x1xi32> to vector<16xi32>
            %gather3A_880 = tpu.dynamic_gather %get3A_878[%gather3A_879] in [0] : vector<16xf32>, vector<16xi32> -> vector<16xf32>
            %add3A_881 = arith.constant 0 : i32
            %add3A_882 = arith.addi %add3A_872, %add3A_881 : i32
            %get3A_883 = arith.index_cast %add3A_882 : i32 to index
            %get3A_884 = arith.constant 0 : index
            %get3A_885 = tpu.vector_load %arg20[%get3A_883, %get3A_884] {strides = array<i32>} : memref<128x128xi32, #tpu.memory_space<vmem>>, vector<1x16xi32>,
            %get3A_886 = vector.shape_cast %get3A_885 : vector<1x16xi32> to vector<16xi32>
            %shift_left3A = arith.constant 16 : i32
            %shift_left3A_887 = vector.broadcast %shift_left3A : i32 to vector<16xi32>
            %shift_left3A_888 = arith.shli %get3A_886, %shift_left3A_887 : vector<16xi32>
            %bitcast_convert_type3A = tpu.bitcast %shift_left3A_888 : vector<16xi32> -> vector<16xf32>
            %and3A_889 = arith.constant -65536 : i32
            %and3A_890 = vector.broadcast %and3A_889 : i32 to vector<16xi32>
            %and3A_891 = arith.andi %get3A_886, %and3A_890 : vector<16xi32>
            %bitcast_convert_type3A_892 = tpu.bitcast %and3A_891 : vector<16xi32> -> vector<16xf32>
            %mul3A_893 = arith.mulf %gather3A_880, %bitcast_convert_type3A : vector<16xf32>
            %add3A_894 = arith.addf %scan3A_842, %mul3A_893 : vector<16xf32>
            %mul3A_895 = arith.mulf %gather3A_880, %bitcast_convert_type3A_892 : vector<16xf32>
            %add3A_896 = arith.addf %scan3A_850, %mul3A_895 : vector<16xf32>
            %get3A_897 = arith.index_cast %add3A_882 : i32 to index
            %get3A_898 = arith.constant 16 : index
            %get3A_899 = tpu.vector_load %arg20[%get3A_897, %get3A_898] {strides = array<i32>} : memref<128x128xi32, #tpu.memory_space<vmem>>, vector<1x16xi32>,
            %get3A_900 = vector.shape_cast %get3A_899 : vector<1x16xi32> to vector<16xi32>
            %shift_left3A_901 = arith.constant 16 : i32
            %shift_left3A_902 = vector.broadcast %shift_left3A_901 : i32 to vector<16xi32>
            %shift_left3A_903 = arith.shli %get3A_900, %shift_left3A_902 : vector<16xi32>
            %bitcast_convert_type3A_904 = tpu.bitcast %shift_left3A_903 : vector<16xi32> -> vector<16xf32>
            %and3A_905 = arith.constant -65536 : i32
            %and3A_906 = vector.broadcast %and3A_905 : i32 to vector<16xi32>
            %and3A_907 = arith.andi %get3A_900, %and3A_906 : vector<16xi32>
            %bitcast_convert_type3A_908 = tpu.bitcast %and3A_907 : vector<16xi32> -> vector<16xf32>
            %mul3A_909 = arith.mulf %gather3A_880, %bitcast_convert_type3A_904 : vector<16xf32>
            %add3A_910 = arith.addf %scan3A_843, %mul3A_909 : vector<16xf32>
            %mul3A_911 = arith.mulf %gather3A_880, %bitcast_convert_type3A_908 : vector<16xf32>
            %add3A_912 = arith.addf %scan3A_851, %mul3A_911 : vector<16xf32>
            %get3A_913 = arith.index_cast %add3A_882 : i32 to index
            %get3A_914 = arith.constant 32 : index
            %get3A_915 = tpu.vector_load %arg20[%get3A_913, %get3A_914] {strides = array<i32>} : memref<128x128xi32, #tpu.memory_space<vmem>>, vector<1x16xi32>,
            %get3A_916 = vector.shape_cast %get3A_915 : vector<1x16xi32> to vector<16xi32>
            %shift_left3A_917 = arith.constant 16 : i32
            %shift_left3A_918 = vector.broadcast %shift_left3A_917 : i32 to vector<16xi32>
            %shift_left3A_919 = arith.shli %get3A_916, %shift_left3A_918 : vector<16xi32>
            %bitcast_convert_type3A_920 = tpu.bitcast %shift_left3A_919 : vector<16xi32> -> vector<16xf32>
            %and3A_921 = arith.constant -65536 : i32
            %and3A_922 = vector.broadcast %and3A_921 : i32 to vector<16xi32>
            %and3A_923 = arith.andi %get3A_916, %and3A_922 : vector<16xi32>
            %bitcast_convert_type3A_924 = tpu.bitcast %and3A_923 : vector<16xi32> -> vector<16xf32>
            %mul3A_925 = arith.mulf %gather3A_880, %bitcast_convert_type3A_920 : vector<16xf32>
            %add3A_926 = arith.addf %scan3A_844, %mul3A_925 : vector<16xf32>
            %mul3A_927 = arith.mulf %gather3A_880, %bitcast_convert_type3A_924 : vector<16xf32>
            %add3A_928 = arith.addf %scan3A_852, %mul3A_927 : vector<16xf32>
            %get3A_929 = arith.index_cast %add3A_882 : i32 to index
            %get3A_930 = arith.constant 48 : index
            %get3A_931 = tpu.vector_load %arg20[%get3A_929, %get3A_930] {strides = array<i32>} : memref<128x128xi32, #tpu.memory_space<vmem>>, vector<1x16xi32>,
            %get3A_932 = vector.shape_cast %get3A_931 : vector<1x16xi32> to vector<16xi32>
            %shift_left3A_933 = arith.constant 16 : i32
            %shift_left3A_934 = vector.broadcast %shift_left3A_933 : i32 to vector<16xi32>
            %shift_left3A_935 = arith.shli %get3A_932, %shift_left3A_934 : vector<16xi32>
            %bitcast_convert_type3A_936 = tpu.bitcast %shift_left3A_935 : vector<16xi32> -> vector<16xf32>
            %and3A_937 = arith.constant -65536 : i32
            %and3A_938 = vector.broadcast %and3A_937 : i32 to vector<16xi32>
            %and3A_939 = arith.andi %get3A_932, %and3A_938 : vector<16xi32>
            %bitcast_convert_type3A_940 = tpu.bitcast %and3A_939 : vector<16xi32> -> vector<16xf32>
            %mul3A_941 = arith.mulf %gather3A_880, %bitcast_convert_type3A_936 : vector<16xf32>
            %add3A_942 = arith.addf %scan3A_845, %mul3A_941 : vector<16xf32>
            %mul3A_943 = arith.mulf %gather3A_880, %bitcast_convert_type3A_940 : vector<16xf32>
            %add3A_944 = arith.addf %scan3A_853, %mul3A_943 : vector<16xf32>
            %get3A_945 = arith.index_cast %add3A_882 : i32 to index
            %get3A_946 = arith.constant 64 : index
            %get3A_947 = tpu.vector_load %arg20[%get3A_945, %get3A_946] {strides = array<i32>} : memref<128x128xi32, #tpu.memory_space<vmem>>, vector<1x16xi32>,
            %get3A_948 = vector.shape_cast %get3A_947 : vector<1x16xi32> to vector<16xi32>
            %shift_left3A_949 = arith.constant 16 : i32
            %shift_left3A_950 = vector.broadcast %shift_left3A_949 : i32 to vector<16xi32>
            %shift_left3A_951 = arith.shli %get3A_948, %shift_left3A_950 : vector<16xi32>
            %bitcast_convert_type3A_952 = tpu.bitcast %shift_left3A_951 : vector<16xi32> -> vector<16xf32>
            %and3A_953 = arith.constant -65536 : i32
            %and3A_954 = vector.broadcast %and3A_953 : i32 to vector<16xi32>
            %and3A_955 = arith.andi %get3A_948, %and3A_954 : vector<16xi32>
            %bitcast_convert_type3A_956 = tpu.bitcast %and3A_955 : vector<16xi32> -> vector<16xf32>
            %mul3A_957 = arith.mulf %gather3A_880, %bitcast_convert_type3A_952 : vector<16xf32>
            %add3A_958 = arith.addf %scan3A_846, %mul3A_957 : vector<16xf32>
            %mul3A_959 = arith.mulf %gather3A_880, %bitcast_convert_type3A_956 : vector<16xf32>
            %add3A_960 = arith.addf %scan3A_854, %mul3A_959 : vector<16xf32>
            %get3A_961 = arith.index_cast %add3A_882 : i32 to index
            %get3A_962 = arith.constant 80 : index
            %get3A_963 = tpu.vector_load %arg20[%get3A_961, %get3A_962] {strides = array<i32>} : memref<128x128xi32, #tpu.memory_space<vmem>>, vector<1x16xi32>,
            %get3A_964 = vector.shape_cast %get3A_963 : vector<1x16xi32> to vector<16xi32>
            %shift_left3A_965 = arith.constant 16 : i32
            %shift_left3A_966 = vector.broadcast %shift_left3A_965 : i32 to vector<16xi32>
            %shift_left3A_967 = arith.shli %get3A_964, %shift_left3A_966 : vector<16xi32>
            %bitcast_convert_type3A_968 = tpu.bitcast %shift_left3A_967 : vector<16xi32> -> vector<16xf32>
            %and3A_969 = arith.constant -65536 : i32
            %and3A_970 = vector.broadcast %and3A_969 : i32 to vector<16xi32>
            %and3A_971 = arith.andi %get3A_964, %and3A_970 : vector<16xi32>
            %bitcast_convert_type3A_972 = tpu.bitcast %and3A_971 : vector<16xi32> -> vector<16xf32>
            %mul3A_973 = arith.mulf %gather3A_880, %bitcast_convert_type3A_968 : vector<16xf32>
            %add3A_974 = arith.addf %scan3A_847, %mul3A_973 : vector<16xf32>
            %mul3A_975 = arith.mulf %gather3A_880, %bitcast_convert_type3A_972 : vector<16xf32>
            %add3A_976 = arith.addf %scan3A_855, %mul3A_975 : vector<16xf32>
            %get3A_977 = arith.index_cast %add3A_882 : i32 to index
            %get3A_978 = arith.constant 96 : index
            %get3A_979 = tpu.vector_load %arg20[%get3A_977, %get3A_978] {strides = array<i32>} : memref<128x128xi32, #tpu.memory_space<vmem>>, vector<1x16xi32>,
            %get3A_980 = vector.shape_cast %get3A_979 : vector<1x16xi32> to vector<16xi32>
            %shift_left3A_981 = arith.constant 16 : i32
            %shift_left3A_982 = vector.broadcast %shift_left3A_981 : i32 to vector<16xi32>
            %shift_left3A_983 = arith.shli %get3A_980, %shift_left3A_982 : vector<16xi32>
            %bitcast_convert_type3A_984 = tpu.bitcast %shift_left3A_983 : vector<16xi32> -> vector<16xf32>
            %and3A_985 = arith.constant -65536 : i32
            %and3A_986 = vector.broadcast %and3A_985 : i32 to vector<16xi32>
            %and3A_987 = arith.andi %get3A_980, %and3A_986 : vector<16xi32>
            %bitcast_convert_type3A_988 = tpu.bitcast %and3A_987 : vector<16xi32> -> vector<16xf32>
            %mul3A_989 = arith.mulf %gather3A_880, %bitcast_convert_type3A_984 : vector<16xf32>
            %add3A_990 = arith.addf %scan3A_848, %mul3A_989 : vector<16xf32>
            %mul3A_991 = arith.mulf %gather3A_880, %bitcast_convert_type3A_988 : vector<16xf32>
            %add3A_992 = arith.addf %scan3A_856, %mul3A_991 : vector<16xf32>
            %get3A_993 = arith.index_cast %add3A_882 : i32 to index
            %get3A_994 = arith.constant 112 : index
            %get3A_995 = tpu.vector_load %arg20[%get3A_993, %get3A_994] {strides = array<i32>} : memref<128x128xi32, #tpu.memory_space<vmem>>, vector<1x16xi32>,
            %get3A_996 = vector.shape_cast %get3A_995 : vector<1x16xi32> to vector<16xi32>
            %shift_left3A_997 = arith.constant 16 : i32
            %shift_left3A_998 = vector.broadcast %shift_left3A_997 : i32 to vector<16xi32>
            %shift_left3A_999 = arith.shli %get3A_996, %shift_left3A_998 : vector<16xi32>
            %bitcast_convert_type3A_1000 = tpu.bitcast %shift_left3A_999 : vector<16xi32> -> vector<16xf32>
            %and3A_1001 = arith.constant -65536 : i32
            %and3A_1002 = vector.broadcast %and3A_1001 : i32 to vector<16xi32>
            %and3A_1003 = arith.andi %get3A_996, %and3A_1002 : vector<16xi32>
            %bitcast_convert_type3A_1004 = tpu.bitcast %and3A_1003 : vector<16xi32> -> vector<16xf32>
            %mul3A_1005 = arith.mulf %gather3A_880, %bitcast_convert_type3A_1000 : vector<16xf32>
            %add3A_1006 = arith.addf %scan3A_849, %mul3A_1005 : vector<16xf32>
            %mul3A_1007 = arith.mulf %gather3A_880, %bitcast_convert_type3A_1004 : vector<16xf32>
            %add3A_1008 = arith.addf %scan3A_857, %mul3A_1007 : vector<16xf32>
            %add3A_1009 = arith.constant 2 : i32
            %add3A_1010 = arith.addi %add3A_1009, %shift_right_arithmetic3A_859 : i32
            %get3A_1011 = arith.index_cast %add3A_1010 : i32 to index
            %get3A_1012 = arith.constant 0 : index
            %get3A_1013 = tpu.vector_load %arg18[%get3A_1011, %get3A_1012] {strides = array<i32>} : memref<8x16xf32, #tpu.memory_space<vmem>>, vector<1x16xf32>,
            %get3A_1014 = vector.shape_cast %get3A_1013 : vector<1x16xf32> to vector<16xf32>
            %gather3A_1015 = vector.shape_cast %broadcast_in_dim3A_869 : vector<16x1xi32> to vector<16xi32>
            %gather3A_1016 = tpu.dynamic_gather %get3A_1014[%gather3A_1015] in [0] : vector<16xf32>, vector<16xi32> -> vector<16xf32>
            %add3A_1017 = arith.constant 32 : i32
            %add3A_1018 = arith.addi %add3A_872, %add3A_1017 : i32
            %get3A_1019 = arith.index_cast %add3A_1018 : i32 to index
            %get3A_1020 = arith.constant 0 : index
            %get3A_1021 = tpu.vector_load %arg20[%get3A_1019, %get3A_1020] {strides = array<i32>} : memref<128x128xi32, #tpu.memory_space<vmem>>, vector<1x16xi32>,
            %get3A_1022 = vector.shape_cast %get3A_1021 : vector<1x16xi32> to vector<16xi32>
            %shift_left3A_1023 = arith.constant 16 : i32
            %shift_left3A_1024 = vector.broadcast %shift_left3A_1023 : i32 to vector<16xi32>
            %shift_left3A_1025 = arith.shli %get3A_1022, %shift_left3A_1024 : vector<16xi32>
            %bitcast_convert_type3A_1026 = tpu.bitcast %shift_left3A_1025 : vector<16xi32> -> vector<16xf32>
            %and3A_1027 = arith.constant -65536 : i32
            %and3A_1028 = vector.broadcast %and3A_1027 : i32 to vector<16xi32>
            %and3A_1029 = arith.andi %get3A_1022, %and3A_1028 : vector<16xi32>
            %bitcast_convert_type3A_1030 = tpu.bitcast %and3A_1029 : vector<16xi32> -> vector<16xf32>
            %mul3A_1031 = arith.mulf %gather3A_1016, %bitcast_convert_type3A_1026 : vector<16xf32>
            %add3A_1032 = arith.addf %add3A_894, %mul3A_1031 : vector<16xf32>
            %mul3A_1033 = arith.mulf %gather3A_1016, %bitcast_convert_type3A_1030 : vector<16xf32>
            %add3A_1034 = arith.addf %add3A_896, %mul3A_1033 : vector<16xf32>
            %get3A_1035 = arith.index_cast %add3A_1018 : i32 to index
            %get3A_1036 = arith.constant 16 : index
            %get3A_1037 = tpu.vector_load %arg20[%get3A_1035, %get3A_1036] {strides = array<i32>} : memref<128x128xi32, #tpu.memory_space<vmem>>, vector<1x16xi32>,
            %get3A_1038 = vector.shape_cast %get3A_1037 : vector<1x16xi32> to vector<16xi32>
            %shift_left3A_1039 = arith.constant 16 : i32
            %shift_left3A_1040 = vector.broadcast %shift_left3A_1039 : i32 to vector<16xi32>
            %shift_left3A_1041 = arith.shli %get3A_1038, %shift_left3A_1040 : vector<16xi32>
            %bitcast_convert_type3A_1042 = tpu.bitcast %shift_left3A_1041 : vector<16xi32> -> vector<16xf32>
            %and3A_1043 = arith.constant -65536 : i32
            %and3A_1044 = vector.broadcast %and3A_1043 : i32 to vector<16xi32>
            %and3A_1045 = arith.andi %get3A_1038, %and3A_1044 : vector<16xi32>
            %bitcast_convert_type3A_1046 = tpu.bitcast %and3A_1045 : vector<16xi32> -> vector<16xf32>
            %mul3A_1047 = arith.mulf %gather3A_1016, %bitcast_convert_type3A_1042 : vector<16xf32>
            %add3A_1048 = arith.addf %add3A_910, %mul3A_1047 : vector<16xf32>
            %mul3A_1049 = arith.mulf %gather3A_1016, %bitcast_convert_type3A_1046 : vector<16xf32>
            %add3A_1050 = arith.addf %add3A_912, %mul3A_1049 : vector<16xf32>
            %get3A_1051 = arith.index_cast %add3A_1018 : i32 to index
            %get3A_1052 = arith.constant 32 : index
            %get3A_1053 = tpu.vector_load %arg20[%get3A_1051, %get3A_1052] {strides = array<i32>} : memref<128x128xi32, #tpu.memory_space<vmem>>, vector<1x16xi32>,
            %get3A_1054 = vector.shape_cast %get3A_1053 : vector<1x16xi32> to vector<16xi32>
            %shift_left3A_1055 = arith.constant 16 : i32
            %shift_left3A_1056 = vector.broadcast %shift_left3A_1055 : i32 to vector<16xi32>
            %shift_left3A_1057 = arith.shli %get3A_1054, %shift_left3A_1056 : vector<16xi32>
            %bitcast_convert_type3A_1058 = tpu.bitcast %shift_left3A_1057 : vector<16xi32> -> vector<16xf32>
            %and3A_1059 = arith.constant -65536 : i32
            %and3A_1060 = vector.broadcast %and3A_1059 : i32 to vector<16xi32>
            %and3A_1061 = arith.andi %get3A_1054, %and3A_1060 : vector<16xi32>
            %bitcast_convert_type3A_1062 = tpu.bitcast %and3A_1061 : vector<16xi32> -> vector<16xf32>
            %mul3A_1063 = arith.mulf %gather3A_1016, %bitcast_convert_type3A_1058 : vector<16xf32>
            %add3A_1064 = arith.addf %add3A_926, %mul3A_1063 : vector<16xf32>
            %mul3A_1065 = arith.mulf %gather3A_1016, %bitcast_convert_type3A_1062 : vector<16xf32>
            %add3A_1066 = arith.addf %add3A_928, %mul3A_1065 : vector<16xf32>
            %get3A_1067 = arith.index_cast %add3A_1018 : i32 to index
            %get3A_1068 = arith.constant 48 : index
            %get3A_1069 = tpu.vector_load %arg20[%get3A_1067, %get3A_1068] {strides = array<i32>} : memref<128x128xi32, #tpu.memory_space<vmem>>, vector<1x16xi32>,
            %get3A_1070 = vector.shape_cast %get3A_1069 : vector<1x16xi32> to vector<16xi32>
            %shift_left3A_1071 = arith.constant 16 : i32
            %shift_left3A_1072 = vector.broadcast %shift_left3A_1071 : i32 to vector<16xi32>
            %shift_left3A_1073 = arith.shli %get3A_1070, %shift_left3A_1072 : vector<16xi32>
            %bitcast_convert_type3A_1074 = tpu.bitcast %shift_left3A_1073 : vector<16xi32> -> vector<16xf32>
            %and3A_1075 = arith.constant -65536 : i32
            %and3A_1076 = vector.broadcast %and3A_1075 : i32 to vector<16xi32>
            %and3A_1077 = arith.andi %get3A_1070, %and3A_1076 : vector<16xi32>
            %bitcast_convert_type3A_1078 = tpu.bitcast %and3A_1077 : vector<16xi32> -> vector<16xf32>
            %mul3A_1079 = arith.mulf %gather3A_1016, %bitcast_convert_type3A_1074 : vector<16xf32>
            %add3A_1080 = arith.addf %add3A_942, %mul3A_1079 : vector<16xf32>
            %mul3A_1081 = arith.mulf %gather3A_1016, %bitcast_convert_type3A_1078 : vector<16xf32>
            %add3A_1082 = arith.addf %add3A_944, %mul3A_1081 : vector<16xf32>
            %get3A_1083 = arith.index_cast %add3A_1018 : i32 to index
            %get3A_1084 = arith.constant 64 : index
            %get3A_1085 = tpu.vector_load %arg20[%get3A_1083, %get3A_1084] {strides = array<i32>} : memref<128x128xi32, #tpu.memory_space<vmem>>, vector<1x16xi32>,
            %get3A_1086 = vector.shape_cast %get3A_1085 : vector<1x16xi32> to vector<16xi32>
            %shift_left3A_1087 = arith.constant 16 : i32
            %shift_left3A_1088 = vector.broadcast %shift_left3A_1087 : i32 to vector<16xi32>
            %shift_left3A_1089 = arith.shli %get3A_1086, %shift_left3A_1088 : vector<16xi32>
            %bitcast_convert_type3A_1090 = tpu.bitcast %shift_left3A_1089 : vector<16xi32> -> vector<16xf32>
            %and3A_1091 = arith.constant -65536 : i32
            %and3A_1092 = vector.broadcast %and3A_1091 : i32 to vector<16xi32>
            %and3A_1093 = arith.andi %get3A_1086, %and3A_1092 : vector<16xi32>
            %bitcast_convert_type3A_1094 = tpu.bitcast %and3A_1093 : vector<16xi32> -> vector<16xf32>
            %mul3A_1095 = arith.mulf %gather3A_1016, %bitcast_convert_type3A_1090 : vector<16xf32>
            %add3A_1096 = arith.addf %add3A_958, %mul3A_1095 : vector<16xf32>
            %mul3A_1097 = arith.mulf %gather3A_1016, %bitcast_convert_type3A_1094 : vector<16xf32>
            %add3A_1098 = arith.addf %add3A_960, %mul3A_1097 : vector<16xf32>
            %get3A_1099 = arith.index_cast %add3A_1018 : i32 to index
            %get3A_1100 = arith.constant 80 : index
            %get3A_1101 = tpu.vector_load %arg20[%get3A_1099, %get3A_1100] {strides = array<i32>} : memref<128x128xi32, #tpu.memory_space<vmem>>, vector<1x16xi32>,
            %get3A_1102 = vector.shape_cast %get3A_1101 : vector<1x16xi32> to vector<16xi32>
            %shift_left3A_1103 = arith.constant 16 : i32
            %shift_left3A_1104 = vector.broadcast %shift_left3A_1103 : i32 to vector<16xi32>
            %shift_left3A_1105 = arith.shli %get3A_1102, %shift_left3A_1104 : vector<16xi32>
            %bitcast_convert_type3A_1106 = tpu.bitcast %shift_left3A_1105 : vector<16xi32> -> vector<16xf32>
            %and3A_1107 = arith.constant -65536 : i32
            %and3A_1108 = vector.broadcast %and3A_1107 : i32 to vector<16xi32>
            %and3A_1109 = arith.andi %get3A_1102, %and3A_1108 : vector<16xi32>
            %bitcast_convert_type3A_1110 = tpu.bitcast %and3A_1109 : vector<16xi32> -> vector<16xf32>
            %mul3A_1111 = arith.mulf %gather3A_1016, %bitcast_convert_type3A_1106 : vector<16xf32>
            %add3A_1112 = arith.addf %add3A_974, %mul3A_1111 : vector<16xf32>
            %mul3A_1113 = arith.mulf %gather3A_1016, %bitcast_convert_type3A_1110 : vector<16xf32>
            %add3A_1114 = arith.addf %add3A_976, %mul3A_1113 : vector<16xf32>
            %get3A_1115 = arith.index_cast %add3A_1018 : i32 to index
            %get3A_1116 = arith.constant 96 : index
            %get3A_1117 = tpu.vector_load %arg20[%get3A_1115, %get3A_1116] {strides = array<i32>} : memref<128x128xi32, #tpu.memory_space<vmem>>, vector<1x16xi32>,
            %get3A_1118 = vector.shape_cast %get3A_1117 : vector<1x16xi32> to vector<16xi32>
            %shift_left3A_1119 = arith.constant 16 : i32
            %shift_left3A_1120 = vector.broadcast %shift_left3A_1119 : i32 to vector<16xi32>
            %shift_left3A_1121 = arith.shli %get3A_1118, %shift_left3A_1120 : vector<16xi32>
            %bitcast_convert_type3A_1122 = tpu.bitcast %shift_left3A_1121 : vector<16xi32> -> vector<16xf32>
            %and3A_1123 = arith.constant -65536 : i32
            %and3A_1124 = vector.broadcast %and3A_1123 : i32 to vector<16xi32>
            %and3A_1125 = arith.andi %get3A_1118, %and3A_1124 : vector<16xi32>
            %bitcast_convert_type3A_1126 = tpu.bitcast %and3A_1125 : vector<16xi32> -> vector<16xf32>
            %mul3A_1127 = arith.mulf %gather3A_1016, %bitcast_convert_type3A_1122 : vector<16xf32>
            %add3A_1128 = arith.addf %add3A_990, %mul3A_1127 : vector<16xf32>
            %mul3A_1129 = arith.mulf %gather3A_1016, %bitcast_convert_type3A_1126 : vector<16xf32>
            %add3A_1130 = arith.addf %add3A_992, %mul3A_1129 : vector<16xf32>
            %get3A_1131 = arith.index_cast %add3A_1018 : i32 to index
            %get3A_1132 = arith.constant 112 : index
            %get3A_1133 = tpu.vector_load %arg20[%get3A_1131, %get3A_1132] {strides = array<i32>} : memref<128x128xi32, #tpu.memory_space<vmem>>, vector<1x16xi32>,
            %get3A_1134 = vector.shape_cast %get3A_1133 : vector<1x16xi32> to vector<16xi32>
            %shift_left3A_1135 = arith.constant 16 : i32
            %shift_left3A_1136 = vector.broadcast %shift_left3A_1135 : i32 to vector<16xi32>
            %shift_left3A_1137 = arith.shli %get3A_1134, %shift_left3A_1136 : vector<16xi32>
            %bitcast_convert_type3A_1138 = tpu.bitcast %shift_left3A_1137 : vector<16xi32> -> vector<16xf32>
            %and3A_1139 = arith.constant -65536 : i32
            %and3A_1140 = vector.broadcast %and3A_1139 : i32 to vector<16xi32>
            %and3A_1141 = arith.andi %get3A_1134, %and3A_1140 : vector<16xi32>
            %bitcast_convert_type3A_1142 = tpu.bitcast %and3A_1141 : vector<16xi32> -> vector<16xf32>
            %mul3A_1143 = arith.mulf %gather3A_1016, %bitcast_convert_type3A_1138 : vector<16xf32>
            %add3A_1144 = arith.addf %add3A_1006, %mul3A_1143 : vector<16xf32>
            %mul3A_1145 = arith.mulf %gather3A_1016, %bitcast_convert_type3A_1142 : vector<16xf32>
            %add3A_1146 = arith.addf %add3A_1008, %mul3A_1145 : vector<16xf32>
            %add3A_1147 = arith.constant 4 : i32
            %add3A_1148 = arith.addi %add3A_1147, %shift_right_arithmetic3A_859 : i32
            %get3A_1149 = arith.index_cast %add3A_1148 : i32 to index
            %get3A_1150 = arith.constant 0 : index
            %get3A_1151 = tpu.vector_load %arg18[%get3A_1149, %get3A_1150] {strides = array<i32>} : memref<8x16xf32, #tpu.memory_space<vmem>>, vector<1x16xf32>,
            %get3A_1152 = vector.shape_cast %get3A_1151 : vector<1x16xf32> to vector<16xf32>
            %gather3A_1153 = vector.shape_cast %broadcast_in_dim3A_869 : vector<16x1xi32> to vector<16xi32>
            %gather3A_1154 = tpu.dynamic_gather %get3A_1152[%gather3A_1153] in [0] : vector<16xf32>, vector<16xi32> -> vector<16xf32>
            %add3A_1155 = arith.constant 64 : i32
            %add3A_1156 = arith.addi %add3A_872, %add3A_1155 : i32
            %get3A_1157 = arith.index_cast %add3A_1156 : i32 to index
            %get3A_1158 = arith.constant 0 : index
            %get3A_1159 = tpu.vector_load %arg20[%get3A_1157, %get3A_1158] {strides = array<i32>} : memref<128x128xi32, #tpu.memory_space<vmem>>, vector<1x16xi32>,
            %get3A_1160 = vector.shape_cast %get3A_1159 : vector<1x16xi32> to vector<16xi32>
            %shift_left3A_1161 = arith.constant 16 : i32
            %shift_left3A_1162 = vector.broadcast %shift_left3A_1161 : i32 to vector<16xi32>
            %shift_left3A_1163 = arith.shli %get3A_1160, %shift_left3A_1162 : vector<16xi32>
            %bitcast_convert_type3A_1164 = tpu.bitcast %shift_left3A_1163 : vector<16xi32> -> vector<16xf32>
            %and3A_1165 = arith.constant -65536 : i32
            %and3A_1166 = vector.broadcast %and3A_1165 : i32 to vector<16xi32>
            %and3A_1167 = arith.andi %get3A_1160, %and3A_1166 : vector<16xi32>
            %bitcast_convert_type3A_1168 = tpu.bitcast %and3A_1167 : vector<16xi32> -> vector<16xf32>
            %mul3A_1169 = arith.mulf %gather3A_1154, %bitcast_convert_type3A_1164 : vector<16xf32>
            %add3A_1170 = arith.addf %add3A_1032, %mul3A_1169 : vector<16xf32>
            %mul3A_1171 = arith.mulf %gather3A_1154, %bitcast_convert_type3A_1168 : vector<16xf32>
            %add3A_1172 = arith.addf %add3A_1034, %mul3A_1171 : vector<16xf32>
            %get3A_1173 = arith.index_cast %add3A_1156 : i32 to index
            %get3A_1174 = arith.constant 16 : index
            %get3A_1175 = tpu.vector_load %arg20[%get3A_1173, %get3A_1174] {strides = array<i32>} : memref<128x128xi32, #tpu.memory_space<vmem>>, vector<1x16xi32>,
            %get3A_1176 = vector.shape_cast %get3A_1175 : vector<1x16xi32> to vector<16xi32>
            %shift_left3A_1177 = arith.constant 16 : i32
            %shift_left3A_1178 = vector.broadcast %shift_left3A_1177 : i32 to vector<16xi32>
            %shift_left3A_1179 = arith.shli %get3A_1176, %shift_left3A_1178 : vector<16xi32>
            %bitcast_convert_type3A_1180 = tpu.bitcast %shift_left3A_1179 : vector<16xi32> -> vector<16xf32>
            %and3A_1181 = arith.constant -65536 : i32
            %and3A_1182 = vector.broadcast %and3A_1181 : i32 to vector<16xi32>
            %and3A_1183 = arith.andi %get3A_1176, %and3A_1182 : vector<16xi32>
            %bitcast_convert_type3A_1184 = tpu.bitcast %and3A_1183 : vector<16xi32> -> vector<16xf32>
            %mul3A_1185 = arith.mulf %gather3A_1154, %bitcast_convert_type3A_1180 : vector<16xf32>
            %add3A_1186 = arith.addf %add3A_1048, %mul3A_1185 : vector<16xf32>
            %mul3A_1187 = arith.mulf %gather3A_1154, %bitcast_convert_type3A_1184 : vector<16xf32>
            %add3A_1188 = arith.addf %add3A_1050, %mul3A_1187 : vector<16xf32>
            %get3A_1189 = arith.index_cast %add3A_1156 : i32 to index
            %get3A_1190 = arith.constant 32 : index
            %get3A_1191 = tpu.vector_load %arg20[%get3A_1189, %get3A_1190] {strides = array<i32>} : memref<128x128xi32, #tpu.memory_space<vmem>>, vector<1x16xi32>,
            %get3A_1192 = vector.shape_cast %get3A_1191 : vector<1x16xi32> to vector<16xi32>
            %shift_left3A_1193 = arith.constant 16 : i32
            %shift_left3A_1194 = vector.broadcast %shift_left3A_1193 : i32 to vector<16xi32>
            %shift_left3A_1195 = arith.shli %get3A_1192, %shift_left3A_1194 : vector<16xi32>
            %bitcast_convert_type3A_1196 = tpu.bitcast %shift_left3A_1195 : vector<16xi32> -> vector<16xf32>
            %and3A_1197 = arith.constant -65536 : i32
            %and3A_1198 = vector.broadcast %and3A_1197 : i32 to vector<16xi32>
            %and3A_1199 = arith.andi %get3A_1192, %and3A_1198 : vector<16xi32>
            %bitcast_convert_type3A_1200 = tpu.bitcast %and3A_1199 : vector<16xi32> -> vector<16xf32>
            %mul3A_1201 = arith.mulf %gather3A_1154, %bitcast_convert_type3A_1196 : vector<16xf32>
            %add3A_1202 = arith.addf %add3A_1064, %mul3A_1201 : vector<16xf32>
            %mul3A_1203 = arith.mulf %gather3A_1154, %bitcast_convert_type3A_1200 : vector<16xf32>
            %add3A_1204 = arith.addf %add3A_1066, %mul3A_1203 : vector<16xf32>
            %get3A_1205 = arith.index_cast %add3A_1156 : i32 to index
            %get3A_1206 = arith.constant 48 : index
            %get3A_1207 = tpu.vector_load %arg20[%get3A_1205, %get3A_1206] {strides = array<i32>} : memref<128x128xi32, #tpu.memory_space<vmem>>, vector<1x16xi32>,
            %get3A_1208 = vector.shape_cast %get3A_1207 : vector<1x16xi32> to vector<16xi32>
            %shift_left3A_1209 = arith.constant 16 : i32
            %shift_left3A_1210 = vector.broadcast %shift_left3A_1209 : i32 to vector<16xi32>
            %shift_left3A_1211 = arith.shli %get3A_1208, %shift_left3A_1210 : vector<16xi32>
            %bitcast_convert_type3A_1212 = tpu.bitcast %shift_left3A_1211 : vector<16xi32> -> vector<16xf32>
            %and3A_1213 = arith.constant -65536 : i32
            %and3A_1214 = vector.broadcast %and3A_1213 : i32 to vector<16xi32>
            %and3A_1215 = arith.andi %get3A_1208, %and3A_1214 : vector<16xi32>
            %bitcast_convert_type3A_1216 = tpu.bitcast %and3A_1215 : vector<16xi32> -> vector<16xf32>
            %mul3A_1217 = arith.mulf %gather3A_1154, %bitcast_convert_type3A_1212 : vector<16xf32>
            %add3A_1218 = arith.addf %add3A_1080, %mul3A_1217 : vector<16xf32>
            %mul3A_1219 = arith.mulf %gather3A_1154, %bitcast_convert_type3A_1216 : vector<16xf32>
            %add3A_1220 = arith.addf %add3A_1082, %mul3A_1219 : vector<16xf32>
            %get3A_1221 = arith.index_cast %add3A_1156 : i32 to index
            %get3A_1222 = arith.constant 64 : index
            %get3A_1223 = tpu.vector_load %arg20[%get3A_1221, %get3A_1222] {strides = array<i32>} : memref<128x128xi32, #tpu.memory_space<vmem>>, vector<1x16xi32>,
            %get3A_1224 = vector.shape_cast %get3A_1223 : vector<1x16xi32> to vector<16xi32>
            %shift_left3A_1225 = arith.constant 16 : i32
            %shift_left3A_1226 = vector.broadcast %shift_left3A_1225 : i32 to vector<16xi32>
            %shift_left3A_1227 = arith.shli %get3A_1224, %shift_left3A_1226 : vector<16xi32>
            %bitcast_convert_type3A_1228 = tpu.bitcast %shift_left3A_1227 : vector<16xi32> -> vector<16xf32>
            %and3A_1229 = arith.constant -65536 : i32
            %and3A_1230 = vector.broadcast %and3A_1229 : i32 to vector<16xi32>
            %and3A_1231 = arith.andi %get3A_1224, %and3A_1230 : vector<16xi32>
            %bitcast_convert_type3A_1232 = tpu.bitcast %and3A_1231 : vector<16xi32> -> vector<16xf32>
            %mul3A_1233 = arith.mulf %gather3A_1154, %bitcast_convert_type3A_1228 : vector<16xf32>
            %add3A_1234 = arith.addf %add3A_1096, %mul3A_1233 : vector<16xf32>
            %mul3A_1235 = arith.mulf %gather3A_1154, %bitcast_convert_type3A_1232 : vector<16xf32>
            %add3A_1236 = arith.addf %add3A_1098, %mul3A_1235 : vector<16xf32>
            %get3A_1237 = arith.index_cast %add3A_1156 : i32 to index
            %get3A_1238 = arith.constant 80 : index
            %get3A_1239 = tpu.vector_load %arg20[%get3A_1237, %get3A_1238] {strides = array<i32>} : memref<128x128xi32, #tpu.memory_space<vmem>>, vector<1x16xi32>,
            %get3A_1240 = vector.shape_cast %get3A_1239 : vector<1x16xi32> to vector<16xi32>
            %shift_left3A_1241 = arith.constant 16 : i32
            %shift_left3A_1242 = vector.broadcast %shift_left3A_1241 : i32 to vector<16xi32>
            %shift_left3A_1243 = arith.shli %get3A_1240, %shift_left3A_1242 : vector<16xi32>
            %bitcast_convert_type3A_1244 = tpu.bitcast %shift_left3A_1243 : vector<16xi32> -> vector<16xf32>
            %and3A_1245 = arith.constant -65536 : i32
            %and3A_1246 = vector.broadcast %and3A_1245 : i32 to vector<16xi32>
            %and3A_1247 = arith.andi %get3A_1240, %and3A_1246 : vector<16xi32>
            %bitcast_convert_type3A_1248 = tpu.bitcast %and3A_1247 : vector<16xi32> -> vector<16xf32>
            %mul3A_1249 = arith.mulf %gather3A_1154, %bitcast_convert_type3A_1244 : vector<16xf32>
            %add3A_1250 = arith.addf %add3A_1112, %mul3A_1249 : vector<16xf32>
            %mul3A_1251 = arith.mulf %gather3A_1154, %bitcast_convert_type3A_1248 : vector<16xf32>
            %add3A_1252 = arith.addf %add3A_1114, %mul3A_1251 : vector<16xf32>
            %get3A_1253 = arith.index_cast %add3A_1156 : i32 to index
            %get3A_1254 = arith.constant 96 : index
            %get3A_1255 = tpu.vector_load %arg20[%get3A_1253, %get3A_1254] {strides = array<i32>} : memref<128x128xi32, #tpu.memory_space<vmem>>, vector<1x16xi32>,
            %get3A_1256 = vector.shape_cast %get3A_1255 : vector<1x16xi32> to vector<16xi32>
            %shift_left3A_1257 = arith.constant 16 : i32
            %shift_left3A_1258 = vector.broadcast %shift_left3A_1257 : i32 to vector<16xi32>
            %shift_left3A_1259 = arith.shli %get3A_1256, %shift_left3A_1258 : vector<16xi32>
            %bitcast_convert_type3A_1260 = tpu.bitcast %shift_left3A_1259 : vector<16xi32> -> vector<16xf32>
            %and3A_1261 = arith.constant -65536 : i32
            %and3A_1262 = vector.broadcast %and3A_1261 : i32 to vector<16xi32>
            %and3A_1263 = arith.andi %get3A_1256, %and3A_1262 : vector<16xi32>
            %bitcast_convert_type3A_1264 = tpu.bitcast %and3A_1263 : vector<16xi32> -> vector<16xf32>
            %mul3A_1265 = arith.mulf %gather3A_1154, %bitcast_convert_type3A_1260 : vector<16xf32>
            %add3A_1266 = arith.addf %add3A_1128, %mul3A_1265 : vector<16xf32>
            %mul3A_1267 = arith.mulf %gather3A_1154, %bitcast_convert_type3A_1264 : vector<16xf32>
            %add3A_1268 = arith.addf %add3A_1130, %mul3A_1267 : vector<16xf32>
            %get3A_1269 = arith.index_cast %add3A_1156 : i32 to index
            %get3A_1270 = arith.constant 112 : index
            %get3A_1271 = tpu.vector_load %arg20[%get3A_1269, %get3A_1270] {strides = array<i32>} : memref<128x128xi32, #tpu.memory_space<vmem>>, vector<1x16xi32>,
            %get3A_1272 = vector.shape_cast %get3A_1271 : vector<1x16xi32> to vector<16xi32>
            %shift_left3A_1273 = arith.constant 16 : i32
            %shift_left3A_1274 = vector.broadcast %shift_left3A_1273 : i32 to vector<16xi32>
            %shift_left3A_1275 = arith.shli %get3A_1272, %shift_left3A_1274 : vector<16xi32>
            %bitcast_convert_type3A_1276 = tpu.bitcast %shift_left3A_1275 : vector<16xi32> -> vector<16xf32>
            %and3A_1277 = arith.constant -65536 : i32
            %and3A_1278 = vector.broadcast %and3A_1277 : i32 to vector<16xi32>
            %and3A_1279 = arith.andi %get3A_1272, %and3A_1278 : vector<16xi32>
            %bitcast_convert_type3A_1280 = tpu.bitcast %and3A_1279 : vector<16xi32> -> vector<16xf32>
            %mul3A_1281 = arith.mulf %gather3A_1154, %bitcast_convert_type3A_1276 : vector<16xf32>
            %add3A_1282 = arith.addf %add3A_1144, %mul3A_1281 : vector<16xf32>
            %mul3A_1283 = arith.mulf %gather3A_1154, %bitcast_convert_type3A_1280 : vector<16xf32>
            %add3A_1284 = arith.addf %add3A_1146, %mul3A_1283 : vector<16xf32>
            %add3A_1285 = arith.constant 6 : i32
            %add3A_1286 = arith.addi %add3A_1285, %shift_right_arithmetic3A_859 : i32
            %get3A_1287 = arith.index_cast %add3A_1286 : i32 to index
            %get3A_1288 = arith.constant 0 : index
            %get3A_1289 = tpu.vector_load %arg18[%get3A_1287, %get3A_1288] {strides = array<i32>} : memref<8x16xf32, #tpu.memory_space<vmem>>, vector<1x16xf32>,
            %get3A_1290 = vector.shape_cast %get3A_1289 : vector<1x16xf32> to vector<16xf32>
            %gather3A_1291 = vector.shape_cast %broadcast_in_dim3A_869 : vector<16x1xi32> to vector<16xi32>
            %gather3A_1292 = tpu.dynamic_gather %get3A_1290[%gather3A_1291] in [0] : vector<16xf32>, vector<16xi32> -> vector<16xf32>
            %add3A_1293 = arith.constant 96 : i32
            %add3A_1294 = arith.addi %add3A_872, %add3A_1293 : i32
            %get3A_1295 = arith.index_cast %add3A_1294 : i32 to index
            %get3A_1296 = arith.constant 0 : index
            %get3A_1297 = tpu.vector_load %arg20[%get3A_1295, %get3A_1296] {strides = array<i32>} : memref<128x128xi32, #tpu.memory_space<vmem>>, vector<1x16xi32>,
            %get3A_1298 = vector.shape_cast %get3A_1297 : vector<1x16xi32> to vector<16xi32>
            %shift_left3A_1299 = arith.constant 16 : i32
            %shift_left3A_1300 = vector.broadcast %shift_left3A_1299 : i32 to vector<16xi32>
            %shift_left3A_1301 = arith.shli %get3A_1298, %shift_left3A_1300 : vector<16xi32>
            %bitcast_convert_type3A_1302 = tpu.bitcast %shift_left3A_1301 : vector<16xi32> -> vector<16xf32>
            %and3A_1303 = arith.constant -65536 : i32
            %and3A_1304 = vector.broadcast %and3A_1303 : i32 to vector<16xi32>
            %and3A_1305 = arith.andi %get3A_1298, %and3A_1304 : vector<16xi32>
            %bitcast_convert_type3A_1306 = tpu.bitcast %and3A_1305 : vector<16xi32> -> vector<16xf32>
            %mul3A_1307 = arith.mulf %gather3A_1292, %bitcast_convert_type3A_1302 : vector<16xf32>
            %add3A_1308 = arith.addf %add3A_1170, %mul3A_1307 : vector<16xf32>
            %mul3A_1309 = arith.mulf %gather3A_1292, %bitcast_convert_type3A_1306 : vector<16xf32>
            %add3A_1310 = arith.addf %add3A_1172, %mul3A_1309 : vector<16xf32>
            %get3A_1311 = arith.index_cast %add3A_1294 : i32 to index
            %get3A_1312 = arith.constant 16 : index
            %get3A_1313 = tpu.vector_load %arg20[%get3A_1311, %get3A_1312] {strides = array<i32>} : memref<128x128xi32, #tpu.memory_space<vmem>>, vector<1x16xi32>,
            %get3A_1314 = vector.shape_cast %get3A_1313 : vector<1x16xi32> to vector<16xi32>
            %shift_left3A_1315 = arith.constant 16 : i32
            %shift_left3A_1316 = vector.broadcast %shift_left3A_1315 : i32 to vector<16xi32>
            %shift_left3A_1317 = arith.shli %get3A_1314, %shift_left3A_1316 : vector<16xi32>
            %bitcast_convert_type3A_1318 = tpu.bitcast %shift_left3A_1317 : vector<16xi32> -> vector<16xf32>
            %and3A_1319 = arith.constant -65536 : i32
            %and3A_1320 = vector.broadcast %and3A_1319 : i32 to vector<16xi32>
            %and3A_1321 = arith.andi %get3A_1314, %and3A_1320 : vector<16xi32>
            %bitcast_convert_type3A_1322 = tpu.bitcast %and3A_1321 : vector<16xi32> -> vector<16xf32>
            %mul3A_1323 = arith.mulf %gather3A_1292, %bitcast_convert_type3A_1318 : vector<16xf32>
            %add3A_1324 = arith.addf %add3A_1186, %mul3A_1323 : vector<16xf32>
            %mul3A_1325 = arith.mulf %gather3A_1292, %bitcast_convert_type3A_1322 : vector<16xf32>
            %add3A_1326 = arith.addf %add3A_1188, %mul3A_1325 : vector<16xf32>
            %get3A_1327 = arith.index_cast %add3A_1294 : i32 to index
            %get3A_1328 = arith.constant 32 : index
            %get3A_1329 = tpu.vector_load %arg20[%get3A_1327, %get3A_1328] {strides = array<i32>} : memref<128x128xi32, #tpu.memory_space<vmem>>, vector<1x16xi32>,
            %get3A_1330 = vector.shape_cast %get3A_1329 : vector<1x16xi32> to vector<16xi32>
            %shift_left3A_1331 = arith.constant 16 : i32
            %shift_left3A_1332 = vector.broadcast %shift_left3A_1331 : i32 to vector<16xi32>
            %shift_left3A_1333 = arith.shli %get3A_1330, %shift_left3A_1332 : vector<16xi32>
            %bitcast_convert_type3A_1334 = tpu.bitcast %shift_left3A_1333 : vector<16xi32> -> vector<16xf32>
            %and3A_1335 = arith.constant -65536 : i32
            %and3A_1336 = vector.broadcast %and3A_1335 : i32 to vector<16xi32>
            %and3A_1337 = arith.andi %get3A_1330, %and3A_1336 : vector<16xi32>
            %bitcast_convert_type3A_1338 = tpu.bitcast %and3A_1337 : vector<16xi32> -> vector<16xf32>
            %mul3A_1339 = arith.mulf %gather3A_1292, %bitcast_convert_type3A_1334 : vector<16xf32>
            %add3A_1340 = arith.addf %add3A_1202, %mul3A_1339 : vector<16xf32>
            %mul3A_1341 = arith.mulf %gather3A_1292, %bitcast_convert_type3A_1338 : vector<16xf32>
            %add3A_1342 = arith.addf %add3A_1204, %mul3A_1341 : vector<16xf32>
            %get3A_1343 = arith.index_cast %add3A_1294 : i32 to index
            %get3A_1344 = arith.constant 48 : index
            %get3A_1345 = tpu.vector_load %arg20[%get3A_1343, %get3A_1344] {strides = array<i32>} : memref<128x128xi32, #tpu.memory_space<vmem>>, vector<1x16xi32>,
            %get3A_1346 = vector.shape_cast %get3A_1345 : vector<1x16xi32> to vector<16xi32>
            %shift_left3A_1347 = arith.constant 16 : i32
            %shift_left3A_1348 = vector.broadcast %shift_left3A_1347 : i32 to vector<16xi32>
            %shift_left3A_1349 = arith.shli %get3A_1346, %shift_left3A_1348 : vector<16xi32>
            %bitcast_convert_type3A_1350 = tpu.bitcast %shift_left3A_1349 : vector<16xi32> -> vector<16xf32>
            %and3A_1351 = arith.constant -65536 : i32
            %and3A_1352 = vector.broadcast %and3A_1351 : i32 to vector<16xi32>
            %and3A_1353 = arith.andi %get3A_1346, %and3A_1352 : vector<16xi32>
            %bitcast_convert_type3A_1354 = tpu.bitcast %and3A_1353 : vector<16xi32> -> vector<16xf32>
            %mul3A_1355 = arith.mulf %gather3A_1292, %bitcast_convert_type3A_1350 : vector<16xf32>
            %add3A_1356 = arith.addf %add3A_1218, %mul3A_1355 : vector<16xf32>
            %mul3A_1357 = arith.mulf %gather3A_1292, %bitcast_convert_type3A_1354 : vector<16xf32>
            %add3A_1358 = arith.addf %add3A_1220, %mul3A_1357 : vector<16xf32>
            %get3A_1359 = arith.index_cast %add3A_1294 : i32 to index
            %get3A_1360 = arith.constant 64 : index
            %get3A_1361 = tpu.vector_load %arg20[%get3A_1359, %get3A_1360] {strides = array<i32>} : memref<128x128xi32, #tpu.memory_space<vmem>>, vector<1x16xi32>,
            %get3A_1362 = vector.shape_cast %get3A_1361 : vector<1x16xi32> to vector<16xi32>
            %shift_left3A_1363 = arith.constant 16 : i32
            %shift_left3A_1364 = vector.broadcast %shift_left3A_1363 : i32 to vector<16xi32>
            %shift_left3A_1365 = arith.shli %get3A_1362, %shift_left3A_1364 : vector<16xi32>
            %bitcast_convert_type3A_1366 = tpu.bitcast %shift_left3A_1365 : vector<16xi32> -> vector<16xf32>
            %and3A_1367 = arith.constant -65536 : i32
            %and3A_1368 = vector.broadcast %and3A_1367 : i32 to vector<16xi32>
            %and3A_1369 = arith.andi %get3A_1362, %and3A_1368 : vector<16xi32>
            %bitcast_convert_type3A_1370 = tpu.bitcast %and3A_1369 : vector<16xi32> -> vector<16xf32>
            %mul3A_1371 = arith.mulf %gather3A_1292, %bitcast_convert_type3A_1366 : vector<16xf32>
            %add3A_1372 = arith.addf %add3A_1234, %mul3A_1371 : vector<16xf32>
            %mul3A_1373 = arith.mulf %gather3A_1292, %bitcast_convert_type3A_1370 : vector<16xf32>
            %add3A_1374 = arith.addf %add3A_1236, %mul3A_1373 : vector<16xf32>
            %get3A_1375 = arith.index_cast %add3A_1294 : i32 to index
            %get3A_1376 = arith.constant 80 : index
            %get3A_1377 = tpu.vector_load %arg20[%get3A_1375, %get3A_1376] {strides = array<i32>} : memref<128x128xi32, #tpu.memory_space<vmem>>, vector<1x16xi32>,
            %get3A_1378 = vector.shape_cast %get3A_1377 : vector<1x16xi32> to vector<16xi32>
            %shift_left3A_1379 = arith.constant 16 : i32
            %shift_left3A_1380 = vector.broadcast %shift_left3A_1379 : i32 to vector<16xi32>
            %shift_left3A_1381 = arith.shli %get3A_1378, %shift_left3A_1380 : vector<16xi32>
            %bitcast_convert_type3A_1382 = tpu.bitcast %shift_left3A_1381 : vector<16xi32> -> vector<16xf32>
            %and3A_1383 = arith.constant -65536 : i32
            %and3A_1384 = vector.broadcast %and3A_1383 : i32 to vector<16xi32>
            %and3A_1385 = arith.andi %get3A_1378, %and3A_1384 : vector<16xi32>
            %bitcast_convert_type3A_1386 = tpu.bitcast %and3A_1385 : vector<16xi32> -> vector<16xf32>
            %mul3A_1387 = arith.mulf %gather3A_1292, %bitcast_convert_type3A_1382 : vector<16xf32>
            %add3A_1388 = arith.addf %add3A_1250, %mul3A_1387 : vector<16xf32>
            %mul3A_1389 = arith.mulf %gather3A_1292, %bitcast_convert_type3A_1386 : vector<16xf32>
            %add3A_1390 = arith.addf %add3A_1252, %mul3A_1389 : vector<16xf32>
            %get3A_1391 = arith.index_cast %add3A_1294 : i32 to index
            %get3A_1392 = arith.constant 96 : index
            %get3A_1393 = tpu.vector_load %arg20[%get3A_1391, %get3A_1392] {strides = array<i32>} : memref<128x128xi32, #tpu.memory_space<vmem>>, vector<1x16xi32>,
            %get3A_1394 = vector.shape_cast %get3A_1393 : vector<1x16xi32> to vector<16xi32>
            %shift_left3A_1395 = arith.constant 16 : i32
            %shift_left3A_1396 = vector.broadcast %shift_left3A_1395 : i32 to vector<16xi32>
            %shift_left3A_1397 = arith.shli %get3A_1394, %shift_left3A_1396 : vector<16xi32>
            %bitcast_convert_type3A_1398 = tpu.bitcast %shift_left3A_1397 : vector<16xi32> -> vector<16xf32>
            %and3A_1399 = arith.constant -65536 : i32
            %and3A_1400 = vector.broadcast %and3A_1399 : i32 to vector<16xi32>
            %and3A_1401 = arith.andi %get3A_1394, %and3A_1400 : vector<16xi32>
            %bitcast_convert_type3A_1402 = tpu.bitcast %and3A_1401 : vector<16xi32> -> vector<16xf32>
            %mul3A_1403 = arith.mulf %gather3A_1292, %bitcast_convert_type3A_1398 : vector<16xf32>
            %add3A_1404 = arith.addf %add3A_1266, %mul3A_1403 : vector<16xf32>
            %mul3A_1405 = arith.mulf %gather3A_1292, %bitcast_convert_type3A_1402 : vector<16xf32>
            %add3A_1406 = arith.addf %add3A_1268, %mul3A_1405 : vector<16xf32>
            %get3A_1407 = arith.index_cast %add3A_1294 : i32 to index
            %get3A_1408 = arith.constant 112 : index
            %get3A_1409 = tpu.vector_load %arg20[%get3A_1407, %get3A_1408] {strides = array<i32>} : memref<128x128xi32, #tpu.memory_space<vmem>>, vector<1x16xi32>,
            %get3A_1410 = vector.shape_cast %get3A_1409 : vector<1x16xi32> to vector<16xi32>
            %shift_left3A_1411 = arith.constant 16 : i32
            %shift_left3A_1412 = vector.broadcast %shift_left3A_1411 : i32 to vector<16xi32>
            %shift_left3A_1413 = arith.shli %get3A_1410, %shift_left3A_1412 : vector<16xi32>
            %bitcast_convert_type3A_1414 = tpu.bitcast %shift_left3A_1413 : vector<16xi32> -> vector<16xf32>
            %and3A_1415 = arith.constant -65536 : i32
            %and3A_1416 = vector.broadcast %and3A_1415 : i32 to vector<16xi32>
            %and3A_1417 = arith.andi %get3A_1410, %and3A_1416 : vector<16xi32>
            %bitcast_convert_type3A_1418 = tpu.bitcast %and3A_1417 : vector<16xi32> -> vector<16xf32>
            %mul3A_1419 = arith.mulf %gather3A_1292, %bitcast_convert_type3A_1414 : vector<16xf32>
            %add3A_1420 = arith.addf %add3A_1282, %mul3A_1419 : vector<16xf32>
            %mul3A_1421 = arith.mulf %gather3A_1292, %bitcast_convert_type3A_1418 : vector<16xf32>
            %add3A_1422 = arith.addf %add3A_1284, %mul3A_1421 : vector<16xf32>
            scf.yield %add3A_1308, %add3A_1324, %add3A_1340, %add3A_1356, %add3A_1372, %add3A_1388, %add3A_1404, %add3A_1420, %add3A_1310, %add3A_1326, %add3A_1342, %add3A_1358, %add3A_1374, %add3A_1390, %add3A_1406, %add3A_1422 : vector<16xf32>, vector<16xf32>, vector<16xf32>, vector<16xf32>, vector<16xf32>, vector<16xf32>, vector<16xf32>, vector<16xf32>, vector<16xf32>, vector<16xf32>, vector<16xf32>, vector<16xf32>, vector<16xf32>, vector<16xf32>, vector<16xf32>, vector<16xf32>
          }
          %scan3A_712 = arith.constant 4 : i32
          %mul3A_713 = arith.constant 7 : i32
          %mul3A_714 = arith.muli %mul3A_299, %mul3A_713 : i32
          %add3A_715 = arith.addi %mul3A_714, %scan3A_674 : i32
          %swap3A_716 = arith.index_cast %add3A_715 : i32 to index
          %swap3A_717 = arith.constant 0 : index
          %swap3A_718 = tpu.vector_load %arg22[%swap3A_716, %swap3A_717] {strides = array<i32>} : memref<49x256xf32, #tpu.memory_space<vmem>>, vector<1x16xf32>,
          %swap3A_719 = vector.shape_cast %swap3A_718 : vector<1x16xf32> to vector<16xf32>
          %swap3A_720 = vector.shape_cast %scan3A_711#0 : vector<16xf32> to vector<1x16xf32>
          tpu.vector_store %arg22[%swap3A_716, %swap3A_717], %swap3A_720 {strides = array<i32>} : memref<49x256xf32, #tpu.memory_space<vmem>>, vector<1x16xf32>,
          %mul3A_721 = arith.constant 7 : i32
          %mul3A_722 = arith.muli %mul3A_299, %mul3A_721 : i32
          %add3A_723 = arith.addi %mul3A_722, %scan3A_674 : i32
          %swap3A_724 = arith.index_cast %add3A_723 : i32 to index
          %swap3A_725 = arith.constant 128 : index
          %swap3A_726 = tpu.vector_load %arg22[%swap3A_724, %swap3A_725] {strides = array<i32>} : memref<49x256xf32, #tpu.memory_space<vmem>>, vector<1x16xf32>,
          %swap3A_727 = vector.shape_cast %swap3A_726 : vector<1x16xf32> to vector<16xf32>
          %swap3A_728 = vector.shape_cast %scan3A_711#8 : vector<16xf32> to vector<1x16xf32>
          tpu.vector_store %arg22[%swap3A_724, %swap3A_725], %swap3A_728 {strides = array<i32>} : memref<49x256xf32, #tpu.memory_space<vmem>>, vector<1x16xf32>,
          %mul3A_729 = arith.constant 7 : i32
          %mul3A_730 = arith.muli %mul3A_299, %mul3A_729 : i32
          %add3A_731 = arith.addi %mul3A_730, %scan3A_674 : i32
          %swap3A_732 = arith.index_cast %add3A_731 : i32 to index
          %swap3A_733 = arith.constant 16 : index
          %swap3A_734 = tpu.vector_load %arg22[%swap3A_732, %swap3A_733] {strides = array<i32>} : memref<49x256xf32, #tpu.memory_space<vmem>>, vector<1x16xf32>,
          %swap3A_735 = vector.shape_cast %swap3A_734 : vector<1x16xf32> to vector<16xf32>
          %swap3A_736 = vector.shape_cast %scan3A_711#1 : vector<16xf32> to vector<1x16xf32>
          tpu.vector_store %arg22[%swap3A_732, %swap3A_733], %swap3A_736 {strides = array<i32>} : memref<49x256xf32, #tpu.memory_space<vmem>>, vector<1x16xf32>,
          %mul3A_737 = arith.constant 7 : i32
          %mul3A_738 = arith.muli %mul3A_299, %mul3A_737 : i32
          %add3A_739 = arith.addi %mul3A_738, %scan3A_674 : i32
          %swap3A_740 = arith.index_cast %add3A_739 : i32 to index
          %swap3A_741 = arith.constant 144 : index
          %swap3A_742 = tpu.vector_load %arg22[%swap3A_740, %swap3A_741] {strides = array<i32>} : memref<49x256xf32, #tpu.memory_space<vmem>>, vector<1x16xf32>,
          %swap3A_743 = vector.shape_cast %swap3A_742 : vector<1x16xf32> to vector<16xf32>
          %swap3A_744 = vector.shape_cast %scan3A_711#9 : vector<16xf32> to vector<1x16xf32>
          tpu.vector_store %arg22[%swap3A_740, %swap3A_741], %swap3A_744 {strides = array<i32>} : memref<49x256xf32, #tpu.memory_space<vmem>>, vector<1x16xf32>,
          %mul3A_745 = arith.constant 7 : i32
          %mul3A_746 = arith.muli %mul3A_299, %mul3A_745 : i32
          %add3A_747 = arith.addi %mul3A_746, %scan3A_674 : i32
          %swap3A_748 = arith.index_cast %add3A_747 : i32 to index
          %swap3A_749 = arith.constant 32 : index
          %swap3A_750 = tpu.vector_load %arg22[%swap3A_748, %swap3A_749] {strides = array<i32>} : memref<49x256xf32, #tpu.memory_space<vmem>>, vector<1x16xf32>,
          %swap3A_751 = vector.shape_cast %swap3A_750 : vector<1x16xf32> to vector<16xf32>
          %swap3A_752 = vector.shape_cast %scan3A_711#2 : vector<16xf32> to vector<1x16xf32>
          tpu.vector_store %arg22[%swap3A_748, %swap3A_749], %swap3A_752 {strides = array<i32>} : memref<49x256xf32, #tpu.memory_space<vmem>>, vector<1x16xf32>,
          %mul3A_753 = arith.constant 7 : i32
          %mul3A_754 = arith.muli %mul3A_299, %mul3A_753 : i32
          %add3A_755 = arith.addi %mul3A_754, %scan3A_674 : i32
          %swap3A_756 = arith.index_cast %add3A_755 : i32 to index
          %swap3A_757 = arith.constant 160 : index
          %swap3A_758 = tpu.vector_load %arg22[%swap3A_756, %swap3A_757] {strides = array<i32>} : memref<49x256xf32, #tpu.memory_space<vmem>>, vector<1x16xf32>,
          %swap3A_759 = vector.shape_cast %swap3A_758 : vector<1x16xf32> to vector<16xf32>
          %swap3A_760 = vector.shape_cast %scan3A_711#10 : vector<16xf32> to vector<1x16xf32>
          tpu.vector_store %arg22[%swap3A_756, %swap3A_757], %swap3A_760 {strides = array<i32>} : memref<49x256xf32, #tpu.memory_space<vmem>>, vector<1x16xf32>,
          %mul3A_761 = arith.constant 7 : i32
          %mul3A_762 = arith.muli %mul3A_299, %mul3A_761 : i32
          %add3A_763 = arith.addi %mul3A_762, %scan3A_674 : i32
          %swap3A_764 = arith.index_cast %add3A_763 : i32 to index
          %swap3A_765 = arith.constant 48 : index
          %swap3A_766 = tpu.vector_load %arg22[%swap3A_764, %swap3A_765] {strides = array<i32>} : memref<49x256xf32, #tpu.memory_space<vmem>>, vector<1x16xf32>,
          %swap3A_767 = vector.shape_cast %swap3A_766 : vector<1x16xf32> to vector<16xf32>
          %swap3A_768 = vector.shape_cast %scan3A_711#3 : vector<16xf32> to vector<1x16xf32>
          tpu.vector_store %arg22[%swap3A_764, %swap3A_765], %swap3A_768 {strides = array<i32>} : memref<49x256xf32, #tpu.memory_space<vmem>>, vector<1x16xf32>,
          %mul3A_769 = arith.constant 7 : i32
          %mul3A_770 = arith.muli %mul3A_299, %mul3A_769 : i32
          %add3A_771 = arith.addi %mul3A_770, %scan3A_674 : i32
          %swap3A_772 = arith.index_cast %add3A_771 : i32 to index
          %swap3A_773 = arith.constant 176 : index
          %swap3A_774 = tpu.vector_load %arg22[%swap3A_772, %swap3A_773] {strides = array<i32>} : memref<49x256xf32, #tpu.memory_space<vmem>>, vector<1x16xf32>,
          %swap3A_775 = vector.shape_cast %swap3A_774 : vector<1x16xf32> to vector<16xf32>
          %swap3A_776 = vector.shape_cast %scan3A_711#11 : vector<16xf32> to vector<1x16xf32>
          tpu.vector_store %arg22[%swap3A_772, %swap3A_773], %swap3A_776 {strides = array<i32>} : memref<49x256xf32, #tpu.memory_space<vmem>>, vector<1x16xf32>,
          %mul3A_777 = arith.constant 7 : i32
          %mul3A_778 = arith.muli %mul3A_299, %mul3A_777 : i32
          %add3A_779 = arith.addi %mul3A_778, %scan3A_674 : i32
          %swap3A_780 = arith.index_cast %add3A_779 : i32 to index
          %swap3A_781 = arith.constant 64 : index
          %swap3A_782 = tpu.vector_load %arg22[%swap3A_780, %swap3A_781] {strides = array<i32>} : memref<49x256xf32, #tpu.memory_space<vmem>>, vector<1x16xf32>,
          %swap3A_783 = vector.shape_cast %swap3A_782 : vector<1x16xf32> to vector<16xf32>
          %swap3A_784 = vector.shape_cast %scan3A_711#4 : vector<16xf32> to vector<1x16xf32>
          tpu.vector_store %arg22[%swap3A_780, %swap3A_781], %swap3A_784 {strides = array<i32>} : memref<49x256xf32, #tpu.memory_space<vmem>>, vector<1x16xf32>,
          %mul3A_785 = arith.constant 7 : i32
          %mul3A_786 = arith.muli %mul3A_299, %mul3A_785 : i32
          %add3A_787 = arith.addi %mul3A_786, %scan3A_674 : i32
          %swap3A_788 = arith.index_cast %add3A_787 : i32 to index
          %swap3A_789 = arith.constant 192 : index
          %swap3A_790 = tpu.vector_load %arg22[%swap3A_788, %swap3A_789] {strides = array<i32>} : memref<49x256xf32, #tpu.memory_space<vmem>>, vector<1x16xf32>,
          %swap3A_791 = vector.shape_cast %swap3A_790 : vector<1x16xf32> to vector<16xf32>
          %swap3A_792 = vector.shape_cast %scan3A_711#12 : vector<16xf32> to vector<1x16xf32>
          tpu.vector_store %arg22[%swap3A_788, %swap3A_789], %swap3A_792 {strides = array<i32>} : memref<49x256xf32, #tpu.memory_space<vmem>>, vector<1x16xf32>,
          %mul3A_793 = arith.constant 7 : i32
          %mul3A_794 = arith.muli %mul3A_299, %mul3A_793 : i32
          %add3A_795 = arith.addi %mul3A_794, %scan3A_674 : i32
          %swap3A_796 = arith.index_cast %add3A_795 : i32 to index
          %swap3A_797 = arith.constant 80 : index
          %swap3A_798 = tpu.vector_load %arg22[%swap3A_796, %swap3A_797] {strides = array<i32>} : memref<49x256xf32, #tpu.memory_space<vmem>>, vector<1x16xf32>,
          %swap3A_799 = vector.shape_cast %swap3A_798 : vector<1x16xf32> to vector<16xf32>
          %swap3A_800 = vector.shape_cast %scan3A_711#5 : vector<16xf32> to vector<1x16xf32>
          tpu.vector_store %arg22[%swap3A_796, %swap3A_797], %swap3A_800 {strides = array<i32>} : memref<49x256xf32, #tpu.memory_space<vmem>>, vector<1x16xf32>,
          %mul3A_801 = arith.constant 7 : i32
          %mul3A_802 = arith.muli %mul3A_299, %mul3A_801 : i32
          %add3A_803 = arith.addi %mul3A_802, %scan3A_674 : i32
          %swap3A_804 = arith.index_cast %add3A_803 : i32 to index
          %swap3A_805 = arith.constant 208 : index
          %swap3A_806 = tpu.vector_load %arg22[%swap3A_804, %swap3A_805] {strides = array<i32>} : memref<49x256xf32, #tpu.memory_space<vmem>>, vector<1x16xf32>,
          %swap3A_807 = vector.shape_cast %swap3A_806 : vector<1x16xf32> to vector<16xf32>
          %swap3A_808 = vector.shape_cast %scan3A_711#13 : vector<16xf32> to vector<1x16xf32>
          tpu.vector_store %arg22[%swap3A_804, %swap3A_805], %swap3A_808 {strides = array<i32>} : memref<49x256xf32, #tpu.memory_space<vmem>>, vector<1x16xf32>,
          %mul3A_809 = arith.constant 7 : i32
          %mul3A_810 = arith.muli %mul3A_299, %mul3A_809 : i32
          %add3A_811 = arith.addi %mul3A_810, %scan3A_674 : i32
          %swap3A_812 = arith.index_cast %add3A_811 : i32 to index
          %swap3A_813 = arith.constant 96 : index
          %swap3A_814 = tpu.vector_load %arg22[%swap3A_812, %swap3A_813] {strides = array<i32>} : memref<49x256xf32, #tpu.memory_space<vmem>>, vector<1x16xf32>,
          %swap3A_815 = vector.shape_cast %swap3A_814 : vector<1x16xf32> to vector<16xf32>
          %swap3A_816 = vector.shape_cast %scan3A_711#6 : vector<16xf32> to vector<1x16xf32>
          tpu.vector_store %arg22[%swap3A_812, %swap3A_813], %swap3A_816 {strides = array<i32>} : memref<49x256xf32, #tpu.memory_space<vmem>>, vector<1x16xf32>,
          %mul3A_817 = arith.constant 7 : i32
          %mul3A_818 = arith.muli %mul3A_299, %mul3A_817 : i32
          %add3A_819 = arith.addi %mul3A_818, %scan3A_674 : i32
          %swap3A_820 = arith.index_cast %add3A_819 : i32 to index
          %swap3A_821 = arith.constant 224 : index
          %swap3A_822 = tpu.vector_load %arg22[%swap3A_820, %swap3A_821] {strides = array<i32>} : memref<49x256xf32, #tpu.memory_space<vmem>>, vector<1x16xf32>,
          %swap3A_823 = vector.shape_cast %swap3A_822 : vector<1x16xf32> to vector<16xf32>
          %swap3A_824 = vector.shape_cast %scan3A_711#14 : vector<16xf32> to vector<1x16xf32>
          tpu.vector_store %arg22[%swap3A_820, %swap3A_821], %swap3A_824 {strides = array<i32>} : memref<49x256xf32, #tpu.memory_space<vmem>>, vector<1x16xf32>,
          %mul3A_825 = arith.constant 7 : i32
          %mul3A_826 = arith.muli %mul3A_299, %mul3A_825 : i32
          %add3A_827 = arith.addi %mul3A_826, %scan3A_674 : i32
          %swap3A_828 = arith.index_cast %add3A_827 : i32 to index
          %swap3A_829 = arith.constant 112 : index
          %swap3A_830 = tpu.vector_load %arg22[%swap3A_828, %swap3A_829] {strides = array<i32>} : memref<49x256xf32, #tpu.memory_space<vmem>>, vector<1x16xf32>,
          %swap3A_831 = vector.shape_cast %swap3A_830 : vector<1x16xf32> to vector<16xf32>
          %swap3A_832 = vector.shape_cast %scan3A_711#7 : vector<16xf32> to vector<1x16xf32>
          tpu.vector_store %arg22[%swap3A_828, %swap3A_829], %swap3A_832 {strides = array<i32>} : memref<49x256xf32, #tpu.memory_space<vmem>>, vector<1x16xf32>,
          %mul3A_833 = arith.constant 7 : i32
          %mul3A_834 = arith.muli %mul3A_299, %mul3A_833 : i32
          %add3A_835 = arith.addi %mul3A_834, %scan3A_674 : i32
          %swap3A_836 = arith.index_cast %add3A_835 : i32 to index
          %swap3A_837 = arith.constant 240 : index
          %swap3A_838 = tpu.vector_load %arg22[%swap3A_836, %swap3A_837] {strides = array<i32>} : memref<49x256xf32, #tpu.memory_space<vmem>>, vector<1x16xf32>,
          %swap3A_839 = vector.shape_cast %swap3A_838 : vector<1x16xf32> to vector<16xf32>
          %swap3A_840 = vector.shape_cast %scan3A_711#15 : vector<16xf32> to vector<1x16xf32>
          tpu.vector_store %arg22[%swap3A_836, %swap3A_837], %swap3A_840 {strides = array<i32>} : memref<49x256xf32, #tpu.memory_space<vmem>>, vector<1x16xf32>,
        }
        %scan3A_485 = arith.constant 7 : i32
        %add3A_486 = arith.constant 2 : i32
        %add3A_487 = arith.addi %mul3A_299, %add3A_486 : i32
        %mul3A_488 = arith.constant 2 : i32
        %mul3A_489 = arith.muli %mul3A_488, %add3A_487 : i32
        %add3A_490 = arith.constant 0 : i32
        %add3A_491 = arith.addi %mul3A_489, %add3A_490 : i32
        %broadcast_in_dim3A_492 = arith.constant 0 : i32
        %broadcast_in_dim3A_493 = vector.broadcast %broadcast_in_dim3A_492 : i32 to vector<16xi32>
        %add3A_494 = vector.broadcast %add3A_491 : i32 to vector<16xi32>
        %add3A_495 = arith.addi %broadcast_in_dim3A_493, %add3A_494 : vector<16xi32>
        %broadcast_in_dim3A_496 = vector.shape_cast %add3A_495 : vector<16xi32> to vector<16x1xi32>
        %gather3A_497 = vector.shape_cast %broadcast_in_dim3A_496 : vector<16x1xi32> to vector<16xi32>
        %gather3A_498 = tpu.dynamic_gather %select_n3A_100[%gather3A_497] in [0] : vector<16xi32>, vector<16xi32> -> vector<16xi32>
        %broadcast_in_dim3A_499 = arith.constant 0 : i32
        %broadcast_in_dim3A_500 = vector.broadcast %broadcast_in_dim3A_499 : i32 to vector<16xi32>
        %add3A_501 = vector.broadcast %add3A_491 : i32 to vector<16xi32>
        %add3A_502 = arith.addi %broadcast_in_dim3A_500, %add3A_501 : vector<16xi32>
        %broadcast_in_dim3A_503 = vector.shape_cast %add3A_502 : vector<16xi32> to vector<16x1xi32>
        %gather3A_504 = vector.shape_cast %broadcast_in_dim3A_503 : vector<16x1xi32> to vector<16xi32>
        %gather3A_505 = tpu.dynamic_gather %select_n3A_104[%gather3A_504] in [0] : vector<16xi32>, vector<16xi32> -> vector<16xi32>
        %broadcast_in_dim3A_506 = arith.constant 0 : i32
        %broadcast_in_dim3A_507 = vector.broadcast %broadcast_in_dim3A_506 : i32 to vector<16xi32>
        %add3A_508 = vector.broadcast %add3A_491 : i32 to vector<16xi32>
        %add3A_509 = arith.addi %broadcast_in_dim3A_507, %add3A_508 : vector<16xi32>
        %broadcast_in_dim3A_510 = vector.shape_cast %add3A_509 : vector<16xi32> to vector<16x1xi32>
        %gather3A_511 = vector.shape_cast %broadcast_in_dim3A_510 : vector<16x1xi32> to vector<16xi32>
        %gather3A_512 = tpu.dynamic_gather %sub3A_107[%gather3A_511] in [0] : vector<16xf32>, vector<16xi32> -> vector<16xf32>
        %sub3A_513 = arith.constant 1.000000e+00 : f32
        %sub3A_514 = vector.broadcast %sub3A_513 : f32 to vector<16xf32>
        %sub3A_515 = arith.subf %sub3A_514, %gather3A_512 : vector<16xf32>
        %mul3A_516 = arith.muli %gather3A_498, %gather3A_49 : vector<16xi32>
        %add3A_517 = arith.addi %gather3A_42, %mul3A_516 : vector<16xi32>
        %mul3A_518 = arith.constant 2.500000e-01 : f32
        %mul3A_519 = vector.broadcast %mul3A_518 : f32 to vector<16xf32>
        %mul3A_520 = arith.mulf %sub3A_515, %mul3A_519 : vector<16xf32>
        %add3A_521 = arith.addi %add3A_517, %select_n3A : vector<16xi32>
        %swap3A_522 = arith.constant 0 : index
        %swap3A_523 = tpu.vector_load %arg16[%swap3A_522] {strides = array<i32>} : memref<128xi32, #tpu.memory_space<vmem>>, vector<16xi32>,
        %swap3A_524 = vector.shape_cast %swap3A_523 : vector<16xi32> to vector<16xi32>
        %swap3A_525 = vector.shape_cast %add3A_521 : vector<16xi32> to vector<16xi32>
        tpu.vector_store %arg16[%swap3A_522], %swap3A_525 {strides = array<i32>} : memref<128xi32, #tpu.memory_space<vmem>>, vector<16xi32>,
        %mul3A_526 = arith.mulf %mul3A_520, %sub3A_110 : vector<16xf32>
        %swap3A_527 = arith.constant 0 : i32
        %swap3A_528 = arith.index_cast %swap3A_527 : i32 to index
        %swap3A_529 = arith.constant 0 : index
        %swap3A_530 = tpu.vector_load %arg18[%swap3A_528, %swap3A_529] {strides = array<i32>} : memref<8x16xf32, #tpu.memory_space<vmem>>, vector<1x16xf32>,
        %swap3A_531 = vector.shape_cast %swap3A_530 : vector<1x16xf32> to vector<16xf32>
        %swap3A_532 = vector.shape_cast %mul3A_526 : vector<16xf32> to vector<1x16xf32>
        tpu.vector_store %arg18[%swap3A_528, %swap3A_529], %swap3A_532 {strides = array<i32>} : memref<8x16xf32, #tpu.memory_space<vmem>>, vector<1x16xf32>,
        %add3A_533 = arith.addi %add3A_517, %select_n3A_75 : vector<16xi32>
        %swap3A_534 = arith.constant 32 : index
        %swap3A_535 = tpu.vector_load %arg16[%swap3A_534] {strides = array<i32>} : memref<128xi32, #tpu.memory_space<vmem>>, vector<16xi32>,
        %swap3A_536 = vector.shape_cast %swap3A_535 : vector<16xi32> to vector<16xi32>
        %swap3A_537 = vector.shape_cast %add3A_533 : vector<16xi32> to vector<16xi32>
        tpu.vector_store %arg16[%swap3A_534], %swap3A_537 {strides = array<i32>} : memref<128xi32, #tpu.memory_space<vmem>>, vector<16xi32>,
        %mul3A_538 = arith.mulf %mul3A_520, %sub3A_78 : vector<16xf32>
        %swap3A_539 = arith.constant 2 : i32
        %swap3A_540 = arith.index_cast %swap3A_539 : i32 to index
        %swap3A_541 = arith.constant 0 : index
        %swap3A_542 = tpu.vector_load %arg18[%swap3A_540, %swap3A_541] {strides = array<i32>} : memref<8x16xf32, #tpu.memory_space<vmem>>, vector<1x16xf32>,
        %swap3A_543 = vector.shape_cast %swap3A_542 : vector<1x16xf32> to vector<16xf32>
        %swap3A_544 = vector.shape_cast %mul3A_538 : vector<16xf32> to vector<1x16xf32>
        tpu.vector_store %arg18[%swap3A_540, %swap3A_541], %swap3A_544 {strides = array<i32>} : memref<8x16xf32, #tpu.memory_space<vmem>>, vector<1x16xf32>,
        %mul3A_545 = arith.muli %gather3A_505, %gather3A_49 : vector<16xi32>
        %add3A_546 = arith.addi %gather3A_42, %mul3A_545 : vector<16xi32>
        %mul3A_547 = arith.constant 2.500000e-01 : f32
        %mul3A_548 = vector.broadcast %mul3A_547 : f32 to vector<16xf32>
        %mul3A_549 = arith.mulf %gather3A_512, %mul3A_548 : vector<16xf32>
        %add3A_550 = arith.addi %add3A_546, %select_n3A : vector<16xi32>
        %swap3A_551 = arith.constant 64 : index
        %swap3A_552 = tpu.vector_load %arg16[%swap3A_551] {strides = array<i32>} : memref<128xi32, #tpu.memory_space<vmem>>, vector<16xi32>,
        %swap3A_553 = vector.shape_cast %swap3A_552 : vector<16xi32> to vector<16xi32>
        %swap3A_554 = vector.shape_cast %add3A_550 : vector<16xi32> to vector<16xi32>
        tpu.vector_store %arg16[%swap3A_551], %swap3A_554 {strides = array<i32>} : memref<128xi32, #tpu.memory_space<vmem>>, vector<16xi32>,
        %mul3A_555 = arith.mulf %mul3A_549, %sub3A_110 : vector<16xf32>
        %swap3A_556 = arith.constant 4 : i32
        %swap3A_557 = arith.index_cast %swap3A_556 : i32 to index
        %swap3A_558 = arith.constant 0 : index
        %swap3A_559 = tpu.vector_load %arg18[%swap3A_557, %swap3A_558] {strides = array<i32>} : memref<8x16xf32, #tpu.memory_space<vmem>>, vector<1x16xf32>,
        %swap3A_560 = vector.shape_cast %swap3A_559 : vector<1x16xf32> to vector<16xf32>
        %swap3A_561 = vector.shape_cast %mul3A_555 : vector<16xf32> to vector<1x16xf32>
        tpu.vector_store %arg18[%swap3A_557, %swap3A_558], %swap3A_561 {strides = array<i32>} : memref<8x16xf32, #tpu.memory_space<vmem>>, vector<1x16xf32>,
        %add3A_562 = arith.addi %add3A_546, %select_n3A_75 : vector<16xi32>
        %swap3A_563 = arith.constant 96 : index
        %swap3A_564 = tpu.vector_load %arg16[%swap3A_563] {strides = array<i32>} : memref<128xi32, #tpu.memory_space<vmem>>, vector<16xi32>,
        %swap3A_565 = vector.shape_cast %swap3A_564 : vector<16xi32> to vector<16xi32>
        %swap3A_566 = vector.shape_cast %add3A_562 : vector<16xi32> to vector<16xi32>
        tpu.vector_store %arg16[%swap3A_563], %swap3A_566 {strides = array<i32>} : memref<128xi32, #tpu.memory_space<vmem>>, vector<16xi32>,
        %mul3A_567 = arith.mulf %mul3A_549, %sub3A_78 : vector<16xf32>
        %swap3A_568 = arith.constant 6 : i32
        %swap3A_569 = arith.index_cast %swap3A_568 : i32 to index
        %swap3A_570 = arith.constant 0 : index
        %swap3A_571 = tpu.vector_load %arg18[%swap3A_569, %swap3A_570] {strides = array<i32>} : memref<8x16xf32, #tpu.memory_space<vmem>>, vector<1x16xf32>,
        %swap3A_572 = vector.shape_cast %swap3A_571 : vector<1x16xf32> to vector<16xf32>
        %swap3A_573 = vector.shape_cast %mul3A_567 : vector<16xf32> to vector<1x16xf32>
        tpu.vector_store %arg18[%swap3A_569, %swap3A_570], %swap3A_573 {strides = array<i32>} : memref<8x16xf32, #tpu.memory_space<vmem>>, vector<1x16xf32>,
        %mul3A_574 = arith.constant 2 : i32
        %mul3A_575 = arith.muli %mul3A_574, %add3A_487 : i32
        %add3A_576 = arith.constant 1 : i32
        %add3A_577 = arith.addi %mul3A_575, %add3A_576 : i32
        %broadcast_in_dim3A_578 = arith.constant 0 : i32
        %broadcast_in_dim3A_579 = vector.broadcast %broadcast_in_dim3A_578 : i32 to vector<16xi32>
        %add3A_580 = vector.broadcast %add3A_577 : i32 to vector<16xi32>
        %add3A_581 = arith.addi %broadcast_in_dim3A_579, %add3A_580 : vector<16xi32>
        %broadcast_in_dim3A_582 = vector.shape_cast %add3A_581 : vector<16xi32> to vector<16x1xi32>
        %gather3A_583 = vector.shape_cast %broadcast_in_dim3A_582 : vector<16x1xi32> to vector<16xi32>
        %gather3A_584 = tpu.dynamic_gather %select_n3A_100[%gather3A_583] in [0] : vector<16xi32>, vector<16xi32> -> vector<16xi32>
        %broadcast_in_dim3A_585 = arith.constant 0 : i32
        %broadcast_in_dim3A_586 = vector.broadcast %broadcast_in_dim3A_585 : i32 to vector<16xi32>
        %add3A_587 = vector.broadcast %add3A_577 : i32 to vector<16xi32>
        %add3A_588 = arith.addi %broadcast_in_dim3A_586, %add3A_587 : vector<16xi32>
        %broadcast_in_dim3A_589 = vector.shape_cast %add3A_588 : vector<16xi32> to vector<16x1xi32>
        %gather3A_590 = vector.shape_cast %broadcast_in_dim3A_589 : vector<16x1xi32> to vector<16xi32>
        %gather3A_591 = tpu.dynamic_gather %select_n3A_104[%gather3A_590] in [0] : vector<16xi32>, vector<16xi32> -> vector<16xi32>
        %broadcast_in_dim3A_592 = arith.constant 0 : i32
        %broadcast_in_dim3A_593 = vector.broadcast %broadcast_in_dim3A_592 : i32 to vector<16xi32>
        %add3A_594 = vector.broadcast %add3A_577 : i32 to vector<16xi32>
        %add3A_595 = arith.addi %broadcast_in_dim3A_593, %add3A_594 : vector<16xi32>
        %broadcast_in_dim3A_596 = vector.shape_cast %add3A_595 : vector<16xi32> to vector<16x1xi32>
        %gather3A_597 = vector.shape_cast %broadcast_in_dim3A_596 : vector<16x1xi32> to vector<16xi32>
        %gather3A_598 = tpu.dynamic_gather %sub3A_107[%gather3A_597] in [0] : vector<16xf32>, vector<16xi32> -> vector<16xf32>
        %sub3A_599 = arith.constant 1.000000e+00 : f32
        %sub3A_600 = vector.broadcast %sub3A_599 : f32 to vector<16xf32>
        %sub3A_601 = arith.subf %sub3A_600, %gather3A_598 : vector<16xf32>
        %mul3A_602 = arith.muli %gather3A_584, %gather3A_49 : vector<16xi32>
        %add3A_603 = arith.addi %gather3A_42, %mul3A_602 : vector<16xi32>
        %mul3A_604 = arith.constant 2.500000e-01 : f32
        %mul3A_605 = vector.broadcast %mul3A_604 : f32 to vector<16xf32>
        %mul3A_606 = arith.mulf %sub3A_601, %mul3A_605 : vector<16xf32>
        %add3A_607 = arith.addi %add3A_603, %select_n3A : vector<16xi32>
        %swap3A_608 = arith.constant 16 : index
        %swap3A_609 = tpu.vector_load %arg16[%swap3A_608] {strides = array<i32>} : memref<128xi32, #tpu.memory_space<vmem>>, vector<16xi32>,
        %swap3A_610 = vector.shape_cast %swap3A_609 : vector<16xi32> to vector<16xi32>
        %swap3A_611 = vector.shape_cast %add3A_607 : vector<16xi32> to vector<16xi32>
        tpu.vector_store %arg16[%swap3A_608], %swap3A_611 {strides = array<i32>} : memref<128xi32, #tpu.memory_space<vmem>>, vector<16xi32>,
        %mul3A_612 = arith.mulf %mul3A_606, %sub3A_110 : vector<16xf32>
        %swap3A_613 = arith.constant 1 : i32
        %swap3A_614 = arith.index_cast %swap3A_613 : i32 to index
        %swap3A_615 = arith.constant 0 : index
        %swap3A_616 = tpu.vector_load %arg18[%swap3A_614, %swap3A_615] {strides = array<i32>} : memref<8x16xf32, #tpu.memory_space<vmem>>, vector<1x16xf32>,
        %swap3A_617 = vector.shape_cast %swap3A_616 : vector<1x16xf32> to vector<16xf32>
        %swap3A_618 = vector.shape_cast %mul3A_612 : vector<16xf32> to vector<1x16xf32>
        tpu.vector_store %arg18[%swap3A_614, %swap3A_615], %swap3A_618 {strides = array<i32>} : memref<8x16xf32, #tpu.memory_space<vmem>>, vector<1x16xf32>,
        %add3A_619 = arith.addi %add3A_603, %select_n3A_75 : vector<16xi32>
        %swap3A_620 = arith.constant 48 : index
        %swap3A_621 = tpu.vector_load %arg16[%swap3A_620] {strides = array<i32>} : memref<128xi32, #tpu.memory_space<vmem>>, vector<16xi32>,
        %swap3A_622 = vector.shape_cast %swap3A_621 : vector<16xi32> to vector<16xi32>
        %swap3A_623 = vector.shape_cast %add3A_619 : vector<16xi32> to vector<16xi32>
        tpu.vector_store %arg16[%swap3A_620], %swap3A_623 {strides = array<i32>} : memref<128xi32, #tpu.memory_space<vmem>>, vector<16xi32>,
        %mul3A_624 = arith.mulf %mul3A_606, %sub3A_78 : vector<16xf32>
        %swap3A_625 = arith.constant 3 : i32
        %swap3A_626 = arith.index_cast %swap3A_625 : i32 to index
        %swap3A_627 = arith.constant 0 : index
        %swap3A_628 = tpu.vector_load %arg18[%swap3A_626, %swap3A_627] {strides = array<i32>} : memref<8x16xf32, #tpu.memory_space<vmem>>, vector<1x16xf32>,
        %swap3A_629 = vector.shape_cast %swap3A_628 : vector<1x16xf32> to vector<16xf32>
        %swap3A_630 = vector.shape_cast %mul3A_624 : vector<16xf32> to vector<1x16xf32>
        tpu.vector_store %arg18[%swap3A_626, %swap3A_627], %swap3A_630 {strides = array<i32>} : memref<8x16xf32, #tpu.memory_space<vmem>>, vector<1x16xf32>,
        %mul3A_631 = arith.muli %gather3A_591, %gather3A_49 : vector<16xi32>
        %add3A_632 = arith.addi %gather3A_42, %mul3A_631 : vector<16xi32>
        %mul3A_633 = arith.constant 2.500000e-01 : f32
        %mul3A_634 = vector.broadcast %mul3A_633 : f32 to vector<16xf32>
        %mul3A_635 = arith.mulf %gather3A_598, %mul3A_634 : vector<16xf32>
        %add3A_636 = arith.addi %add3A_632, %select_n3A : vector<16xi32>
        %swap3A_637 = arith.constant 80 : index
        %swap3A_638 = tpu.vector_load %arg16[%swap3A_637] {strides = array<i32>} : memref<128xi32, #tpu.memory_space<vmem>>, vector<16xi32>,
        %swap3A_639 = vector.shape_cast %swap3A_638 : vector<16xi32> to vector<16xi32>
        %swap3A_640 = vector.shape_cast %add3A_636 : vector<16xi32> to vector<16xi32>
        tpu.vector_store %arg16[%swap3A_637], %swap3A_640 {strides = array<i32>} : memref<128xi32, #tpu.memory_space<vmem>>, vector<16xi32>,
        %mul3A_641 = arith.mulf %mul3A_635, %sub3A_110 : vector<16xf32>
        %swap3A_642 = arith.constant 5 : i32
        %swap3A_643 = arith.index_cast %swap3A_642 : i32 to index
        %swap3A_644 = arith.constant 0 : index
        %swap3A_645 = tpu.vector_load %arg18[%swap3A_643, %swap3A_644] {strides = array<i32>} : memref<8x16xf32, #tpu.memory_space<vmem>>, vector<1x16xf32>,
        %swap3A_646 = vector.shape_cast %swap3A_645 : vector<1x16xf32> to vector<16xf32>
        %swap3A_647 = vector.shape_cast %mul3A_641 : vector<16xf32> to vector<1x16xf32>
        tpu.vector_store %arg18[%swap3A_643, %swap3A_644], %swap3A_647 {strides = array<i32>} : memref<8x16xf32, #tpu.memory_space<vmem>>, vector<1x16xf32>,
        %add3A_648 = arith.addi %add3A_632, %select_n3A_75 : vector<16xi32>
        %swap3A_649 = arith.constant 112 : index
        %swap3A_650 = tpu.vector_load %arg16[%swap3A_649] {strides = array<i32>} : memref<128xi32, #tpu.memory_space<vmem>>, vector<16xi32>,
        %swap3A_651 = vector.shape_cast %swap3A_650 : vector<16xi32> to vector<16xi32>
        %swap3A_652 = vector.shape_cast %add3A_648 : vector<16xi32> to vector<16xi32>
        tpu.vector_store %arg16[%swap3A_649], %swap3A_652 {strides = array<i32>} : memref<128xi32, #tpu.memory_space<vmem>>, vector<16xi32>,
        %mul3A_653 = arith.mulf %mul3A_635, %sub3A_78 : vector<16xf32>
        %swap3A_654 = arith.constant 7 : i32
        %swap3A_655 = arith.index_cast %swap3A_654 : i32 to index
        %swap3A_656 = arith.constant 0 : index
        %swap3A_657 = tpu.vector_load %arg18[%swap3A_655, %swap3A_656] {strides = array<i32>} : memref<8x16xf32, #tpu.memory_space<vmem>>, vector<1x16xf32>,
        %swap3A_658 = vector.shape_cast %swap3A_657 : vector<1x16xf32> to vector<16xf32>
        %swap3A_659 = vector.shape_cast %mul3A_653 : vector<16xf32> to vector<1x16xf32>
        tpu.vector_store %arg18[%swap3A_655, %swap3A_656], %swap3A_659 {strides = array<i32>} : memref<8x16xf32, #tpu.memory_space<vmem>>, vector<1x16xf32>,
        %dma_start3A_660 = arith.constant 0 : i32
        %dma_start3A_661 = arith.constant 0 : i32
        %dma_start3A_662 = tpu.memref_slice %arg2[%dma_start3A_660, %dma_start3A_661] : memref<43520x128xi32, #tpu.memory_space<hbm>> -> memref<43520x128xi32, #tpu.memory_space<hbm>>
        tpu.enqueue_indirect_dma source(%dma_start3A_662 : memref<43520x128xi32, #tpu.memory_space<hbm>>) target(%arg20 : memref<128x128xi32, #tpu.memory_space<vmem>>) offsets(%arg16 : memref<128xi32, #tpu.memory_space<vmem>>) semaphore(%arg23 : memref<!tpu.dma_semaphore, #tpu.memory_space<semaphore_mem>>)
        %dma_wait3A_663 = arith.constant 0 : i32
        %dma_wait3A_664 = arith.constant 0 : i32
        %dma_wait3A_665 = tpu.memref_slice %arg2[%dma_wait3A_663, %dma_wait3A_664] : memref<43520x128xi32, #tpu.memory_space<hbm>> -> memref<43520x128xi32, #tpu.memory_space<hbm>>
        tpu.wait_indirect_dma semaphore(%arg24 : memref<!tpu.dma_semaphore, #tpu.memory_space<semaphore_mem>>) src(%dma_wait3A_665 : memref<43520x128xi32, #tpu.memory_space<hbm>>) dst(%arg21 : memref<128x128xi32, #tpu.memory_space<vmem>>)
        %add3A_666 = arith.constant 1 : i32
        %add3A_667 = arith.addi %mul3A_299, %add3A_666 : i32
        %scan3A_668 = arith.constant 0 : i32
        %scan3A_669 = arith.constant 0 : i32
        %scan3A_670 = arith.constant 7 : i32
        %scan3A_671 = arith.addi %scan3A_669, %scan3A_670 : i32
        %scan3A_672 = arith.constant 1 : i32
        scf.for %scan3A_674 = %scan3A_669 to %scan3A_671 step %scan3A_672  : i32 {
          %broadcast_in_dim3A_675 = arith.constant 0.000000e+00 : f32
          %broadcast_in_dim3A_676 = vector.broadcast %broadcast_in_dim3A_675 : f32 to vector<16xf32>
          %broadcast_in_dim3A_677 = arith.constant 0.000000e+00 : f32
          %broadcast_in_dim3A_678 = vector.broadcast %broadcast_in_dim3A_677 : f32 to vector<16xf32>
          %broadcast_in_dim3A_679 = arith.constant 0.000000e+00 : f32
          %broadcast_in_dim3A_680 = vector.broadcast %broadcast_in_dim3A_679 : f32 to vector<16xf32>
          %broadcast_in_dim3A_681 = arith.constant 0.000000e+00 : f32
          %broadcast_in_dim3A_682 = vector.broadcast %broadcast_in_dim3A_681 : f32 to vector<16xf32>
          %broadcast_in_dim3A_683 = arith.constant 0.000000e+00 : f32
          %broadcast_in_dim3A_684 = vector.broadcast %broadcast_in_dim3A_683 : f32 to vector<16xf32>
          %broadcast_in_dim3A_685 = arith.constant 0.000000e+00 : f32
          %broadcast_in_dim3A_686 = vector.broadcast %broadcast_in_dim3A_685 : f32 to vector<16xf32>
          %broadcast_in_dim3A_687 = arith.constant 0.000000e+00 : f32
          %broadcast_in_dim3A_688 = vector.broadcast %broadcast_in_dim3A_687 : f32 to vector<16xf32>
          %broadcast_in_dim3A_689 = arith.constant 0.000000e+00 : f32
          %broadcast_in_dim3A_690 = vector.broadcast %broadcast_in_dim3A_689 : f32 to vector<16xf32>
          %broadcast_in_dim3A_691 = arith.constant 0.000000e+00 : f32
          %broadcast_in_dim3A_692 = vector.broadcast %broadcast_in_dim3A_691 : f32 to vector<16xf32>
          %broadcast_in_dim3A_693 = arith.constant 0.000000e+00 : f32
          %broadcast_in_dim3A_694 = vector.broadcast %broadcast_in_dim3A_693 : f32 to vector<16xf32>
          %broadcast_in_dim3A_695 = arith.constant 0.000000e+00 : f32
          %broadcast_in_dim3A_696 = vector.broadcast %broadcast_in_dim3A_695 : f32 to vector<16xf32>
          %broadcast_in_dim3A_697 = arith.constant 0.000000e+00 : f32
          %broadcast_in_dim3A_698 = vector.broadcast %broadcast_in_dim3A_697 : f32 to vector<16xf32>
          %broadcast_in_dim3A_699 = arith.constant 0.000000e+00 : f32
          %broadcast_in_dim3A_700 = vector.broadcast %broadcast_in_dim3A_699 : f32 to vector<16xf32>
          %broadcast_in_dim3A_701 = arith.constant 0.000000e+00 : f32
          %broadcast_in_dim3A_702 = vector.broadcast %broadcast_in_dim3A_701 : f32 to vector<16xf32>
          %broadcast_in_dim3A_703 = arith.constant 0.000000e+00 : f32
          %broadcast_in_dim3A_704 = vector.broadcast %broadcast_in_dim3A_703 : f32 to vector<16xf32>
          %broadcast_in_dim3A_705 = arith.constant 0.000000e+00 : f32
          %broadcast_in_dim3A_706 = vector.broadcast %broadcast_in_dim3A_705 : f32 to vector<16xf32>
          %scan3A_707 = arith.constant 0 : i32
          %scan3A_708 = arith.constant 4 : i32
          %scan3A_709 = arith.addi %scan3A_707, %scan3A_708 : i32
          %scan3A_710 = arith.constant 1 : i32
          %scan3A_711:16 = scf.for %scan3A_841 = %scan3A_707 to %scan3A_709 step %scan3A_710 iter_args(%scan3A_842 = %broadcast_in_dim3A_676, %scan3A_843 = %broadcast_in_dim3A_678, %scan3A_844 = %broadcast_in_dim3A_680, %scan3A_845 = %broadcast_in_dim3A_682, %scan3A_846 = %broadcast_in_dim3A_684, %scan3A_847 = %broadcast_in_dim3A_686, %scan3A_848 = %broadcast_in_dim3A_688, %scan3A_849 = %broadcast_in_dim3A_690, %scan3A_850 = %broadcast_in_dim3A_692, %scan3A_851 = %broadcast_in_dim3A_694, %scan3A_852 = %broadcast_in_dim3A_696, %scan3A_853 = %broadcast_in_dim3A_698, %scan3A_854 = %broadcast_in_dim3A_700, %scan3A_855 = %broadcast_in_dim3A_702, %scan3A_856 = %broadcast_in_dim3A_704, %scan3A_857 = %broadcast_in_dim3A_706) -> (vector<16xf32>, vector<16xf32>, vector<16xf32>, vector<16xf32>, vector<16xf32>, vector<16xf32>, vector<16xf32>, vector<16xf32>, vector<16xf32>, vector<16xf32>, vector<16xf32>, vector<16xf32>, vector<16xf32>, vector<16xf32>, vector<16xf32>, vector<16xf32>)  : i32 {
            %shift_right_arithmetic3A_858 = arith.constant 1 : i32
            %shift_right_arithmetic3A_859 = arith.shrsi %scan3A_841, %shift_right_arithmetic3A_858 : i32
            %and3A_860 = arith.constant 1 : i32
            %and3A_861 = arith.andi %scan3A_841, %and3A_860 : i32
            %mul3A_862 = arith.constant 2 : i32
            %mul3A_863 = arith.muli %mul3A_862, %scan3A_674 : i32
            %add3A_864 = arith.addi %mul3A_863, %and3A_861 : i32
            %broadcast_in_dim3A_865 = arith.constant 0 : i32
            %broadcast_in_dim3A_866 = vector.broadcast %broadcast_in_dim3A_865 : i32 to vector<16xi32>
            %add3A_867 = vector.broadcast %add3A_864 : i32 to vector<16xi32>
            %add3A_868 = arith.addi %broadcast_in_dim3A_866, %add3A_867 : vector<16xi32>
            %broadcast_in_dim3A_869 = vector.shape_cast %add3A_868 : vector<16xi32> to vector<16x1xi32>
            %mul3A_870 = arith.constant 16 : i32
            %mul3A_871 = arith.muli %shift_right_arithmetic3A_859, %mul3A_870 : i32
            %add3A_872 = arith.addi %mul3A_871, %add3A_864 : i32
            %add3A_873 = arith.constant 0 : i32
            %add3A_874 = arith.addi %add3A_873, %shift_right_arithmetic3A_859 : i32
            %get3A_875 = arith.index_cast %add3A_874 : i32 to index
            %get3A_876 = arith.constant 0 : index
            %get3A_877 = tpu.vector_load %arg19[%get3A_875, %get3A_876] {strides = array<i32>} : memref<8x16xf32, #tpu.memory_space<vmem>>, vector<1x16xf32>,
            %get3A_878 = vector.shape_cast %get3A_877 : vector<1x16xf32> to vector<16xf32>
            %gather3A_879 = vector.shape_cast %broadcast_in_dim3A_869 : vector<16x1xi32> to vector<16xi32>
            %gather3A_880 = tpu.dynamic_gather %get3A_878[%gather3A_879] in [0] : vector<16xf32>, vector<16xi32> -> vector<16xf32>
            %add3A_881 = arith.constant 0 : i32
            %add3A_882 = arith.addi %add3A_872, %add3A_881 : i32
            %get3A_883 = arith.index_cast %add3A_882 : i32 to index
            %get3A_884 = arith.constant 0 : index
            %get3A_885 = tpu.vector_load %arg21[%get3A_883, %get3A_884] {strides = array<i32>} : memref<128x128xi32, #tpu.memory_space<vmem>>, vector<1x16xi32>,
            %get3A_886 = vector.shape_cast %get3A_885 : vector<1x16xi32> to vector<16xi32>
            %shift_left3A = arith.constant 16 : i32
            %shift_left3A_887 = vector.broadcast %shift_left3A : i32 to vector<16xi32>
            %shift_left3A_888 = arith.shli %get3A_886, %shift_left3A_887 : vector<16xi32>
            %bitcast_convert_type3A = tpu.bitcast %shift_left3A_888 : vector<16xi32> -> vector<16xf32>
            %and3A_889 = arith.constant -65536 : i32
            %and3A_890 = vector.broadcast %and3A_889 : i32 to vector<16xi32>
            %and3A_891 = arith.andi %get3A_886, %and3A_890 : vector<16xi32>
            %bitcast_convert_type3A_892 = tpu.bitcast %and3A_891 : vector<16xi32> -> vector<16xf32>
            %mul3A_893 = arith.mulf %gather3A_880, %bitcast_convert_type3A : vector<16xf32>
            %add3A_894 = arith.addf %scan3A_842, %mul3A_893 : vector<16xf32>
            %mul3A_895 = arith.mulf %gather3A_880, %bitcast_convert_type3A_892 : vector<16xf32>
            %add3A_896 = arith.addf %scan3A_850, %mul3A_895 : vector<16xf32>
            %get3A_897 = arith.index_cast %add3A_882 : i32 to index
            %get3A_898 = arith.constant 16 : index
            %get3A_899 = tpu.vector_load %arg21[%get3A_897, %get3A_898] {strides = array<i32>} : memref<128x128xi32, #tpu.memory_space<vmem>>, vector<1x16xi32>,
            %get3A_900 = vector.shape_cast %get3A_899 : vector<1x16xi32> to vector<16xi32>
            %shift_left3A_901 = arith.constant 16 : i32
            %shift_left3A_902 = vector.broadcast %shift_left3A_901 : i32 to vector<16xi32>
            %shift_left3A_903 = arith.shli %get3A_900, %shift_left3A_902 : vector<16xi32>
            %bitcast_convert_type3A_904 = tpu.bitcast %shift_left3A_903 : vector<16xi32> -> vector<16xf32>
            %and3A_905 = arith.constant -65536 : i32
            %and3A_906 = vector.broadcast %and3A_905 : i32 to vector<16xi32>
            %and3A_907 = arith.andi %get3A_900, %and3A_906 : vector<16xi32>
            %bitcast_convert_type3A_908 = tpu.bitcast %and3A_907 : vector<16xi32> -> vector<16xf32>
            %mul3A_909 = arith.mulf %gather3A_880, %bitcast_convert_type3A_904 : vector<16xf32>
            %add3A_910 = arith.addf %scan3A_843, %mul3A_909 : vector<16xf32>
            %mul3A_911 = arith.mulf %gather3A_880, %bitcast_convert_type3A_908 : vector<16xf32>
            %add3A_912 = arith.addf %scan3A_851, %mul3A_911 : vector<16xf32>
            %get3A_913 = arith.index_cast %add3A_882 : i32 to index
            %get3A_914 = arith.constant 32 : index
            %get3A_915 = tpu.vector_load %arg21[%get3A_913, %get3A_914] {strides = array<i32>} : memref<128x128xi32, #tpu.memory_space<vmem>>, vector<1x16xi32>,
            %get3A_916 = vector.shape_cast %get3A_915 : vector<1x16xi32> to vector<16xi32>
            %shift_left3A_917 = arith.constant 16 : i32
            %shift_left3A_918 = vector.broadcast %shift_left3A_917 : i32 to vector<16xi32>
            %shift_left3A_919 = arith.shli %get3A_916, %shift_left3A_918 : vector<16xi32>
            %bitcast_convert_type3A_920 = tpu.bitcast %shift_left3A_919 : vector<16xi32> -> vector<16xf32>
            %and3A_921 = arith.constant -65536 : i32
            %and3A_922 = vector.broadcast %and3A_921 : i32 to vector<16xi32>
            %and3A_923 = arith.andi %get3A_916, %and3A_922 : vector<16xi32>
            %bitcast_convert_type3A_924 = tpu.bitcast %and3A_923 : vector<16xi32> -> vector<16xf32>
            %mul3A_925 = arith.mulf %gather3A_880, %bitcast_convert_type3A_920 : vector<16xf32>
            %add3A_926 = arith.addf %scan3A_844, %mul3A_925 : vector<16xf32>
            %mul3A_927 = arith.mulf %gather3A_880, %bitcast_convert_type3A_924 : vector<16xf32>
            %add3A_928 = arith.addf %scan3A_852, %mul3A_927 : vector<16xf32>
            %get3A_929 = arith.index_cast %add3A_882 : i32 to index
            %get3A_930 = arith.constant 48 : index
            %get3A_931 = tpu.vector_load %arg21[%get3A_929, %get3A_930] {strides = array<i32>} : memref<128x128xi32, #tpu.memory_space<vmem>>, vector<1x16xi32>,
            %get3A_932 = vector.shape_cast %get3A_931 : vector<1x16xi32> to vector<16xi32>
            %shift_left3A_933 = arith.constant 16 : i32
            %shift_left3A_934 = vector.broadcast %shift_left3A_933 : i32 to vector<16xi32>
            %shift_left3A_935 = arith.shli %get3A_932, %shift_left3A_934 : vector<16xi32>
            %bitcast_convert_type3A_936 = tpu.bitcast %shift_left3A_935 : vector<16xi32> -> vector<16xf32>
            %and3A_937 = arith.constant -65536 : i32
            %and3A_938 = vector.broadcast %and3A_937 : i32 to vector<16xi32>
            %and3A_939 = arith.andi %get3A_932, %and3A_938 : vector<16xi32>
            %bitcast_convert_type3A_940 = tpu.bitcast %and3A_939 : vector<16xi32> -> vector<16xf32>
            %mul3A_941 = arith.mulf %gather3A_880, %bitcast_convert_type3A_936 : vector<16xf32>
            %add3A_942 = arith.addf %scan3A_845, %mul3A_941 : vector<16xf32>
            %mul3A_943 = arith.mulf %gather3A_880, %bitcast_convert_type3A_940 : vector<16xf32>
            %add3A_944 = arith.addf %scan3A_853, %mul3A_943 : vector<16xf32>
            %get3A_945 = arith.index_cast %add3A_882 : i32 to index
            %get3A_946 = arith.constant 64 : index
            %get3A_947 = tpu.vector_load %arg21[%get3A_945, %get3A_946] {strides = array<i32>} : memref<128x128xi32, #tpu.memory_space<vmem>>, vector<1x16xi32>,
            %get3A_948 = vector.shape_cast %get3A_947 : vector<1x16xi32> to vector<16xi32>
            %shift_left3A_949 = arith.constant 16 : i32
            %shift_left3A_950 = vector.broadcast %shift_left3A_949 : i32 to vector<16xi32>
            %shift_left3A_951 = arith.shli %get3A_948, %shift_left3A_950 : vector<16xi32>
            %bitcast_convert_type3A_952 = tpu.bitcast %shift_left3A_951 : vector<16xi32> -> vector<16xf32>
            %and3A_953 = arith.constant -65536 : i32
            %and3A_954 = vector.broadcast %and3A_953 : i32 to vector<16xi32>
            %and3A_955 = arith.andi %get3A_948, %and3A_954 : vector<16xi32>
            %bitcast_convert_type3A_956 = tpu.bitcast %and3A_955 : vector<16xi32> -> vector<16xf32>
            %mul3A_957 = arith.mulf %gather3A_880, %bitcast_convert_type3A_952 : vector<16xf32>
            %add3A_958 = arith.addf %scan3A_846, %mul3A_957 : vector<16xf32>
            %mul3A_959 = arith.mulf %gather3A_880, %bitcast_convert_type3A_956 : vector<16xf32>
            %add3A_960 = arith.addf %scan3A_854, %mul3A_959 : vector<16xf32>
            %get3A_961 = arith.index_cast %add3A_882 : i32 to index
            %get3A_962 = arith.constant 80 : index
            %get3A_963 = tpu.vector_load %arg21[%get3A_961, %get3A_962] {strides = array<i32>} : memref<128x128xi32, #tpu.memory_space<vmem>>, vector<1x16xi32>,
            %get3A_964 = vector.shape_cast %get3A_963 : vector<1x16xi32> to vector<16xi32>
            %shift_left3A_965 = arith.constant 16 : i32
            %shift_left3A_966 = vector.broadcast %shift_left3A_965 : i32 to vector<16xi32>
            %shift_left3A_967 = arith.shli %get3A_964, %shift_left3A_966 : vector<16xi32>
            %bitcast_convert_type3A_968 = tpu.bitcast %shift_left3A_967 : vector<16xi32> -> vector<16xf32>
            %and3A_969 = arith.constant -65536 : i32
            %and3A_970 = vector.broadcast %and3A_969 : i32 to vector<16xi32>
            %and3A_971 = arith.andi %get3A_964, %and3A_970 : vector<16xi32>
            %bitcast_convert_type3A_972 = tpu.bitcast %and3A_971 : vector<16xi32> -> vector<16xf32>
            %mul3A_973 = arith.mulf %gather3A_880, %bitcast_convert_type3A_968 : vector<16xf32>
            %add3A_974 = arith.addf %scan3A_847, %mul3A_973 : vector<16xf32>
            %mul3A_975 = arith.mulf %gather3A_880, %bitcast_convert_type3A_972 : vector<16xf32>
            %add3A_976 = arith.addf %scan3A_855, %mul3A_975 : vector<16xf32>
            %get3A_977 = arith.index_cast %add3A_882 : i32 to index
            %get3A_978 = arith.constant 96 : index
            %get3A_979 = tpu.vector_load %arg21[%get3A_977, %get3A_978] {strides = array<i32>} : memref<128x128xi32, #tpu.memory_space<vmem>>, vector<1x16xi32>,
            %get3A_980 = vector.shape_cast %get3A_979 : vector<1x16xi32> to vector<16xi32>
            %shift_left3A_981 = arith.constant 16 : i32
            %shift_left3A_982 = vector.broadcast %shift_left3A_981 : i32 to vector<16xi32>
            %shift_left3A_983 = arith.shli %get3A_980, %shift_left3A_982 : vector<16xi32>
            %bitcast_convert_type3A_984 = tpu.bitcast %shift_left3A_983 : vector<16xi32> -> vector<16xf32>
            %and3A_985 = arith.constant -65536 : i32
            %and3A_986 = vector.broadcast %and3A_985 : i32 to vector<16xi32>
            %and3A_987 = arith.andi %get3A_980, %and3A_986 : vector<16xi32>
            %bitcast_convert_type3A_988 = tpu.bitcast %and3A_987 : vector<16xi32> -> vector<16xf32>
            %mul3A_989 = arith.mulf %gather3A_880, %bitcast_convert_type3A_984 : vector<16xf32>
            %add3A_990 = arith.addf %scan3A_848, %mul3A_989 : vector<16xf32>
            %mul3A_991 = arith.mulf %gather3A_880, %bitcast_convert_type3A_988 : vector<16xf32>
            %add3A_992 = arith.addf %scan3A_856, %mul3A_991 : vector<16xf32>
            %get3A_993 = arith.index_cast %add3A_882 : i32 to index
            %get3A_994 = arith.constant 112 : index
            %get3A_995 = tpu.vector_load %arg21[%get3A_993, %get3A_994] {strides = array<i32>} : memref<128x128xi32, #tpu.memory_space<vmem>>, vector<1x16xi32>,
            %get3A_996 = vector.shape_cast %get3A_995 : vector<1x16xi32> to vector<16xi32>
            %shift_left3A_997 = arith.constant 16 : i32
            %shift_left3A_998 = vector.broadcast %shift_left3A_997 : i32 to vector<16xi32>
            %shift_left3A_999 = arith.shli %get3A_996, %shift_left3A_998 : vector<16xi32>
            %bitcast_convert_type3A_1000 = tpu.bitcast %shift_left3A_999 : vector<16xi32> -> vector<16xf32>
            %and3A_1001 = arith.constant -65536 : i32
            %and3A_1002 = vector.broadcast %and3A_1001 : i32 to vector<16xi32>
            %and3A_1003 = arith.andi %get3A_996, %and3A_1002 : vector<16xi32>
            %bitcast_convert_type3A_1004 = tpu.bitcast %and3A_1003 : vector<16xi32> -> vector<16xf32>
            %mul3A_1005 = arith.mulf %gather3A_880, %bitcast_convert_type3A_1000 : vector<16xf32>
            %add3A_1006 = arith.addf %scan3A_849, %mul3A_1005 : vector<16xf32>
            %mul3A_1007 = arith.mulf %gather3A_880, %bitcast_convert_type3A_1004 : vector<16xf32>
            %add3A_1008 = arith.addf %scan3A_857, %mul3A_1007 : vector<16xf32>
            %add3A_1009 = arith.constant 2 : i32
            %add3A_1010 = arith.addi %add3A_1009, %shift_right_arithmetic3A_859 : i32
            %get3A_1011 = arith.index_cast %add3A_1010 : i32 to index
            %get3A_1012 = arith.constant 0 : index
            %get3A_1013 = tpu.vector_load %arg19[%get3A_1011, %get3A_1012] {strides = array<i32>} : memref<8x16xf32, #tpu.memory_space<vmem>>, vector<1x16xf32>,
            %get3A_1014 = vector.shape_cast %get3A_1013 : vector<1x16xf32> to vector<16xf32>
            %gather3A_1015 = vector.shape_cast %broadcast_in_dim3A_869 : vector<16x1xi32> to vector<16xi32>
            %gather3A_1016 = tpu.dynamic_gather %get3A_1014[%gather3A_1015] in [0] : vector<16xf32>, vector<16xi32> -> vector<16xf32>
            %add3A_1017 = arith.constant 32 : i32
            %add3A_1018 = arith.addi %add3A_872, %add3A_1017 : i32
            %get3A_1019 = arith.index_cast %add3A_1018 : i32 to index
            %get3A_1020 = arith.constant 0 : index
            %get3A_1021 = tpu.vector_load %arg21[%get3A_1019, %get3A_1020] {strides = array<i32>} : memref<128x128xi32, #tpu.memory_space<vmem>>, vector<1x16xi32>,
            %get3A_1022 = vector.shape_cast %get3A_1021 : vector<1x16xi32> to vector<16xi32>
            %shift_left3A_1023 = arith.constant 16 : i32
            %shift_left3A_1024 = vector.broadcast %shift_left3A_1023 : i32 to vector<16xi32>
            %shift_left3A_1025 = arith.shli %get3A_1022, %shift_left3A_1024 : vector<16xi32>
            %bitcast_convert_type3A_1026 = tpu.bitcast %shift_left3A_1025 : vector<16xi32> -> vector<16xf32>
            %and3A_1027 = arith.constant -65536 : i32
            %and3A_1028 = vector.broadcast %and3A_1027 : i32 to vector<16xi32>
            %and3A_1029 = arith.andi %get3A_1022, %and3A_1028 : vector<16xi32>
            %bitcast_convert_type3A_1030 = tpu.bitcast %and3A_1029 : vector<16xi32> -> vector<16xf32>
            %mul3A_1031 = arith.mulf %gather3A_1016, %bitcast_convert_type3A_1026 : vector<16xf32>
            %add3A_1032 = arith.addf %add3A_894, %mul3A_1031 : vector<16xf32>
            %mul3A_1033 = arith.mulf %gather3A_1016, %bitcast_convert_type3A_1030 : vector<16xf32>
            %add3A_1034 = arith.addf %add3A_896, %mul3A_1033 : vector<16xf32>
            %get3A_1035 = arith.index_cast %add3A_1018 : i32 to index
            %get3A_1036 = arith.constant 16 : index
            %get3A_1037 = tpu.vector_load %arg21[%get3A_1035, %get3A_1036] {strides = array<i32>} : memref<128x128xi32, #tpu.memory_space<vmem>>, vector<1x16xi32>,
            %get3A_1038 = vector.shape_cast %get3A_1037 : vector<1x16xi32> to vector<16xi32>
            %shift_left3A_1039 = arith.constant 16 : i32
            %shift_left3A_1040 = vector.broadcast %shift_left3A_1039 : i32 to vector<16xi32>
            %shift_left3A_1041 = arith.shli %get3A_1038, %shift_left3A_1040 : vector<16xi32>
            %bitcast_convert_type3A_1042 = tpu.bitcast %shift_left3A_1041 : vector<16xi32> -> vector<16xf32>
            %and3A_1043 = arith.constant -65536 : i32
            %and3A_1044 = vector.broadcast %and3A_1043 : i32 to vector<16xi32>
            %and3A_1045 = arith.andi %get3A_1038, %and3A_1044 : vector<16xi32>
            %bitcast_convert_type3A_1046 = tpu.bitcast %and3A_1045 : vector<16xi32> -> vector<16xf32>
            %mul3A_1047 = arith.mulf %gather3A_1016, %bitcast_convert_type3A_1042 : vector<16xf32>
            %add3A_1048 = arith.addf %add3A_910, %mul3A_1047 : vector<16xf32>
            %mul3A_1049 = arith.mulf %gather3A_1016, %bitcast_convert_type3A_1046 : vector<16xf32>
            %add3A_1050 = arith.addf %add3A_912, %mul3A_1049 : vector<16xf32>
            %get3A_1051 = arith.index_cast %add3A_1018 : i32 to index
            %get3A_1052 = arith.constant 32 : index
            %get3A_1053 = tpu.vector_load %arg21[%get3A_1051, %get3A_1052] {strides = array<i32>} : memref<128x128xi32, #tpu.memory_space<vmem>>, vector<1x16xi32>,
            %get3A_1054 = vector.shape_cast %get3A_1053 : vector<1x16xi32> to vector<16xi32>
            %shift_left3A_1055 = arith.constant 16 : i32
            %shift_left3A_1056 = vector.broadcast %shift_left3A_1055 : i32 to vector<16xi32>
            %shift_left3A_1057 = arith.shli %get3A_1054, %shift_left3A_1056 : vector<16xi32>
            %bitcast_convert_type3A_1058 = tpu.bitcast %shift_left3A_1057 : vector<16xi32> -> vector<16xf32>
            %and3A_1059 = arith.constant -65536 : i32
            %and3A_1060 = vector.broadcast %and3A_1059 : i32 to vector<16xi32>
            %and3A_1061 = arith.andi %get3A_1054, %and3A_1060 : vector<16xi32>
            %bitcast_convert_type3A_1062 = tpu.bitcast %and3A_1061 : vector<16xi32> -> vector<16xf32>
            %mul3A_1063 = arith.mulf %gather3A_1016, %bitcast_convert_type3A_1058 : vector<16xf32>
            %add3A_1064 = arith.addf %add3A_926, %mul3A_1063 : vector<16xf32>
            %mul3A_1065 = arith.mulf %gather3A_1016, %bitcast_convert_type3A_1062 : vector<16xf32>
            %add3A_1066 = arith.addf %add3A_928, %mul3A_1065 : vector<16xf32>
            %get3A_1067 = arith.index_cast %add3A_1018 : i32 to index
            %get3A_1068 = arith.constant 48 : index
            %get3A_1069 = tpu.vector_load %arg21[%get3A_1067, %get3A_1068] {strides = array<i32>} : memref<128x128xi32, #tpu.memory_space<vmem>>, vector<1x16xi32>,
            %get3A_1070 = vector.shape_cast %get3A_1069 : vector<1x16xi32> to vector<16xi32>
            %shift_left3A_1071 = arith.constant 16 : i32
            %shift_left3A_1072 = vector.broadcast %shift_left3A_1071 : i32 to vector<16xi32>
            %shift_left3A_1073 = arith.shli %get3A_1070, %shift_left3A_1072 : vector<16xi32>
            %bitcast_convert_type3A_1074 = tpu.bitcast %shift_left3A_1073 : vector<16xi32> -> vector<16xf32>
            %and3A_1075 = arith.constant -65536 : i32
            %and3A_1076 = vector.broadcast %and3A_1075 : i32 to vector<16xi32>
            %and3A_1077 = arith.andi %get3A_1070, %and3A_1076 : vector<16xi32>
            %bitcast_convert_type3A_1078 = tpu.bitcast %and3A_1077 : vector<16xi32> -> vector<16xf32>
            %mul3A_1079 = arith.mulf %gather3A_1016, %bitcast_convert_type3A_1074 : vector<16xf32>
            %add3A_1080 = arith.addf %add3A_942, %mul3A_1079 : vector<16xf32>
            %mul3A_1081 = arith.mulf %gather3A_1016, %bitcast_convert_type3A_1078 : vector<16xf32>
            %add3A_1082 = arith.addf %add3A_944, %mul3A_1081 : vector<16xf32>
            %get3A_1083 = arith.index_cast %add3A_1018 : i32 to index
            %get3A_1084 = arith.constant 64 : index
            %get3A_1085 = tpu.vector_load %arg21[%get3A_1083, %get3A_1084] {strides = array<i32>} : memref<128x128xi32, #tpu.memory_space<vmem>>, vector<1x16xi32>,
            %get3A_1086 = vector.shape_cast %get3A_1085 : vector<1x16xi32> to vector<16xi32>
            %shift_left3A_1087 = arith.constant 16 : i32
            %shift_left3A_1088 = vector.broadcast %shift_left3A_1087 : i32 to vector<16xi32>
            %shift_left3A_1089 = arith.shli %get3A_1086, %shift_left3A_1088 : vector<16xi32>
            %bitcast_convert_type3A_1090 = tpu.bitcast %shift_left3A_1089 : vector<16xi32> -> vector<16xf32>
            %and3A_1091 = arith.constant -65536 : i32
            %and3A_1092 = vector.broadcast %and3A_1091 : i32 to vector<16xi32>
            %and3A_1093 = arith.andi %get3A_1086, %and3A_1092 : vector<16xi32>
            %bitcast_convert_type3A_1094 = tpu.bitcast %and3A_1093 : vector<16xi32> -> vector<16xf32>
            %mul3A_1095 = arith.mulf %gather3A_1016, %bitcast_convert_type3A_1090 : vector<16xf32>
            %add3A_1096 = arith.addf %add3A_958, %mul3A_1095 : vector<16xf32>
            %mul3A_1097 = arith.mulf %gather3A_1016, %bitcast_convert_type3A_1094 : vector<16xf32>
            %add3A_1098 = arith.addf %add3A_960, %mul3A_1097 : vector<16xf32>
            %get3A_1099 = arith.index_cast %add3A_1018 : i32 to index
            %get3A_1100 = arith.constant 80 : index
            %get3A_1101 = tpu.vector_load %arg21[%get3A_1099, %get3A_1100] {strides = array<i32>} : memref<128x128xi32, #tpu.memory_space<vmem>>, vector<1x16xi32>,
            %get3A_1102 = vector.shape_cast %get3A_1101 : vector<1x16xi32> to vector<16xi32>
            %shift_left3A_1103 = arith.constant 16 : i32
            %shift_left3A_1104 = vector.broadcast %shift_left3A_1103 : i32 to vector<16xi32>
            %shift_left3A_1105 = arith.shli %get3A_1102, %shift_left3A_1104 : vector<16xi32>
            %bitcast_convert_type3A_1106 = tpu.bitcast %shift_left3A_1105 : vector<16xi32> -> vector<16xf32>
            %and3A_1107 = arith.constant -65536 : i32
            %and3A_1108 = vector.broadcast %and3A_1107 : i32 to vector<16xi32>
            %and3A_1109 = arith.andi %get3A_1102, %and3A_1108 : vector<16xi32>
            %bitcast_convert_type3A_1110 = tpu.bitcast %and3A_1109 : vector<16xi32> -> vector<16xf32>
            %mul3A_1111 = arith.mulf %gather3A_1016, %bitcast_convert_type3A_1106 : vector<16xf32>
            %add3A_1112 = arith.addf %add3A_974, %mul3A_1111 : vector<16xf32>
            %mul3A_1113 = arith.mulf %gather3A_1016, %bitcast_convert_type3A_1110 : vector<16xf32>
            %add3A_1114 = arith.addf %add3A_976, %mul3A_1113 : vector<16xf32>
            %get3A_1115 = arith.index_cast %add3A_1018 : i32 to index
            %get3A_1116 = arith.constant 96 : index
            %get3A_1117 = tpu.vector_load %arg21[%get3A_1115, %get3A_1116] {strides = array<i32>} : memref<128x128xi32, #tpu.memory_space<vmem>>, vector<1x16xi32>,
            %get3A_1118 = vector.shape_cast %get3A_1117 : vector<1x16xi32> to vector<16xi32>
            %shift_left3A_1119 = arith.constant 16 : i32
            %shift_left3A_1120 = vector.broadcast %shift_left3A_1119 : i32 to vector<16xi32>
            %shift_left3A_1121 = arith.shli %get3A_1118, %shift_left3A_1120 : vector<16xi32>
            %bitcast_convert_type3A_1122 = tpu.bitcast %shift_left3A_1121 : vector<16xi32> -> vector<16xf32>
            %and3A_1123 = arith.constant -65536 : i32
            %and3A_1124 = vector.broadcast %and3A_1123 : i32 to vector<16xi32>
            %and3A_1125 = arith.andi %get3A_1118, %and3A_1124 : vector<16xi32>
            %bitcast_convert_type3A_1126 = tpu.bitcast %and3A_1125 : vector<16xi32> -> vector<16xf32>
            %mul3A_1127 = arith.mulf %gather3A_1016, %bitcast_convert_type3A_1122 : vector<16xf32>
            %add3A_1128 = arith.addf %add3A_990, %mul3A_1127 : vector<16xf32>
            %mul3A_1129 = arith.mulf %gather3A_1016, %bitcast_convert_type3A_1126 : vector<16xf32>
            %add3A_1130 = arith.addf %add3A_992, %mul3A_1129 : vector<16xf32>
            %get3A_1131 = arith.index_cast %add3A_1018 : i32 to index
            %get3A_1132 = arith.constant 112 : index
            %get3A_1133 = tpu.vector_load %arg21[%get3A_1131, %get3A_1132] {strides = array<i32>} : memref<128x128xi32, #tpu.memory_space<vmem>>, vector<1x16xi32>,
            %get3A_1134 = vector.shape_cast %get3A_1133 : vector<1x16xi32> to vector<16xi32>
            %shift_left3A_1135 = arith.constant 16 : i32
            %shift_left3A_1136 = vector.broadcast %shift_left3A_1135 : i32 to vector<16xi32>
            %shift_left3A_1137 = arith.shli %get3A_1134, %shift_left3A_1136 : vector<16xi32>
            %bitcast_convert_type3A_1138 = tpu.bitcast %shift_left3A_1137 : vector<16xi32> -> vector<16xf32>
            %and3A_1139 = arith.constant -65536 : i32
            %and3A_1140 = vector.broadcast %and3A_1139 : i32 to vector<16xi32>
            %and3A_1141 = arith.andi %get3A_1134, %and3A_1140 : vector<16xi32>
            %bitcast_convert_type3A_1142 = tpu.bitcast %and3A_1141 : vector<16xi32> -> vector<16xf32>
            %mul3A_1143 = arith.mulf %gather3A_1016, %bitcast_convert_type3A_1138 : vector<16xf32>
            %add3A_1144 = arith.addf %add3A_1006, %mul3A_1143 : vector<16xf32>
            %mul3A_1145 = arith.mulf %gather3A_1016, %bitcast_convert_type3A_1142 : vector<16xf32>
            %add3A_1146 = arith.addf %add3A_1008, %mul3A_1145 : vector<16xf32>
            %add3A_1147 = arith.constant 4 : i32
            %add3A_1148 = arith.addi %add3A_1147, %shift_right_arithmetic3A_859 : i32
            %get3A_1149 = arith.index_cast %add3A_1148 : i32 to index
            %get3A_1150 = arith.constant 0 : index
            %get3A_1151 = tpu.vector_load %arg19[%get3A_1149, %get3A_1150] {strides = array<i32>} : memref<8x16xf32, #tpu.memory_space<vmem>>, vector<1x16xf32>,
            %get3A_1152 = vector.shape_cast %get3A_1151 : vector<1x16xf32> to vector<16xf32>
            %gather3A_1153 = vector.shape_cast %broadcast_in_dim3A_869 : vector<16x1xi32> to vector<16xi32>
            %gather3A_1154 = tpu.dynamic_gather %get3A_1152[%gather3A_1153] in [0] : vector<16xf32>, vector<16xi32> -> vector<16xf32>
            %add3A_1155 = arith.constant 64 : i32
            %add3A_1156 = arith.addi %add3A_872, %add3A_1155 : i32
            %get3A_1157 = arith.index_cast %add3A_1156 : i32 to index
            %get3A_1158 = arith.constant 0 : index
            %get3A_1159 = tpu.vector_load %arg21[%get3A_1157, %get3A_1158] {strides = array<i32>} : memref<128x128xi32, #tpu.memory_space<vmem>>, vector<1x16xi32>,
            %get3A_1160 = vector.shape_cast %get3A_1159 : vector<1x16xi32> to vector<16xi32>
            %shift_left3A_1161 = arith.constant 16 : i32
            %shift_left3A_1162 = vector.broadcast %shift_left3A_1161 : i32 to vector<16xi32>
            %shift_left3A_1163 = arith.shli %get3A_1160, %shift_left3A_1162 : vector<16xi32>
            %bitcast_convert_type3A_1164 = tpu.bitcast %shift_left3A_1163 : vector<16xi32> -> vector<16xf32>
            %and3A_1165 = arith.constant -65536 : i32
            %and3A_1166 = vector.broadcast %and3A_1165 : i32 to vector<16xi32>
            %and3A_1167 = arith.andi %get3A_1160, %and3A_1166 : vector<16xi32>
            %bitcast_convert_type3A_1168 = tpu.bitcast %and3A_1167 : vector<16xi32> -> vector<16xf32>
            %mul3A_1169 = arith.mulf %gather3A_1154, %bitcast_convert_type3A_1164 : vector<16xf32>
            %add3A_1170 = arith.addf %add3A_1032, %mul3A_1169 : vector<16xf32>
            %mul3A_1171 = arith.mulf %gather3A_1154, %bitcast_convert_type3A_1168 : vector<16xf32>
            %add3A_1172 = arith.addf %add3A_1034, %mul3A_1171 : vector<16xf32>
            %get3A_1173 = arith.index_cast %add3A_1156 : i32 to index
            %get3A_1174 = arith.constant 16 : index
            %get3A_1175 = tpu.vector_load %arg21[%get3A_1173, %get3A_1174] {strides = array<i32>} : memref<128x128xi32, #tpu.memory_space<vmem>>, vector<1x16xi32>,
            %get3A_1176 = vector.shape_cast %get3A_1175 : vector<1x16xi32> to vector<16xi32>
            %shift_left3A_1177 = arith.constant 16 : i32
            %shift_left3A_1178 = vector.broadcast %shift_left3A_1177 : i32 to vector<16xi32>
            %shift_left3A_1179 = arith.shli %get3A_1176, %shift_left3A_1178 : vector<16xi32>
            %bitcast_convert_type3A_1180 = tpu.bitcast %shift_left3A_1179 : vector<16xi32> -> vector<16xf32>
            %and3A_1181 = arith.constant -65536 : i32
            %and3A_1182 = vector.broadcast %and3A_1181 : i32 to vector<16xi32>
            %and3A_1183 = arith.andi %get3A_1176, %and3A_1182 : vector<16xi32>
            %bitcast_convert_type3A_1184 = tpu.bitcast %and3A_1183 : vector<16xi32> -> vector<16xf32>
            %mul3A_1185 = arith.mulf %gather3A_1154, %bitcast_convert_type3A_1180 : vector<16xf32>
            %add3A_1186 = arith.addf %add3A_1048, %mul3A_1185 : vector<16xf32>
            %mul3A_1187 = arith.mulf %gather3A_1154, %bitcast_convert_type3A_1184 : vector<16xf32>
            %add3A_1188 = arith.addf %add3A_1050, %mul3A_1187 : vector<16xf32>
            %get3A_1189 = arith.index_cast %add3A_1156 : i32 to index
            %get3A_1190 = arith.constant 32 : index
            %get3A_1191 = tpu.vector_load %arg21[%get3A_1189, %get3A_1190] {strides = array<i32>} : memref<128x128xi32, #tpu.memory_space<vmem>>, vector<1x16xi32>,
            %get3A_1192 = vector.shape_cast %get3A_1191 : vector<1x16xi32> to vector<16xi32>
            %shift_left3A_1193 = arith.constant 16 : i32
            %shift_left3A_1194 = vector.broadcast %shift_left3A_1193 : i32 to vector<16xi32>
            %shift_left3A_1195 = arith.shli %get3A_1192, %shift_left3A_1194 : vector<16xi32>
            %bitcast_convert_type3A_1196 = tpu.bitcast %shift_left3A_1195 : vector<16xi32> -> vector<16xf32>
            %and3A_1197 = arith.constant -65536 : i32
            %and3A_1198 = vector.broadcast %and3A_1197 : i32 to vector<16xi32>
            %and3A_1199 = arith.andi %get3A_1192, %and3A_1198 : vector<16xi32>
            %bitcast_convert_type3A_1200 = tpu.bitcast %and3A_1199 : vector<16xi32> -> vector<16xf32>
            %mul3A_1201 = arith.mulf %gather3A_1154, %bitcast_convert_type3A_1196 : vector<16xf32>
            %add3A_1202 = arith.addf %add3A_1064, %mul3A_1201 : vector<16xf32>
            %mul3A_1203 = arith.mulf %gather3A_1154, %bitcast_convert_type3A_1200 : vector<16xf32>
            %add3A_1204 = arith.addf %add3A_1066, %mul3A_1203 : vector<16xf32>
            %get3A_1205 = arith.index_cast %add3A_1156 : i32 to index
            %get3A_1206 = arith.constant 48 : index
            %get3A_1207 = tpu.vector_load %arg21[%get3A_1205, %get3A_1206] {strides = array<i32>} : memref<128x128xi32, #tpu.memory_space<vmem>>, vector<1x16xi32>,
            %get3A_1208 = vector.shape_cast %get3A_1207 : vector<1x16xi32> to vector<16xi32>
            %shift_left3A_1209 = arith.constant 16 : i32
            %shift_left3A_1210 = vector.broadcast %shift_left3A_1209 : i32 to vector<16xi32>
            %shift_left3A_1211 = arith.shli %get3A_1208, %shift_left3A_1210 : vector<16xi32>
            %bitcast_convert_type3A_1212 = tpu.bitcast %shift_left3A_1211 : vector<16xi32> -> vector<16xf32>
            %and3A_1213 = arith.constant -65536 : i32
            %and3A_1214 = vector.broadcast %and3A_1213 : i32 to vector<16xi32>
            %and3A_1215 = arith.andi %get3A_1208, %and3A_1214 : vector<16xi32>
            %bitcast_convert_type3A_1216 = tpu.bitcast %and3A_1215 : vector<16xi32> -> vector<16xf32>
            %mul3A_1217 = arith.mulf %gather3A_1154, %bitcast_convert_type3A_1212 : vector<16xf32>
            %add3A_1218 = arith.addf %add3A_1080, %mul3A_1217 : vector<16xf32>
            %mul3A_1219 = arith.mulf %gather3A_1154, %bitcast_convert_type3A_1216 : vector<16xf32>
            %add3A_1220 = arith.addf %add3A_1082, %mul3A_1219 : vector<16xf32>
            %get3A_1221 = arith.index_cast %add3A_1156 : i32 to index
            %get3A_1222 = arith.constant 64 : index
            %get3A_1223 = tpu.vector_load %arg21[%get3A_1221, %get3A_1222] {strides = array<i32>} : memref<128x128xi32, #tpu.memory_space<vmem>>, vector<1x16xi32>,
            %get3A_1224 = vector.shape_cast %get3A_1223 : vector<1x16xi32> to vector<16xi32>
            %shift_left3A_1225 = arith.constant 16 : i32
            %shift_left3A_1226 = vector.broadcast %shift_left3A_1225 : i32 to vector<16xi32>
            %shift_left3A_1227 = arith.shli %get3A_1224, %shift_left3A_1226 : vector<16xi32>
            %bitcast_convert_type3A_1228 = tpu.bitcast %shift_left3A_1227 : vector<16xi32> -> vector<16xf32>
            %and3A_1229 = arith.constant -65536 : i32
            %and3A_1230 = vector.broadcast %and3A_1229 : i32 to vector<16xi32>
            %and3A_1231 = arith.andi %get3A_1224, %and3A_1230 : vector<16xi32>
            %bitcast_convert_type3A_1232 = tpu.bitcast %and3A_1231 : vector<16xi32> -> vector<16xf32>
            %mul3A_1233 = arith.mulf %gather3A_1154, %bitcast_convert_type3A_1228 : vector<16xf32>
            %add3A_1234 = arith.addf %add3A_1096, %mul3A_1233 : vector<16xf32>
            %mul3A_1235 = arith.mulf %gather3A_1154, %bitcast_convert_type3A_1232 : vector<16xf32>
            %add3A_1236 = arith.addf %add3A_1098, %mul3A_1235 : vector<16xf32>
            %get3A_1237 = arith.index_cast %add3A_1156 : i32 to index
            %get3A_1238 = arith.constant 80 : index
            %get3A_1239 = tpu.vector_load %arg21[%get3A_1237, %get3A_1238] {strides = array<i32>} : memref<128x128xi32, #tpu.memory_space<vmem>>, vector<1x16xi32>,
            %get3A_1240 = vector.shape_cast %get3A_1239 : vector<1x16xi32> to vector<16xi32>
            %shift_left3A_1241 = arith.constant 16 : i32
            %shift_left3A_1242 = vector.broadcast %shift_left3A_1241 : i32 to vector<16xi32>
            %shift_left3A_1243 = arith.shli %get3A_1240, %shift_left3A_1242 : vector<16xi32>
            %bitcast_convert_type3A_1244 = tpu.bitcast %shift_left3A_1243 : vector<16xi32> -> vector<16xf32>
            %and3A_1245 = arith.constant -65536 : i32
            %and3A_1246 = vector.broadcast %and3A_1245 : i32 to vector<16xi32>
            %and3A_1247 = arith.andi %get3A_1240, %and3A_1246 : vector<16xi32>
            %bitcast_convert_type3A_1248 = tpu.bitcast %and3A_1247 : vector<16xi32> -> vector<16xf32>
            %mul3A_1249 = arith.mulf %gather3A_1154, %bitcast_convert_type3A_1244 : vector<16xf32>
            %add3A_1250 = arith.addf %add3A_1112, %mul3A_1249 : vector<16xf32>
            %mul3A_1251 = arith.mulf %gather3A_1154, %bitcast_convert_type3A_1248 : vector<16xf32>
            %add3A_1252 = arith.addf %add3A_1114, %mul3A_1251 : vector<16xf32>
            %get3A_1253 = arith.index_cast %add3A_1156 : i32 to index
            %get3A_1254 = arith.constant 96 : index
            %get3A_1255 = tpu.vector_load %arg21[%get3A_1253, %get3A_1254] {strides = array<i32>} : memref<128x128xi32, #tpu.memory_space<vmem>>, vector<1x16xi32>,
            %get3A_1256 = vector.shape_cast %get3A_1255 : vector<1x16xi32> to vector<16xi32>
            %shift_left3A_1257 = arith.constant 16 : i32
            %shift_left3A_1258 = vector.broadcast %shift_left3A_1257 : i32 to vector<16xi32>
            %shift_left3A_1259 = arith.shli %get3A_1256, %shift_left3A_1258 : vector<16xi32>
            %bitcast_convert_type3A_1260 = tpu.bitcast %shift_left3A_1259 : vector<16xi32> -> vector<16xf32>
            %and3A_1261 = arith.constant -65536 : i32
            %and3A_1262 = vector.broadcast %and3A_1261 : i32 to vector<16xi32>
            %and3A_1263 = arith.andi %get3A_1256, %and3A_1262 : vector<16xi32>
            %bitcast_convert_type3A_1264 = tpu.bitcast %and3A_1263 : vector<16xi32> -> vector<16xf32>
            %mul3A_1265 = arith.mulf %gather3A_1154, %bitcast_convert_type3A_1260 : vector<16xf32>
            %add3A_1266 = arith.addf %add3A_1128, %mul3A_1265 : vector<16xf32>
            %mul3A_1267 = arith.mulf %gather3A_1154, %bitcast_convert_type3A_1264 : vector<16xf32>
            %add3A_1268 = arith.addf %add3A_1130, %mul3A_1267 : vector<16xf32>
            %get3A_1269 = arith.index_cast %add3A_1156 : i32 to index
            %get3A_1270 = arith.constant 112 : index
            %get3A_1271 = tpu.vector_load %arg21[%get3A_1269, %get3A_1270] {strides = array<i32>} : memref<128x128xi32, #tpu.memory_space<vmem>>, vector<1x16xi32>,
            %get3A_1272 = vector.shape_cast %get3A_1271 : vector<1x16xi32> to vector<16xi32>
            %shift_left3A_1273 = arith.constant 16 : i32
            %shift_left3A_1274 = vector.broadcast %shift_left3A_1273 : i32 to vector<16xi32>
            %shift_left3A_1275 = arith.shli %get3A_1272, %shift_left3A_1274 : vector<16xi32>
            %bitcast_convert_type3A_1276 = tpu.bitcast %shift_left3A_1275 : vector<16xi32> -> vector<16xf32>
            %and3A_1277 = arith.constant -65536 : i32
            %and3A_1278 = vector.broadcast %and3A_1277 : i32 to vector<16xi32>
            %and3A_1279 = arith.andi %get3A_1272, %and3A_1278 : vector<16xi32>
            %bitcast_convert_type3A_1280 = tpu.bitcast %and3A_1279 : vector<16xi32> -> vector<16xf32>
            %mul3A_1281 = arith.mulf %gather3A_1154, %bitcast_convert_type3A_1276 : vector<16xf32>
            %add3A_1282 = arith.addf %add3A_1144, %mul3A_1281 : vector<16xf32>
            %mul3A_1283 = arith.mulf %gather3A_1154, %bitcast_convert_type3A_1280 : vector<16xf32>
            %add3A_1284 = arith.addf %add3A_1146, %mul3A_1283 : vector<16xf32>
            %add3A_1285 = arith.constant 6 : i32
            %add3A_1286 = arith.addi %add3A_1285, %shift_right_arithmetic3A_859 : i32
            %get3A_1287 = arith.index_cast %add3A_1286 : i32 to index
            %get3A_1288 = arith.constant 0 : index
            %get3A_1289 = tpu.vector_load %arg19[%get3A_1287, %get3A_1288] {strides = array<i32>} : memref<8x16xf32, #tpu.memory_space<vmem>>, vector<1x16xf32>,
            %get3A_1290 = vector.shape_cast %get3A_1289 : vector<1x16xf32> to vector<16xf32>
            %gather3A_1291 = vector.shape_cast %broadcast_in_dim3A_869 : vector<16x1xi32> to vector<16xi32>
            %gather3A_1292 = tpu.dynamic_gather %get3A_1290[%gather3A_1291] in [0] : vector<16xf32>, vector<16xi32> -> vector<16xf32>
            %add3A_1293 = arith.constant 96 : i32
            %add3A_1294 = arith.addi %add3A_872, %add3A_1293 : i32
            %get3A_1295 = arith.index_cast %add3A_1294 : i32 to index
            %get3A_1296 = arith.constant 0 : index
            %get3A_1297 = tpu.vector_load %arg21[%get3A_1295, %get3A_1296] {strides = array<i32>} : memref<128x128xi32, #tpu.memory_space<vmem>>, vector<1x16xi32>,
            %get3A_1298 = vector.shape_cast %get3A_1297 : vector<1x16xi32> to vector<16xi32>
            %shift_left3A_1299 = arith.constant 16 : i32
            %shift_left3A_1300 = vector.broadcast %shift_left3A_1299 : i32 to vector<16xi32>
            %shift_left3A_1301 = arith.shli %get3A_1298, %shift_left3A_1300 : vector<16xi32>
            %bitcast_convert_type3A_1302 = tpu.bitcast %shift_left3A_1301 : vector<16xi32> -> vector<16xf32>
            %and3A_1303 = arith.constant -65536 : i32
            %and3A_1304 = vector.broadcast %and3A_1303 : i32 to vector<16xi32>
            %and3A_1305 = arith.andi %get3A_1298, %and3A_1304 : vector<16xi32>
            %bitcast_convert_type3A_1306 = tpu.bitcast %and3A_1305 : vector<16xi32> -> vector<16xf32>
            %mul3A_1307 = arith.mulf %gather3A_1292, %bitcast_convert_type3A_1302 : vector<16xf32>
            %add3A_1308 = arith.addf %add3A_1170, %mul3A_1307 : vector<16xf32>
            %mul3A_1309 = arith.mulf %gather3A_1292, %bitcast_convert_type3A_1306 : vector<16xf32>
            %add3A_1310 = arith.addf %add3A_1172, %mul3A_1309 : vector<16xf32>
            %get3A_1311 = arith.index_cast %add3A_1294 : i32 to index
            %get3A_1312 = arith.constant 16 : index
            %get3A_1313 = tpu.vector_load %arg21[%get3A_1311, %get3A_1312] {strides = array<i32>} : memref<128x128xi32, #tpu.memory_space<vmem>>, vector<1x16xi32>,
            %get3A_1314 = vector.shape_cast %get3A_1313 : vector<1x16xi32> to vector<16xi32>
            %shift_left3A_1315 = arith.constant 16 : i32
            %shift_left3A_1316 = vector.broadcast %shift_left3A_1315 : i32 to vector<16xi32>
            %shift_left3A_1317 = arith.shli %get3A_1314, %shift_left3A_1316 : vector<16xi32>
            %bitcast_convert_type3A_1318 = tpu.bitcast %shift_left3A_1317 : vector<16xi32> -> vector<16xf32>
            %and3A_1319 = arith.constant -65536 : i32
            %and3A_1320 = vector.broadcast %and3A_1319 : i32 to vector<16xi32>
            %and3A_1321 = arith.andi %get3A_1314, %and3A_1320 : vector<16xi32>
            %bitcast_convert_type3A_1322 = tpu.bitcast %and3A_1321 : vector<16xi32> -> vector<16xf32>
            %mul3A_1323 = arith.mulf %gather3A_1292, %bitcast_convert_type3A_1318 : vector<16xf32>
            %add3A_1324 = arith.addf %add3A_1186, %mul3A_1323 : vector<16xf32>
            %mul3A_1325 = arith.mulf %gather3A_1292, %bitcast_convert_type3A_1322 : vector<16xf32>
            %add3A_1326 = arith.addf %add3A_1188, %mul3A_1325 : vector<16xf32>
            %get3A_1327 = arith.index_cast %add3A_1294 : i32 to index
            %get3A_1328 = arith.constant 32 : index
            %get3A_1329 = tpu.vector_load %arg21[%get3A_1327, %get3A_1328] {strides = array<i32>} : memref<128x128xi32, #tpu.memory_space<vmem>>, vector<1x16xi32>,
            %get3A_1330 = vector.shape_cast %get3A_1329 : vector<1x16xi32> to vector<16xi32>
            %shift_left3A_1331 = arith.constant 16 : i32
            %shift_left3A_1332 = vector.broadcast %shift_left3A_1331 : i32 to vector<16xi32>
            %shift_left3A_1333 = arith.shli %get3A_1330, %shift_left3A_1332 : vector<16xi32>
            %bitcast_convert_type3A_1334 = tpu.bitcast %shift_left3A_1333 : vector<16xi32> -> vector<16xf32>
            %and3A_1335 = arith.constant -65536 : i32
            %and3A_1336 = vector.broadcast %and3A_1335 : i32 to vector<16xi32>
            %and3A_1337 = arith.andi %get3A_1330, %and3A_1336 : vector<16xi32>
            %bitcast_convert_type3A_1338 = tpu.bitcast %and3A_1337 : vector<16xi32> -> vector<16xf32>
            %mul3A_1339 = arith.mulf %gather3A_1292, %bitcast_convert_type3A_1334 : vector<16xf32>
            %add3A_1340 = arith.addf %add3A_1202, %mul3A_1339 : vector<16xf32>
            %mul3A_1341 = arith.mulf %gather3A_1292, %bitcast_convert_type3A_1338 : vector<16xf32>
            %add3A_1342 = arith.addf %add3A_1204, %mul3A_1341 : vector<16xf32>
            %get3A_1343 = arith.index_cast %add3A_1294 : i32 to index
            %get3A_1344 = arith.constant 48 : index
            %get3A_1345 = tpu.vector_load %arg21[%get3A_1343, %get3A_1344] {strides = array<i32>} : memref<128x128xi32, #tpu.memory_space<vmem>>, vector<1x16xi32>,
            %get3A_1346 = vector.shape_cast %get3A_1345 : vector<1x16xi32> to vector<16xi32>
            %shift_left3A_1347 = arith.constant 16 : i32
            %shift_left3A_1348 = vector.broadcast %shift_left3A_1347 : i32 to vector<16xi32>
            %shift_left3A_1349 = arith.shli %get3A_1346, %shift_left3A_1348 : vector<16xi32>
            %bitcast_convert_type3A_1350 = tpu.bitcast %shift_left3A_1349 : vector<16xi32> -> vector<16xf32>
            %and3A_1351 = arith.constant -65536 : i32
            %and3A_1352 = vector.broadcast %and3A_1351 : i32 to vector<16xi32>
            %and3A_1353 = arith.andi %get3A_1346, %and3A_1352 : vector<16xi32>
            %bitcast_convert_type3A_1354 = tpu.bitcast %and3A_1353 : vector<16xi32> -> vector<16xf32>
            %mul3A_1355 = arith.mulf %gather3A_1292, %bitcast_convert_type3A_1350 : vector<16xf32>
            %add3A_1356 = arith.addf %add3A_1218, %mul3A_1355 : vector<16xf32>
            %mul3A_1357 = arith.mulf %gather3A_1292, %bitcast_convert_type3A_1354 : vector<16xf32>
            %add3A_1358 = arith.addf %add3A_1220, %mul3A_1357 : vector<16xf32>
            %get3A_1359 = arith.index_cast %add3A_1294 : i32 to index
            %get3A_1360 = arith.constant 64 : index
            %get3A_1361 = tpu.vector_load %arg21[%get3A_1359, %get3A_1360] {strides = array<i32>} : memref<128x128xi32, #tpu.memory_space<vmem>>, vector<1x16xi32>,
            %get3A_1362 = vector.shape_cast %get3A_1361 : vector<1x16xi32> to vector<16xi32>
            %shift_left3A_1363 = arith.constant 16 : i32
            %shift_left3A_1364 = vector.broadcast %shift_left3A_1363 : i32 to vector<16xi32>
            %shift_left3A_1365 = arith.shli %get3A_1362, %shift_left3A_1364 : vector<16xi32>
            %bitcast_convert_type3A_1366 = tpu.bitcast %shift_left3A_1365 : vector<16xi32> -> vector<16xf32>
            %and3A_1367 = arith.constant -65536 : i32
            %and3A_1368 = vector.broadcast %and3A_1367 : i32 to vector<16xi32>
            %and3A_1369 = arith.andi %get3A_1362, %and3A_1368 : vector<16xi32>
            %bitcast_convert_type3A_1370 = tpu.bitcast %and3A_1369 : vector<16xi32> -> vector<16xf32>
            %mul3A_1371 = arith.mulf %gather3A_1292, %bitcast_convert_type3A_1366 : vector<16xf32>
            %add3A_1372 = arith.addf %add3A_1234, %mul3A_1371 : vector<16xf32>
            %mul3A_1373 = arith.mulf %gather3A_1292, %bitcast_convert_type3A_1370 : vector<16xf32>
            %add3A_1374 = arith.addf %add3A_1236, %mul3A_1373 : vector<16xf32>
            %get3A_1375 = arith.index_cast %add3A_1294 : i32 to index
            %get3A_1376 = arith.constant 80 : index
            %get3A_1377 = tpu.vector_load %arg21[%get3A_1375, %get3A_1376] {strides = array<i32>} : memref<128x128xi32, #tpu.memory_space<vmem>>, vector<1x16xi32>,
            %get3A_1378 = vector.shape_cast %get3A_1377 : vector<1x16xi32> to vector<16xi32>
            %shift_left3A_1379 = arith.constant 16 : i32
            %shift_left3A_1380 = vector.broadcast %shift_left3A_1379 : i32 to vector<16xi32>
            %shift_left3A_1381 = arith.shli %get3A_1378, %shift_left3A_1380 : vector<16xi32>
            %bitcast_convert_type3A_1382 = tpu.bitcast %shift_left3A_1381 : vector<16xi32> -> vector<16xf32>
            %and3A_1383 = arith.constant -65536 : i32
            %and3A_1384 = vector.broadcast %and3A_1383 : i32 to vector<16xi32>
            %and3A_1385 = arith.andi %get3A_1378, %and3A_1384 : vector<16xi32>
            %bitcast_convert_type3A_1386 = tpu.bitcast %and3A_1385 : vector<16xi32> -> vector<16xf32>
            %mul3A_1387 = arith.mulf %gather3A_1292, %bitcast_convert_type3A_1382 : vector<16xf32>
            %add3A_1388 = arith.addf %add3A_1250, %mul3A_1387 : vector<16xf32>
            %mul3A_1389 = arith.mulf %gather3A_1292, %bitcast_convert_type3A_1386 : vector<16xf32>
            %add3A_1390 = arith.addf %add3A_1252, %mul3A_1389 : vector<16xf32>
            %get3A_1391 = arith.index_cast %add3A_1294 : i32 to index
            %get3A_1392 = arith.constant 96 : index
            %get3A_1393 = tpu.vector_load %arg21[%get3A_1391, %get3A_1392] {strides = array<i32>} : memref<128x128xi32, #tpu.memory_space<vmem>>, vector<1x16xi32>,
            %get3A_1394 = vector.shape_cast %get3A_1393 : vector<1x16xi32> to vector<16xi32>
            %shift_left3A_1395 = arith.constant 16 : i32
            %shift_left3A_1396 = vector.broadcast %shift_left3A_1395 : i32 to vector<16xi32>
            %shift_left3A_1397 = arith.shli %get3A_1394, %shift_left3A_1396 : vector<16xi32>
            %bitcast_convert_type3A_1398 = tpu.bitcast %shift_left3A_1397 : vector<16xi32> -> vector<16xf32>
            %and3A_1399 = arith.constant -65536 : i32
            %and3A_1400 = vector.broadcast %and3A_1399 : i32 to vector<16xi32>
            %and3A_1401 = arith.andi %get3A_1394, %and3A_1400 : vector<16xi32>
            %bitcast_convert_type3A_1402 = tpu.bitcast %and3A_1401 : vector<16xi32> -> vector<16xf32>
            %mul3A_1403 = arith.mulf %gather3A_1292, %bitcast_convert_type3A_1398 : vector<16xf32>
            %add3A_1404 = arith.addf %add3A_1266, %mul3A_1403 : vector<16xf32>
            %mul3A_1405 = arith.mulf %gather3A_1292, %bitcast_convert_type3A_1402 : vector<16xf32>
            %add3A_1406 = arith.addf %add3A_1268, %mul3A_1405 : vector<16xf32>
            %get3A_1407 = arith.index_cast %add3A_1294 : i32 to index
            %get3A_1408 = arith.constant 112 : index
            %get3A_1409 = tpu.vector_load %arg21[%get3A_1407, %get3A_1408] {strides = array<i32>} : memref<128x128xi32, #tpu.memory_space<vmem>>, vector<1x16xi32>,
            %get3A_1410 = vector.shape_cast %get3A_1409 : vector<1x16xi32> to vector<16xi32>
            %shift_left3A_1411 = arith.constant 16 : i32
            %shift_left3A_1412 = vector.broadcast %shift_left3A_1411 : i32 to vector<16xi32>
            %shift_left3A_1413 = arith.shli %get3A_1410, %shift_left3A_1412 : vector<16xi32>
            %bitcast_convert_type3A_1414 = tpu.bitcast %shift_left3A_1413 : vector<16xi32> -> vector<16xf32>
            %and3A_1415 = arith.constant -65536 : i32
            %and3A_1416 = vector.broadcast %and3A_1415 : i32 to vector<16xi32>
            %and3A_1417 = arith.andi %get3A_1410, %and3A_1416 : vector<16xi32>
            %bitcast_convert_type3A_1418 = tpu.bitcast %and3A_1417 : vector<16xi32> -> vector<16xf32>
            %mul3A_1419 = arith.mulf %gather3A_1292, %bitcast_convert_type3A_1414 : vector<16xf32>
            %add3A_1420 = arith.addf %add3A_1282, %mul3A_1419 : vector<16xf32>
            %mul3A_1421 = arith.mulf %gather3A_1292, %bitcast_convert_type3A_1418 : vector<16xf32>
            %add3A_1422 = arith.addf %add3A_1284, %mul3A_1421 : vector<16xf32>
            scf.yield %add3A_1308, %add3A_1324, %add3A_1340, %add3A_1356, %add3A_1372, %add3A_1388, %add3A_1404, %add3A_1420, %add3A_1310, %add3A_1326, %add3A_1342, %add3A_1358, %add3A_1374, %add3A_1390, %add3A_1406, %add3A_1422 : vector<16xf32>, vector<16xf32>, vector<16xf32>, vector<16xf32>, vector<16xf32>, vector<16xf32>, vector<16xf32>, vector<16xf32>, vector<16xf32>, vector<16xf32>, vector<16xf32>, vector<16xf32>, vector<16xf32>, vector<16xf32>, vector<16xf32>, vector<16xf32>
          }
          %scan3A_712 = arith.constant 4 : i32
          %mul3A_713 = arith.constant 7 : i32
          %mul3A_714 = arith.muli %add3A_667, %mul3A_713 : i32
          %add3A_715 = arith.addi %mul3A_714, %scan3A_674 : i32
          %swap3A_716 = arith.index_cast %add3A_715 : i32 to index
          %swap3A_717 = arith.constant 0 : index
          %swap3A_718 = tpu.vector_load %arg22[%swap3A_716, %swap3A_717] {strides = array<i32>} : memref<49x256xf32, #tpu.memory_space<vmem>>, vector<1x16xf32>,
          %swap3A_719 = vector.shape_cast %swap3A_718 : vector<1x16xf32> to vector<16xf32>
          %swap3A_720 = vector.shape_cast %scan3A_711#0 : vector<16xf32> to vector<1x16xf32>
          tpu.vector_store %arg22[%swap3A_716, %swap3A_717], %swap3A_720 {strides = array<i32>} : memref<49x256xf32, #tpu.memory_space<vmem>>, vector<1x16xf32>,
          %mul3A_721 = arith.constant 7 : i32
          %mul3A_722 = arith.muli %add3A_667, %mul3A_721 : i32
          %add3A_723 = arith.addi %mul3A_722, %scan3A_674 : i32
          %swap3A_724 = arith.index_cast %add3A_723 : i32 to index
          %swap3A_725 = arith.constant 128 : index
          %swap3A_726 = tpu.vector_load %arg22[%swap3A_724, %swap3A_725] {strides = array<i32>} : memref<49x256xf32, #tpu.memory_space<vmem>>, vector<1x16xf32>,
          %swap3A_727 = vector.shape_cast %swap3A_726 : vector<1x16xf32> to vector<16xf32>
          %swap3A_728 = vector.shape_cast %scan3A_711#8 : vector<16xf32> to vector<1x16xf32>
          tpu.vector_store %arg22[%swap3A_724, %swap3A_725], %swap3A_728 {strides = array<i32>} : memref<49x256xf32, #tpu.memory_space<vmem>>, vector<1x16xf32>,
          %mul3A_729 = arith.constant 7 : i32
          %mul3A_730 = arith.muli %add3A_667, %mul3A_729 : i32
          %add3A_731 = arith.addi %mul3A_730, %scan3A_674 : i32
          %swap3A_732 = arith.index_cast %add3A_731 : i32 to index
          %swap3A_733 = arith.constant 16 : index
          %swap3A_734 = tpu.vector_load %arg22[%swap3A_732, %swap3A_733] {strides = array<i32>} : memref<49x256xf32, #tpu.memory_space<vmem>>, vector<1x16xf32>,
          %swap3A_735 = vector.shape_cast %swap3A_734 : vector<1x16xf32> to vector<16xf32>
          %swap3A_736 = vector.shape_cast %scan3A_711#1 : vector<16xf32> to vector<1x16xf32>
          tpu.vector_store %arg22[%swap3A_732, %swap3A_733], %swap3A_736 {strides = array<i32>} : memref<49x256xf32, #tpu.memory_space<vmem>>, vector<1x16xf32>,
          %mul3A_737 = arith.constant 7 : i32
          %mul3A_738 = arith.muli %add3A_667, %mul3A_737 : i32
          %add3A_739 = arith.addi %mul3A_738, %scan3A_674 : i32
          %swap3A_740 = arith.index_cast %add3A_739 : i32 to index
          %swap3A_741 = arith.constant 144 : index
          %swap3A_742 = tpu.vector_load %arg22[%swap3A_740, %swap3A_741] {strides = array<i32>} : memref<49x256xf32, #tpu.memory_space<vmem>>, vector<1x16xf32>,
          %swap3A_743 = vector.shape_cast %swap3A_742 : vector<1x16xf32> to vector<16xf32>
          %swap3A_744 = vector.shape_cast %scan3A_711#9 : vector<16xf32> to vector<1x16xf32>
          tpu.vector_store %arg22[%swap3A_740, %swap3A_741], %swap3A_744 {strides = array<i32>} : memref<49x256xf32, #tpu.memory_space<vmem>>, vector<1x16xf32>,
          %mul3A_745 = arith.constant 7 : i32
          %mul3A_746 = arith.muli %add3A_667, %mul3A_745 : i32
          %add3A_747 = arith.addi %mul3A_746, %scan3A_674 : i32
          %swap3A_748 = arith.index_cast %add3A_747 : i32 to index
          %swap3A_749 = arith.constant 32 : index
          %swap3A_750 = tpu.vector_load %arg22[%swap3A_748, %swap3A_749] {strides = array<i32>} : memref<49x256xf32, #tpu.memory_space<vmem>>, vector<1x16xf32>,
          %swap3A_751 = vector.shape_cast %swap3A_750 : vector<1x16xf32> to vector<16xf32>
          %swap3A_752 = vector.shape_cast %scan3A_711#2 : vector<16xf32> to vector<1x16xf32>
          tpu.vector_store %arg22[%swap3A_748, %swap3A_749], %swap3A_752 {strides = array<i32>} : memref<49x256xf32, #tpu.memory_space<vmem>>, vector<1x16xf32>,
          %mul3A_753 = arith.constant 7 : i32
          %mul3A_754 = arith.muli %add3A_667, %mul3A_753 : i32
          %add3A_755 = arith.addi %mul3A_754, %scan3A_674 : i32
          %swap3A_756 = arith.index_cast %add3A_755 : i32 to index
          %swap3A_757 = arith.constant 160 : index
          %swap3A_758 = tpu.vector_load %arg22[%swap3A_756, %swap3A_757] {strides = array<i32>} : memref<49x256xf32, #tpu.memory_space<vmem>>, vector<1x16xf32>,
          %swap3A_759 = vector.shape_cast %swap3A_758 : vector<1x16xf32> to vector<16xf32>
          %swap3A_760 = vector.shape_cast %scan3A_711#10 : vector<16xf32> to vector<1x16xf32>
          tpu.vector_store %arg22[%swap3A_756, %swap3A_757], %swap3A_760 {strides = array<i32>} : memref<49x256xf32, #tpu.memory_space<vmem>>, vector<1x16xf32>,
          %mul3A_761 = arith.constant 7 : i32
          %mul3A_762 = arith.muli %add3A_667, %mul3A_761 : i32
          %add3A_763 = arith.addi %mul3A_762, %scan3A_674 : i32
          %swap3A_764 = arith.index_cast %add3A_763 : i32 to index
          %swap3A_765 = arith.constant 48 : index
          %swap3A_766 = tpu.vector_load %arg22[%swap3A_764, %swap3A_765] {strides = array<i32>} : memref<49x256xf32, #tpu.memory_space<vmem>>, vector<1x16xf32>,
          %swap3A_767 = vector.shape_cast %swap3A_766 : vector<1x16xf32> to vector<16xf32>
          %swap3A_768 = vector.shape_cast %scan3A_711#3 : vector<16xf32> to vector<1x16xf32>
          tpu.vector_store %arg22[%swap3A_764, %swap3A_765], %swap3A_768 {strides = array<i32>} : memref<49x256xf32, #tpu.memory_space<vmem>>, vector<1x16xf32>,
          %mul3A_769 = arith.constant 7 : i32
          %mul3A_770 = arith.muli %add3A_667, %mul3A_769 : i32
          %add3A_771 = arith.addi %mul3A_770, %scan3A_674 : i32
          %swap3A_772 = arith.index_cast %add3A_771 : i32 to index
          %swap3A_773 = arith.constant 176 : index
          %swap3A_774 = tpu.vector_load %arg22[%swap3A_772, %swap3A_773] {strides = array<i32>} : memref<49x256xf32, #tpu.memory_space<vmem>>, vector<1x16xf32>,
          %swap3A_775 = vector.shape_cast %swap3A_774 : vector<1x16xf32> to vector<16xf32>
          %swap3A_776 = vector.shape_cast %scan3A_711#11 : vector<16xf32> to vector<1x16xf32>
          tpu.vector_store %arg22[%swap3A_772, %swap3A_773], %swap3A_776 {strides = array<i32>} : memref<49x256xf32, #tpu.memory_space<vmem>>, vector<1x16xf32>,
          %mul3A_777 = arith.constant 7 : i32
          %mul3A_778 = arith.muli %add3A_667, %mul3A_777 : i32
          %add3A_779 = arith.addi %mul3A_778, %scan3A_674 : i32
          %swap3A_780 = arith.index_cast %add3A_779 : i32 to index
          %swap3A_781 = arith.constant 64 : index
          %swap3A_782 = tpu.vector_load %arg22[%swap3A_780, %swap3A_781] {strides = array<i32>} : memref<49x256xf32, #tpu.memory_space<vmem>>, vector<1x16xf32>,
          %swap3A_783 = vector.shape_cast %swap3A_782 : vector<1x16xf32> to vector<16xf32>
          %swap3A_784 = vector.shape_cast %scan3A_711#4 : vector<16xf32> to vector<1x16xf32>
          tpu.vector_store %arg22[%swap3A_780, %swap3A_781], %swap3A_784 {strides = array<i32>} : memref<49x256xf32, #tpu.memory_space<vmem>>, vector<1x16xf32>,
          %mul3A_785 = arith.constant 7 : i32
          %mul3A_786 = arith.muli %add3A_667, %mul3A_785 : i32
          %add3A_787 = arith.addi %mul3A_786, %scan3A_674 : i32
          %swap3A_788 = arith.index_cast %add3A_787 : i32 to index
          %swap3A_789 = arith.constant 192 : index
          %swap3A_790 = tpu.vector_load %arg22[%swap3A_788, %swap3A_789] {strides = array<i32>} : memref<49x256xf32, #tpu.memory_space<vmem>>, vector<1x16xf32>,
          %swap3A_791 = vector.shape_cast %swap3A_790 : vector<1x16xf32> to vector<16xf32>
          %swap3A_792 = vector.shape_cast %scan3A_711#12 : vector<16xf32> to vector<1x16xf32>
          tpu.vector_store %arg22[%swap3A_788, %swap3A_789], %swap3A_792 {strides = array<i32>} : memref<49x256xf32, #tpu.memory_space<vmem>>, vector<1x16xf32>,
          %mul3A_793 = arith.constant 7 : i32
          %mul3A_794 = arith.muli %add3A_667, %mul3A_793 : i32
          %add3A_795 = arith.addi %mul3A_794, %scan3A_674 : i32
          %swap3A_796 = arith.index_cast %add3A_795 : i32 to index
          %swap3A_797 = arith.constant 80 : index
          %swap3A_798 = tpu.vector_load %arg22[%swap3A_796, %swap3A_797] {strides = array<i32>} : memref<49x256xf32, #tpu.memory_space<vmem>>, vector<1x16xf32>,
          %swap3A_799 = vector.shape_cast %swap3A_798 : vector<1x16xf32> to vector<16xf32>
          %swap3A_800 = vector.shape_cast %scan3A_711#5 : vector<16xf32> to vector<1x16xf32>
          tpu.vector_store %arg22[%swap3A_796, %swap3A_797], %swap3A_800 {strides = array<i32>} : memref<49x256xf32, #tpu.memory_space<vmem>>, vector<1x16xf32>,
          %mul3A_801 = arith.constant 7 : i32
          %mul3A_802 = arith.muli %add3A_667, %mul3A_801 : i32
          %add3A_803 = arith.addi %mul3A_802, %scan3A_674 : i32
          %swap3A_804 = arith.index_cast %add3A_803 : i32 to index
          %swap3A_805 = arith.constant 208 : index
          %swap3A_806 = tpu.vector_load %arg22[%swap3A_804, %swap3A_805] {strides = array<i32>} : memref<49x256xf32, #tpu.memory_space<vmem>>, vector<1x16xf32>,
          %swap3A_807 = vector.shape_cast %swap3A_806 : vector<1x16xf32> to vector<16xf32>
          %swap3A_808 = vector.shape_cast %scan3A_711#13 : vector<16xf32> to vector<1x16xf32>
          tpu.vector_store %arg22[%swap3A_804, %swap3A_805], %swap3A_808 {strides = array<i32>} : memref<49x256xf32, #tpu.memory_space<vmem>>, vector<1x16xf32>,
          %mul3A_809 = arith.constant 7 : i32
          %mul3A_810 = arith.muli %add3A_667, %mul3A_809 : i32
          %add3A_811 = arith.addi %mul3A_810, %scan3A_674 : i32
          %swap3A_812 = arith.index_cast %add3A_811 : i32 to index
          %swap3A_813 = arith.constant 96 : index
          %swap3A_814 = tpu.vector_load %arg22[%swap3A_812, %swap3A_813] {strides = array<i32>} : memref<49x256xf32, #tpu.memory_space<vmem>>, vector<1x16xf32>,
          %swap3A_815 = vector.shape_cast %swap3A_814 : vector<1x16xf32> to vector<16xf32>
          %swap3A_816 = vector.shape_cast %scan3A_711#6 : vector<16xf32> to vector<1x16xf32>
          tpu.vector_store %arg22[%swap3A_812, %swap3A_813], %swap3A_816 {strides = array<i32>} : memref<49x256xf32, #tpu.memory_space<vmem>>, vector<1x16xf32>,
          %mul3A_817 = arith.constant 7 : i32
          %mul3A_818 = arith.muli %add3A_667, %mul3A_817 : i32
          %add3A_819 = arith.addi %mul3A_818, %scan3A_674 : i32
          %swap3A_820 = arith.index_cast %add3A_819 : i32 to index
          %swap3A_821 = arith.constant 224 : index
          %swap3A_822 = tpu.vector_load %arg22[%swap3A_820, %swap3A_821] {strides = array<i32>} : memref<49x256xf32, #tpu.memory_space<vmem>>, vector<1x16xf32>,
          %swap3A_823 = vector.shape_cast %swap3A_822 : vector<1x16xf32> to vector<16xf32>
          %swap3A_824 = vector.shape_cast %scan3A_711#14 : vector<16xf32> to vector<1x16xf32>
          tpu.vector_store %arg22[%swap3A_820, %swap3A_821], %swap3A_824 {strides = array<i32>} : memref<49x256xf32, #tpu.memory_space<vmem>>, vector<1x16xf32>,
          %mul3A_825 = arith.constant 7 : i32
          %mul3A_826 = arith.muli %add3A_667, %mul3A_825 : i32
          %add3A_827 = arith.addi %mul3A_826, %scan3A_674 : i32
          %swap3A_828 = arith.index_cast %add3A_827 : i32 to index
          %swap3A_829 = arith.constant 112 : index
          %swap3A_830 = tpu.vector_load %arg22[%swap3A_828, %swap3A_829] {strides = array<i32>} : memref<49x256xf32, #tpu.memory_space<vmem>>, vector<1x16xf32>,
          %swap3A_831 = vector.shape_cast %swap3A_830 : vector<1x16xf32> to vector<16xf32>
          %swap3A_832 = vector.shape_cast %scan3A_711#7 : vector<16xf32> to vector<1x16xf32>
          tpu.vector_store %arg22[%swap3A_828, %swap3A_829], %swap3A_832 {strides = array<i32>} : memref<49x256xf32, #tpu.memory_space<vmem>>, vector<1x16xf32>,
          %mul3A_833 = arith.constant 7 : i32
          %mul3A_834 = arith.muli %add3A_667, %mul3A_833 : i32
          %add3A_835 = arith.addi %mul3A_834, %scan3A_674 : i32
          %swap3A_836 = arith.index_cast %add3A_835 : i32 to index
          %swap3A_837 = arith.constant 240 : index
          %swap3A_838 = tpu.vector_load %arg22[%swap3A_836, %swap3A_837] {strides = array<i32>} : memref<49x256xf32, #tpu.memory_space<vmem>>, vector<1x16xf32>,
          %swap3A_839 = vector.shape_cast %swap3A_838 : vector<1x16xf32> to vector<16xf32>
          %swap3A_840 = vector.shape_cast %scan3A_711#15 : vector<16xf32> to vector<1x16xf32>
          tpu.vector_store %arg22[%swap3A_836, %swap3A_837], %swap3A_840 {strides = array<i32>} : memref<49x256xf32, #tpu.memory_space<vmem>>, vector<1x16xf32>,
        }
        %scan3A_673 = arith.constant 7 : i32
      }
      %scan3A_287 = arith.constant 3 : i32
      %dma_wait3A = arith.constant 0 : i32
      %dma_wait3A_288 = arith.constant 0 : i32
      %dma_wait3A_289 = tpu.memref_slice %arg2[%dma_wait3A, %dma_wait3A_288] : memref<43520x128xi32, #tpu.memory_space<hbm>> -> memref<43520x128xi32, #tpu.memory_space<hbm>>
      tpu.wait_indirect_dma semaphore(%arg23 : memref<!tpu.dma_semaphore, #tpu.memory_space<semaphore_mem>>) src(%dma_wait3A_289 : memref<43520x128xi32, #tpu.memory_space<hbm>>) dst(%arg20 : memref<128x128xi32, #tpu.memory_space<vmem>>)
      %scan3A_290 = arith.constant 0 : i32
      %scan3A_291 = arith.constant 0 : i32
      %scan3A_292 = arith.constant 7 : i32
      %scan3A_293 = arith.addi %scan3A_291, %scan3A_292 : i32
      %scan3A_294 = arith.constant 1 : i32
      scf.for %scan3A_297 = %scan3A_291 to %scan3A_293 step %scan3A_294  : i32 {
        %broadcast_in_dim3A_298 = arith.constant 0.000000e+00 : f32
        %broadcast_in_dim3A_299 = vector.broadcast %broadcast_in_dim3A_298 : f32 to vector<16xf32>
        %broadcast_in_dim3A_300 = arith.constant 0.000000e+00 : f32
        %broadcast_in_dim3A_301 = vector.broadcast %broadcast_in_dim3A_300 : f32 to vector<16xf32>
        %broadcast_in_dim3A_302 = arith.constant 0.000000e+00 : f32
        %broadcast_in_dim3A_303 = vector.broadcast %broadcast_in_dim3A_302 : f32 to vector<16xf32>
        %broadcast_in_dim3A_304 = arith.constant 0.000000e+00 : f32
        %broadcast_in_dim3A_305 = vector.broadcast %broadcast_in_dim3A_304 : f32 to vector<16xf32>
        %broadcast_in_dim3A_306 = arith.constant 0.000000e+00 : f32
        %broadcast_in_dim3A_307 = vector.broadcast %broadcast_in_dim3A_306 : f32 to vector<16xf32>
        %broadcast_in_dim3A_308 = arith.constant 0.000000e+00 : f32
        %broadcast_in_dim3A_309 = vector.broadcast %broadcast_in_dim3A_308 : f32 to vector<16xf32>
        %broadcast_in_dim3A_310 = arith.constant 0.000000e+00 : f32
        %broadcast_in_dim3A_311 = vector.broadcast %broadcast_in_dim3A_310 : f32 to vector<16xf32>
        %broadcast_in_dim3A_312 = arith.constant 0.000000e+00 : f32
        %broadcast_in_dim3A_313 = vector.broadcast %broadcast_in_dim3A_312 : f32 to vector<16xf32>
        %broadcast_in_dim3A_314 = arith.constant 0.000000e+00 : f32
        %broadcast_in_dim3A_315 = vector.broadcast %broadcast_in_dim3A_314 : f32 to vector<16xf32>
        %broadcast_in_dim3A_316 = arith.constant 0.000000e+00 : f32
        %broadcast_in_dim3A_317 = vector.broadcast %broadcast_in_dim3A_316 : f32 to vector<16xf32>
        %broadcast_in_dim3A_318 = arith.constant 0.000000e+00 : f32
        %broadcast_in_dim3A_319 = vector.broadcast %broadcast_in_dim3A_318 : f32 to vector<16xf32>
        %broadcast_in_dim3A_320 = arith.constant 0.000000e+00 : f32
        %broadcast_in_dim3A_321 = vector.broadcast %broadcast_in_dim3A_320 : f32 to vector<16xf32>
        %broadcast_in_dim3A_322 = arith.constant 0.000000e+00 : f32
        %broadcast_in_dim3A_323 = vector.broadcast %broadcast_in_dim3A_322 : f32 to vector<16xf32>
        %broadcast_in_dim3A_324 = arith.constant 0.000000e+00 : f32
        %broadcast_in_dim3A_325 = vector.broadcast %broadcast_in_dim3A_324 : f32 to vector<16xf32>
        %broadcast_in_dim3A_326 = arith.constant 0.000000e+00 : f32
        %broadcast_in_dim3A_327 = vector.broadcast %broadcast_in_dim3A_326 : f32 to vector<16xf32>
        %broadcast_in_dim3A_328 = arith.constant 0.000000e+00 : f32
        %broadcast_in_dim3A_329 = vector.broadcast %broadcast_in_dim3A_328 : f32 to vector<16xf32>
        %scan3A_330 = arith.constant 0 : i32
        %scan3A_331 = arith.constant 4 : i32
        %scan3A_332 = arith.addi %scan3A_330, %scan3A_331 : i32
        %scan3A_333 = arith.constant 1 : i32
        %scan3A_334:16 = scf.for %scan3A_448 = %scan3A_330 to %scan3A_332 step %scan3A_333 iter_args(%scan3A_449 = %broadcast_in_dim3A_299, %scan3A_450 = %broadcast_in_dim3A_301, %scan3A_451 = %broadcast_in_dim3A_303, %scan3A_452 = %broadcast_in_dim3A_305, %scan3A_453 = %broadcast_in_dim3A_307, %scan3A_454 = %broadcast_in_dim3A_309, %scan3A_455 = %broadcast_in_dim3A_311, %scan3A_456 = %broadcast_in_dim3A_313, %scan3A_457 = %broadcast_in_dim3A_315, %scan3A_458 = %broadcast_in_dim3A_317, %scan3A_459 = %broadcast_in_dim3A_319, %scan3A_460 = %broadcast_in_dim3A_321, %scan3A_461 = %broadcast_in_dim3A_323, %scan3A_462 = %broadcast_in_dim3A_325, %scan3A_463 = %broadcast_in_dim3A_327, %scan3A_464 = %broadcast_in_dim3A_329) -> (vector<16xf32>, vector<16xf32>, vector<16xf32>, vector<16xf32>, vector<16xf32>, vector<16xf32>, vector<16xf32>, vector<16xf32>, vector<16xf32>, vector<16xf32>, vector<16xf32>, vector<16xf32>, vector<16xf32>, vector<16xf32>, vector<16xf32>, vector<16xf32>)  : i32 {
          %shift_right_arithmetic3A_465 = arith.constant 1 : i32
          %shift_right_arithmetic3A_466 = arith.shrsi %scan3A_448, %shift_right_arithmetic3A_465 : i32
          %and3A_467 = arith.constant 1 : i32
          %and3A_468 = arith.andi %scan3A_448, %and3A_467 : i32
          %mul3A_469 = arith.constant 2 : i32
          %mul3A_470 = arith.muli %mul3A_469, %scan3A_297 : i32
          %add3A_471 = arith.addi %mul3A_470, %and3A_468 : i32
          %broadcast_in_dim3A_472 = arith.constant 0 : i32
          %broadcast_in_dim3A_473 = vector.broadcast %broadcast_in_dim3A_472 : i32 to vector<16xi32>
          %add3A_474 = vector.broadcast %add3A_471 : i32 to vector<16xi32>
          %add3A_475 = arith.addi %broadcast_in_dim3A_473, %add3A_474 : vector<16xi32>
          %broadcast_in_dim3A_476 = vector.shape_cast %add3A_475 : vector<16xi32> to vector<16x1xi32>
          %mul3A_477 = arith.constant 16 : i32
          %mul3A_478 = arith.muli %shift_right_arithmetic3A_466, %mul3A_477 : i32
          %add3A_479 = arith.addi %mul3A_478, %add3A_471 : i32
          %add3A_480 = arith.constant 0 : i32
          %add3A_481 = arith.addi %add3A_480, %shift_right_arithmetic3A_466 : i32
          %get3A_482 = arith.index_cast %add3A_481 : i32 to index
          %get3A_483 = arith.constant 0 : index
          %get3A_484 = tpu.vector_load %arg18[%get3A_482, %get3A_483] {strides = array<i32>} : memref<8x16xf32, #tpu.memory_space<vmem>>, vector<1x16xf32>,
          %get3A_485 = vector.shape_cast %get3A_484 : vector<1x16xf32> to vector<16xf32>
          %gather3A_486 = vector.shape_cast %broadcast_in_dim3A_476 : vector<16x1xi32> to vector<16xi32>
          %gather3A_487 = tpu.dynamic_gather %get3A_485[%gather3A_486] in [0] : vector<16xf32>, vector<16xi32> -> vector<16xf32>
          %add3A_488 = arith.constant 0 : i32
          %add3A_489 = arith.addi %add3A_479, %add3A_488 : i32
          %get3A_490 = arith.index_cast %add3A_489 : i32 to index
          %get3A_491 = arith.constant 0 : index
          %get3A_492 = tpu.vector_load %arg20[%get3A_490, %get3A_491] {strides = array<i32>} : memref<128x128xi32, #tpu.memory_space<vmem>>, vector<1x16xi32>,
          %get3A_493 = vector.shape_cast %get3A_492 : vector<1x16xi32> to vector<16xi32>
          %shift_left3A = arith.constant 16 : i32
          %shift_left3A_494 = vector.broadcast %shift_left3A : i32 to vector<16xi32>
          %shift_left3A_495 = arith.shli %get3A_493, %shift_left3A_494 : vector<16xi32>
          %bitcast_convert_type3A = tpu.bitcast %shift_left3A_495 : vector<16xi32> -> vector<16xf32>
          %and3A_496 = arith.constant -65536 : i32
          %and3A_497 = vector.broadcast %and3A_496 : i32 to vector<16xi32>
          %and3A_498 = arith.andi %get3A_493, %and3A_497 : vector<16xi32>
          %bitcast_convert_type3A_499 = tpu.bitcast %and3A_498 : vector<16xi32> -> vector<16xf32>
          %mul3A_500 = arith.mulf %gather3A_487, %bitcast_convert_type3A : vector<16xf32>
          %add3A_501 = arith.addf %scan3A_449, %mul3A_500 : vector<16xf32>
          %mul3A_502 = arith.mulf %gather3A_487, %bitcast_convert_type3A_499 : vector<16xf32>
          %add3A_503 = arith.addf %scan3A_457, %mul3A_502 : vector<16xf32>
          %get3A_504 = arith.index_cast %add3A_489 : i32 to index
          %get3A_505 = arith.constant 16 : index
          %get3A_506 = tpu.vector_load %arg20[%get3A_504, %get3A_505] {strides = array<i32>} : memref<128x128xi32, #tpu.memory_space<vmem>>, vector<1x16xi32>,
          %get3A_507 = vector.shape_cast %get3A_506 : vector<1x16xi32> to vector<16xi32>
          %shift_left3A_508 = arith.constant 16 : i32
          %shift_left3A_509 = vector.broadcast %shift_left3A_508 : i32 to vector<16xi32>
          %shift_left3A_510 = arith.shli %get3A_507, %shift_left3A_509 : vector<16xi32>
          %bitcast_convert_type3A_511 = tpu.bitcast %shift_left3A_510 : vector<16xi32> -> vector<16xf32>
          %and3A_512 = arith.constant -65536 : i32
          %and3A_513 = vector.broadcast %and3A_512 : i32 to vector<16xi32>
          %and3A_514 = arith.andi %get3A_507, %and3A_513 : vector<16xi32>
          %bitcast_convert_type3A_515 = tpu.bitcast %and3A_514 : vector<16xi32> -> vector<16xf32>
          %mul3A_516 = arith.mulf %gather3A_487, %bitcast_convert_type3A_511 : vector<16xf32>
          %add3A_517 = arith.addf %scan3A_450, %mul3A_516 : vector<16xf32>
          %mul3A_518 = arith.mulf %gather3A_487, %bitcast_convert_type3A_515 : vector<16xf32>
          %add3A_519 = arith.addf %scan3A_458, %mul3A_518 : vector<16xf32>
          %get3A_520 = arith.index_cast %add3A_489 : i32 to index
          %get3A_521 = arith.constant 32 : index
          %get3A_522 = tpu.vector_load %arg20[%get3A_520, %get3A_521] {strides = array<i32>} : memref<128x128xi32, #tpu.memory_space<vmem>>, vector<1x16xi32>,
          %get3A_523 = vector.shape_cast %get3A_522 : vector<1x16xi32> to vector<16xi32>
          %shift_left3A_524 = arith.constant 16 : i32
          %shift_left3A_525 = vector.broadcast %shift_left3A_524 : i32 to vector<16xi32>
          %shift_left3A_526 = arith.shli %get3A_523, %shift_left3A_525 : vector<16xi32>
          %bitcast_convert_type3A_527 = tpu.bitcast %shift_left3A_526 : vector<16xi32> -> vector<16xf32>
          %and3A_528 = arith.constant -65536 : i32
          %and3A_529 = vector.broadcast %and3A_528 : i32 to vector<16xi32>
          %and3A_530 = arith.andi %get3A_523, %and3A_529 : vector<16xi32>
          %bitcast_convert_type3A_531 = tpu.bitcast %and3A_530 : vector<16xi32> -> vector<16xf32>
          %mul3A_532 = arith.mulf %gather3A_487, %bitcast_convert_type3A_527 : vector<16xf32>
          %add3A_533 = arith.addf %scan3A_451, %mul3A_532 : vector<16xf32>
          %mul3A_534 = arith.mulf %gather3A_487, %bitcast_convert_type3A_531 : vector<16xf32>
          %add3A_535 = arith.addf %scan3A_459, %mul3A_534 : vector<16xf32>
          %get3A_536 = arith.index_cast %add3A_489 : i32 to index
          %get3A_537 = arith.constant 48 : index
          %get3A_538 = tpu.vector_load %arg20[%get3A_536, %get3A_537] {strides = array<i32>} : memref<128x128xi32, #tpu.memory_space<vmem>>, vector<1x16xi32>,
          %get3A_539 = vector.shape_cast %get3A_538 : vector<1x16xi32> to vector<16xi32>
          %shift_left3A_540 = arith.constant 16 : i32
          %shift_left3A_541 = vector.broadcast %shift_left3A_540 : i32 to vector<16xi32>
          %shift_left3A_542 = arith.shli %get3A_539, %shift_left3A_541 : vector<16xi32>
          %bitcast_convert_type3A_543 = tpu.bitcast %shift_left3A_542 : vector<16xi32> -> vector<16xf32>
          %and3A_544 = arith.constant -65536 : i32
          %and3A_545 = vector.broadcast %and3A_544 : i32 to vector<16xi32>
          %and3A_546 = arith.andi %get3A_539, %and3A_545 : vector<16xi32>
          %bitcast_convert_type3A_547 = tpu.bitcast %and3A_546 : vector<16xi32> -> vector<16xf32>
          %mul3A_548 = arith.mulf %gather3A_487, %bitcast_convert_type3A_543 : vector<16xf32>
          %add3A_549 = arith.addf %scan3A_452, %mul3A_548 : vector<16xf32>
          %mul3A_550 = arith.mulf %gather3A_487, %bitcast_convert_type3A_547 : vector<16xf32>
          %add3A_551 = arith.addf %scan3A_460, %mul3A_550 : vector<16xf32>
          %get3A_552 = arith.index_cast %add3A_489 : i32 to index
          %get3A_553 = arith.constant 64 : index
          %get3A_554 = tpu.vector_load %arg20[%get3A_552, %get3A_553] {strides = array<i32>} : memref<128x128xi32, #tpu.memory_space<vmem>>, vector<1x16xi32>,
          %get3A_555 = vector.shape_cast %get3A_554 : vector<1x16xi32> to vector<16xi32>
          %shift_left3A_556 = arith.constant 16 : i32
          %shift_left3A_557 = vector.broadcast %shift_left3A_556 : i32 to vector<16xi32>
          %shift_left3A_558 = arith.shli %get3A_555, %shift_left3A_557 : vector<16xi32>
          %bitcast_convert_type3A_559 = tpu.bitcast %shift_left3A_558 : vector<16xi32> -> vector<16xf32>
          %and3A_560 = arith.constant -65536 : i32
          %and3A_561 = vector.broadcast %and3A_560 : i32 to vector<16xi32>
          %and3A_562 = arith.andi %get3A_555, %and3A_561 : vector<16xi32>
          %bitcast_convert_type3A_563 = tpu.bitcast %and3A_562 : vector<16xi32> -> vector<16xf32>
          %mul3A_564 = arith.mulf %gather3A_487, %bitcast_convert_type3A_559 : vector<16xf32>
          %add3A_565 = arith.addf %scan3A_453, %mul3A_564 : vector<16xf32>
          %mul3A_566 = arith.mulf %gather3A_487, %bitcast_convert_type3A_563 : vector<16xf32>
          %add3A_567 = arith.addf %scan3A_461, %mul3A_566 : vector<16xf32>
          %get3A_568 = arith.index_cast %add3A_489 : i32 to index
          %get3A_569 = arith.constant 80 : index
          %get3A_570 = tpu.vector_load %arg20[%get3A_568, %get3A_569] {strides = array<i32>} : memref<128x128xi32, #tpu.memory_space<vmem>>, vector<1x16xi32>,
          %get3A_571 = vector.shape_cast %get3A_570 : vector<1x16xi32> to vector<16xi32>
          %shift_left3A_572 = arith.constant 16 : i32
          %shift_left3A_573 = vector.broadcast %shift_left3A_572 : i32 to vector<16xi32>
          %shift_left3A_574 = arith.shli %get3A_571, %shift_left3A_573 : vector<16xi32>
          %bitcast_convert_type3A_575 = tpu.bitcast %shift_left3A_574 : vector<16xi32> -> vector<16xf32>
          %and3A_576 = arith.constant -65536 : i32
          %and3A_577 = vector.broadcast %and3A_576 : i32 to vector<16xi32>
          %and3A_578 = arith.andi %get3A_571, %and3A_577 : vector<16xi32>
          %bitcast_convert_type3A_579 = tpu.bitcast %and3A_578 : vector<16xi32> -> vector<16xf32>
          %mul3A_580 = arith.mulf %gather3A_487, %bitcast_convert_type3A_575 : vector<16xf32>
          %add3A_581 = arith.addf %scan3A_454, %mul3A_580 : vector<16xf32>
          %mul3A_582 = arith.mulf %gather3A_487, %bitcast_convert_type3A_579 : vector<16xf32>
          %add3A_583 = arith.addf %scan3A_462, %mul3A_582 : vector<16xf32>
          %get3A_584 = arith.index_cast %add3A_489 : i32 to index
          %get3A_585 = arith.constant 96 : index
          %get3A_586 = tpu.vector_load %arg20[%get3A_584, %get3A_585] {strides = array<i32>} : memref<128x128xi32, #tpu.memory_space<vmem>>, vector<1x16xi32>,
          %get3A_587 = vector.shape_cast %get3A_586 : vector<1x16xi32> to vector<16xi32>
          %shift_left3A_588 = arith.constant 16 : i32
          %shift_left3A_589 = vector.broadcast %shift_left3A_588 : i32 to vector<16xi32>
          %shift_left3A_590 = arith.shli %get3A_587, %shift_left3A_589 : vector<16xi32>
          %bitcast_convert_type3A_591 = tpu.bitcast %shift_left3A_590 : vector<16xi32> -> vector<16xf32>
          %and3A_592 = arith.constant -65536 : i32
          %and3A_593 = vector.broadcast %and3A_592 : i32 to vector<16xi32>
          %and3A_594 = arith.andi %get3A_587, %and3A_593 : vector<16xi32>
          %bitcast_convert_type3A_595 = tpu.bitcast %and3A_594 : vector<16xi32> -> vector<16xf32>
          %mul3A_596 = arith.mulf %gather3A_487, %bitcast_convert_type3A_591 : vector<16xf32>
          %add3A_597 = arith.addf %scan3A_455, %mul3A_596 : vector<16xf32>
          %mul3A_598 = arith.mulf %gather3A_487, %bitcast_convert_type3A_595 : vector<16xf32>
          %add3A_599 = arith.addf %scan3A_463, %mul3A_598 : vector<16xf32>
          %get3A_600 = arith.index_cast %add3A_489 : i32 to index
          %get3A_601 = arith.constant 112 : index
          %get3A_602 = tpu.vector_load %arg20[%get3A_600, %get3A_601] {strides = array<i32>} : memref<128x128xi32, #tpu.memory_space<vmem>>, vector<1x16xi32>,
          %get3A_603 = vector.shape_cast %get3A_602 : vector<1x16xi32> to vector<16xi32>
          %shift_left3A_604 = arith.constant 16 : i32
          %shift_left3A_605 = vector.broadcast %shift_left3A_604 : i32 to vector<16xi32>
          %shift_left3A_606 = arith.shli %get3A_603, %shift_left3A_605 : vector<16xi32>
          %bitcast_convert_type3A_607 = tpu.bitcast %shift_left3A_606 : vector<16xi32> -> vector<16xf32>
          %and3A_608 = arith.constant -65536 : i32
          %and3A_609 = vector.broadcast %and3A_608 : i32 to vector<16xi32>
          %and3A_610 = arith.andi %get3A_603, %and3A_609 : vector<16xi32>
          %bitcast_convert_type3A_611 = tpu.bitcast %and3A_610 : vector<16xi32> -> vector<16xf32>
          %mul3A_612 = arith.mulf %gather3A_487, %bitcast_convert_type3A_607 : vector<16xf32>
          %add3A_613 = arith.addf %scan3A_456, %mul3A_612 : vector<16xf32>
          %mul3A_614 = arith.mulf %gather3A_487, %bitcast_convert_type3A_611 : vector<16xf32>
          %add3A_615 = arith.addf %scan3A_464, %mul3A_614 : vector<16xf32>
          %add3A_616 = arith.constant 2 : i32
          %add3A_617 = arith.addi %add3A_616, %shift_right_arithmetic3A_466 : i32
          %get3A_618 = arith.index_cast %add3A_617 : i32 to index
          %get3A_619 = arith.constant 0 : index
          %get3A_620 = tpu.vector_load %arg18[%get3A_618, %get3A_619] {strides = array<i32>} : memref<8x16xf32, #tpu.memory_space<vmem>>, vector<1x16xf32>,
          %get3A_621 = vector.shape_cast %get3A_620 : vector<1x16xf32> to vector<16xf32>
          %gather3A_622 = vector.shape_cast %broadcast_in_dim3A_476 : vector<16x1xi32> to vector<16xi32>
          %gather3A_623 = tpu.dynamic_gather %get3A_621[%gather3A_622] in [0] : vector<16xf32>, vector<16xi32> -> vector<16xf32>
          %add3A_624 = arith.constant 32 : i32
          %add3A_625 = arith.addi %add3A_479, %add3A_624 : i32
          %get3A_626 = arith.index_cast %add3A_625 : i32 to index
          %get3A_627 = arith.constant 0 : index
          %get3A_628 = tpu.vector_load %arg20[%get3A_626, %get3A_627] {strides = array<i32>} : memref<128x128xi32, #tpu.memory_space<vmem>>, vector<1x16xi32>,
          %get3A_629 = vector.shape_cast %get3A_628 : vector<1x16xi32> to vector<16xi32>
          %shift_left3A_630 = arith.constant 16 : i32
          %shift_left3A_631 = vector.broadcast %shift_left3A_630 : i32 to vector<16xi32>
          %shift_left3A_632 = arith.shli %get3A_629, %shift_left3A_631 : vector<16xi32>
          %bitcast_convert_type3A_633 = tpu.bitcast %shift_left3A_632 : vector<16xi32> -> vector<16xf32>
          %and3A_634 = arith.constant -65536 : i32
          %and3A_635 = vector.broadcast %and3A_634 : i32 to vector<16xi32>
          %and3A_636 = arith.andi %get3A_629, %and3A_635 : vector<16xi32>
          %bitcast_convert_type3A_637 = tpu.bitcast %and3A_636 : vector<16xi32> -> vector<16xf32>
          %mul3A_638 = arith.mulf %gather3A_623, %bitcast_convert_type3A_633 : vector<16xf32>
          %add3A_639 = arith.addf %add3A_501, %mul3A_638 : vector<16xf32>
          %mul3A_640 = arith.mulf %gather3A_623, %bitcast_convert_type3A_637 : vector<16xf32>
          %add3A_641 = arith.addf %add3A_503, %mul3A_640 : vector<16xf32>
          %get3A_642 = arith.index_cast %add3A_625 : i32 to index
          %get3A_643 = arith.constant 16 : index
          %get3A_644 = tpu.vector_load %arg20[%get3A_642, %get3A_643] {strides = array<i32>} : memref<128x128xi32, #tpu.memory_space<vmem>>, vector<1x16xi32>,
          %get3A_645 = vector.shape_cast %get3A_644 : vector<1x16xi32> to vector<16xi32>
          %shift_left3A_646 = arith.constant 16 : i32
          %shift_left3A_647 = vector.broadcast %shift_left3A_646 : i32 to vector<16xi32>
          %shift_left3A_648 = arith.shli %get3A_645, %shift_left3A_647 : vector<16xi32>
          %bitcast_convert_type3A_649 = tpu.bitcast %shift_left3A_648 : vector<16xi32> -> vector<16xf32>
          %and3A_650 = arith.constant -65536 : i32
          %and3A_651 = vector.broadcast %and3A_650 : i32 to vector<16xi32>
          %and3A_652 = arith.andi %get3A_645, %and3A_651 : vector<16xi32>
          %bitcast_convert_type3A_653 = tpu.bitcast %and3A_652 : vector<16xi32> -> vector<16xf32>
          %mul3A_654 = arith.mulf %gather3A_623, %bitcast_convert_type3A_649 : vector<16xf32>
          %add3A_655 = arith.addf %add3A_517, %mul3A_654 : vector<16xf32>
          %mul3A_656 = arith.mulf %gather3A_623, %bitcast_convert_type3A_653 : vector<16xf32>
          %add3A_657 = arith.addf %add3A_519, %mul3A_656 : vector<16xf32>
          %get3A_658 = arith.index_cast %add3A_625 : i32 to index
          %get3A_659 = arith.constant 32 : index
          %get3A_660 = tpu.vector_load %arg20[%get3A_658, %get3A_659] {strides = array<i32>} : memref<128x128xi32, #tpu.memory_space<vmem>>, vector<1x16xi32>,
          %get3A_661 = vector.shape_cast %get3A_660 : vector<1x16xi32> to vector<16xi32>
          %shift_left3A_662 = arith.constant 16 : i32
          %shift_left3A_663 = vector.broadcast %shift_left3A_662 : i32 to vector<16xi32>
          %shift_left3A_664 = arith.shli %get3A_661, %shift_left3A_663 : vector<16xi32>
          %bitcast_convert_type3A_665 = tpu.bitcast %shift_left3A_664 : vector<16xi32> -> vector<16xf32>
          %and3A_666 = arith.constant -65536 : i32
          %and3A_667 = vector.broadcast %and3A_666 : i32 to vector<16xi32>
          %and3A_668 = arith.andi %get3A_661, %and3A_667 : vector<16xi32>
          %bitcast_convert_type3A_669 = tpu.bitcast %and3A_668 : vector<16xi32> -> vector<16xf32>
          %mul3A_670 = arith.mulf %gather3A_623, %bitcast_convert_type3A_665 : vector<16xf32>
          %add3A_671 = arith.addf %add3A_533, %mul3A_670 : vector<16xf32>
          %mul3A_672 = arith.mulf %gather3A_623, %bitcast_convert_type3A_669 : vector<16xf32>
          %add3A_673 = arith.addf %add3A_535, %mul3A_672 : vector<16xf32>
          %get3A_674 = arith.index_cast %add3A_625 : i32 to index
          %get3A_675 = arith.constant 48 : index
          %get3A_676 = tpu.vector_load %arg20[%get3A_674, %get3A_675] {strides = array<i32>} : memref<128x128xi32, #tpu.memory_space<vmem>>, vector<1x16xi32>,
          %get3A_677 = vector.shape_cast %get3A_676 : vector<1x16xi32> to vector<16xi32>
          %shift_left3A_678 = arith.constant 16 : i32
          %shift_left3A_679 = vector.broadcast %shift_left3A_678 : i32 to vector<16xi32>
          %shift_left3A_680 = arith.shli %get3A_677, %shift_left3A_679 : vector<16xi32>
          %bitcast_convert_type3A_681 = tpu.bitcast %shift_left3A_680 : vector<16xi32> -> vector<16xf32>
          %and3A_682 = arith.constant -65536 : i32
          %and3A_683 = vector.broadcast %and3A_682 : i32 to vector<16xi32>
          %and3A_684 = arith.andi %get3A_677, %and3A_683 : vector<16xi32>
          %bitcast_convert_type3A_685 = tpu.bitcast %and3A_684 : vector<16xi32> -> vector<16xf32>
          %mul3A_686 = arith.mulf %gather3A_623, %bitcast_convert_type3A_681 : vector<16xf32>
          %add3A_687 = arith.addf %add3A_549, %mul3A_686 : vector<16xf32>
          %mul3A_688 = arith.mulf %gather3A_623, %bitcast_convert_type3A_685 : vector<16xf32>
          %add3A_689 = arith.addf %add3A_551, %mul3A_688 : vector<16xf32>
          %get3A_690 = arith.index_cast %add3A_625 : i32 to index
          %get3A_691 = arith.constant 64 : index
          %get3A_692 = tpu.vector_load %arg20[%get3A_690, %get3A_691] {strides = array<i32>} : memref<128x128xi32, #tpu.memory_space<vmem>>, vector<1x16xi32>,
          %get3A_693 = vector.shape_cast %get3A_692 : vector<1x16xi32> to vector<16xi32>
          %shift_left3A_694 = arith.constant 16 : i32
          %shift_left3A_695 = vector.broadcast %shift_left3A_694 : i32 to vector<16xi32>
          %shift_left3A_696 = arith.shli %get3A_693, %shift_left3A_695 : vector<16xi32>
          %bitcast_convert_type3A_697 = tpu.bitcast %shift_left3A_696 : vector<16xi32> -> vector<16xf32>
          %and3A_698 = arith.constant -65536 : i32
          %and3A_699 = vector.broadcast %and3A_698 : i32 to vector<16xi32>
          %and3A_700 = arith.andi %get3A_693, %and3A_699 : vector<16xi32>
          %bitcast_convert_type3A_701 = tpu.bitcast %and3A_700 : vector<16xi32> -> vector<16xf32>
          %mul3A_702 = arith.mulf %gather3A_623, %bitcast_convert_type3A_697 : vector<16xf32>
          %add3A_703 = arith.addf %add3A_565, %mul3A_702 : vector<16xf32>
          %mul3A_704 = arith.mulf %gather3A_623, %bitcast_convert_type3A_701 : vector<16xf32>
          %add3A_705 = arith.addf %add3A_567, %mul3A_704 : vector<16xf32>
          %get3A_706 = arith.index_cast %add3A_625 : i32 to index
          %get3A_707 = arith.constant 80 : index
          %get3A_708 = tpu.vector_load %arg20[%get3A_706, %get3A_707] {strides = array<i32>} : memref<128x128xi32, #tpu.memory_space<vmem>>, vector<1x16xi32>,
          %get3A_709 = vector.shape_cast %get3A_708 : vector<1x16xi32> to vector<16xi32>
          %shift_left3A_710 = arith.constant 16 : i32
          %shift_left3A_711 = vector.broadcast %shift_left3A_710 : i32 to vector<16xi32>
          %shift_left3A_712 = arith.shli %get3A_709, %shift_left3A_711 : vector<16xi32>
          %bitcast_convert_type3A_713 = tpu.bitcast %shift_left3A_712 : vector<16xi32> -> vector<16xf32>
          %and3A_714 = arith.constant -65536 : i32
          %and3A_715 = vector.broadcast %and3A_714 : i32 to vector<16xi32>
          %and3A_716 = arith.andi %get3A_709, %and3A_715 : vector<16xi32>
          %bitcast_convert_type3A_717 = tpu.bitcast %and3A_716 : vector<16xi32> -> vector<16xf32>
          %mul3A_718 = arith.mulf %gather3A_623, %bitcast_convert_type3A_713 : vector<16xf32>
          %add3A_719 = arith.addf %add3A_581, %mul3A_718 : vector<16xf32>
          %mul3A_720 = arith.mulf %gather3A_623, %bitcast_convert_type3A_717 : vector<16xf32>
          %add3A_721 = arith.addf %add3A_583, %mul3A_720 : vector<16xf32>
          %get3A_722 = arith.index_cast %add3A_625 : i32 to index
          %get3A_723 = arith.constant 96 : index
          %get3A_724 = tpu.vector_load %arg20[%get3A_722, %get3A_723] {strides = array<i32>} : memref<128x128xi32, #tpu.memory_space<vmem>>, vector<1x16xi32>,
          %get3A_725 = vector.shape_cast %get3A_724 : vector<1x16xi32> to vector<16xi32>
          %shift_left3A_726 = arith.constant 16 : i32
          %shift_left3A_727 = vector.broadcast %shift_left3A_726 : i32 to vector<16xi32>
          %shift_left3A_728 = arith.shli %get3A_725, %shift_left3A_727 : vector<16xi32>
          %bitcast_convert_type3A_729 = tpu.bitcast %shift_left3A_728 : vector<16xi32> -> vector<16xf32>
          %and3A_730 = arith.constant -65536 : i32
          %and3A_731 = vector.broadcast %and3A_730 : i32 to vector<16xi32>
          %and3A_732 = arith.andi %get3A_725, %and3A_731 : vector<16xi32>
          %bitcast_convert_type3A_733 = tpu.bitcast %and3A_732 : vector<16xi32> -> vector<16xf32>
          %mul3A_734 = arith.mulf %gather3A_623, %bitcast_convert_type3A_729 : vector<16xf32>
          %add3A_735 = arith.addf %add3A_597, %mul3A_734 : vector<16xf32>
          %mul3A_736 = arith.mulf %gather3A_623, %bitcast_convert_type3A_733 : vector<16xf32>
          %add3A_737 = arith.addf %add3A_599, %mul3A_736 : vector<16xf32>
          %get3A_738 = arith.index_cast %add3A_625 : i32 to index
          %get3A_739 = arith.constant 112 : index
          %get3A_740 = tpu.vector_load %arg20[%get3A_738, %get3A_739] {strides = array<i32>} : memref<128x128xi32, #tpu.memory_space<vmem>>, vector<1x16xi32>,
          %get3A_741 = vector.shape_cast %get3A_740 : vector<1x16xi32> to vector<16xi32>
          %shift_left3A_742 = arith.constant 16 : i32
          %shift_left3A_743 = vector.broadcast %shift_left3A_742 : i32 to vector<16xi32>
          %shift_left3A_744 = arith.shli %get3A_741, %shift_left3A_743 : vector<16xi32>
          %bitcast_convert_type3A_745 = tpu.bitcast %shift_left3A_744 : vector<16xi32> -> vector<16xf32>
          %and3A_746 = arith.constant -65536 : i32
          %and3A_747 = vector.broadcast %and3A_746 : i32 to vector<16xi32>
          %and3A_748 = arith.andi %get3A_741, %and3A_747 : vector<16xi32>
          %bitcast_convert_type3A_749 = tpu.bitcast %and3A_748 : vector<16xi32> -> vector<16xf32>
          %mul3A_750 = arith.mulf %gather3A_623, %bitcast_convert_type3A_745 : vector<16xf32>
          %add3A_751 = arith.addf %add3A_613, %mul3A_750 : vector<16xf32>
          %mul3A_752 = arith.mulf %gather3A_623, %bitcast_convert_type3A_749 : vector<16xf32>
          %add3A_753 = arith.addf %add3A_615, %mul3A_752 : vector<16xf32>
          %add3A_754 = arith.constant 4 : i32
          %add3A_755 = arith.addi %add3A_754, %shift_right_arithmetic3A_466 : i32
          %get3A_756 = arith.index_cast %add3A_755 : i32 to index
          %get3A_757 = arith.constant 0 : index
          %get3A_758 = tpu.vector_load %arg18[%get3A_756, %get3A_757] {strides = array<i32>} : memref<8x16xf32, #tpu.memory_space<vmem>>, vector<1x16xf32>,
          %get3A_759 = vector.shape_cast %get3A_758 : vector<1x16xf32> to vector<16xf32>
          %gather3A_760 = vector.shape_cast %broadcast_in_dim3A_476 : vector<16x1xi32> to vector<16xi32>
          %gather3A_761 = tpu.dynamic_gather %get3A_759[%gather3A_760] in [0] : vector<16xf32>, vector<16xi32> -> vector<16xf32>
          %add3A_762 = arith.constant 64 : i32
          %add3A_763 = arith.addi %add3A_479, %add3A_762 : i32
          %get3A_764 = arith.index_cast %add3A_763 : i32 to index
          %get3A_765 = arith.constant 0 : index
          %get3A_766 = tpu.vector_load %arg20[%get3A_764, %get3A_765] {strides = array<i32>} : memref<128x128xi32, #tpu.memory_space<vmem>>, vector<1x16xi32>,
          %get3A_767 = vector.shape_cast %get3A_766 : vector<1x16xi32> to vector<16xi32>
          %shift_left3A_768 = arith.constant 16 : i32
          %shift_left3A_769 = vector.broadcast %shift_left3A_768 : i32 to vector<16xi32>
          %shift_left3A_770 = arith.shli %get3A_767, %shift_left3A_769 : vector<16xi32>
          %bitcast_convert_type3A_771 = tpu.bitcast %shift_left3A_770 : vector<16xi32> -> vector<16xf32>
          %and3A_772 = arith.constant -65536 : i32
          %and3A_773 = vector.broadcast %and3A_772 : i32 to vector<16xi32>
          %and3A_774 = arith.andi %get3A_767, %and3A_773 : vector<16xi32>
          %bitcast_convert_type3A_775 = tpu.bitcast %and3A_774 : vector<16xi32> -> vector<16xf32>
          %mul3A_776 = arith.mulf %gather3A_761, %bitcast_convert_type3A_771 : vector<16xf32>
          %add3A_777 = arith.addf %add3A_639, %mul3A_776 : vector<16xf32>
          %mul3A_778 = arith.mulf %gather3A_761, %bitcast_convert_type3A_775 : vector<16xf32>
          %add3A_779 = arith.addf %add3A_641, %mul3A_778 : vector<16xf32>
          %get3A_780 = arith.index_cast %add3A_763 : i32 to index
          %get3A_781 = arith.constant 16 : index
          %get3A_782 = tpu.vector_load %arg20[%get3A_780, %get3A_781] {strides = array<i32>} : memref<128x128xi32, #tpu.memory_space<vmem>>, vector<1x16xi32>,
          %get3A_783 = vector.shape_cast %get3A_782 : vector<1x16xi32> to vector<16xi32>
          %shift_left3A_784 = arith.constant 16 : i32
          %shift_left3A_785 = vector.broadcast %shift_left3A_784 : i32 to vector<16xi32>
          %shift_left3A_786 = arith.shli %get3A_783, %shift_left3A_785 : vector<16xi32>
          %bitcast_convert_type3A_787 = tpu.bitcast %shift_left3A_786 : vector<16xi32> -> vector<16xf32>
          %and3A_788 = arith.constant -65536 : i32
          %and3A_789 = vector.broadcast %and3A_788 : i32 to vector<16xi32>
          %and3A_790 = arith.andi %get3A_783, %and3A_789 : vector<16xi32>
          %bitcast_convert_type3A_791 = tpu.bitcast %and3A_790 : vector<16xi32> -> vector<16xf32>
          %mul3A_792 = arith.mulf %gather3A_761, %bitcast_convert_type3A_787 : vector<16xf32>
          %add3A_793 = arith.addf %add3A_655, %mul3A_792 : vector<16xf32>
          %mul3A_794 = arith.mulf %gather3A_761, %bitcast_convert_type3A_791 : vector<16xf32>
          %add3A_795 = arith.addf %add3A_657, %mul3A_794 : vector<16xf32>
          %get3A_796 = arith.index_cast %add3A_763 : i32 to index
          %get3A_797 = arith.constant 32 : index
          %get3A_798 = tpu.vector_load %arg20[%get3A_796, %get3A_797] {strides = array<i32>} : memref<128x128xi32, #tpu.memory_space<vmem>>, vector<1x16xi32>,
          %get3A_799 = vector.shape_cast %get3A_798 : vector<1x16xi32> to vector<16xi32>
          %shift_left3A_800 = arith.constant 16 : i32
          %shift_left3A_801 = vector.broadcast %shift_left3A_800 : i32 to vector<16xi32>
          %shift_left3A_802 = arith.shli %get3A_799, %shift_left3A_801 : vector<16xi32>
          %bitcast_convert_type3A_803 = tpu.bitcast %shift_left3A_802 : vector<16xi32> -> vector<16xf32>
          %and3A_804 = arith.constant -65536 : i32
          %and3A_805 = vector.broadcast %and3A_804 : i32 to vector<16xi32>
          %and3A_806 = arith.andi %get3A_799, %and3A_805 : vector<16xi32>
          %bitcast_convert_type3A_807 = tpu.bitcast %and3A_806 : vector<16xi32> -> vector<16xf32>
          %mul3A_808 = arith.mulf %gather3A_761, %bitcast_convert_type3A_803 : vector<16xf32>
          %add3A_809 = arith.addf %add3A_671, %mul3A_808 : vector<16xf32>
          %mul3A_810 = arith.mulf %gather3A_761, %bitcast_convert_type3A_807 : vector<16xf32>
          %add3A_811 = arith.addf %add3A_673, %mul3A_810 : vector<16xf32>
          %get3A_812 = arith.index_cast %add3A_763 : i32 to index
          %get3A_813 = arith.constant 48 : index
          %get3A_814 = tpu.vector_load %arg20[%get3A_812, %get3A_813] {strides = array<i32>} : memref<128x128xi32, #tpu.memory_space<vmem>>, vector<1x16xi32>,
          %get3A_815 = vector.shape_cast %get3A_814 : vector<1x16xi32> to vector<16xi32>
          %shift_left3A_816 = arith.constant 16 : i32
          %shift_left3A_817 = vector.broadcast %shift_left3A_816 : i32 to vector<16xi32>
          %shift_left3A_818 = arith.shli %get3A_815, %shift_left3A_817 : vector<16xi32>
          %bitcast_convert_type3A_819 = tpu.bitcast %shift_left3A_818 : vector<16xi32> -> vector<16xf32>
          %and3A_820 = arith.constant -65536 : i32
          %and3A_821 = vector.broadcast %and3A_820 : i32 to vector<16xi32>
          %and3A_822 = arith.andi %get3A_815, %and3A_821 : vector<16xi32>
          %bitcast_convert_type3A_823 = tpu.bitcast %and3A_822 : vector<16xi32> -> vector<16xf32>
          %mul3A_824 = arith.mulf %gather3A_761, %bitcast_convert_type3A_819 : vector<16xf32>
          %add3A_825 = arith.addf %add3A_687, %mul3A_824 : vector<16xf32>
          %mul3A_826 = arith.mulf %gather3A_761, %bitcast_convert_type3A_823 : vector<16xf32>
          %add3A_827 = arith.addf %add3A_689, %mul3A_826 : vector<16xf32>
          %get3A_828 = arith.index_cast %add3A_763 : i32 to index
          %get3A_829 = arith.constant 64 : index
          %get3A_830 = tpu.vector_load %arg20[%get3A_828, %get3A_829] {strides = array<i32>} : memref<128x128xi32, #tpu.memory_space<vmem>>, vector<1x16xi32>,
          %get3A_831 = vector.shape_cast %get3A_830 : vector<1x16xi32> to vector<16xi32>
          %shift_left3A_832 = arith.constant 16 : i32
          %shift_left3A_833 = vector.broadcast %shift_left3A_832 : i32 to vector<16xi32>
          %shift_left3A_834 = arith.shli %get3A_831, %shift_left3A_833 : vector<16xi32>
          %bitcast_convert_type3A_835 = tpu.bitcast %shift_left3A_834 : vector<16xi32> -> vector<16xf32>
          %and3A_836 = arith.constant -65536 : i32
          %and3A_837 = vector.broadcast %and3A_836 : i32 to vector<16xi32>
          %and3A_838 = arith.andi %get3A_831, %and3A_837 : vector<16xi32>
          %bitcast_convert_type3A_839 = tpu.bitcast %and3A_838 : vector<16xi32> -> vector<16xf32>
          %mul3A_840 = arith.mulf %gather3A_761, %bitcast_convert_type3A_835 : vector<16xf32>
          %add3A_841 = arith.addf %add3A_703, %mul3A_840 : vector<16xf32>
          %mul3A_842 = arith.mulf %gather3A_761, %bitcast_convert_type3A_839 : vector<16xf32>
          %add3A_843 = arith.addf %add3A_705, %mul3A_842 : vector<16xf32>
          %get3A_844 = arith.index_cast %add3A_763 : i32 to index
          %get3A_845 = arith.constant 80 : index
          %get3A_846 = tpu.vector_load %arg20[%get3A_844, %get3A_845] {strides = array<i32>} : memref<128x128xi32, #tpu.memory_space<vmem>>, vector<1x16xi32>,
          %get3A_847 = vector.shape_cast %get3A_846 : vector<1x16xi32> to vector<16xi32>
          %shift_left3A_848 = arith.constant 16 : i32
          %shift_left3A_849 = vector.broadcast %shift_left3A_848 : i32 to vector<16xi32>
          %shift_left3A_850 = arith.shli %get3A_847, %shift_left3A_849 : vector<16xi32>
          %bitcast_convert_type3A_851 = tpu.bitcast %shift_left3A_850 : vector<16xi32> -> vector<16xf32>
          %and3A_852 = arith.constant -65536 : i32
          %and3A_853 = vector.broadcast %and3A_852 : i32 to vector<16xi32>
          %and3A_854 = arith.andi %get3A_847, %and3A_853 : vector<16xi32>
          %bitcast_convert_type3A_855 = tpu.bitcast %and3A_854 : vector<16xi32> -> vector<16xf32>
          %mul3A_856 = arith.mulf %gather3A_761, %bitcast_convert_type3A_851 : vector<16xf32>
          %add3A_857 = arith.addf %add3A_719, %mul3A_856 : vector<16xf32>
          %mul3A_858 = arith.mulf %gather3A_761, %bitcast_convert_type3A_855 : vector<16xf32>
          %add3A_859 = arith.addf %add3A_721, %mul3A_858 : vector<16xf32>
          %get3A_860 = arith.index_cast %add3A_763 : i32 to index
          %get3A_861 = arith.constant 96 : index
          %get3A_862 = tpu.vector_load %arg20[%get3A_860, %get3A_861] {strides = array<i32>} : memref<128x128xi32, #tpu.memory_space<vmem>>, vector<1x16xi32>,
          %get3A_863 = vector.shape_cast %get3A_862 : vector<1x16xi32> to vector<16xi32>
          %shift_left3A_864 = arith.constant 16 : i32
          %shift_left3A_865 = vector.broadcast %shift_left3A_864 : i32 to vector<16xi32>
          %shift_left3A_866 = arith.shli %get3A_863, %shift_left3A_865 : vector<16xi32>
          %bitcast_convert_type3A_867 = tpu.bitcast %shift_left3A_866 : vector<16xi32> -> vector<16xf32>
          %and3A_868 = arith.constant -65536 : i32
          %and3A_869 = vector.broadcast %and3A_868 : i32 to vector<16xi32>
          %and3A_870 = arith.andi %get3A_863, %and3A_869 : vector<16xi32>
          %bitcast_convert_type3A_871 = tpu.bitcast %and3A_870 : vector<16xi32> -> vector<16xf32>
          %mul3A_872 = arith.mulf %gather3A_761, %bitcast_convert_type3A_867 : vector<16xf32>
          %add3A_873 = arith.addf %add3A_735, %mul3A_872 : vector<16xf32>
          %mul3A_874 = arith.mulf %gather3A_761, %bitcast_convert_type3A_871 : vector<16xf32>
          %add3A_875 = arith.addf %add3A_737, %mul3A_874 : vector<16xf32>
          %get3A_876 = arith.index_cast %add3A_763 : i32 to index
          %get3A_877 = arith.constant 112 : index
          %get3A_878 = tpu.vector_load %arg20[%get3A_876, %get3A_877] {strides = array<i32>} : memref<128x128xi32, #tpu.memory_space<vmem>>, vector<1x16xi32>,
          %get3A_879 = vector.shape_cast %get3A_878 : vector<1x16xi32> to vector<16xi32>
          %shift_left3A_880 = arith.constant 16 : i32
          %shift_left3A_881 = vector.broadcast %shift_left3A_880 : i32 to vector<16xi32>
          %shift_left3A_882 = arith.shli %get3A_879, %shift_left3A_881 : vector<16xi32>
          %bitcast_convert_type3A_883 = tpu.bitcast %shift_left3A_882 : vector<16xi32> -> vector<16xf32>
          %and3A_884 = arith.constant -65536 : i32
          %and3A_885 = vector.broadcast %and3A_884 : i32 to vector<16xi32>
          %and3A_886 = arith.andi %get3A_879, %and3A_885 : vector<16xi32>
          %bitcast_convert_type3A_887 = tpu.bitcast %and3A_886 : vector<16xi32> -> vector<16xf32>
          %mul3A_888 = arith.mulf %gather3A_761, %bitcast_convert_type3A_883 : vector<16xf32>
          %add3A_889 = arith.addf %add3A_751, %mul3A_888 : vector<16xf32>
          %mul3A_890 = arith.mulf %gather3A_761, %bitcast_convert_type3A_887 : vector<16xf32>
          %add3A_891 = arith.addf %add3A_753, %mul3A_890 : vector<16xf32>
          %add3A_892 = arith.constant 6 : i32
          %add3A_893 = arith.addi %add3A_892, %shift_right_arithmetic3A_466 : i32
          %get3A_894 = arith.index_cast %add3A_893 : i32 to index
          %get3A_895 = arith.constant 0 : index
          %get3A_896 = tpu.vector_load %arg18[%get3A_894, %get3A_895] {strides = array<i32>} : memref<8x16xf32, #tpu.memory_space<vmem>>, vector<1x16xf32>,
          %get3A_897 = vector.shape_cast %get3A_896 : vector<1x16xf32> to vector<16xf32>
          %gather3A_898 = vector.shape_cast %broadcast_in_dim3A_476 : vector<16x1xi32> to vector<16xi32>
          %gather3A_899 = tpu.dynamic_gather %get3A_897[%gather3A_898] in [0] : vector<16xf32>, vector<16xi32> -> vector<16xf32>
          %add3A_900 = arith.constant 96 : i32
          %add3A_901 = arith.addi %add3A_479, %add3A_900 : i32
          %get3A_902 = arith.index_cast %add3A_901 : i32 to index
          %get3A_903 = arith.constant 0 : index
          %get3A_904 = tpu.vector_load %arg20[%get3A_902, %get3A_903] {strides = array<i32>} : memref<128x128xi32, #tpu.memory_space<vmem>>, vector<1x16xi32>,
          %get3A_905 = vector.shape_cast %get3A_904 : vector<1x16xi32> to vector<16xi32>
          %shift_left3A_906 = arith.constant 16 : i32
          %shift_left3A_907 = vector.broadcast %shift_left3A_906 : i32 to vector<16xi32>
          %shift_left3A_908 = arith.shli %get3A_905, %shift_left3A_907 : vector<16xi32>
          %bitcast_convert_type3A_909 = tpu.bitcast %shift_left3A_908 : vector<16xi32> -> vector<16xf32>
          %and3A_910 = arith.constant -65536 : i32
          %and3A_911 = vector.broadcast %and3A_910 : i32 to vector<16xi32>
          %and3A_912 = arith.andi %get3A_905, %and3A_911 : vector<16xi32>
          %bitcast_convert_type3A_913 = tpu.bitcast %and3A_912 : vector<16xi32> -> vector<16xf32>
          %mul3A_914 = arith.mulf %gather3A_899, %bitcast_convert_type3A_909 : vector<16xf32>
          %add3A_915 = arith.addf %add3A_777, %mul3A_914 : vector<16xf32>
          %mul3A_916 = arith.mulf %gather3A_899, %bitcast_convert_type3A_913 : vector<16xf32>
          %add3A_917 = arith.addf %add3A_779, %mul3A_916 : vector<16xf32>
          %get3A_918 = arith.index_cast %add3A_901 : i32 to index
          %get3A_919 = arith.constant 16 : index
          %get3A_920 = tpu.vector_load %arg20[%get3A_918, %get3A_919] {strides = array<i32>} : memref<128x128xi32, #tpu.memory_space<vmem>>, vector<1x16xi32>,
          %get3A_921 = vector.shape_cast %get3A_920 : vector<1x16xi32> to vector<16xi32>
          %shift_left3A_922 = arith.constant 16 : i32
          %shift_left3A_923 = vector.broadcast %shift_left3A_922 : i32 to vector<16xi32>
          %shift_left3A_924 = arith.shli %get3A_921, %shift_left3A_923 : vector<16xi32>
          %bitcast_convert_type3A_925 = tpu.bitcast %shift_left3A_924 : vector<16xi32> -> vector<16xf32>
          %and3A_926 = arith.constant -65536 : i32
          %and3A_927 = vector.broadcast %and3A_926 : i32 to vector<16xi32>
          %and3A_928 = arith.andi %get3A_921, %and3A_927 : vector<16xi32>
          %bitcast_convert_type3A_929 = tpu.bitcast %and3A_928 : vector<16xi32> -> vector<16xf32>
          %mul3A_930 = arith.mulf %gather3A_899, %bitcast_convert_type3A_925 : vector<16xf32>
          %add3A_931 = arith.addf %add3A_793, %mul3A_930 : vector<16xf32>
          %mul3A_932 = arith.mulf %gather3A_899, %bitcast_convert_type3A_929 : vector<16xf32>
          %add3A_933 = arith.addf %add3A_795, %mul3A_932 : vector<16xf32>
          %get3A_934 = arith.index_cast %add3A_901 : i32 to index
          %get3A_935 = arith.constant 32 : index
          %get3A_936 = tpu.vector_load %arg20[%get3A_934, %get3A_935] {strides = array<i32>} : memref<128x128xi32, #tpu.memory_space<vmem>>, vector<1x16xi32>,
          %get3A_937 = vector.shape_cast %get3A_936 : vector<1x16xi32> to vector<16xi32>
          %shift_left3A_938 = arith.constant 16 : i32
          %shift_left3A_939 = vector.broadcast %shift_left3A_938 : i32 to vector<16xi32>
          %shift_left3A_940 = arith.shli %get3A_937, %shift_left3A_939 : vector<16xi32>
          %bitcast_convert_type3A_941 = tpu.bitcast %shift_left3A_940 : vector<16xi32> -> vector<16xf32>
          %and3A_942 = arith.constant -65536 : i32
          %and3A_943 = vector.broadcast %and3A_942 : i32 to vector<16xi32>
          %and3A_944 = arith.andi %get3A_937, %and3A_943 : vector<16xi32>
          %bitcast_convert_type3A_945 = tpu.bitcast %and3A_944 : vector<16xi32> -> vector<16xf32>
          %mul3A_946 = arith.mulf %gather3A_899, %bitcast_convert_type3A_941 : vector<16xf32>
          %add3A_947 = arith.addf %add3A_809, %mul3A_946 : vector<16xf32>
          %mul3A_948 = arith.mulf %gather3A_899, %bitcast_convert_type3A_945 : vector<16xf32>
          %add3A_949 = arith.addf %add3A_811, %mul3A_948 : vector<16xf32>
          %get3A_950 = arith.index_cast %add3A_901 : i32 to index
          %get3A_951 = arith.constant 48 : index
          %get3A_952 = tpu.vector_load %arg20[%get3A_950, %get3A_951] {strides = array<i32>} : memref<128x128xi32, #tpu.memory_space<vmem>>, vector<1x16xi32>,
          %get3A_953 = vector.shape_cast %get3A_952 : vector<1x16xi32> to vector<16xi32>
          %shift_left3A_954 = arith.constant 16 : i32
          %shift_left3A_955 = vector.broadcast %shift_left3A_954 : i32 to vector<16xi32>
          %shift_left3A_956 = arith.shli %get3A_953, %shift_left3A_955 : vector<16xi32>
          %bitcast_convert_type3A_957 = tpu.bitcast %shift_left3A_956 : vector<16xi32> -> vector<16xf32>
          %and3A_958 = arith.constant -65536 : i32
          %and3A_959 = vector.broadcast %and3A_958 : i32 to vector<16xi32>
          %and3A_960 = arith.andi %get3A_953, %and3A_959 : vector<16xi32>
          %bitcast_convert_type3A_961 = tpu.bitcast %and3A_960 : vector<16xi32> -> vector<16xf32>
          %mul3A_962 = arith.mulf %gather3A_899, %bitcast_convert_type3A_957 : vector<16xf32>
          %add3A_963 = arith.addf %add3A_825, %mul3A_962 : vector<16xf32>
          %mul3A_964 = arith.mulf %gather3A_899, %bitcast_convert_type3A_961 : vector<16xf32>
          %add3A_965 = arith.addf %add3A_827, %mul3A_964 : vector<16xf32>
          %get3A_966 = arith.index_cast %add3A_901 : i32 to index
          %get3A_967 = arith.constant 64 : index
          %get3A_968 = tpu.vector_load %arg20[%get3A_966, %get3A_967] {strides = array<i32>} : memref<128x128xi32, #tpu.memory_space<vmem>>, vector<1x16xi32>,
          %get3A_969 = vector.shape_cast %get3A_968 : vector<1x16xi32> to vector<16xi32>
          %shift_left3A_970 = arith.constant 16 : i32
          %shift_left3A_971 = vector.broadcast %shift_left3A_970 : i32 to vector<16xi32>
          %shift_left3A_972 = arith.shli %get3A_969, %shift_left3A_971 : vector<16xi32>
          %bitcast_convert_type3A_973 = tpu.bitcast %shift_left3A_972 : vector<16xi32> -> vector<16xf32>
          %and3A_974 = arith.constant -65536 : i32
          %and3A_975 = vector.broadcast %and3A_974 : i32 to vector<16xi32>
          %and3A_976 = arith.andi %get3A_969, %and3A_975 : vector<16xi32>
          %bitcast_convert_type3A_977 = tpu.bitcast %and3A_976 : vector<16xi32> -> vector<16xf32>
          %mul3A_978 = arith.mulf %gather3A_899, %bitcast_convert_type3A_973 : vector<16xf32>
          %add3A_979 = arith.addf %add3A_841, %mul3A_978 : vector<16xf32>
          %mul3A_980 = arith.mulf %gather3A_899, %bitcast_convert_type3A_977 : vector<16xf32>
          %add3A_981 = arith.addf %add3A_843, %mul3A_980 : vector<16xf32>
          %get3A_982 = arith.index_cast %add3A_901 : i32 to index
          %get3A_983 = arith.constant 80 : index
          %get3A_984 = tpu.vector_load %arg20[%get3A_982, %get3A_983] {strides = array<i32>} : memref<128x128xi32, #tpu.memory_space<vmem>>, vector<1x16xi32>,
          %get3A_985 = vector.shape_cast %get3A_984 : vector<1x16xi32> to vector<16xi32>
          %shift_left3A_986 = arith.constant 16 : i32
          %shift_left3A_987 = vector.broadcast %shift_left3A_986 : i32 to vector<16xi32>
          %shift_left3A_988 = arith.shli %get3A_985, %shift_left3A_987 : vector<16xi32>
          %bitcast_convert_type3A_989 = tpu.bitcast %shift_left3A_988 : vector<16xi32> -> vector<16xf32>
          %and3A_990 = arith.constant -65536 : i32
          %and3A_991 = vector.broadcast %and3A_990 : i32 to vector<16xi32>
          %and3A_992 = arith.andi %get3A_985, %and3A_991 : vector<16xi32>
          %bitcast_convert_type3A_993 = tpu.bitcast %and3A_992 : vector<16xi32> -> vector<16xf32>
          %mul3A_994 = arith.mulf %gather3A_899, %bitcast_convert_type3A_989 : vector<16xf32>
          %add3A_995 = arith.addf %add3A_857, %mul3A_994 : vector<16xf32>
          %mul3A_996 = arith.mulf %gather3A_899, %bitcast_convert_type3A_993 : vector<16xf32>
          %add3A_997 = arith.addf %add3A_859, %mul3A_996 : vector<16xf32>
          %get3A_998 = arith.index_cast %add3A_901 : i32 to index
          %get3A_999 = arith.constant 96 : index
          %get3A_1000 = tpu.vector_load %arg20[%get3A_998, %get3A_999] {strides = array<i32>} : memref<128x128xi32, #tpu.memory_space<vmem>>, vector<1x16xi32>,
          %get3A_1001 = vector.shape_cast %get3A_1000 : vector<1x16xi32> to vector<16xi32>
          %shift_left3A_1002 = arith.constant 16 : i32
          %shift_left3A_1003 = vector.broadcast %shift_left3A_1002 : i32 to vector<16xi32>
          %shift_left3A_1004 = arith.shli %get3A_1001, %shift_left3A_1003 : vector<16xi32>
          %bitcast_convert_type3A_1005 = tpu.bitcast %shift_left3A_1004 : vector<16xi32> -> vector<16xf32>
          %and3A_1006 = arith.constant -65536 : i32
          %and3A_1007 = vector.broadcast %and3A_1006 : i32 to vector<16xi32>
          %and3A_1008 = arith.andi %get3A_1001, %and3A_1007 : vector<16xi32>
          %bitcast_convert_type3A_1009 = tpu.bitcast %and3A_1008 : vector<16xi32> -> vector<16xf32>
          %mul3A_1010 = arith.mulf %gather3A_899, %bitcast_convert_type3A_1005 : vector<16xf32>
          %add3A_1011 = arith.addf %add3A_873, %mul3A_1010 : vector<16xf32>
          %mul3A_1012 = arith.mulf %gather3A_899, %bitcast_convert_type3A_1009 : vector<16xf32>
          %add3A_1013 = arith.addf %add3A_875, %mul3A_1012 : vector<16xf32>
          %get3A_1014 = arith.index_cast %add3A_901 : i32 to index
          %get3A_1015 = arith.constant 112 : index
          %get3A_1016 = tpu.vector_load %arg20[%get3A_1014, %get3A_1015] {strides = array<i32>} : memref<128x128xi32, #tpu.memory_space<vmem>>, vector<1x16xi32>,
          %get3A_1017 = vector.shape_cast %get3A_1016 : vector<1x16xi32> to vector<16xi32>
          %shift_left3A_1018 = arith.constant 16 : i32
          %shift_left3A_1019 = vector.broadcast %shift_left3A_1018 : i32 to vector<16xi32>
          %shift_left3A_1020 = arith.shli %get3A_1017, %shift_left3A_1019 : vector<16xi32>
          %bitcast_convert_type3A_1021 = tpu.bitcast %shift_left3A_1020 : vector<16xi32> -> vector<16xf32>
          %and3A_1022 = arith.constant -65536 : i32
          %and3A_1023 = vector.broadcast %and3A_1022 : i32 to vector<16xi32>
          %and3A_1024 = arith.andi %get3A_1017, %and3A_1023 : vector<16xi32>
          %bitcast_convert_type3A_1025 = tpu.bitcast %and3A_1024 : vector<16xi32> -> vector<16xf32>
          %mul3A_1026 = arith.mulf %gather3A_899, %bitcast_convert_type3A_1021 : vector<16xf32>
          %add3A_1027 = arith.addf %add3A_889, %mul3A_1026 : vector<16xf32>
          %mul3A_1028 = arith.mulf %gather3A_899, %bitcast_convert_type3A_1025 : vector<16xf32>
          %add3A_1029 = arith.addf %add3A_891, %mul3A_1028 : vector<16xf32>
          scf.yield %add3A_915, %add3A_931, %add3A_947, %add3A_963, %add3A_979, %add3A_995, %add3A_1011, %add3A_1027, %add3A_917, %add3A_933, %add3A_949, %add3A_965, %add3A_981, %add3A_997, %add3A_1013, %add3A_1029 : vector<16xf32>, vector<16xf32>, vector<16xf32>, vector<16xf32>, vector<16xf32>, vector<16xf32>, vector<16xf32>, vector<16xf32>, vector<16xf32>, vector<16xf32>, vector<16xf32>, vector<16xf32>, vector<16xf32>, vector<16xf32>, vector<16xf32>, vector<16xf32>
        }
        %scan3A_335 = arith.constant 4 : i32
        %add3A_336 = arith.constant 42 : i32
        %add3A_337 = arith.addi %add3A_336, %scan3A_297 : i32
        %swap3A_338 = arith.index_cast %add3A_337 : i32 to index
        %swap3A_339 = arith.constant 0 : index
        %swap3A_340 = tpu.vector_load %arg22[%swap3A_338, %swap3A_339] {strides = array<i32>} : memref<49x256xf32, #tpu.memory_space<vmem>>, vector<1x16xf32>,
        %swap3A_341 = vector.shape_cast %swap3A_340 : vector<1x16xf32> to vector<16xf32>
        %swap3A_342 = vector.shape_cast %scan3A_334#0 : vector<16xf32> to vector<1x16xf32>
        tpu.vector_store %arg22[%swap3A_338, %swap3A_339], %swap3A_342 {strides = array<i32>} : memref<49x256xf32, #tpu.memory_space<vmem>>, vector<1x16xf32>,
        %add3A_343 = arith.constant 42 : i32
        %add3A_344 = arith.addi %add3A_343, %scan3A_297 : i32
        %swap3A_345 = arith.index_cast %add3A_344 : i32 to index
        %swap3A_346 = arith.constant 128 : index
        %swap3A_347 = tpu.vector_load %arg22[%swap3A_345, %swap3A_346] {strides = array<i32>} : memref<49x256xf32, #tpu.memory_space<vmem>>, vector<1x16xf32>,
        %swap3A_348 = vector.shape_cast %swap3A_347 : vector<1x16xf32> to vector<16xf32>
        %swap3A_349 = vector.shape_cast %scan3A_334#8 : vector<16xf32> to vector<1x16xf32>
        tpu.vector_store %arg22[%swap3A_345, %swap3A_346], %swap3A_349 {strides = array<i32>} : memref<49x256xf32, #tpu.memory_space<vmem>>, vector<1x16xf32>,
        %add3A_350 = arith.constant 42 : i32
        %add3A_351 = arith.addi %add3A_350, %scan3A_297 : i32
        %swap3A_352 = arith.index_cast %add3A_351 : i32 to index
        %swap3A_353 = arith.constant 16 : index
        %swap3A_354 = tpu.vector_load %arg22[%swap3A_352, %swap3A_353] {strides = array<i32>} : memref<49x256xf32, #tpu.memory_space<vmem>>, vector<1x16xf32>,
        %swap3A_355 = vector.shape_cast %swap3A_354 : vector<1x16xf32> to vector<16xf32>
        %swap3A_356 = vector.shape_cast %scan3A_334#1 : vector<16xf32> to vector<1x16xf32>
        tpu.vector_store %arg22[%swap3A_352, %swap3A_353], %swap3A_356 {strides = array<i32>} : memref<49x256xf32, #tpu.memory_space<vmem>>, vector<1x16xf32>,
        %add3A_357 = arith.constant 42 : i32
        %add3A_358 = arith.addi %add3A_357, %scan3A_297 : i32
        %swap3A_359 = arith.index_cast %add3A_358 : i32 to index
        %swap3A_360 = arith.constant 144 : index
        %swap3A_361 = tpu.vector_load %arg22[%swap3A_359, %swap3A_360] {strides = array<i32>} : memref<49x256xf32, #tpu.memory_space<vmem>>, vector<1x16xf32>,
        %swap3A_362 = vector.shape_cast %swap3A_361 : vector<1x16xf32> to vector<16xf32>
        %swap3A_363 = vector.shape_cast %scan3A_334#9 : vector<16xf32> to vector<1x16xf32>
        tpu.vector_store %arg22[%swap3A_359, %swap3A_360], %swap3A_363 {strides = array<i32>} : memref<49x256xf32, #tpu.memory_space<vmem>>, vector<1x16xf32>,
        %add3A_364 = arith.constant 42 : i32
        %add3A_365 = arith.addi %add3A_364, %scan3A_297 : i32
        %swap3A_366 = arith.index_cast %add3A_365 : i32 to index
        %swap3A_367 = arith.constant 32 : index
        %swap3A_368 = tpu.vector_load %arg22[%swap3A_366, %swap3A_367] {strides = array<i32>} : memref<49x256xf32, #tpu.memory_space<vmem>>, vector<1x16xf32>,
        %swap3A_369 = vector.shape_cast %swap3A_368 : vector<1x16xf32> to vector<16xf32>
        %swap3A_370 = vector.shape_cast %scan3A_334#2 : vector<16xf32> to vector<1x16xf32>
        tpu.vector_store %arg22[%swap3A_366, %swap3A_367], %swap3A_370 {strides = array<i32>} : memref<49x256xf32, #tpu.memory_space<vmem>>, vector<1x16xf32>,
        %add3A_371 = arith.constant 42 : i32
        %add3A_372 = arith.addi %add3A_371, %scan3A_297 : i32
        %swap3A_373 = arith.index_cast %add3A_372 : i32 to index
        %swap3A_374 = arith.constant 160 : index
        %swap3A_375 = tpu.vector_load %arg22[%swap3A_373, %swap3A_374] {strides = array<i32>} : memref<49x256xf32, #tpu.memory_space<vmem>>, vector<1x16xf32>,
        %swap3A_376 = vector.shape_cast %swap3A_375 : vector<1x16xf32> to vector<16xf32>
        %swap3A_377 = vector.shape_cast %scan3A_334#10 : vector<16xf32> to vector<1x16xf32>
        tpu.vector_store %arg22[%swap3A_373, %swap3A_374], %swap3A_377 {strides = array<i32>} : memref<49x256xf32, #tpu.memory_space<vmem>>, vector<1x16xf32>,
        %add3A_378 = arith.constant 42 : i32
        %add3A_379 = arith.addi %add3A_378, %scan3A_297 : i32
        %swap3A_380 = arith.index_cast %add3A_379 : i32 to index
        %swap3A_381 = arith.constant 48 : index
        %swap3A_382 = tpu.vector_load %arg22[%swap3A_380, %swap3A_381] {strides = array<i32>} : memref<49x256xf32, #tpu.memory_space<vmem>>, vector<1x16xf32>,
        %swap3A_383 = vector.shape_cast %swap3A_382 : vector<1x16xf32> to vector<16xf32>
        %swap3A_384 = vector.shape_cast %scan3A_334#3 : vector<16xf32> to vector<1x16xf32>
        tpu.vector_store %arg22[%swap3A_380, %swap3A_381], %swap3A_384 {strides = array<i32>} : memref<49x256xf32, #tpu.memory_space<vmem>>, vector<1x16xf32>,
        %add3A_385 = arith.constant 42 : i32
        %add3A_386 = arith.addi %add3A_385, %scan3A_297 : i32
        %swap3A_387 = arith.index_cast %add3A_386 : i32 to index
        %swap3A_388 = arith.constant 176 : index
        %swap3A_389 = tpu.vector_load %arg22[%swap3A_387, %swap3A_388] {strides = array<i32>} : memref<49x256xf32, #tpu.memory_space<vmem>>, vector<1x16xf32>,
        %swap3A_390 = vector.shape_cast %swap3A_389 : vector<1x16xf32> to vector<16xf32>
        %swap3A_391 = vector.shape_cast %scan3A_334#11 : vector<16xf32> to vector<1x16xf32>
        tpu.vector_store %arg22[%swap3A_387, %swap3A_388], %swap3A_391 {strides = array<i32>} : memref<49x256xf32, #tpu.memory_space<vmem>>, vector<1x16xf32>,
        %add3A_392 = arith.constant 42 : i32
        %add3A_393 = arith.addi %add3A_392, %scan3A_297 : i32
        %swap3A_394 = arith.index_cast %add3A_393 : i32 to index
        %swap3A_395 = arith.constant 64 : index
        %swap3A_396 = tpu.vector_load %arg22[%swap3A_394, %swap3A_395] {strides = array<i32>} : memref<49x256xf32, #tpu.memory_space<vmem>>, vector<1x16xf32>,
        %swap3A_397 = vector.shape_cast %swap3A_396 : vector<1x16xf32> to vector<16xf32>
        %swap3A_398 = vector.shape_cast %scan3A_334#4 : vector<16xf32> to vector<1x16xf32>
        tpu.vector_store %arg22[%swap3A_394, %swap3A_395], %swap3A_398 {strides = array<i32>} : memref<49x256xf32, #tpu.memory_space<vmem>>, vector<1x16xf32>,
        %add3A_399 = arith.constant 42 : i32
        %add3A_400 = arith.addi %add3A_399, %scan3A_297 : i32
        %swap3A_401 = arith.index_cast %add3A_400 : i32 to index
        %swap3A_402 = arith.constant 192 : index
        %swap3A_403 = tpu.vector_load %arg22[%swap3A_401, %swap3A_402] {strides = array<i32>} : memref<49x256xf32, #tpu.memory_space<vmem>>, vector<1x16xf32>,
        %swap3A_404 = vector.shape_cast %swap3A_403 : vector<1x16xf32> to vector<16xf32>
        %swap3A_405 = vector.shape_cast %scan3A_334#12 : vector<16xf32> to vector<1x16xf32>
        tpu.vector_store %arg22[%swap3A_401, %swap3A_402], %swap3A_405 {strides = array<i32>} : memref<49x256xf32, #tpu.memory_space<vmem>>, vector<1x16xf32>,
        %add3A_406 = arith.constant 42 : i32
        %add3A_407 = arith.addi %add3A_406, %scan3A_297 : i32
        %swap3A_408 = arith.index_cast %add3A_407 : i32 to index
        %swap3A_409 = arith.constant 80 : index
        %swap3A_410 = tpu.vector_load %arg22[%swap3A_408, %swap3A_409] {strides = array<i32>} : memref<49x256xf32, #tpu.memory_space<vmem>>, vector<1x16xf32>,
        %swap3A_411 = vector.shape_cast %swap3A_410 : vector<1x16xf32> to vector<16xf32>
        %swap3A_412 = vector.shape_cast %scan3A_334#5 : vector<16xf32> to vector<1x16xf32>
        tpu.vector_store %arg22[%swap3A_408, %swap3A_409], %swap3A_412 {strides = array<i32>} : memref<49x256xf32, #tpu.memory_space<vmem>>, vector<1x16xf32>,
        %add3A_413 = arith.constant 42 : i32
        %add3A_414 = arith.addi %add3A_413, %scan3A_297 : i32
        %swap3A_415 = arith.index_cast %add3A_414 : i32 to index
        %swap3A_416 = arith.constant 208 : index
        %swap3A_417 = tpu.vector_load %arg22[%swap3A_415, %swap3A_416] {strides = array<i32>} : memref<49x256xf32, #tpu.memory_space<vmem>>, vector<1x16xf32>,
        %swap3A_418 = vector.shape_cast %swap3A_417 : vector<1x16xf32> to vector<16xf32>
        %swap3A_419 = vector.shape_cast %scan3A_334#13 : vector<16xf32> to vector<1x16xf32>
        tpu.vector_store %arg22[%swap3A_415, %swap3A_416], %swap3A_419 {strides = array<i32>} : memref<49x256xf32, #tpu.memory_space<vmem>>, vector<1x16xf32>,
        %add3A_420 = arith.constant 42 : i32
        %add3A_421 = arith.addi %add3A_420, %scan3A_297 : i32
        %swap3A_422 = arith.index_cast %add3A_421 : i32 to index
        %swap3A_423 = arith.constant 96 : index
        %swap3A_424 = tpu.vector_load %arg22[%swap3A_422, %swap3A_423] {strides = array<i32>} : memref<49x256xf32, #tpu.memory_space<vmem>>, vector<1x16xf32>,
        %swap3A_425 = vector.shape_cast %swap3A_424 : vector<1x16xf32> to vector<16xf32>
        %swap3A_426 = vector.shape_cast %scan3A_334#6 : vector<16xf32> to vector<1x16xf32>
        tpu.vector_store %arg22[%swap3A_422, %swap3A_423], %swap3A_426 {strides = array<i32>} : memref<49x256xf32, #tpu.memory_space<vmem>>, vector<1x16xf32>,
        %add3A_427 = arith.constant 42 : i32
        %add3A_428 = arith.addi %add3A_427, %scan3A_297 : i32
        %swap3A_429 = arith.index_cast %add3A_428 : i32 to index
        %swap3A_430 = arith.constant 224 : index
        %swap3A_431 = tpu.vector_load %arg22[%swap3A_429, %swap3A_430] {strides = array<i32>} : memref<49x256xf32, #tpu.memory_space<vmem>>, vector<1x16xf32>,
        %swap3A_432 = vector.shape_cast %swap3A_431 : vector<1x16xf32> to vector<16xf32>
        %swap3A_433 = vector.shape_cast %scan3A_334#14 : vector<16xf32> to vector<1x16xf32>
        tpu.vector_store %arg22[%swap3A_429, %swap3A_430], %swap3A_433 {strides = array<i32>} : memref<49x256xf32, #tpu.memory_space<vmem>>, vector<1x16xf32>,
        %add3A_434 = arith.constant 42 : i32
        %add3A_435 = arith.addi %add3A_434, %scan3A_297 : i32
        %swap3A_436 = arith.index_cast %add3A_435 : i32 to index
        %swap3A_437 = arith.constant 112 : index
        %swap3A_438 = tpu.vector_load %arg22[%swap3A_436, %swap3A_437] {strides = array<i32>} : memref<49x256xf32, #tpu.memory_space<vmem>>, vector<1x16xf32>,
        %swap3A_439 = vector.shape_cast %swap3A_438 : vector<1x16xf32> to vector<16xf32>
        %swap3A_440 = vector.shape_cast %scan3A_334#7 : vector<16xf32> to vector<1x16xf32>
        tpu.vector_store %arg22[%swap3A_436, %swap3A_437], %swap3A_440 {strides = array<i32>} : memref<49x256xf32, #tpu.memory_space<vmem>>, vector<1x16xf32>,
        %add3A_441 = arith.constant 42 : i32
        %add3A_442 = arith.addi %add3A_441, %scan3A_297 : i32
        %swap3A_443 = arith.index_cast %add3A_442 : i32 to index
        %swap3A_444 = arith.constant 240 : index
        %swap3A_445 = tpu.vector_load %arg22[%swap3A_443, %swap3A_444] {strides = array<i32>} : memref<49x256xf32, #tpu.memory_space<vmem>>, vector<1x16xf32>,
        %swap3A_446 = vector.shape_cast %swap3A_445 : vector<1x16xf32> to vector<16xf32>
        %swap3A_447 = vector.shape_cast %scan3A_334#15 : vector<16xf32> to vector<1x16xf32>
        tpu.vector_store %arg22[%swap3A_443, %swap3A_444], %swap3A_447 {strides = array<i32>} : memref<49x256xf32, #tpu.memory_space<vmem>>, vector<1x16xf32>,
      }
      %scan3A_295 = arith.constant 7 : i32
      %add3A_296 = arith.addi %mul3A_2, %scan3A_37 : i32
      "tpu.region"() ({
        %run_scoped3A = tpu.sem_alloc : memref<!tpu.dma_semaphore, #tpu.memory_space<semaphore_mem>>
        %dma_start3A_297 = arith.constant 0 : i32
        %dma_start3A_298 = arith.constant 0 : i32
        %dma_start3A_299 = tpu.memref_slice %arg9[%add3A_296, %dma_start3A_297, %dma_start3A_298] : memref<512x49x256xf32, #tpu.memory_space<hbm>> -> memref<1x49x256xf32, #tpu.memory_space<hbm>>
        %dma_start3A_300 = tpu.memref_squeeze %dma_start3A_299 : memref<1x49x256xf32, #tpu.memory_space<hbm>> -> memref<49x256xf32, #tpu.memory_space<hbm>>
        %dma_start3A_301 = arith.constant 0 : i32
        %dma_start3A_302 = arith.constant 0 : i32
        %dma_start3A_303 = tpu.memref_slice %arg9[%add3A_296, %dma_start3A_301, %dma_start3A_302] : memref<512x49x256xf32, #tpu.memory_space<hbm>> -> memref<1x49x256xf32, #tpu.memory_space<hbm>>
        %dma_start3A_304 = tpu.memref_squeeze %dma_start3A_303 : memref<1x49x256xf32, #tpu.memory_space<hbm>> -> memref<49x256xf32, #tpu.memory_space<hbm>>
        tpu.enqueue_dma source(%arg22 : memref<49x256xf32, #tpu.memory_space<vmem>>) target(%dma_start3A_304 : memref<49x256xf32, #tpu.memory_space<hbm>>) target_semaphore(%run_scoped3A : memref<!tpu.dma_semaphore, #tpu.memory_space<semaphore_mem>>)
        %dma_wait3A_305 = arith.constant 0 : i32
        %dma_wait3A_306 = arith.constant 0 : i32
        %dma_wait3A_307 = tpu.memref_slice %arg9[%add3A_296, %dma_wait3A_305, %dma_wait3A_306] : memref<512x49x256xf32, #tpu.memory_space<hbm>> -> memref<1x49x256xf32, #tpu.memory_space<hbm>>
        %dma_wait3A_308 = tpu.memref_squeeze %dma_wait3A_307 : memref<1x49x256xf32, #tpu.memory_space<hbm>> -> memref<49x256xf32, #tpu.memory_space<hbm>>
        %dma_wait3A_309 = arith.constant 0 : i32
        %dma_wait3A_310 = arith.constant 0 : i32
        %dma_wait3A_311 = tpu.memref_slice %arg9[%add3A_296, %dma_wait3A_309, %dma_wait3A_310] : memref<512x49x256xf32, #tpu.memory_space<hbm>> -> memref<1x49x256xf32, #tpu.memory_space<hbm>>
        %dma_wait3A_312 = tpu.memref_squeeze %dma_wait3A_311 : memref<1x49x256xf32, #tpu.memory_space<hbm>> -> memref<49x256xf32, #tpu.memory_space<hbm>>
        tpu.wait_dma2 semaphore(%run_scoped3A : memref<!tpu.dma_semaphore, #tpu.memory_space<semaphore_mem>>) src(%arg22 : memref<49x256xf32, #tpu.memory_space<vmem>>) dst(%dma_wait3A_312 : memref<49x256xf32, #tpu.memory_space<hbm>>)
        tpu.yield
      }) : () -> ()
    }
    %scan3A_36 = arith.constant 16 : i32
    return
  }
}

</mosaic_0001>

<sc_bundles>
// kernel: kernel.3.cloned.1.call-start
scs
__scs_entry_jumppad:
0x0: {  	(pc) =	sbr.rel $0x88, $3  }
0x1: {  	(tag) =	ssettag $0x0;
	lr =	simm.s32 $0x1  }
0x2: {  	[smem:$0x3F9B] =	sst lr;
	_ =	strace $0xD0000000  }
0x3: {  	_ = 	snop  }
0x4: {  	_ = 	snop  }
0x5: {  	_ = 	snop  }
0x6: {  	_ = 	snop  }
0x7: {  	_ = 	snop  }
__scs_overlays_trampoline_lowered:
0x8: {  	[smem:$0x3FAA] =	sst s0  }
0x9: {  	[smem:$0x3FAB] =	sst s1  }
0xa: {  	[smem:$0x3FAC] =	sst s2  }
0xb: {  	[smem:$0x3FAD] =	sst s3  }
0xc: {  	[smem:$0x3FAE] =	sst s4  }
0xd: {  	[smem:$0x3FAF] =	sst s5  }
0xe: {  	[smem:$0x3FB0] =	sst s6  }
0xf: {  	[smem:$0x3FB1] =	sst s7  }
0x10: {  	[smem:$0x3FB2] =	sst s8  }
0x11: {  	[smem:$0x3FB3] =	sst s9;
	s0 =	simm.s32 @!p0 $0x0  }
0x12: {  	s1 =	sld [smem:$0x3F99];
	s0 =	simm.s32 @p0 $0x1  }
0x13: {  	[smem:$0x3FB4] =	sst s0;
	s0 =	simm.s32 @!p1 $0x0  }
0x14: {  	s2 =	sld [smem:$0x3F98];
	s0 =	simm.s32 @p1 $0x1  }
0x15: {  	[smem:$0x3FB5] =	sst s0;
	s0 =	simm.s32 @!p2 $0x0  }
0x16: {  	s3 =	sld [smem:$0x3FDB];
	s0 =	simm.s32 @p2 $0x1  }
0x17: {  	s4 =	simm.s32 $0x1BF5;
	[smem:$0x3FB7] =	sst s0  }
0x18: {  	s0 =	sld [smem:$0x3F9A];
	_ =	swait.ge [sflag:s4], $0x0  }
0x19: {  	s7 =	sld [smem:$0x3F9B]  }
0x1a: {  	s8 =	sadd.s32 $0xFFFFE003, lr  }
0x1b: {  	s9 =	sadd.s32 $0xFFFFFEF7, lr;
	s5 =	simm.s32 $0xFFFFFFFF;
	p2 =	slt.u32 s8, $0xFFFFF086  }
0x1c: {  	p1 =	slt.u32 s9, $0xF7A;
	s5 =	simm.s32 @!p2 $0x0  }
0x1d: {  	s5 =	simm.s32 @p1 $0x1;
	p0 =	seq.s32 s7, s2  }
0x1e: {  	s7 =	smul.u32 @!p0 $0xF7A, s2;
	p2 =	seq.s32 @!p0 s5, $0x0  }
0x1f: {  	s9 =	smul.u32 $0xF7A, s1;
	s8 =	simm.s32 @!p0 $0x1BF5;
	p2 =	por !p2, p0  }
0x20: {  	[sflag:s8] =	ssyncset.s32 @!p0 $0xFFFFF086;
	s6 =	sadd.s32 @!p0 s3, s7;
	s7 =	simm.s32 @!p0 $0x108  }
0x21: {  	s3 =	sadd.s32 s3, s9;
	s6 =	sadd.s32 @!p0 $0x88, s6;
	s7 =	simm.s32 @p2 $0x1082  }
0x22: {  	[simem:s7], [sflag:s8] =	dma.local @!p0 [hbm:s6], $0xF7A  }
0x23: {  	s9 =	sor.u32 $0xD0000000, s2;
	s6 =	simm.s32 $0x108;
	_ =	swait.ge @!p0 [sflag:s8], $0x0  }
0x24: {  	s3 =	sadd.s32 $0x88, s3;
	s6 =	simm.s32 @!p1 $0x1082;
	[sflag:s4] =	ssyncset.s32 $0xFFFFF086  }
0x25: {  	[simem:s6], [sflag:s4] =	dma.local [hbm:s3], $0xF7A  }
0x26: {  	[smem:$0x3F9B] =	sst s1;
	(tag) =	ssettag s2;
	_ =	strace s9  }
0x27: {  	s1 =	sld [smem:$0x3FAB]  }
0x28: {  	s2 =	sld [smem:$0x3FAC]  }
0x29: {  	s4 =	sld [smem:$0x3FAE]  }
0x2a: {  	p0 =	seq.s32 s5, $0x0;
	s5 =	sld [smem:$0x3FAF]  }
0x2b: {  	s6 =	sld [smem:$0x3FB0]  }
0x2c: {  	s7 =	sld [smem:$0x3FB1]  }
0x2d: {  	s3 =	simm.s32 $0x108;
	s8 =	sld [smem:$0x3FB2]  }
0x2e: {  	s3 =	simm.s32 @!p0 $0x1082;
	s9 =	sld [smem:$0x3FB3]  }
0x2f: {  	lr =	sadd.s32 s0, s3;
	s0 =	sld [smem:$0x3FAA]  }
0x30: {  	s3 =	sld [smem:$0x3FAD]  }
0x31: {  	[smem:$0x3FB6] =	sst s10  }
0x32: {  	s10 =	sld [smem:$0x3FB4];
	_ =	sdelay $0x3  }
0x33: {  	p0 =	seq.s32 s10, $0x1;
	s10 =	sld [smem:$0x3FB6];
	_ =	sdelay $0x3  }
0x34: {  	[smem:$0x3FB6] =	sst s10  }
0x35: {  	s10 =	sld [smem:$0x3FB5];
	_ =	sdelay $0x3  }
0x36: {  	p1 =	seq.s32 s10, $0x1;
	s10 =	sld [smem:$0x3FB6];
	_ =	sdelay $0x3  }
0x37: {  	[smem:$0x3FB6] =	sst s10  }
0x38: {  	s10 =	sld [smem:$0x3FB7]  }
0x39: {  	_ = 	snop;
	(pc) =	sbr.ind lr, $3  }
0x3a: {  	_ = 	snop  }
0x3b: {  	_ = 	snop  }
0x3c: {  	p2 =	seq.s32 s10, $0x1;
	s10 =	sld [smem:$0x3FB6]  }
0x3d: {  	_ =	shalt  }
0x3e: {  	_ =	shalt  }
0x3f: {  	_ =	shalt  }
0x40: {  	_ =	shalt  }
0x41: {  	_ =	shalt  }
0x42: {  	_ =	shalt  }
0x43: {  	_ =	shalt  }
0x44: {  	_ =	shalt  }
0x45: {  	_ =	shalt  }
0x46: {  	_ =	shalt  }
0x47: {  	_ =	shalt  }
0x48: {  	_ =	shalt  }
0x49: {  	_ =	shalt  }
0x4a: {  	_ =	shalt  }
0x4b: {  	_ =	shalt  }
0x4c: {  	_ =	shalt  }
0x4d: {  	_ =	shalt  }
0x4e: {  	_ =	shalt  }
0x4f: {  	_ =	shalt  }
0x50: {  	_ =	shalt  }
0x51: {  	_ =	shalt  }
0x52: {  	_ =	shalt  }
0x53: {  	_ =	shalt  }
0x54: {  	_ =	shalt  }
0x55: {  	_ =	shalt  }
0x56: {  	_ =	shalt  }
0x57: {  	_ =	shalt  }
0x58: {  	_ =	shalt  }
0x59: {  	_ =	shalt  }
0x5a: {  	_ =	shalt  }
0x5b: {  	_ =	shalt  }
0x5c: {  	_ =	shalt  }
0x5d: {  	_ =	shalt  }
0x5e: {  	_ =	shalt  }
0x5f: {  	_ =	shalt  }
0x60: {  	_ =	shalt  }
0x61: {  	_ =	shalt  }
0x62: {  	_ =	shalt  }
0x63: {  	_ =	shalt  }
0x64: {  	_ =	shalt  }
0x65: {  	_ =	shalt  }
0x66: {  	_ =	shalt  }
0x67: {  	_ =	shalt  }
0x68: {  	_ =	shalt  }
0x69: {  	_ =	shalt  }
0x6a: {  	_ =	shalt  }
0x6b: {  	_ =	shalt  }
0x6c: {  	_ =	shalt  }
0x6d: {  	_ =	shalt  }
0x6e: {  	_ =	shalt  }
0x6f: {  	_ =	shalt  }
0x70: {  	_ =	shalt  }
0x71: {  	_ =	shalt  }
0x72: {  	_ =	shalt  }
0x73: {  	_ =	shalt  }
0x74: {  	_ =	shalt  }
0x75: {  	_ =	shalt  }
0x76: {  	_ =	shalt  }
0x77: {  	_ =	shalt  }
0x78: {  	_ =	shalt  }
0x79: {  	_ =	shalt  }
0x7a: {  	_ =	shalt  }
0x7b: {  	_ =	shalt  }
0x7c: {  	_ =	shalt  }
0x7d: {  	_ =	shalt  }
0x7e: {  	_ =	shalt  }
0x7f: {  	_ =	shalt  }
0x80: {  	_ =	shalt  }
0x81: {  	_ =	shalt  }
0x82: {  	_ =	shalt  }
0x83: {  	_ =	shalt  }
0x84: {  	_ =	shalt  }
0x85: {  	_ =	shalt  }
0x86: {  	_ =	shalt  }
0x87: {  	_ =	shalt  }
.Lfunc_end0:
.L_simem_size_0:
called_computation.1_lowered:
.L_overlay_start_0:
0x88: {  	s2 =	sld [smem:$0x3FD9]  }
0x89: {  	s3 =	sld [smem:$0x3FFE];
	_ =	sdelay $0x1  }
0x8a: {  	s1 =	srdreg.scid  }
0x8b: {  	s0 =	sand.u32 $0x1, s1  }
0x8c: {  	s17 =	sshll.u32 s0, $0xA;
	s2 =	sadd.s32 s3, s2  }
0x8d: {  	s2 =	sadd.s32 s2, s17  }
0x8e: {  	[smem:$0x3FC2] =	sst s2  }
0x8f: {  	_ = 	snop  }
0x90: {  	s2 =	sld [smem:$0x3FD0];
	(tm) =	ssettm $0x1  }
0x91: {  	s18 =	sld [smem:$0x3FFB];
	_ =	sdelay $0x3  }
0x92: {  	_ =	strace s18  }
0x93: {  	s3 =	sld [smem:$0x3FFC];
	_ =	sdelay $0x3  }
0x94: {  	_ =	strace s3  }
0x95: {  	s3 =	sld [smem:$0x3FFD];
	_ =	sdelay $0x3  }
0x96: {  	_ =	strace s3  }
0x97: {  	_ =	strace $0x8FFFFFFF  }
0x98: {  	s19 =	sld [smem:$0x3FDB];
	_ =	sdelay $0x1  }
0x99: {  	s4 =	simm.s32 $_scs_section_size  }
0x9a: {  	s5 =	simm.s32 $_size__tile_overlayer_lowered;
	s6 =	simm.s32 $_tile_overlayer_lowered  }
0x9b: {  	s22 =	simm.s32 $0x1BFF;
	s21 =	sshll.u32 s6, $0x1;
	s3 =	sadd.s32 s4, s19  }
0x9c: {  	s7 =	simm.s32 $0x0;
	s20 =	sshll.u32 s5, $0x1;
	s5 =	sadd.s32 s21, s3  }
0x9d: {  	[timem:s7], [sflag:s22] =	dma.local [hbm:s5], s20  }
0x9e: {  	_ =	swait.ge [sflag:s22], s20  }
0x9f: {  	s4 =	ssub.s32 $0x0, s20;
	[sflag:s22] =	ssyncset.done $0x0  }
0xa0: {  	[sflag:s22] =	ssyncadd.s32 s4;
	_ =	sdelay $0x1  }
0xa1: {  	s23 =	simm.s32 $0x1B8B  }
0xa2: {  	_ =	swait.ge [sflag:s23], $0x1  }
0xa3: {  	[sflag:s23] =	ssyncset.done $0x0  }
0xa4: {  	s25 =	simm.s32 $0x1B8E;
	s24 =	sld [smem:$0x3FFE];
	[sflag:s23] =	ssyncadd.s32 $0xFFFFFFFF  }
0xa5: {  	s26 =	simm.s32 $execute0_lowered;
	[smem:$0x3FD2] =	sst s25  }
0xa6: {  	s5 =	sshll.u32 s26, $0x1;
	_ =	strace $0x80000049;
	[dreg:$0x1] =	wrdreg $0xFFFFFFFF  }
0xa7: {  	s28 =	simm.s32 $_size_execute0_lowered;
	s3 =	sadd.s32 s3, s5;
	[dreg:$0x0] =	wrdreg $0x0  }
0xa8: {  	s5 =	sshll.u32 s28, $0x1;
	[dreg:$0x2] =	wrdreg s3  }
0xa9: {  	[dreg:$0x3] =	wrdreg s5  }
0xaa: {  	[dreg:$0x4] =	wrdreg $0xC0  }
0xab: {  	_ =	task [dreg:s7], $0x5FFFF  }
0xac: {  	[dreg:$0x1] =	wrdreg $0xFFFFFFFF  }
0xad: {  	[dreg:$0x0] =	wrdreg $0x60  }
0xae: {  	[dreg:$0x2] =	wrdreg s2  }
0xaf: {  	[dreg:$0x3] =	wrdreg s24  }
0xb0: {  	[dreg:$0x4] =	wrdreg $0x9  }
0xb1: {  	_ =	task.clear_ibuf [dreg:s7], $0x5FFFF;
	_ =	strace $0x90000049  }
0xb2: {  	s29 =	simm.s32 $0x9;
	_ =	strace $0x8000004B  }
0xb3: {  	_ =	swait.ge [sflag:s29], $0x1  }
0xb4: {  	[sflag:s29] =	ssyncadd.s32 $0xFFFFFFFF  }
0xb5: {  	_ =	strace $0x9000004B  }
0xb6: {  	_ =	sfence  }
0xb7: {  	s30 =	sld [smem:$0x0];
	_ =	sdelay $0x2  }
0xb8: {  	s31 =	sshll.u32 s1, $0xD;
	s1 =	sshrl.u32 s1, $0x2  }
0xb9: {  	s3 =	sand.u32 $0x4000, s31;
	s1 =	sadd.s32 s1, s30  }
0xba: {  	s0 =	sor.u32 s3, s0;
	s1 =	sshll.u32 s1, $0x11  }
0xbb: {  	s0 =	sor.u32 s1, s0  }
0xbc: {  	s0 =	sadd.s32 $0x8F2B, s0  }
0xbd: {  	[sflag:s0] =	ssyncadd.remote.s32 $0x1  }
0xbe: {  	_ =	sfence.sel $0xFFFF  }
0xbf: {  	[dreg:$0x0] =	wrdreg $0xFFFFFFFF;
	(pc) =	sbr.abs _section_cstart, $3  }
0xc0: {  	[dreg:$0x1] =	wrdreg $0xFFFFFFFF  }
0xc1: {  	_ =	task.clear_ibuf [dreg:s7], $0x2FFFF;
	_ =	strace $0x9FFFFFFF  }
0xc2: {  	(tm) =	ssettm $0x7FFFFFFF  }
0xc3: {  	_ =	shalt  }
tec
execute0_lowered:
.L_overlay_start_1:
0x0: {  	(tag) =	ssettag $0x1  }
0x1: {  	v0 =	vimm.f32 $7.750000000e+00;
	vm0 =	vcmask $0x300  }
0x2: {  	vm14 =	vcmask $0x704;
	v0 =	vsel vm0, $0x3E800000, v0  }
0x3: {  	vm15 =	vcmask $0xB08;
	v0 =	vsel vm14, $0x3F400000, v0  }
0x4: {  	vm4 =	vcmask $0xF0C;
	v0 =	vsel vm15, $0x3FA00000, v0  }
0x5: {  	vm5 =	vcmask $0x1310;
	v0 =	vsel vm4, $0x3FE00000, v0  }
0x6: {  	s0 =	srdreg.scid;
	s1 =	rddreg [dreg:$0x0];
	vm6 =	vcmask $0x1714;
	v0 =	vsel vm5, $0x40100000, v0  }
0x7: {  	s3 =	stileid.u32;
	s2 =	rddreg [dreg:$0x1];
	vm7 =	vcmask $0x1B18;
	s13 =	simm.s32 $0x3;
	v0 =	vsel vm6, $0x40300000, v0  }
0x8: {  	vm8 =	vcmask $0x1F1C;
	s14 =	simm.s32 $0x80;
	s19 =	simm.s32 $0x300;
	s20 =	simm.s32 $0xC00;
	v0 =	vsel vm7, $0x40500000, v0  }
0x9: {  	vm9 =	vcmask $0x2320;
	s21 =	simm.s32 $0x380;
	s22 =	simm.s32 $0x4C00;
	s23 =	simm.s32 $0x1;
	v0 =	vsel vm8, $0x40700000, v0  }
0xa: {  	vm10 =	vcmask $0x2724;
	s24 =	simm.s32 $0x2;
	s25 =	simm.s32 $0x8C00;
	s0 =	sand.u32 $0x1, s0;
	v0 =	vsel vm9, $0x40880000, v0  }
0xb: {  	vm11 =	vcmask $0x2B28;
	s4 =	sshll.u32 s3, $0x5;
	s3 =	simm.s32 $0x0;
	s5 =	sshll.u32 s0, $0x4;
	v0 =	vsel vm10, $0x40980000, v0  }
0xc: {  	vm12 =	vcmask $0x2F2C;
	s26 =	simm.s32 $0x0;
	[smem:$0x7FF] =	sst s3;
	s4 =	sor.u32 s5, s4;
	v0 =	vsel vm11, $0x40A80000, v0  }
0xd: {  	vm13 =	vcmask $0x3330;
	s0 =	ssub.s32 $0x2, s0;
	_ =	strace $0x8000004A;
	s5 =	sshrl.u32 s4, $0x3;
	v0 =	vsel vm12, $0x40B80000, v0  }
0xe: {  	vm14 =	vcmask $0x3734;
	s31 =	sshrl.u32 s0, $0x1;
	s11 =	sadd.s32 s5, s2;
	s5 =	sadd.s32 $0x2000, s2;
	v0 =	vsel vm13, $0x40C80000, v0  }
0xf: {  	vm15 =	vcmask $0x3B38;
	s0 =	ssub.s32 s0, s31;
	s30 =	sadd.s32 $0x102600, s11;
	s7 =	sadd.s32 $0x102400, s11;
	v0 =	vsel vm14, $0x40D80000, v0  }
0x10: {  	s12 =	smax.u32 s0, $0x1;
	s8 =	sadd.s32 $0x102A00, s11;
	s9 =	sadd.s32 $0x102800, s11;
	v0 =	vsel vm15, $0x40E80000, v0  }
0x11: {  	s10 =	sadd.s32 $0x102200, s11;
	s11 =	sadd.s32 $0x102000, s11;
	[dreg:$0x3] =	wrdreg s30;
	[tilespmem:$0x1FFF0] =	vst v0  }
.LBB2_1:
0x12: {  	s0 =	rddreg [dreg:$0x3]  }
0x13: {  	[tilespmem:s3], [sflag:$0x3] =	stream.linear.gather [hbm4b:s0+s3], $0x10, $0x38;
	[tilespmem:$0xC400] =	vst v63  }
0x14: {  	_ =	swait.ge [sflag:s13], $0x10  }
0x15: {  	[sflag:s13] =	ssyncset.done $0x0  }
0x16: {  	[sflag:s13] =	ssyncadd.s32 $0xFFFFFFF0  }
0x17: {  	[tilespmem:s14], [sflag:$0x3] =	stream.linear.gather [hbm4b:s7+s3], $0x10, $0x38;
	[tilespmem:$0xC400] =	vst v63  }
0x18: {  	_ =	swait.ge [sflag:s13], $0x10  }
0x19: {  	[sflag:s13] =	ssyncset.done $0x0  }
0x1a: {  	s18 =	simm.s32 $0x100;
	[sflag:s13] =	ssyncadd.s32 $0xFFFFFFF0  }
0x1b: {  	[tilespmem:s18], [sflag:$0x3] =	stream.linear.gather [hbm4b:s8+s3], $0x10, $0x38;
	[tilespmem:$0xC400] =	vst v63  }
0x1c: {  	_ =	swait.ge [sflag:s13], $0x10  }
0x1d: {  	[sflag:s13] =	ssyncset.done $0x0  }
0x1e: {  	s29 =	simm.s32 $0x180;
	[sflag:s13] =	ssyncadd.s32 $0xFFFFFFF0  }
0x1f: {  	[tilespmem:s29], [sflag:$0x3] =	stream.linear.gather [hbm4b:s9+s3], $0x10, $0x38;
	[tilespmem:$0xC400] =	vst v63  }
0x20: {  	_ =	swait.ge [sflag:s13], $0x10  }
0x21: {  	[sflag:s13] =	ssyncset.done $0x0  }
0x22: {  	s30 =	simm.s32 $0x200;
	[sflag:s13] =	ssyncadd.s32 $0xFFFFFFF0  }
0x23: {  	[tilespmem:s30], [sflag:$0x3] =	stream.linear.gather [hbm4b:s10+s3], $0x10, $0x38;
	[tilespmem:$0xC400] =	vst v63  }
0x24: {  	_ =	swait.ge [sflag:s13], $0x10  }
0x25: {  	[sflag:s13] =	ssyncset.done $0x0  }
0x26: {  	s31 =	simm.s32 $0x280;
	[sflag:s13] =	ssyncadd.s32 $0xFFFFFFF0  }
0x27: {  	[tilespmem:s31], [sflag:$0x3] =	stream.linear.gather [hbm4b:s11+s3], $0x10, $0x38;
	[tilespmem:$0xC400] =	vst v63  }
0x28: {  	_ =	swait.ge [sflag:s13], $0x10  }
0x29: {  	[sflag:s13] =	ssyncset.done $0x0  }
0x2a: {  	[sflag:s13] =	ssyncadd.s32 $0xFFFFFFF0  }
0x2b: {  	v0 =	vld [tilespmem:$0x0]  }
0x2c: {  	v59 =	vld [tilespmem:$0x80]  }
0x2d: {  	v60 =	vld [tilespmem:$0x100]  }
0x2e: {  	v61 =	vld [tilespmem:$0x180]  }
0x2f: {  	v62 =	vld [tilespmem:$0x200]  }
0x30: {  	v63 =	vld [tilespmem:$0x280];
	[tilespmem:$0x1FF90] =	vst v0  }
0x31: {  	[tilespmem:$0x1FFA0] =	vst v59  }
0x32: {  	[tilespmem:$0x1FFB0] =	vst v60  }
0x33: {  	[tilespmem:$0x1FFC0] =	vst v61  }
0x34: {  	[tilespmem:$0x1FFD0] =	vst v62  }
0x35: {  	s28 =	simm.s32 $0x0;
	[tilespmem:$0x1FFE0] =	vst v63  }
.LBB2_2:
0x36: {  	v1 =	vld [tilespmem:$0x1FFC0]  }
0x37: {  	v2 =	vld [tilespmem:$0x1FFA0]  }
0x38: {  	v0 =	vmov s28;
	v4 =	vld [tilespmem:$0x1FFF0]  }
0x39: {  	v3 =	vld [tilespmem:$0x1FFB0];
	v0 =	vand.u32 $0xF, v0  }
0x3a: {  	v0 =	vbroadcast v0, $0x0  }
0x3b: {  	v34 =	vld [tilespmem:$0x1FF90]  }
0x3c: {  	v1 =	vperm.xlane v1, v0  }
0x3d: {  	v35 =	vld [tilespmem:$0x1FFE0];
	v2 =	vperm.xlane v2, v0  }
0x3e: {  	v3 =	vperm.xlane v3, v0;
	v1 =	vmul.f32 v4, v1;
	_ =	sdelay $0x1  }
0x3f: {  	v3 =	vmul.f32 v4, v3;
	v1 =	vadd.f32 v1, v2;
	v2 =	vperm.xlane v34, v0;
	_ =	sdelay $0x1  }
0x40: {  	v45 =	vld [tilespmem:$0x1FFD0];
	v10 =	vperm.xlane v35, v0;
	v1 =	vmax.f32 v1, $0.0e+00;
	v2 =	vadd.f32 v3, v2  }
0x41: {  	v7 =	vimm.s32 $0x0;
	v36 =	vtrunc.f32 v1  }
0x42: {  	v38 =	vadd.s32 $0xFFFFFFFF, v10;
	v37 =	vcvt.f32.s32 v36;
	v2 =	vmax.f32 v2, $0.0e+00  }
0x43: {  	v9 =	vimm.s32 $0x1;
	v5 =	vcvt.s32.f32 v38;
	v6 =	vtrunc.f32 v2  }
0x44: {  	vm0 =	vlt.s32 v37, v38;
	v6 =	vcvt.f32.s32 v6;
	vm14 =	vgt.s32 v38, v37  }
0x45: {  	v0 =	vperm.xlane v45, v0;
	v12 =	vsel vm0, v37, v38;
	v1 =	vsel vm14, v1, v5  }
0x46: {  	v39 =	vcvt.s32.f32 v12;
	vm1 =	vlt.s32 v6, v38;
	v43 =	vperm.xlane v12, v7  }
0x47: {  	[tilespmem:$0x1FF40] =	vst v10;
	vm15 =	vgt.s32 v38, v6;
	v46 =	vadd.s32 $0x1, v12;
	v40 =	vsel vm1, v6, v38  }
0x48: {  	[tilespmem:$0x1FF20] =	vst v12;
	v2 =	vsel vm15, v2, v5;
	v15 =	vsel vm14, v46, v38;
	v5 =	vmul.u32 v10, v43  }
0x49: {  	v13 =	vsub.f32 v1, v39;
	v3 =	vperm.xlane v15, v7;
	[tilespmem:$0x1FF30] =	vst v15;
	v1 =	vadd.s32 v40, v0  }
0x4a: {  	v41 =	vcvt.s32.f32 v40;
	v47 =	vadd.s32 $0x1, v40;
	[tilespmem:$0x1FF70] =	vst v1;
	v5 =	vadd.s32 v0, v5  }
0x4b: {  	v4 =	vsel vm15, v47, v38;
	v3 =	vmul.u32 v10, v3;
	[tilespmem:$0x1FF10] =	vst v13;
	v8 =	vadd.s32 v40, v5  }
0x4c: {  	v42 =	vperm.xlane v13, v7;
	v14 =	vsub.f32 v2, v41;
	v5 =	vadd.s32 v5, v4;
	[tilespmem:$0x300] =	vst v8  }
0x4d: {  	v48 =	vperm.xlane v13, v9;
	[tilespmem:$0x320] =	vst v5;
	v3 =	vadd.s32 v0, v3  }
0x4e: {  	v16 =	vsub.f32 $1.000000000e+00, v14;
	v6 =	vmul.f32 $2.500000000e-01, v42;
	[tilespmem:$0x1FF60] =	vst v14;
	v50 =	vadd.s32 v40, v3  }
0x4f: {  	v3 =	vadd.s32 v3, v4;
	[tilespmem:$0x340] =	vst v50  }
0x50: {  	v44 =	vsub.f32 $1.000000000e+00, v42;
	v60 =	vmul.f32 $2.500000000e-01, v48;
	v51 =	vmul.f32 v16, v6;
	[tilespmem:$0x360] =	vst v3  }
0x51: {  	v54 =	vmul.f32 v14, v6;
	[tilespmem:$0x1FF50] =	vst v16  }
0x52: {  	v52 =	vsub.f32 $1.000000000e+00, v48;
	v2 =	vmul.f32 $2.500000000e-01, v44;
	v62 =	vmul.f32 v60, v16;
	[tilespmem:$0x600] =	vst v51  }
0x53: {  	v56 =	vperm.xlane v15, v9;
	v63 =	vmul.f32 v60, v14;
	[tilespmem:$0x700] =	vst v54  }
0x54: {  	v55 =	vmul.f32 $2.500000000e-01, v52;
	v11 =	vmul.f32 v16, v2;
	[tilespmem:$0x680] =	vst v62  }
0x55: {  	v2 =	vmul.f32 v14, v2;
	[tilespmem:$0x780] =	vst v63  }
0x56: {  	v49 =	vperm.xlane v12, v9;
	v3 =	vmul.u32 v10, v56;
	v58 =	vmul.f32 v55, v16;
	[tilespmem:$0x400] =	vst v11  }
0x57: {  	v59 =	vmul.f32 v55, v14;
	[tilespmem:$0x500] =	vst v2  }
0x58: {  	v53 =	vmul.u32 v10, v49;
	v61 =	vadd.s32 v0, v3;
	[tilespmem:$0x480] =	vst v58  }
0x59: {  	v3 =	vadd.s32 v40, v61;
	[tilespmem:$0x580] =	vst v59  }
0x5a: {  	v2 =	vadd.s32 v0, v53;
	[tilespmem:$0x350] =	vst v3;
	v0 =	vadd.s32 v4, v0  }
0x5b: {  	v57 =	vadd.s32 v40, v2;
	[tilespmem:$0x1FF80] =	vst v0  }
0x5c: {  	v2 =	vadd.s32 v4, v2;
	[tilespmem:$0x310] =	vst v57  }
0x5d: {  	[tilespmem:$0x330] =	vst v2;
	v2 =	vadd.s32 v4, v61  }
0x5e: {  	s29 =	simm.s32 $0x0;
	[tilespmem:$0x370] =	vst v2  }
0x5f: {  	[tilespmem:s20], [sflag:$0x1] =	stream.indirect.gather [hbm4b:s1+s14], $0x80, s19, s14, $0xb8;
	[tilespmem:$0xC400] =	vst v63  }
.LBB2_3:
0x60: {  	s30 =	sshllo.u32 s29, $0x1;
	v9 =	vld [tilespmem:$0x1FF10]  }
0x61: {  	v7 =	vld [tilespmem:$0x1FF20];
	s0 =	sshll.u32 s30, $0x1  }
0x62: {  	v8 =	vld [tilespmem:$0x1FF40];
	v0 =	vmov s0  }
0x63: {  	v11 =	vld [tilespmem:$0x1FF30];
	v0 =	vand.u32 $0xF, v0  }
0x64: {  	s18 =	sshllo.u32 s30, $0x1;
	v0 =	vbroadcast v0, $0x0  }
0x65: {  	v13 =	vld [tilespmem:$0x1FF70];
	v4 =	vmov s18  }
0x66: {  	v14 =	vld [tilespmem:$0x1FF80];
	v4 =	vand.u32 $0xF, v4;
	v2 =	vperm.xlane v7, v0  }
0x67: {  	v4 =	vbroadcast v4, $0x0  }
0x68: {  	v1 =	vperm.xlane v9, v0;
	v0 =	vperm.xlane v11, v0;
	v2 =	vmul.u32 v8, v2;
	_ =	sdelay $0x1  }
0x69: {  	v12 =	vld [tilespmem:$0x1FF50];
	v51 =	vperm.xlane v7, v4;
	v0 =	vmul.u32 v8, v0;
	v5 =	vadd.s32 v13, v2  }
0x6a: {  	v10 =	vld [tilespmem:$0x1FF60];
	v2 =	vadd.s32 v14, v2;
	[tilespmem:$0x380] =	vst v5  }
0x6b: {  	v48 =	vperm.xlane v9, v4;
	v53 =	vmul.u32 v8, v51;
	v49 =	vadd.s32 v13, v0;
	[tilespmem:$0x3A0] =	vst v2  }
0x6c: {  	v3 =	vsub.f32 $1.000000000e+00, v1;
	v1 =	vmul.f32 $2.500000000e-01, v1;
	v0 =	vadd.s32 v14, v0;
	[tilespmem:$0x3C0] =	vst v49  }
0x6d: {  	v56 =	vadd.s32 v13, v53;
	[tilespmem:$0x3E0] =	vst v0  }
0x6e: {  	v60 =	vmul.f32 $2.500000000e-01, v48;
	v50 =	vmul.f32 v1, v12;
	v58 =	vadd.s32 v14, v53;
	[tilespmem:$0x390] =	vst v56  }
0x6f: {  	v1 =	vmul.f32 v1, v10;
	[tilespmem:$0x3B0] =	vst v58  }
0x70: {  	v52 =	vsub.f32 $1.000000000e+00, v48;
	v3 =	vmul.f32 $2.500000000e-01, v3;
	v62 =	vmul.f32 v60, v12;
	[tilespmem:$0xA00] =	vst v50  }
0x71: {  	v63 =	vmul.f32 v60, v10;
	[tilespmem:$0xB00] =	vst v1  }
0x72: {  	v54 =	vmul.f32 $2.500000000e-01, v52;
	v6 =	vmul.f32 v3, v12;
	[tilespmem:$0xA80] =	vst v62  }
0x73: {  	v55 =	vperm.xlane v11, v4;
	v3 =	vmul.f32 v3, v10;
	[tilespmem:$0xB80] =	vst v63  }
0x74: {  	v57 =	vmul.f32 v54, v12;
	[tilespmem:$0x800] =	vst v6  }
0x75: {  	v0 =	vmul.u32 v8, v55;
	v59 =	vmul.f32 v54, v10;
	[tilespmem:$0x900] =	vst v3  }
0x76: {  	[tilespmem:$0x880] =	vst v57  }
0x77: {  	v61 =	vadd.s32 v13, v0;
	[tilespmem:$0x980] =	vst v59  }
0x78: {  	v0 =	vadd.s32 v14, v0;
	[tilespmem:$0x3D0] =	vst v61  }
0x79: {  	[tilespmem:$0x3F0] =	vst v0  }
0x7a: {  	[tilespmem:s22], [sflag:$0x2] =	stream.indirect.gather [hbm4b:s1+s14], $0x80, s21, s14, $0xb8;
	[tilespmem:$0xC400] =	vst v63  }
0x7b: {  	_ =	swait.ge [sflag:s23], $0x4000  }
0x7c: {  	[sflag:s23] =	ssyncset.done $0x0  }
0x7d: {  	s31 =	smul.u32 $0xE, s29;
	s2 =	simm.s32 $0x0;
	[sflag:s23] =	ssyncadd.s32 $0xFFFFC000  }
.LBB2_4:
0x7e: {  	s15 =	simm.s32 $0x0;
	s16 =	simm.s32 $0x0  }
0x7f: {  	s0 =	sshll.u32 s2, $0x1;
	s15 =	sand.u32 $0x1, s15;
	s16 =	sand.u32 $0x3FFFFF80, s16  }
0x80: {  	s17 =	sor.u32 s0, s15;
	v0 =	vld [tilespmem:s16+$0x700]  }
0x81: {  	s6 =	simm.s32 $0x0;
	v1 =	vld [tilespmem:s16+$0x600];
	s18 =	sshll.u32 s17, $0x7  }
0x82: {  	s15 =	sand.u32 $0x3FFFF800, s6;
	v2 =	vld [tilespmem:s16+$0x500];
	s18 =	sand.u32 $0x3FFFFF80, s18  }
0x83: {  	v3 =	vld [tilespmem:s16+$0x400];
	s15 =	sadd.s32 s18, s15  }
0x84: {  	v4 =	vld [tilespmem:s15+$0x3C00]  }
0x85: {  	v5 =	vld [tilespmem:s15+$0x3C10]  }
0x86: {  	v6 =	vld [tilespmem:s15+$0x3C20]  }
0x87: {  	v7 =	vld [tilespmem:s15+$0x3C30]  }
0x88: {  	v8 =	vld [tilespmem:s15+$0x3C40]  }
0x89: {  	v11 =	vld [tilespmem:s15+$0x3C50]  }
0x8a: {  	v13 =	vld [tilespmem:s15+$0x3C60]  }
0x8b: {  	v17 =	vmov s17;
	v20 =	vld [tilespmem:s15+$0x3C70]  }
0x8c: {  	v17 =	vand.u32 $0xF, v17;
	v24 =	vld [tilespmem:s15+$0x2C00]  }
0x8d: {  	v21 =	vbroadcast v17, $0x0;
	v25 =	vld [tilespmem:s15+$0x2C10]  }
0x8e: {  	v26 =	vld [tilespmem:s15+$0x2C20]  }
0x8f: {  	v15 =	vimm.f32 $0.0e+00;
	v27 =	vld [tilespmem:s15+$0x2C30];
	v17 =	vperm.xlane v0, v21;
	v19 =	vperm.xlane v2, v21  }
0x90: {  	v28 =	vld [tilespmem:s15+$0x2C60];
	v18 =	vperm.xlane v1, v21;
	v21 =	vperm.xlane v3, v21;
	v2 =	vshll.u32 v4, $0x10  }
0x91: {  	v30 =	vld [tilespmem:s15+$0x2C70];
	v3 =	vand.u32 $0xFFFF0000, v4;
	v4 =	vshll.u32 v5, $0x10;
	v5 =	vand.u32 $0xFFFF0000, v5  }
0x92: {  	v31 =	vld [tilespmem:s15+$0x1C00];
	v29 =	vshll.u32 v6, $0x10;
	v6 =	vand.u32 $0xFFFF0000, v6;
	v9 =	vshll.u32 v7, $0x10  }
0x93: {  	v35 =	vld [tilespmem:s15+$0x1C10];
	v7 =	vand.u32 $0xFFFF0000, v7;
	v33 =	vshll.u32 v8, $0x10;
	v8 =	vand.u32 $0xFFFF0000, v8  }
0x94: {  	v37 =	vld [tilespmem:s15+$0x1C20];
	v34 =	vshll.u32 v11, $0x10;
	v11 =	vand.u32 $0xFFFF0000, v11;
	v36 =	vshll.u32 v13, $0x10  }
0x95: {  	v41 =	vld [tilespmem:s15+$0x1C40];
	v13 =	vand.u32 $0xFFFF0000, v13;
	v38 =	vshll.u32 v24, $0x10;
	v49 =	vshll.u32 v20, $0x10  }
0x96: {  	v42 =	vld [tilespmem:s15+$0x1C50];
	v23 =	vand.u32 $0xFFFF0000, v20;
	v39 =	vand.u32 $0xFFFF0000, v24;
	v43 =	vshll.u32 v25, $0x10  }
0x97: {  	v47 =	vld [tilespmem:s15+$0x1C60];
	v44 =	vand.u32 $0xFFFF0000, v25;
	v45 =	vshll.u32 v26, $0x10;
	v26 =	vand.u32 $0xFFFF0000, v26  }
0x98: {  	v0 =	vld [tilespmem:s15+$0x2C40];
	v46 =	vshll.u32 v27, $0x10;
	v27 =	vand.u32 $0xFFFF0000, v27;
	v63 =	vshll.u32 v28, $0x10  }
0x99: {  	v28 =	vand.u32 $0xFFFF0000, v28;
	v25 =	vand.u32 $0xFFFF0000, v30;
	v48 =	vshll.u32 v31, $0x10  }
0x9a: {  	v1 =	vld [tilespmem:s15+$0x2C50];
	v50 =	vand.u32 $0xFFFF0000, v31;
	v51 =	vshll.u32 v35, $0x10;
	v35 =	vand.u32 $0xFFFF0000, v35  }
0x9b: {  	v10 =	vshll.u32 v37, $0x10;
	v12 =	vand.u32 $0xFFFF0000, v37;
	v24 =	vshll.u32 v41, $0x10  }
0x9c: {  	v55 =	vshll.u32 v42, $0x10;
	v52 =	vand.u32 $0xFFFF0000, v42;
	v42 =	vshll.u32 v47, $0x10  }
0x9d: {  	v56 =	vld [tilespmem:s15+$0xC00];
	v53 =	vshll.u32 v0, $0x10;
	v2 =	vmul.f32 v2, v17;
	v3 =	vmul.f32 v3, v17  }
0x9e: {  	v62 =	vld [tilespmem:s15+$0xC10];
	v59 =	vand.u32 $0xFFFF0000, v0;
	v20 =	vmul.f32 v4, v17;
	v57 =	vmul.f32 v29, v17  }
0x9f: {  	v54 =	vshll.u32 v1, $0x10;
	v58 =	vmul.f32 v6, v17;
	v7 =	vmul.f32 v7, v17  }
0xa0: {  	v60 =	vand.u32 $0xFFFF0000, v1;
	v37 =	vmul.f32 v33, v17;
	v29 =	vmul.f32 v48, v19  }
0xa1: {  	v40 =	vld [tilespmem:s15+$0x1C30];
	v0 =	vshll.u32 v30, $0x10;
	v48 =	vmul.f32 v11, v17;
	v11 =	vmul.f32 v35, v19  }
0xa2: {  	v4 =	vand.u32 $0xFFFF0000, v56;
	v45 =	vmul.f32 v45, v18;
	v33 =	vmul.f32 v63, v18  }
0xa3: {  	v6 =	vshll.u32 v62, $0x10;
	v10 =	vmul.f32 v10, v19;
	v12 =	vmul.f32 v12, v19  }
0xa4: {  	[tilespmem:$0x1FED0] =	vst v0;
	v0 =	vand.u32 $0xFFFF0000, v41;
	v4 =	vmul.f32 v4, v21;
	v6 =	vmul.f32 v6, v21  }
0xa5: {  	v1 =	vld [tilespmem:s15+$0x1C70];
	v41 =	vand.u32 $0xFFFF0000, v47;
	v47 =	vmul.f32 v8, v17;
	v8 =	vmul.f32 v50, v19  }
0xa6: {  	v14 =	vshll.u32 v40, $0x10;
	v50 =	vmul.f32 v34, v17;
	v34 =	vmul.f32 v13, v17  }
0xa7: {  	v40 =	vand.u32 $0xFFFF0000, v40;
	v61 =	vmul.f32 v53, v18;
	v60 =	vmul.f32 v60, v18;
	[tilespmem:$0x1FF00] =	vst v0  }
0xa8: {  	v53 =	vmul.f32 v28, v18;
	v0 =	vmul.f32 v5, v17;
	v5 =	vld [tilespmem:s15+$0xC20];
	[tilespmem:$0x1FEE0] =	vst v7;
	v7 =	vand.u32 $0xFFFF0000, v62  }
0xa9: {  	v62 =	vmul.f32 v59, v18;
	v4 =	vadd.f32 v4, v15;
	v6 =	vadd.f32 v6, v15  }
0xaa: {  	v7 =	vmul.f32 v7, v21;
	v31 =	vshll.u32 v1, $0x10;
	v32 =	vand.u32 $0xFFFF0000, v1  }
0xab: {  	v1 =	vshll.u32 v56, $0x10;
	v56 =	vmul.f32 v9, v17;
	v9 =	vmul.f32 v51, v19  }
0xac: {  	v4 =	vadd.f32 v8, v4;
	v8 =	vld [tilespmem:s15+$0xC40];
	v7 =	vadd.f32 v7, v15;
	v1 =	vmul.f32 v1, v21  }
0xad: {  	v22 =	vshll.u32 v5, $0x10;
	v6 =	vadd.f32 v9, v6;
	v9 =	vmul.f32 v36, v17  }
0xae: {  	v30 =	vand.u32 $0xFFFF0000, v5;
	v11 =	vadd.f32 v11, v7;
	v7 =	vmul.f32 v39, v18  }
0xaf: {  	v5 =	vmul.f32 v38, v18;
	v38 =	vld [tilespmem:s15+$0xC60];
	v1 =	vadd.f32 v1, v15;
	[tilespmem:$0x1FEF0] =	vst v9;
	v9 =	vmul.f32 v43, v18  }
0xb0: {  	v13 =	vld [tilespmem:s15+$0xC50];
	v36 =	vmul.f32 v54, v18;
	v4 =	vadd.f32 v7, v4;
	v7 =	vmul.f32 v46, v18  }
0xb1: {  	v46 =	vld [tilespmem:s15+$0xC70];
	v1 =	vadd.f32 v29, v1;
	v39 =	vshll.u32 v8, $0x10;
	v16 =	vadd.f32 v9, v6  }
0xb2: {  	v29 =	vld [tilespmem:s15+$0xC30];
	v9 =	vmul.f32 v26, v18;
	v6 =	vand.u32 $0xFFFF0000, v8;
	v8 =	vmul.f32 v27, v18  }
0xb3: {  	v27 =	vadd.f32 v3, v4;
	v1 =	vadd.f32 v5, v1;
	v5 =	vmul.f32 v44, v18  }
0xb4: {  	v4 =	vand.u32 $0xFFFF0000, v38;
	v28 =	vadd.f32 v20, v16;
	v20 =	vmul.f32 v30, v21  }
0xb5: {  	v30 =	vimm.f32 $0.0e+00;
	v11 =	vadd.f32 v5, v11;
	v26 =	vadd.f32 v2, v1  }
0xb6: {  	v1 =	vshll.u32 v13, $0x10;
	v2 =	vand.u32 $0xFFFF0000, v13;
	v5 =	vshll.u32 v38, $0x10  }
0xb7: {  	v3 =	vshll.u32 v46, $0x10;
	v13 =	vmul.f32 v22, v21;
	v35 =	vshll.u32 v29, $0x10  }
0xb8: {  	v63 =	vand.u32 $0xFFFF0000, v46;
	v29 =	vand.u32 $0xFFFF0000, v29;
	v22 =	vmul.f32 v35, v21  }
0xb9: {  	v16 =	vmul.f32 v29, v21;
	v29 =	vadd.f32 v0, v11;
	v11 =	vadd.f32 v20, v15  }
0xba: {  	v0 =	vadd.f32 v13, v15;
	v13 =	vmul.f32 v14, v19;
	v14 =	vadd.f32 v22, v15  }
0xbb: {  	v35 =	vimm.f32 $0.0e+00;
	v20 =	vadd.f32 v16, v15;
	v12 =	vadd.f32 v12, v11;
	v11 =	vld [tilespmem:$0x1FF00]  }
0xbc: {  	v16 =	vimm.f32 $0.0e+00;
	v15 =	vmul.f32 v40, v19;
	v10 =	vadd.f32 v10, v0  }
0xbd: {  	v0 =	vmul.f32 v24, v19;
	v24 =	vimm.f32 $0.0e+00;
	v22 =	vimm.f32 $0.0e+00  }
0xbe: {  	v43 =	vadd.f32 v13, v14;
	v44 =	vadd.f32 v15, v20;
	v13 =	vmul.f32 v39, v21  }
0xbf: {  	v45 =	vadd.f32 v45, v10;
	v46 =	vadd.f32 v9, v12;
	v14 =	vimm.f32 $0.0e+00  }
0xc0: {  	s15 =	simm.s32 $0x1;
	v20 =	vimm.f32 $0.0e+00;
	v15 =	vimm.f32 $0.0e+00;
	v11 =	vmul.f32 v11, v19  }
.LBB2_5:
0xc1: {  	v7 =	vadd.f32 v7, v43;
	_ =	sdelay $0x1  }
0xc2: {  	v7 =	vadd.f32 v56, v7;
	_ =	sdelay $0x1  }
0xc3: {  	[tilespmem:$0x1FE20] =	vst v7;
	v7 =	vld [tilespmem:$0x1FEE0];
	_ =	sdelay $0x2  }
0xc4: {  	v6 =	vmul.f32 v6, v21;
	v8 =	vadd.f32 v8, v44;
	v9 =	vadd.f32 v57, v45  }
0xc5: {  	v1 =	vmul.f32 v1, v21;
	v2 =	vmul.f32 v2, v21  }
0xc6: {  	v4 =	vmul.f32 v4, v21;
	[tilespmem:$0x1FDE0] =	vst v9;
	v9 =	vadd.f32 v58, v46;
	v7 =	vadd.f32 v7, v8  }
0xc7: {  	v6 =	vadd.f32 v6, v35;
	v1 =	vadd.f32 v1, v14;
	v8 =	vmul.f32 v55, v19  }
0xc8: {  	v3 =	vmul.f32 v3, v21;
	v2 =	vadd.f32 v2, v30;
	[tilespmem:$0x1FE40] =	vst v7;
	v7 =	vadd.f32 v13, v16  }
0xc9: {  	s17 =	sand.u32 $0x1, s15;
	v4 =	vadd.f32 v4, v22;
	[tilespmem:$0x1FE00] =	vst v9;
	v9 =	vmul.f32 v52, v19;
	v1 =	vadd.f32 v8, v1  }
0xca: {  	s16 =	sshll.u32 s15, $0x6;
	s17 =	sor.u32 s0, s17;
	v3 =	vadd.f32 v3, v20;
	v0 =	vadd.f32 v0, v7  }
0xcb: {  	s18 =	sshll.u32 s15, $0xA;
	s16 =	sand.u32 $0x3FFFFF80, s16;
	s6 =	sshll.u32 s17, $0x7;
	v2 =	vadd.f32 v9, v2;
	v1 =	vadd.f32 v36, v1  }
0xcc: {  	s18 =	sand.u32 $0x3FFFF800, s18;
	v10 =	vld [tilespmem:s16+$0x700];
	s6 =	sand.u32 $0x3FFFFF80, s6;
	v6 =	vadd.f32 v11, v6;
	v0 =	vadd.f32 v61, v0  }
0xcd: {  	v5 =	vmul.f32 v5, v21;
	v12 =	vld [tilespmem:s16+$0x400];
	s18 =	sadd.s32 s6, s18;
	v2 =	vadd.f32 v60, v2;
	v1 =	vadd.f32 v50, v1  }
0xce: {  	v22 =	vld [tilespmem:s18+$0x3C60];
	v6 =	vadd.f32 v62, v6;
	v0 =	vadd.f32 v37, v0  }
0xcf: {  	v20 =	vld [tilespmem:s18+$0x3C70];
	v7 =	vmul.f32 v42, v19;
	[tilespmem:$0x1FE90] =	vst v1;
	v1 =	vadd.f32 v48, v2;
	v2 =	vadd.f32 v5, v24  }
0xd0: {  	v30 =	vld [tilespmem:s18+$0x1C00];
	[tilespmem:$0x1FDC0] =	vst v0;
	v0 =	vadd.f32 v47, v6;
	v6 =	vmul.f32 v63, v21  }
0xd1: {  	v2 =	vadd.f32 v7, v2;
	v7 =	vld [tilespmem:$0x1FED0]  }
0xd2: {  	v14 =	vmul.f32 v32, v19;
	v59 =	vld [tilespmem:s18+$0x1C50];
	v5 =	vmul.f32 v31, v19;
	v6 =	vadd.f32 v6, v15  }
0xd3: {  	v11 =	vld [tilespmem:s16+$0x500]  }
0xd4: {  	v9 =	vld [tilespmem:s16+$0x600];
	v3 =	vadd.f32 v5, v3;
	v5 =	vadd.f32 v14, v6;
	v6 =	vmul.f32 v25, v18  }
0xd5: {  	v8 =	vmul.f32 v41, v19;
	v13 =	vld [tilespmem:s18+$0x3C20];
	v16 =	vmul.f32 v49, v17  }
0xd6: {  	v7 =	vmul.f32 v7, v18;
	v5 =	vadd.f32 v6, v5;
	v6 =	vmul.f32 v23, v17;
	v17 =	vld [tilespmem:$0x1FEF0]  }
0xd7: {  	v4 =	vadd.f32 v8, v4;
	v8 =	vld [tilespmem:s18+$0x3C40]  }
0xd8: {  	v31 =	vld [tilespmem:s18+$0x1C10];
	v3 =	vadd.f32 v7, v3  }
0xd9: {  	v15 =	vld [tilespmem:s18+$0x3C30];
	v2 =	vadd.f32 v33, v2  }
0xda: {  	v14 =	vld [tilespmem:s18+$0x3C50];
	v3 =	vadd.f32 v16, v3  }
0xdb: {  	v54 =	vand.u32 $0xFFFF0000, v22;
	v4 =	vadd.f32 v53, v4;
	[tilespmem:$0x1FD80] =	vst v1;
	v16 =	vld [tilespmem:s18+$0x2C70];
	v2 =	vadd.f32 v17, v2  }
0xdc: {  	v38 =	vmovc v26;
	v26 =	vand.u32 $0xFFFF0000, v30;
	v55 =	vshll.u32 v59, $0x10;
	[tilespmem:$0x1FE60] =	vst v3;
	v3 =	vadd.f32 v6, v5;
	v5 =	vld [tilespmem:s18+$0x2C20]  }
0xdd: {  	v52 =	vand.u32 $0xFFFF0000, v59;
	v53 =	vshll.u32 v22, $0x10;
	v6 =	vld [tilespmem:s18+$0x2C30];
	[tilespmem:$0x1FD90] =	vst v2;
	v2 =	vadd.f32 v34, v4  }
0xde: {  	v22 =	vshll.u32 v20, $0x10;
	v20 =	vand.u32 $0xFFFF0000, v20;
	v1 =	vld [tilespmem:s18+$0x3C10];
	[tilespmem:$0x1FD60] =	vst v0;
	v7 =	vmov s17  }
0xdf: {  	v37 =	vshll.u32 v8, $0x10;
	v0 =	vld [tilespmem:s18+$0x3C00];
	v46 =	vand.u32 $0xFFFF0000, v31;
	[tilespmem:$0x1FE70] =	vst v2;
	v2 =	vand.u32 $0xF, v7  }
0xe0: {  	v36 =	vshll.u32 v15, $0x10;
	v15 =	vand.u32 $0xFFFF0000, v15;
	v4 =	vld [tilespmem:s18+$0x2C00];
	v2 =	vbroadcast v2, $0x0  }
0xe1: {  	v50 =	vshll.u32 v14, $0x10;
	v14 =	vand.u32 $0xFFFF0000, v14;
	[tilespmem:$0x1FDF0] =	vst v3;
	v3 =	vld [tilespmem:s18+$0x2C10];
	v25 =	vand.u32 $0xFFFF0000, v16  }
0xe2: {  	v7 =	vld [tilespmem:s18+$0x2C40];
	v61 =	vshll.u32 v5, $0x10;
	v62 =	vshll.u32 v6, $0x10;
	v17 =	vperm.xlane v10, v2  }
0xe3: {  	v63 =	vand.u32 $0xFFFF0000, v6;
	v19 =	vperm.xlane v11, v2;
	v18 =	vperm.xlane v9, v2  }
0xe4: {  	v56 =	vld [tilespmem:s18+$0x1C20];
	v21 =	vperm.xlane v12, v2;
	v9 =	vshll.u32 v0, $0x10;
	v0 =	vand.u32 $0xFFFF0000, v0  }
0xe5: {  	v57 =	vld [tilespmem:s18+$0x1C30];
	v11 =	vshll.u32 v1, $0x10;
	v1 =	vand.u32 $0xFFFF0000, v1;
	v12 =	vshll.u32 v13, $0x10  }
0xe6: {  	v6 =	vld [tilespmem:s18+$0x1C60];
	v13 =	vand.u32 $0xFFFF0000, v13;
	v34 =	vshll.u32 v4, $0x10;
	v4 =	vand.u32 $0xFFFF0000, v4  }
0xe7: {  	[tilespmem:$0x1FE30] =	vst v20;
	v2 =	vld [tilespmem:s18+$0x2C50];
	v60 =	vshll.u32 v3, $0x10;
	v3 =	vand.u32 $0xFFFF0000, v3;
	v20 =	vshll.u32 v7, $0x10  }
0xe8: {  	[tilespmem:$0x1FEB0] =	vst v22;
	v10 =	vld [tilespmem:s18+$0x2C60];
	v22 =	vand.u32 $0xFFFF0000, v7;
	v7 =	vshll.u32 v16, $0x10;
	v16 =	vshll.u32 v30, $0x10  }
0xe9: {  	v58 =	vld [tilespmem:s18+$0x1C40];
	v30 =	vshll.u32 v31, $0x10;
	v45 =	vmul.f32 v0, v17;
	v44 =	vmul.f32 v1, v17  }
0xea: {  	v51 =	vld [tilespmem:s18+$0xC10];
	v31 =	vshll.u32 v56, $0x10;
	v0 =	vmul.f32 v15, v17;
	v59 =	vmul.f32 v14, v17  }
0xeb: {  	v41 =	vmul.f32 v4, v18;
	v47 =	vmul.f32 v60, v18;
	[tilespmem:$0x1FD70] =	vst v31;
	v31 =	vand.u32 $0xFFFF0000, v56  }
0xec: {  	v1 =	vld [tilespmem:s18+$0xC30];
	v43 =	vand.u32 $0xFFFF0000, v6;
	v56 =	vmul.f32 v36, v17;
	[tilespmem:$0x1FDA0] =	vst v31;
	v31 =	vshll.u32 v57, $0x10  }
0xed: {  	[tilespmem:$0x1FED0] =	vst v7;
	v7 =	vld [tilespmem:s18+$0xC00];
	v23 =	vshll.u32 v2, $0x10;
	v24 =	vand.u32 $0xFFFF0000, v2;
	v33 =	vshll.u32 v10, $0x10  }
0xee: {  	v10 =	vand.u32 $0xFFFF0000, v10;
	[tilespmem:$0x1FE10] =	vst v31;
	v31 =	vand.u32 $0xFFFF0000, v57;
	v57 =	vmul.f32 v12, v17  }
0xef: {  	v2 =	vld [tilespmem:s18+$0x1C70];
	v12 =	vshll.u32 v51, $0x10;
	[tilespmem:$0x1FE50] =	vst v31;
	v31 =	vshll.u32 v58, $0x10;
	v60 =	vmul.f32 v24, v18  }
0xf0: {  	v36 =	vld [tilespmem:s18+$0xC50];
	v12 =	vmul.f32 v12, v21;
	v24 =	vmul.f32 v46, v19;
	[tilespmem:$0x1FE80] =	vst v31;
	v31 =	vand.u32 $0xFFFF0000, v58  }
0xf1: {  	v58 =	vmul.f32 v37, v17;
	v37 =	vshll.u32 v1, $0x10;
	v42 =	vand.u32 $0xFFFF0000, v1  }
0xf2: {  	v35 =	vshll.u32 v7, $0x10;
	v39 =	vand.u32 $0xFFFF0000, v7;
	v7 =	vmul.f32 v50, v17  }
0xf3: {  	[tilespmem:$0x1FEA0] =	vst v31;
	v31 =	vshll.u32 v6, $0x10;
	v6 =	vld [tilespmem:s18+$0xC20];
	v50 =	vmul.f32 v61, v18;
	v61 =	vmul.f32 v20, v18  }
0xf4: {  	[tilespmem:$0x1FDD0] =	vst v31;
	v31 =	vshll.u32 v2, $0x10;
	v32 =	vand.u32 $0xFFFF0000, v2;
	v2 =	vmul.f32 v9, v17  }
0xf5: {  	v1 =	vshll.u32 v36, $0x10;
	v20 =	vmul.f32 v35, v21;
	v9 =	vmul.f32 v13, v17;
	[tilespmem:$0x1FEC0] =	vst v7  }
0xf6: {  	v13 =	vand.u32 $0xFFFF0000, v51;
	v7 =	vmul.f32 v62, v18;
	v62 =	vmul.f32 v22, v18;
	[tilespmem:$0x1FDB0] =	vst v2;
	v2 =	vld [tilespmem:s18+$0xC40]  }
0xf7: {  	v12 =	vadd.f32 v12, v28;
	v22 =	vmul.f32 v39, v21;
	v13 =	vmul.f32 v13, v21  }
0xf8: {  	v15 =	vshll.u32 v6, $0x10;
	v14 =	vand.u32 $0xFFFF0000, v6;
	v6 =	vmul.f32 v53, v17  }
0xf9: {  	v4 =	vld [tilespmem:s18+$0xC60];
	v20 =	vadd.f32 v20, v38;
	v53 =	vmul.f32 v10, v18;
	v10 =	vmul.f32 v16, v19  }
0xfa: {  	v35 =	vld [tilespmem:$0x1FD60];
	v22 =	vadd.f32 v22, v27;
	v16 =	vmul.f32 v26, v19;
	v13 =	vadd.f32 v13, v29  }
0xfb: {  	v51 =	vld [tilespmem:s18+$0xC70];
	[tilespmem:$0x1FEF0] =	vst v6;
	v10 =	vadd.f32 v10, v20;
	v49 =	vshll.u32 v2, $0x10;
	v6 =	vand.u32 $0xFFFF0000, v2  }
0xfc: {  	v20 =	vld [tilespmem:$0x1FD70];
	v2 =	vand.u32 $0xFFFF0000, v36;
	v36 =	vmul.f32 v23, v18;
	v23 =	vmul.f32 v30, v19  }
0xfd: {  	v8 =	vand.u32 $0xFFFF0000, v8;
	v48 =	vmul.f32 v3, v18;
	v13 =	vadd.f32 v24, v13;
	v24 =	vld [tilespmem:$0x1FD90]  }
0xfe: {  	[tilespmem:$0x1FEE0] =	vst v0;
	v0 =	vmul.f32 v8, v17;
	v16 =	vadd.f32 v16, v22;
	v22 =	vld [tilespmem:$0x1FDA0];
	v12 =	vadd.f32 v23, v12  }
0xff: {  	v30 =	vld [tilespmem:$0x1FD80]  }
0x100: {  	v40 =	vmul.f32 v34, v18;
	v13 =	vadd.f32 v48, v13;
	v12 =	vadd.f32 v47, v12;
	v47 =	vmovc v0;
	v0 =	vld [tilespmem:$0x1FDB0]  }
0x101: {  	v11 =	vmul.f32 v11, v17;
	v23 =	vmul.f32 v37, v21;
	v37 =	vmovc v58;
	v58 =	vmov v9;
	v9 =	vld [tilespmem:$0x1FDE0]  }
0x102: {  	v10 =	vadd.f32 v40, v10;
	v29 =	vadd.f32 v44, v13;
	v13 =	vld [tilespmem:$0x1FE40]  }
0x103: {  	v16 =	vadd.f32 v41, v16;
	v28 =	vadd.f32 v11, v12;
	v11 =	vld [tilespmem:$0x1FE10]  }
0x104: {  	v12 =	vld [tilespmem:$0x1FE20]  }
0x105: {  	v27 =	vadd.f32 v45, v16;
	v16 =	vld [tilespmem:$0x1FDC0];
	v26 =	vadd.f32 v0, v10;
	v0 =	vmul.f32 v42, v21  }
0x106: {  	v15 =	vmul.f32 v15, v21;
	v10 =	vld [tilespmem:$0x1FE00]  }
0x107: {  	v13 =	vadd.f32 v0, v13;
	v0 =	vld [tilespmem:$0x1FE50]  }
0x108: {  	v20 =	vmul.f32 v20, v19;
	v9 =	vadd.f32 v15, v9;
	v15 =	vld [tilespmem:$0x1FDF0]  }
0x109: {  	v42 =	vld [tilespmem:$0x1FDD0];
	v11 =	vmul.f32 v11, v19;
	v12 =	vadd.f32 v23, v12  }
0x10a: {  	v14 =	vmul.f32 v14, v21;
	v9 =	vadd.f32 v20, v9;
	v20 =	vld [tilespmem:$0x1FE60]  }
0x10b: {  	v5 =	vand.u32 $0xFFFF0000, v5;
	v54 =	vmul.f32 v54, v17;
	v41 =	vmovc v43;
	v43 =	vadd.f32 v11, v12;
	v11 =	vld [tilespmem:$0x1FEA0]  }
0x10c: {  	p0 =	sne.s32 s15, $0x3;
	v34 =	vmul.f32 v5, v18;
	v10 =	vadd.f32 v14, v10;
	v14 =	vmul.f32 v0, v19;
	v0 =	vld [tilespmem:$0x1FE80]  }
.Ltmp0:
0x10d: {  	v8 =	vmul.f32 v63, v18;
	v22 =	vmul.f32 v22, v19;
	v23 =	vld [tilespmem:$0x1FE30];
	(pc) =	sbr.rel @p0 .LBB2_5-.Ltmp0, $4  }
0x10e: {  	v33 =	vmul.f32 v33, v18;
	v5 =	vshll.u32 v4, $0x10;
	v45 =	vadd.f32 v50, v9;
	v50 =	vld [tilespmem:$0x1FEC0]  }
0x10f: {  	v4 =	vand.u32 $0xFFFF0000, v4;
	v3 =	vshll.u32 v51, $0x10;
	v10 =	vadd.f32 v22, v10;
	v22 =	vld [tilespmem:$0x1FE70]  }
0x110: {  	v63 =	vand.u32 $0xFFFF0000, v51;
	v48 =	vmovc v59;
	v44 =	vadd.f32 v14, v13;
	v14 =	vld [tilespmem:$0x1FE90];
	v11 =	vmul.f32 v11, v19  }
0x111: {  	s15 =	sadd.s32 $0x1, s15;
	v13 =	vmul.f32 v49, v21;
	v49 =	vld [tilespmem:$0x1FEB0];
	v46 =	vadd.f32 v34, v10;
	v34 =	vmovc v54;
	v0 =	vmul.f32 v0, v19  }
0x112: {  	v6 =	vmul.f32 v6, v21;
	v7 =	vadd.f32 v7, v43  }
0x113: {  	v8 =	vadd.f32 v8, v44;
	v1 =	vmul.f32 v1, v21;
	v2 =	vmul.f32 v2, v21  }
0x114: {  	v9 =	vadd.f32 v57, v45;
	v44 =	vmul.f32 v55, v19;
	v45 =	vmul.f32 v52, v19  }
0x115: {  	v5 =	vmul.f32 v5, v21;
	v4 =	vmul.f32 v4, v21;
	v10 =	vadd.f32 v58, v46  }
0x116: {  	s0 =	sadd.s32 s31, s2;
	v3 =	vmul.f32 v3, v21;
	v43 =	vadd.f32 v13, v16;
	v7 =	vadd.f32 v56, v7  }
0x117: {  	v52 =	vmul.f32 v63, v21;
	s6 =	sshll.u32 s0, $0x8;
	s0 =	sshll.u32 s0, $0x7;
	v6 =	vadd.f32 v6, v35;
	v2 =	vadd.f32 v2, v30  }
0x118: {  	v51 =	vmul.f32 v41, v19;
	s6 =	sand.u32 $0x7800, s6;
	s0 =	sand.u32 $0x380, s0;
	v5 =	vadd.f32 v5, v24;
	v4 =	vadd.f32 v4, v22  }
0x119: {  	v12 =	vld [tilespmem:$0x1FEE0];
	v54 =	vmul.f32 v31, v19;
	v3 =	vadd.f32 v3, v20;
	v55 =	vadd.f32 v52, v15;
	s0 =	sor.u32 s0, s6  }
0x11a: {  	v46 =	vmul.f32 v42, v19;
	v1 =	vadd.f32 v1, v14;
	v0 =	vadd.f32 v0, v43;
	[tilespmem:s0+$0x8C00] =	vst v26  }
0x11b: {  	v56 =	vmul.f32 v32, v19;
	v6 =	vadd.f32 v11, v6;
	v2 =	vadd.f32 v45, v2;
	[tilespmem:s0+$0x9000] =	vst v27  }
0x11c: {  	[tilespmem:s0+$0x8C10] =	vst v28;
	v5 =	vadd.f32 v46, v5;
	v4 =	vadd.f32 v51, v4  }
0x11d: {  	v57 =	vld [tilespmem:$0x1FED0];
	[tilespmem:s0+$0x9010] =	vst v29;
	v3 =	vadd.f32 v54, v3;
	v58 =	vadd.f32 v56, v55  }
0x11e: {  	[tilespmem:s0+$0x8C20] =	vst v9;
	v8 =	vadd.f32 v12, v8;
	v0 =	vadd.f32 v61, v0  }
0x11f: {  	[tilespmem:s0+$0x9020] =	vst v10;
	v1 =	vadd.f32 v44, v1;
	v6 =	vadd.f32 v62, v6  }
0x120: {  	[tilespmem:s0+$0x8C30] =	vst v7;
	v61 =	vld [tilespmem:$0x1FEF0];
	v2 =	vadd.f32 v60, v2;
	v0 =	vadd.f32 v37, v0  }
0x121: {  	v4 =	vadd.f32 v53, v4;
	[tilespmem:s0+$0x9030] =	vst v8;
	v6 =	vadd.f32 v47, v6  }
0x122: {  	v1 =	vadd.f32 v36, v1;
	v8 =	vmul.f32 v57, v18;
	v2 =	vadd.f32 v48, v2;
	[tilespmem:s0+$0x8C40] =	vst v0  }
0x123: {  	v59 =	vmul.f32 v25, v18;
	s2 =	sadd.s32 $0x1, s2;
	v5 =	vadd.f32 v33, v5;
	v4 =	vadd.f32 v34, v4;
	[tilespmem:s0+$0x9040] =	vst v6  }
0x124: {  	p0 =	sne.s32 s2, $0x7;
	v60 =	vmul.f32 v49, v17;
	v1 =	vadd.f32 v50, v1;
	v3 =	vadd.f32 v8, v3;
	[tilespmem:s0+$0x9050] =	vst v2  }
.Ltmp1:
0x125: {  	v62 =	vmul.f32 v23, v17;
	v0 =	vadd.f32 v59, v58;
	v5 =	vadd.f32 v61, v5;
	[tilespmem:s0+$0x9060] =	vst v4;
	(pc) =	sbr.rel @p0 .LBB2_4-.Ltmp1, $4  }
0x126: {  	[tilespmem:s0+$0x8C50] =	vst v1;
	v63 =	vadd.f32 v60, v3  }
0x127: {  	v0 =	vadd.f32 v62, v0;
	[tilespmem:s0+$0x8C60] =	vst v5  }
0x128: {  	[tilespmem:s0+$0x8C70] =	vst v63  }
0x129: {  	[tilespmem:s0+$0x9070] =	vst v0  }
0x12a: {  	s0 =	sshll.u32 s29, $0x2;
	v9 =	vld [tilespmem:$0x1FF10]  }
0x12b: {  	v7 =	vld [tilespmem:$0x1FF20];
	s2 =	sadd.s32 $0x4, s0  }
0x12c: {  	v8 =	vld [tilespmem:$0x1FF40];
	v0 =	vmov s2  }
0x12d: {  	v11 =	vld [tilespmem:$0x1FF30];
	v0 =	vand.u32 $0xF, v0  }
0x12e: {  	s0 =	sadd.s32 $0x5, s0;
	v0 =	vbroadcast v0, $0x0  }
0x12f: {  	v13 =	vld [tilespmem:$0x1FF70];
	v4 =	vmov s0  }
0x130: {  	v14 =	vld [tilespmem:$0x1FF80];
	v4 =	vand.u32 $0xF, v4;
	v2 =	vperm.xlane v7, v0  }
0x131: {  	v4 =	vbroadcast v4, $0x0  }
0x132: {  	v1 =	vperm.xlane v9, v0;
	v0 =	vperm.xlane v11, v0;
	v2 =	vmul.u32 v8, v2;
	_ =	sdelay $0x1  }
0x133: {  	v12 =	vld [tilespmem:$0x1FF50];
	v51 =	vperm.xlane v7, v4;
	v0 =	vmul.u32 v8, v0;
	v5 =	vadd.s32 v13, v2  }
0x134: {  	v10 =	vld [tilespmem:$0x1FF60];
	v2 =	vadd.s32 v14, v2;
	[tilespmem:$0x300] =	vst v5  }
0x135: {  	v48 =	vperm.xlane v9, v4;
	v53 =	vmul.u32 v8, v51;
	v49 =	vadd.s32 v13, v0;
	[tilespmem:$0x320] =	vst v2  }
0x136: {  	v3 =	vsub.f32 $1.000000000e+00, v1;
	v1 =	vmul.f32 $2.500000000e-01, v1;
	v0 =	vadd.s32 v14, v0;
	[tilespmem:$0x340] =	vst v49  }
0x137: {  	v56 =	vadd.s32 v13, v53;
	[tilespmem:$0x360] =	vst v0  }
0x138: {  	v60 =	vmul.f32 $2.500000000e-01, v48;
	v50 =	vmul.f32 v1, v12;
	v58 =	vadd.s32 v14, v53;
	[tilespmem:$0x310] =	vst v56  }
0x139: {  	v1 =	vmul.f32 v1, v10;
	[tilespmem:$0x330] =	vst v58  }
0x13a: {  	v52 =	vsub.f32 $1.000000000e+00, v48;
	v3 =	vmul.f32 $2.500000000e-01, v3;
	v62 =	vmul.f32 v60, v12;
	[tilespmem:$0x600] =	vst v50  }
0x13b: {  	v63 =	vmul.f32 v60, v10;
	[tilespmem:$0x700] =	vst v1  }
0x13c: {  	v54 =	vmul.f32 $2.500000000e-01, v52;
	v6 =	vmul.f32 v3, v12;
	[tilespmem:$0x680] =	vst v62  }
0x13d: {  	v55 =	vperm.xlane v11, v4;
	v3 =	vmul.f32 v3, v10;
	[tilespmem:$0x780] =	vst v63  }
0x13e: {  	v57 =	vmul.f32 v54, v12;
	[tilespmem:$0x400] =	vst v6  }
0x13f: {  	v0 =	vmul.u32 v8, v55;
	v59 =	vmul.f32 v54, v10;
	[tilespmem:$0x500] =	vst v3  }
0x140: {  	[tilespmem:$0x480] =	vst v57  }
0x141: {  	v61 =	vadd.s32 v13, v0;
	[tilespmem:$0x580] =	vst v59  }
0x142: {  	v0 =	vadd.s32 v14, v0;
	[tilespmem:$0x350] =	vst v61  }
0x143: {  	[tilespmem:$0x370] =	vst v0  }
0x144: {  	[tilespmem:s20], [sflag:$0x1] =	stream.indirect.gather [hbm4b:s1+s14], $0x80, s19, s14, $0xb8;
	[tilespmem:$0xC400] =	vst v63  }
0x145: {  	_ =	swait.ge [sflag:s24], $0x4000  }
0x146: {  	s30 =	smul.u32 $0x7, s30;
	[sflag:s24] =	ssyncset.done $0x0  }
0x147: {  	s31 =	simm.s32 $0x0;
	s2 =	simm.s32 $0x0;
	[sflag:s24] =	ssyncadd.s32 $0xFFFFC000  }
.LBB2_8:
0x148: {  	s6 =	simm.s32 $0x0  }
0x149: {  	s0 =	sshll.u32 s2, $0x1;
	s15 =	sand.u32 $0x1, s31;
	s6 =	sand.u32 $0x3FFFFF80, s6  }
0x14a: {  	s16 =	sor.u32 s0, s15;
	v0 =	vld [tilespmem:s6+$0xB00]  }
0x14b: {  	s18 =	simm.s32 $0x0;
	s17 =	sshll.u32 s16, $0x7;
	v1 =	vld [tilespmem:s6+$0xA00]  }
0x14c: {  	s15 =	sand.u32 $0x3FFFF800, s18;
	v2 =	vld [tilespmem:s6+$0x900];
	s17 =	sand.u32 $0x3FFFFF80, s17  }
0x14d: {  	v3 =	vld [tilespmem:s6+$0x800];
	s15 =	sadd.s32 s17, s15  }
0x14e: {  	v4 =	vld [tilespmem:s15+$0x7C00]  }
0x14f: {  	v5 =	vld [tilespmem:s15+$0x7C10]  }
0x150: {  	v6 =	vld [tilespmem:s15+$0x7C20]  }
0x151: {  	v7 =	vld [tilespmem:s15+$0x7C30]  }
0x152: {  	v8 =	vld [tilespmem:s15+$0x7C40]  }
0x153: {  	v11 =	vmov s16;
	v9 =	vld [tilespmem:s15+$0x7C50]  }
0x154: {  	v11 =	vand.u32 $0xF, v11;
	v10 =	vld [tilespmem:s15+$0x7C60]  }
0x155: {  	v11 =	vbroadcast v11, $0x0;
	v12 =	vld [tilespmem:s15+$0x7C70]  }
0x156: {  	v13 =	vld [tilespmem:s15+$0x6C00]  }
0x157: {  	v14 =	vld [tilespmem:s15+$0x6C10];
	v17 =	vperm.xlane v0, v11;
	v19 =	vperm.xlane v2, v11  }
0x158: {  	v34 =	vimm.f32 $0.0e+00;
	v15 =	vld [tilespmem:s15+$0x6C20];
	v18 =	vperm.xlane v1, v11;
	v21 =	vperm.xlane v3, v11  }
0x159: {  	v16 =	vld [tilespmem:s15+$0x6C30];
	v2 =	vshll.u32 v4, $0x10;
	v3 =	vand.u32 $0xFFFF0000, v4;
	v4 =	vshll.u32 v5, $0x10  }
0x15a: {  	v24 =	vld [tilespmem:s15+$0x6C70];
	v5 =	vand.u32 $0xFFFF0000, v5;
	v26 =	vshll.u32 v6, $0x10;
	v6 =	vand.u32 $0xFFFF0000, v6  }
0x15b: {  	v29 =	vld [tilespmem:s15+$0x5C00];
	v27 =	vshll.u32 v7, $0x10;
	v7 =	vand.u32 $0xFFFF0000, v7;
	v28 =	vshll.u32 v8, $0x10  }
0x15c: {  	v30 =	vld [tilespmem:s15+$0x5C10];
	v8 =	vand.u32 $0xFFFF0000, v8;
	v48 =	vshll.u32 v9, $0x10;
	v9 =	vand.u32 $0xFFFF0000, v9  }
0x15d: {  	v31 =	vld [tilespmem:s15+$0x5C20];
	v23 =	vshll.u32 v10, $0x10;
	v10 =	vand.u32 $0xFFFF0000, v10;
	v22 =	vshll.u32 v13, $0x10  }
0x15e: {  	v37 =	vld [tilespmem:s15+$0x5C50];
	v20 =	vshll.u32 v12, $0x10;
	v12 =	vand.u32 $0xFFFF0000, v12;
	v35 =	vshll.u32 v14, $0x10  }
0x15f: {  	v14 =	vand.u32 $0xFFFF0000, v14;
	v38 =	vshll.u32 v15, $0x10;
	v15 =	vand.u32 $0xFFFF0000, v15  }
0x160: {  	v41 =	vld [tilespmem:s15+$0x5C60];
	v39 =	vshll.u32 v16, $0x10;
	v42 =	vshll.u32 v24, $0x10;
	v24 =	vand.u32 $0xFFFF0000, v24  }
0x161: {  	v46 =	vshll.u32 v29, $0x10;
	v29 =	vand.u32 $0xFFFF0000, v29;
	v50 =	vshll.u32 v30, $0x10  }
0x162: {  	v53 =	vand.u32 $0xFFFF0000, v30;
	v63 =	vshll.u32 v31, $0x10;
	v2 =	vmul.f32 v2, v17  }
0x163: {  	v52 =	vshll.u32 v37, $0x10;
	v3 =	vmul.f32 v3, v17;
	v43 =	vmul.f32 v4, v17  }
0x164: {  	v47 =	vld [tilespmem:s15+$0x4C00];
	v51 =	vand.u32 $0xFFFF0000, v37;
	v55 =	vmul.f32 v26, v17;
	v57 =	vmul.f32 v6, v17  }
0x165: {  	v0 =	vld [tilespmem:s15+$0x6C40];
	v49 =	vshll.u32 v41, $0x10;
	v56 =	vmul.f32 v27, v17;
	v58 =	vmul.f32 v7, v17  }
0x166: {  	v1 =	vld [tilespmem:s15+$0x6C50];
	v37 =	vand.u32 $0xFFFF0000, v41;
	v41 =	vmul.f32 v28, v17;
	v26 =	vmul.f32 v46, v19  }
0x167: {  	v11 =	vld [tilespmem:s15+$0x6C60];
	[tilespmem:$0x1FD20] =	vst v12;
	v12 =	vand.u32 $0xFFFF0000, v13;
	v27 =	vmul.f32 v50, v19;
	v50 =	vmul.f32 v48, v17  }
0x168: {  	v32 =	vld [tilespmem:s15+$0x5C40];
	[tilespmem:$0x1FD10] =	vst v20;
	v20 =	vand.u32 $0xFFFF0000, v16;
	v48 =	vmul.f32 v9, v17;
	v9 =	vmul.f32 v53, v19  }
0x169: {  	v13 =	vld [tilespmem:s15+$0x5C30];
	v4 =	vand.u32 $0xFFFF0000, v47;
	v33 =	vmul.f32 v10, v17;
	v38 =	vmul.f32 v38, v18  }
0x16a: {  	v16 =	vld [tilespmem:s15+$0x4C10];
	v15 =	vmul.f32 v15, v18;
	v40 =	vshll.u32 v0, $0x10;
	v60 =	vand.u32 $0xFFFF0000, v0  }
0x16b: {  	v59 =	vshll.u32 v1, $0x10;
	v44 =	vand.u32 $0xFFFF0000, v1;
	v1 =	vld [tilespmem:s15+$0x5C70];
	v4 =	vmul.f32 v4, v21  }
0x16c: {  	v54 =	vshll.u32 v11, $0x10;
	v61 =	vmul.f32 v40, v18;
	v62 =	vmul.f32 v60, v18  }
0x16d: {  	v11 =	vand.u32 $0xFFFF0000, v11;
	v59 =	vmul.f32 v59, v18;
	v60 =	vmul.f32 v44, v18  }
0x16e: {  	v45 =	vand.u32 $0xFFFF0000, v31;
	v36 =	vmul.f32 v54, v18;
	v25 =	vmul.f32 v11, v18  }
0x16f: {  	v0 =	vshll.u32 v13, $0x10;
	v6 =	vshll.u32 v16, $0x10;
	v7 =	vand.u32 $0xFFFF0000, v16  }
0x170: {  	[tilespmem:$0x1FD30] =	vst v0;
	v0 =	vshll.u32 v32, $0x10;
	v31 =	vshll.u32 v1, $0x10;
	v30 =	vand.u32 $0xFFFF0000, v1  }
0x171: {  	v1 =	vshll.u32 v47, $0x10;
	v6 =	vmul.f32 v6, v21;
	v47 =	vmul.f32 v8, v17  }
0x172: {  	v8 =	vmul.f32 v29, v19;
	v7 =	vmul.f32 v7, v21;
	[tilespmem:$0x1FD40] =	vst v0;
	v0 =	vand.u32 $0xFFFF0000, v32  }
0x173: {  	v4 =	vadd.f32 v4, v34;
	v1 =	vmul.f32 v1, v21;
	[tilespmem:$0x1FD50] =	vst v0;
	v0 =	vmul.f32 v5, v17;
	v5 =	vld [tilespmem:s15+$0x4C20]  }
0x174: {  	v11 =	vmul.f32 v45, v19;
	v6 =	vadd.f32 v6, v34;
	v7 =	vadd.f32 v7, v34  }
0x175: {  	v13 =	vand.u32 $0xFFFF0000, v13;
	v4 =	vadd.f32 v8, v4;
	v8 =	vld [tilespmem:s15+$0x4C40];
	v1 =	vadd.f32 v1, v34  }
0x176: {  	v32 =	vmul.f32 v23, v17;
	v6 =	vadd.f32 v27, v6;
	v9 =	vadd.f32 v9, v7  }
0x177: {  	v7 =	vmul.f32 v12, v18;
	v12 =	vmul.f32 v35, v18;
	v1 =	vadd.f32 v26, v1;
	v26 =	vld [tilespmem:s15+$0x4C30]  }
0x178: {  	v29 =	vshll.u32 v5, $0x10;
	v23 =	vand.u32 $0xFFFF0000, v5;
	v5 =	vmul.f32 v22, v18  }
0x179: {  	v10 =	vld [tilespmem:s15+$0x4C50];
	v13 =	vmul.f32 v13, v19;
	v4 =	vadd.f32 v7, v4;
	v12 =	vadd.f32 v12, v6  }
0x17a: {  	v35 =	vshll.u32 v8, $0x10;
	v1 =	vadd.f32 v5, v1;
	v5 =	vmul.f32 v14, v18;
	v14 =	vld [tilespmem:s15+$0x4C60]  }
0x17b: {  	v6 =	vand.u32 $0xFFFF0000, v8;
	v8 =	vmul.f32 v20, v18;
	v27 =	vadd.f32 v3, v4  }
0x17c: {  	v28 =	vadd.f32 v43, v12;
	v12 =	vmul.f32 v29, v21;
	v22 =	vshll.u32 v26, $0x10  }
0x17d: {  	v53 =	vld [tilespmem:s15+$0x4C70];
	v16 =	vand.u32 $0xFFFF0000, v26;
	v9 =	vadd.f32 v5, v9;
	v26 =	vadd.f32 v2, v1  }
0x17e: {  	v1 =	vshll.u32 v10, $0x10;
	v2 =	vand.u32 $0xFFFF0000, v10;
	v10 =	vmul.f32 v63, v19  }
0x17f: {  	v5 =	vshll.u32 v14, $0x10;
	v4 =	vand.u32 $0xFFFF0000, v14;
	v14 =	vmul.f32 v23, v21  }
0x180: {  	v20 =	vmul.f32 v22, v21;
	v29 =	vadd.f32 v0, v9;
	v0 =	vadd.f32 v12, v34;
	v12 =	vld [tilespmem:$0x1FD30]  }
0x181: {  	v7 =	vmul.f32 v39, v18;
	v16 =	vmul.f32 v16, v21;
	v9 =	vadd.f32 v14, v34  }
0x182: {  	v3 =	vshll.u32 v53, $0x10;
	v10 =	vadd.f32 v10, v0;
	v0 =	vld [tilespmem:$0x1FD40];
	v14 =	vadd.f32 v20, v34  }
0x183: {  	v63 =	vand.u32 $0xFFFF0000, v53;
	v20 =	vadd.f32 v16, v34;
	v9 =	vadd.f32 v11, v9;
	v11 =	vld [tilespmem:$0x1FD50]  }
0x184: {  	v22 =	vimm.f32 $0.0e+00;
	v23 =	vimm.f32 $0.0e+00;
	v16 =	vimm.f32 $0.0e+00  }
0x185: {  	v45 =	vadd.f32 v38, v10;
	v12 =	vmul.f32 v12, v19;
	v44 =	vadd.f32 v13, v20  }
0x186: {  	v13 =	vmul.f32 v35, v21;
	v35 =	vimm.f32 $0.0e+00;
	v20 =	vimm.f32 $0.0e+00  }
0x187: {  	v0 =	vmul.f32 v0, v19;
	v43 =	vadd.f32 v12, v14;
	v46 =	vadd.f32 v15, v9  }
0x188: {  	s15 =	simm.s32 $0x1;
	v14 =	vimm.f32 $0.0e+00;
	v15 =	vimm.f32 $0.0e+00;
	v11 =	vmul.f32 v11, v19  }
.LBB2_9:
0x189: {  	v7 =	vadd.f32 v7, v43  }
0x18a: {  	v9 =	vadd.f32 v55, v45  }
0x18b: {  	v6 =	vmul.f32 v6, v21;
	v8 =	vadd.f32 v8, v44;
	v7 =	vadd.f32 v56, v7  }
0x18c: {  	v1 =	vmul.f32 v1, v21;
	v2 =	vmul.f32 v2, v21;
	[tilespmem:$0x1FC10] =	vst v9  }
0x18d: {  	v4 =	vmul.f32 v4, v21;
	v9 =	vadd.f32 v57, v46;
	[tilespmem:$0x1FC50] =	vst v7;
	v7 =	vadd.f32 v58, v8  }
0x18e: {  	v6 =	vadd.f32 v6, v35;
	v8 =	vmul.f32 v52, v19;
	v1 =	vadd.f32 v1, v14  }
0x18f: {  	s6 =	sshll.u32 s15, $0x6;
	s16 =	sand.u32 $0x1, s15;
	v3 =	vmul.f32 v3, v21;
	v2 =	vadd.f32 v2, v23;
	[tilespmem:$0x1FC70] =	vst v7;
	v7 =	vadd.f32 v13, v34  }
0x190: {  	s6 =	sand.u32 $0x3FFFFF80, s6;
	s17 =	sor.u32 s0, s16;
	v4 =	vadd.f32 v4, v20;
	[tilespmem:$0x1FC30] =	vst v9;
	v9 =	vmul.f32 v51, v19;
	v1 =	vadd.f32 v8, v1  }
0x191: {  	s16 =	sshll.u32 s15, $0xA;
	v10 =	vld [tilespmem:s6+$0xB00];
	s18 =	sshll.u32 s17, $0x7;
	v3 =	vadd.f32 v3, v16;
	v0 =	vadd.f32 v0, v7  }
0x192: {  	s16 =	sand.u32 $0x3FFFF800, s16;
	v12 =	vld [tilespmem:s6+$0x800];
	s18 =	sand.u32 $0x3FFFFF80, s18;
	v2 =	vadd.f32 v9, v2;
	v1 =	vadd.f32 v59, v1  }
0x193: {  	v5 =	vmul.f32 v5, v21;
	s16 =	sadd.s32 s18, s16;
	v16 =	vld [tilespmem:$0x1FD10];
	v6 =	vadd.f32 v11, v6;
	v0 =	vadd.f32 v61, v0  }
0x194: {  	v14 =	vmul.f32 v30, v19;
	v20 =	vld [tilespmem:s16+$0x7C70];
	v2 =	vadd.f32 v60, v2;
	v1 =	vadd.f32 v50, v1  }
0x195: {  	v30 =	vld [tilespmem:s16+$0x5C00];
	v8 =	vmul.f32 v37, v19;
	v6 =	vadd.f32 v62, v6;
	v0 =	vadd.f32 v41, v0  }
0x196: {  	v11 =	vld [tilespmem:s6+$0x900];
	v7 =	vmul.f32 v49, v19;
	[tilespmem:$0x1FCC0] =	vst v1;
	v1 =	vadd.f32 v48, v2;
	v2 =	vadd.f32 v5, v22  }
0x197: {  	v13 =	vld [tilespmem:s16+$0x7C20];
	[tilespmem:$0x1FD00] =	vst v0;
	v0 =	vadd.f32 v47, v6;
	v6 =	vmul.f32 v63, v21  }
0x198: {  	v4 =	vadd.f32 v8, v4;
	v8 =	vld [tilespmem:s16+$0x7C40];
	v2 =	vadd.f32 v7, v2  }
0x199: {  	v5 =	vmul.f32 v31, v19;
	v31 =	vld [tilespmem:s16+$0x5C10];
	v6 =	vadd.f32 v6, v15  }
0x19a: {  	v16 =	vmul.f32 v16, v17;
	v22 =	vld [tilespmem:s16+$0x7C60];
	v7 =	vmul.f32 v42, v18;
	v2 =	vadd.f32 v36, v2  }
0x19b: {  	v3 =	vadd.f32 v5, v3;
	v15 =	vld [tilespmem:s16+$0x7C30];
	v5 =	vadd.f32 v14, v6;
	v6 =	vmul.f32 v24, v18  }
0x19c: {  	v38 =	vmovc v26;
	v4 =	vadd.f32 v25, v4;
	v26 =	vand.u32 $0xFFFF0000, v30;
	v14 =	vld [tilespmem:s16+$0x7C50];
	v2 =	vadd.f32 v32, v2  }
0x19d: {  	v37 =	vshll.u32 v8, $0x10;
	[tilespmem:$0x1FC60] =	vst v1;
	v3 =	vadd.f32 v7, v3;
	v5 =	vadd.f32 v6, v5;
	v6 =	vld [tilespmem:$0x1FD20]  }
0x19e: {  	v9 =	vld [tilespmem:s6+$0xA00];
	v7 =	vmov s17;
	v43 =	vshll.u32 v31, $0x10;
	[tilespmem:$0x1FCA0] =	vst v2;
	v2 =	vadd.f32 v33, v4  }
0x19f: {  	[tilespmem:$0x1FB90] =	vst v0;
	v0 =	vld [tilespmem:s16+$0x7C00];
	v45 =	vand.u32 $0xFFFF0000, v31;
	v3 =	vadd.f32 v16, v3;
	v32 =	vshll.u32 v22, $0x10  }
0x1a0: {  	v1 =	vld [tilespmem:s16+$0x7C10];
	v33 =	vand.u32 $0xFFFF0000, v22;
	v22 =	vshll.u32 v20, $0x10;
	[tilespmem:$0x1FC90] =	vst v2;
	v2 =	vand.u32 $0xF, v7  }
0x1a1: {  	v4 =	vld [tilespmem:s16+$0x6C00];
	v20 =	vand.u32 $0xFFFF0000, v20;
	v36 =	vshll.u32 v15, $0x10;
	v2 =	vbroadcast v2, $0x0  }
0x1a2: {  	v15 =	vand.u32 $0xFFFF0000, v15;
	v7 =	vld [tilespmem:s16+$0x6C40];
	v50 =	vshll.u32 v14, $0x10;
	v6 =	vmul.f32 v6, v17  }
0x1a3: {  	v14 =	vand.u32 $0xFFFF0000, v14;
	v17 =	vperm.xlane v10, v2;
	v19 =	vperm.xlane v11, v2  }
0x1a4: {  	v16 =	vld [tilespmem:s16+$0x6C70];
	v18 =	vperm.xlane v9, v2;
	v21 =	vperm.xlane v12, v2;
	v9 =	vshll.u32 v0, $0x10  }
0x1a5: {  	v55 =	vld [tilespmem:s16+$0x5C20];
	v0 =	vand.u32 $0xFFFF0000, v0;
	v11 =	vshll.u32 v1, $0x10;
	v1 =	vand.u32 $0xFFFF0000, v1  }
0x1a6: {  	v56 =	vld [tilespmem:s16+$0x5C30];
	v12 =	vshll.u32 v13, $0x10;
	v13 =	vand.u32 $0xFFFF0000, v13;
	v59 =	vshll.u32 v4, $0x10  }
0x1a7: {  	v51 =	vld [tilespmem:s16+$0x4C10];
	[tilespmem:$0x1FD20] =	vst v20;
	v4 =	vand.u32 $0xFFFF0000, v4;
	v20 =	vshll.u32 v7, $0x10;
	v0 =	vmul.f32 v0, v17  }
0x1a8: {  	[tilespmem:$0x1FD10] =	vst v22;
	v2 =	vld [tilespmem:s16+$0x6C50];
	v22 =	vand.u32 $0xFFFF0000, v7;
	v11 =	vmul.f32 v11, v17;
	v44 =	vmul.f32 v1, v17  }
0x1a9: {  	[tilespmem:$0x1FBF0] =	vst v3;
	v10 =	vld [tilespmem:s16+$0x6C60];
	v7 =	vshll.u32 v16, $0x10;
	v54 =	vmul.f32 v15, v17;
	v46 =	vmul.f32 v14, v17  }
0x1aa: {  	v57 =	vld [tilespmem:s16+$0x5C40];
	[tilespmem:$0x1FC00] =	vst v7;
	v7 =	vand.u32 $0xFFFF0000, v16;
	v16 =	vshll.u32 v30, $0x10;
	v30 =	vshll.u32 v55, $0x10  }
0x1ab: {  	v3 =	vadd.f32 v6, v5;
	v5 =	vld [tilespmem:s16+$0x6C20];
	v40 =	vmul.f32 v59, v18;
	v41 =	vmul.f32 v4, v18;
	[tilespmem:$0x1FBA0] =	vst v30  }
0x1ac: {  	v6 =	vld [tilespmem:s16+$0x6C30];
	v30 =	vand.u32 $0xFFFF0000, v55;
	[tilespmem:$0x1FBE0] =	vst v0;
	v55 =	vmul.f32 v12, v17;
	v0 =	vmul.f32 v13, v17  }
0x1ad: {  	v1 =	vld [tilespmem:s16+$0x4C30];
	[tilespmem:$0x1FC20] =	vst v3;
	v12 =	vshll.u32 v51, $0x10;
	v13 =	vand.u32 $0xFFFF0000, v51;
	v23 =	vshll.u32 v2, $0x10  }
0x1ae: {  	[tilespmem:$0x1FBB0] =	vst v7;
	v24 =	vand.u32 $0xFFFF0000, v2;
	v25 =	vshll.u32 v10, $0x10;
	v10 =	vand.u32 $0xFFFF0000, v10  }
0x1af: {  	v3 =	vld [tilespmem:s16+$0x6C10];
	[tilespmem:$0x1FBC0] =	vst v30;
	v30 =	vshll.u32 v56, $0x10;
	v12 =	vmul.f32 v12, v21;
	v13 =	vmul.f32 v13, v21  }
0x1b0: {  	v7 =	vld [tilespmem:s16+$0x4C00];
	[tilespmem:$0x1FC40] =	vst v30;
	v30 =	vand.u32 $0xFFFF0000, v56;
	v56 =	vmul.f32 v36, v17;
	v59 =	vmul.f32 v23, v18  }
0x1b1: {  	v23 =	vmul.f32 v43, v19;
	v62 =	vshll.u32 v6, $0x10;
	v63 =	vand.u32 $0xFFFF0000, v6;
	v6 =	vld [tilespmem:s16+$0x5C60]  }
0x1b2: {  	v2 =	vld [tilespmem:s16+$0x5C70];
	v61 =	vshll.u32 v5, $0x10;
	[tilespmem:$0x1FC80] =	vst v30;
	v30 =	vshll.u32 v57, $0x10;
	v42 =	vand.u32 $0xFFFF0000, v1  }
0x1b3: {  	v12 =	vadd.f32 v12, v28;
	v13 =	vadd.f32 v13, v29;
	[tilespmem:$0x1FCB0] =	vst v30;
	v30 =	vand.u32 $0xFFFF0000, v57  }
0x1b4: {  	v57 =	vmul.f32 v37, v17;
	v60 =	vshll.u32 v3, $0x10;
	v3 =	vand.u32 $0xFFFF0000, v3  }
0x1b5: {  	v35 =	vshll.u32 v7, $0x10;
	v39 =	vand.u32 $0xFFFF0000, v7;
	v7 =	vmul.f32 v50, v17  }
0x1b6: {  	v36 =	vld [tilespmem:s16+$0x4C50];
	[tilespmem:$0x1FCD0] =	vst v30;
	v50 =	vmul.f32 v61, v18;
	v30 =	vshll.u32 v6, $0x10;
	v6 =	vand.u32 $0xFFFF0000, v6  }
0x1b7: {  	v61 =	vmul.f32 v20, v18;
	v31 =	vshll.u32 v2, $0x10;
	v47 =	vmul.f32 v60, v18;
	[tilespmem:$0x1FBD0] =	vst v6;
	v6 =	vld [tilespmem:s16+$0x4C20]  }
0x1b8: {  	v48 =	vmul.f32 v3, v18;
	v60 =	vmul.f32 v24, v18;
	[tilespmem:$0x1FCE0] =	vst v30;
	v30 =	vand.u32 $0xFFFF0000, v2;
	v2 =	vld [tilespmem:s16+$0x4C40]  }
0x1b9: {  	v37 =	vshll.u32 v1, $0x10;
	v24 =	vmul.f32 v45, v19;
	[tilespmem:$0x1FCF0] =	vst v7;
	v7 =	vmul.f32 v62, v18  }
0x1ba: {  	v58 =	vld [tilespmem:s16+$0x5C50];
	v12 =	vadd.f32 v23, v12;
	v62 =	vmul.f32 v22, v18;
	v22 =	vmul.f32 v39, v21  }
0x1bb: {  	v4 =	vld [tilespmem:s16+$0x4C60];
	v20 =	vmul.f32 v35, v21;
	v1 =	vshll.u32 v36, $0x10;
	v13 =	vadd.f32 v24, v13  }
0x1bc: {  	v51 =	vld [tilespmem:s16+$0x4C70];
	v12 =	vadd.f32 v47, v12;
	v22 =	vadd.f32 v22, v27;
	v15 =	vshll.u32 v6, $0x10  }
0x1bd: {  	v35 =	vld [tilespmem:$0x1FB90];
	v14 =	vand.u32 $0xFFFF0000, v6;
	v49 =	vshll.u32 v2, $0x10;
	v6 =	vand.u32 $0xFFFF0000, v2  }
0x1be: {  	v24 =	vld [tilespmem:$0x1FBB0];
	v2 =	vand.u32 $0xFFFF0000, v36;
	v36 =	vmul.f32 v25, v18;
	v25 =	vmul.f32 v10, v18  }
0x1bf: {  	v28 =	vadd.f32 v11, v12;
	v12 =	vld [tilespmem:$0x1FC50];
	v10 =	vmul.f32 v16, v19;
	v16 =	vmul.f32 v26, v19  }
0x1c0: {  	v23 =	vmul.f32 v37, v21;
	v13 =	vadd.f32 v48, v13;
	v37 =	vld [tilespmem:$0x1FBD0]  }
0x1c1: {  	v20 =	vadd.f32 v20, v38;
	v11 =	vld [tilespmem:$0x1FC40];
	v16 =	vadd.f32 v16, v22  }
0x1c2: {  	v29 =	vadd.f32 v44, v13;
	v13 =	vld [tilespmem:$0x1FC70]  }
0x1c3: {  	v10 =	vadd.f32 v10, v20;
	v16 =	vadd.f32 v41, v16;
	v41 =	vmovc v57;
	v57 =	vmov v0;
	v0 =	vld [tilespmem:$0x1FBE0]  }
0x1c4: {  	v12 =	vadd.f32 v23, v12;
	v23 =	vld [tilespmem:$0x1FC60]  }
0x1c5: {  	v9 =	vmul.f32 v9, v17;
	v20 =	vld [tilespmem:$0x1FBA0];
	v10 =	vadd.f32 v40, v10  }
0x1c6: {  	v11 =	vmul.f32 v11, v19;
	v22 =	vld [tilespmem:$0x1FBC0]  }
0x1c7: {  	v26 =	vadd.f32 v9, v10;
	v9 =	vld [tilespmem:$0x1FC10]  }
0x1c8: {  	v43 =	vadd.f32 v11, v12;
	v11 =	vld [tilespmem:$0x1FCD0];
	v27 =	vadd.f32 v0, v16;
	v0 =	vmul.f32 v42, v21  }
0x1c9: {  	v10 =	vld [tilespmem:$0x1FC30]  }
0x1ca: {  	v15 =	vmul.f32 v15, v21;
	v13 =	vadd.f32 v0, v13;
	v0 =	vld [tilespmem:$0x1FC80]  }
0x1cb: {  	v8 =	vand.u32 $0xFFFF0000, v8;
	v16 =	vld [tilespmem:$0x1FBF0]  }
0x1cc: {  	v14 =	vmul.f32 v14, v21;
	v20 =	vmul.f32 v20, v19;
	v42 =	vld [tilespmem:$0x1FC00];
	v9 =	vadd.f32 v15, v9  }
0x1cd: {  	v52 =	vshll.u32 v58, $0x10;
	v53 =	vand.u32 $0xFFFF0000, v58;
	v58 =	vmul.f32 v8, v17;
	v15 =	vld [tilespmem:$0x1FC20]  }
0x1ce: {  	v22 =	vmul.f32 v22, v19;
	v10 =	vadd.f32 v14, v10;
	v9 =	vadd.f32 v20, v9;
	v20 =	vld [tilespmem:$0x1FC90]  }
0x1cf: {  	p0 =	sne.s32 s15, $0x3;
	v32 =	vmul.f32 v32, v17;
	v5 =	vand.u32 $0xFFFF0000, v5;
	v14 =	vmul.f32 v0, v19;
	v0 =	vld [tilespmem:$0x1FCB0]  }
.Ltmp2:
0x1d0: {  	v33 =	vmul.f32 v33, v17;
	v34 =	vmul.f32 v5, v18;
	v10 =	vadd.f32 v22, v10;
	v22 =	vld [tilespmem:$0x1FCA0];
	(pc) =	sbr.rel @p0 .LBB2_9-.Ltmp2, $4  }
0x1d1: {  	v8 =	vmul.f32 v63, v18;
	v5 =	vshll.u32 v4, $0x10;
	v45 =	vadd.f32 v50, v9;
	v50 =	vld [tilespmem:$0x1FCF0]  }
0x1d2: {  	v4 =	vand.u32 $0xFFFF0000, v4;
	v63 =	vand.u32 $0xFFFF0000, v51;
	v48 =	vmovc v46;
	v46 =	vadd.f32 v34, v10;
	v34 =	vld [tilespmem:$0x1FD00]  }
0x1d3: {  	v3 =	vshll.u32 v51, $0x10;
	v11 =	vmul.f32 v11, v19;
	v44 =	vadd.f32 v14, v13;
	v14 =	vld [tilespmem:$0x1FCC0]  }
0x1d4: {  	s15 =	sadd.s32 $0x1, s15;
	v51 =	vmovc v53;
	v47 =	vmovc v58;
	v58 =	vmov v54;
	v13 =	vmul.f32 v49, v21;
	v49 =	vld [tilespmem:$0x1FCE0];
	v0 =	vmul.f32 v0, v19  }
0x1d5: {  	v6 =	vmul.f32 v6, v21;
	v7 =	vadd.f32 v7, v43;
	v8 =	vadd.f32 v8, v44  }
0x1d6: {  	v1 =	vmul.f32 v1, v21;
	v9 =	vadd.f32 v55, v45;
	v2 =	vmul.f32 v2, v21  }
0x1d7: {  	v10 =	vadd.f32 v57, v46;
	v46 =	vmul.f32 v52, v19;
	v5 =	vmul.f32 v5, v21  }
0x1d8: {  	s0 =	sadd.s32 s30, s2;
	v4 =	vmul.f32 v4, v21;
	v7 =	vadd.f32 v56, v7;
	v8 =	vadd.f32 v58, v8  }
0x1d9: {  	v3 =	vmul.f32 v3, v21;
	s6 =	sshll.u32 s0, $0x8;
	s0 =	sshll.u32 s0, $0x7;
	v12 =	vadd.f32 v13, v34;
	v6 =	vadd.f32 v6, v35  }
0x1da: {  	v54 =	vmul.f32 v63, v21;
	v2 =	vadd.f32 v2, v23;
	s6 =	sand.u32 $0x7FFFF800, s6;
	s0 =	sand.u32 $0x380, s0;
	v5 =	vadd.f32 v5, v22  }
0x1db: {  	v51 =	vmul.f32 v51, v19;
	v4 =	vadd.f32 v4, v20;
	v3 =	vadd.f32 v3, v16;
	s0 =	sor.u32 s0, s6  }
0x1dc: {  	v53 =	vmul.f32 v37, v19;
	v56 =	vadd.f32 v54, v15;
	v1 =	vadd.f32 v1, v14;
	[tilespmem:s0+$0x8C00] =	vst v26  }
0x1dd: {  	v55 =	vmul.f32 v31, v19;
	v0 =	vadd.f32 v0, v12;
	v6 =	vadd.f32 v11, v6;
	[tilespmem:s0+$0x9000] =	vst v27  }
0x1de: {  	v2 =	vadd.f32 v51, v2;
	[tilespmem:s0+$0x8C10] =	vst v28;
	v4 =	vadd.f32 v53, v4  }
0x1df: {  	v52 =	vmul.f32 v49, v19;
	[tilespmem:s0+$0x9010] =	vst v29;
	v3 =	vadd.f32 v55, v3;
	v1 =	vadd.f32 v46, v1  }
0x1e0: {  	[tilespmem:s0+$0x8C20] =	vst v9;
	v0 =	vadd.f32 v61, v0;
	v6 =	vadd.f32 v62, v6  }
0x1e1: {  	[tilespmem:s0+$0x9020] =	vst v10;
	v2 =	vadd.f32 v60, v2;
	v5 =	vadd.f32 v52, v5;
	v61 =	vld [tilespmem:$0x1FD10]  }
0x1e2: {  	v57 =	vmul.f32 v30, v19;
	[tilespmem:s0+$0x8C30] =	vst v7;
	v4 =	vadd.f32 v25, v4;
	v62 =	vld [tilespmem:$0x1FD20];
	v0 =	vadd.f32 v41, v0  }
0x1e3: {  	[tilespmem:s0+$0x9030] =	vst v8;
	v1 =	vadd.f32 v59, v1;
	v6 =	vadd.f32 v47, v6  }
0x1e4: {  	v58 =	vmul.f32 v42, v18;
	v59 =	vadd.f32 v57, v56;
	v2 =	vadd.f32 v48, v2;
	[tilespmem:s0+$0x8C40] =	vst v0  }
0x1e5: {  	s2 =	sadd.s32 $0x1, s2;
	v60 =	vmul.f32 v24, v18;
	v5 =	vadd.f32 v36, v5;
	v1 =	vadd.f32 v50, v1;
	[tilespmem:s0+$0x9040] =	vst v6  }
0x1e6: {  	p0 =	sne.s32 s2, $0x7;
	v3 =	vadd.f32 v58, v3;
	v4 =	vadd.f32 v33, v4;
	[tilespmem:s0+$0x9050] =	vst v2;
	v6 =	vmul.f32 v61, v17  }
.Ltmp3:
0x1e7: {  	v5 =	vadd.f32 v32, v5;
	v0 =	vadd.f32 v60, v59;
	[tilespmem:s0+$0x8C50] =	vst v1;
	v1 =	vmul.f32 v62, v17;
	(pc) =	sbr.rel @p0 .LBB2_8-.Ltmp3, $4  }
0x1e8: {  	[tilespmem:s0+$0x9060] =	vst v4;
	v63 =	vadd.f32 v6, v3  }
0x1e9: {  	[tilespmem:s0+$0x8C60] =	vst v5;
	v0 =	vadd.f32 v1, v0  }
0x1ea: {  	[tilespmem:s0+$0x8C70] =	vst v63  }
0x1eb: {  	[tilespmem:s0+$0x9070] =	vst v0  }
0x1ec: {  	s29 =	sadd.s32 $0x1, s29  }
0x1ed: {  	p0 =	sne.s32 s29, $0x3  }
.Ltmp4:
0x1ee: {  	_ = 	snop;
	(pc) =	sbr.rel @p0 .LBB2_3-.Ltmp4, $1  }
0x1ef: {  	_ =	sdelay $0x3  }
0x1f0: {  	_ =	swait.ge [sflag:s23], $0x4000  }
0x1f1: {  	[sflag:s23] =	ssyncset.done $0x0  }
0x1f2: {  	s29 =	simm.s32 $0x0;
	s2 =	simm.s32 $0x0;
	[sflag:s23] =	ssyncadd.s32 $0xFFFFC000  }
.LBB2_13:
0x1f3: {  	s6 =	simm.s32 $0x0  }
0x1f4: {  	s0 =	sshll.u32 s2, $0x1;
	s15 =	sand.u32 $0x1, s29;
	s6 =	sand.u32 $0x3FFFFF80, s6  }
0x1f5: {  	s16 =	sor.u32 s0, s15;
	v0 =	vld [tilespmem:s6+$0x700]  }
0x1f6: {  	s31 =	simm.s32 $0x0;
	s17 =	sshll.u32 s16, $0x7;
	v1 =	vld [tilespmem:s6+$0x600]  }
0x1f7: {  	s15 =	sand.u32 $0x3FFFF800, s31;
	v2 =	vld [tilespmem:s6+$0x500];
	s17 =	sand.u32 $0x3FFFFF80, s17  }
0x1f8: {  	v3 =	vld [tilespmem:s6+$0x400];
	s15 =	sadd.s32 s17, s15  }
0x1f9: {  	v4 =	vld [tilespmem:s15+$0x3C00]  }
0x1fa: {  	v5 =	vld [tilespmem:s15+$0x3C10]  }
0x1fb: {  	v6 =	vld [tilespmem:s15+$0x3C20]  }
0x1fc: {  	v7 =	vld [tilespmem:s15+$0x3C30]  }
0x1fd: {  	v8 =	vld [tilespmem:s15+$0x3C40]  }
0x1fe: {  	v9 =	vmov s16;
	v12 =	vld [tilespmem:s15+$0x3C50]  }
0x1ff: {  	v9 =	vand.u32 $0xF, v9;
	v14 =	vld [tilespmem:s15+$0x3C60]  }
0x200: {  	v13 =	vbroadcast v9, $0x0;
	v16 =	vld [tilespmem:s15+$0x3C70]  }
0x201: {  	v17 =	vld [tilespmem:s15+$0x2C00]  }
0x202: {  	v18 =	vld [tilespmem:s15+$0x2C10];
	v9 =	vperm.xlane v0, v13;
	v11 =	vperm.xlane v2, v13  }
0x203: {  	v15 =	vimm.f32 $0.0e+00;
	v19 =	vld [tilespmem:s15+$0x2C20];
	v10 =	vperm.xlane v1, v13;
	v13 =	vperm.xlane v3, v13  }
0x204: {  	v20 =	vld [tilespmem:s15+$0x2C30];
	v2 =	vshll.u32 v4, $0x10;
	v3 =	vand.u32 $0xFFFF0000, v4;
	v4 =	vshll.u32 v5, $0x10  }
0x205: {  	v21 =	vld [tilespmem:s15+$0x2C60];
	v5 =	vand.u32 $0xFFFF0000, v5;
	v24 =	vshll.u32 v6, $0x10;
	v6 =	vand.u32 $0xFFFF0000, v6  }
0x206: {  	v23 =	vld [tilespmem:s15+$0x1C00];
	v25 =	vshll.u32 v7, $0x10;
	v7 =	vand.u32 $0xFFFF0000, v7;
	v26 =	vshll.u32 v8, $0x10  }
0x207: {  	v29 =	vld [tilespmem:s15+$0x1C10];
	v8 =	vand.u32 $0xFFFF0000, v8;
	v27 =	vshll.u32 v12, $0x10;
	v28 =	vand.u32 $0xFFFF0000, v12  }
0x208: {  	v33 =	vld [tilespmem:s15+$0x1C20];
	v30 =	vshll.u32 v14, $0x10;
	v31 =	vand.u32 $0xFFFF0000, v14;
	v32 =	vshll.u32 v17, $0x10  }
0x209: {  	v34 =	vld [tilespmem:s15+$0x1C30];
	v12 =	vshll.u32 v16, $0x10;
	v35 =	vand.u32 $0xFFFF0000, v17;
	v36 =	vshll.u32 v18, $0x10  }
0x20a: {  	v39 =	vld [tilespmem:s15+$0x1C50];
	v18 =	vand.u32 $0xFFFF0000, v18;
	v37 =	vshll.u32 v19, $0x10;
	v19 =	vand.u32 $0xFFFF0000, v19  }
0x20b: {  	v40 =	vld [tilespmem:s15+$0x1C60];
	v45 =	vshll.u32 v20, $0x10;
	v20 =	vand.u32 $0xFFFF0000, v20;
	v58 =	vshll.u32 v21, $0x10  }
0x20c: {  	v21 =	vand.u32 $0xFFFF0000, v21;
	v42 =	vshll.u32 v23, $0x10;
	v43 =	vand.u32 $0xFFFF0000, v23  }
0x20d: {  	v53 =	vshll.u32 v29, $0x10;
	v29 =	vand.u32 $0xFFFF0000, v29;
	v56 =	vshll.u32 v33, $0x10  }
0x20e: {  	v57 =	vand.u32 $0xFFFF0000, v33;
	v59 =	vshll.u32 v34, $0x10;
	v60 =	vand.u32 $0xFFFF0000, v34  }
0x20f: {  	v38 =	vld [tilespmem:s15+$0x1C40];
	v49 =	vshll.u32 v39, $0x10;
	v44 =	vand.u32 $0xFFFF0000, v39;
	v2 =	vmul.f32 v2, v9  }
0x210: {  	v22 =	vld [tilespmem:s15+$0x2C70];
	v41 =	vshll.u32 v40, $0x10;
	v3 =	vmul.f32 v3, v9;
	v61 =	vmul.f32 v4, v9  }
0x211: {  	v48 =	vld [tilespmem:s15+$0xC00];
	v40 =	vand.u32 $0xFFFF0000, v40;
	v62 =	vmul.f32 v5, v9;
	v14 =	vmul.f32 v24, v9  }
0x212: {  	v0 =	vld [tilespmem:s15+$0x2C40];
	v17 =	vimm.f32 $0.0e+00;
	v50 =	vmul.f32 v25, v9;
	v47 =	vmul.f32 v26, v9  }
0x213: {  	v1 =	vld [tilespmem:s15+$0x2C50];
	[tilespmem:$0x1FB30] =	vst v12;
	v12 =	vand.u32 $0xFFFF0000, v16;
	v24 =	vmul.f32 v42, v11;
	v42 =	vmul.f32 v8, v9  }
0x214: {  	v16 =	vshll.u32 v38, $0x10;
	v8 =	vmul.f32 v43, v11;
	v25 =	vmul.f32 v53, v11  }
0x215: {  	v38 =	vand.u32 $0xFFFF0000, v38;
	v43 =	vmul.f32 v28, v9;
	v39 =	vmul.f32 v31, v9  }
0x216: {  	v54 =	vld [tilespmem:s15+$0xC10];
	v4 =	vand.u32 $0xFFFF0000, v48;
	v31 =	vmul.f32 v36, v10;
	v37 =	vmul.f32 v37, v10  }
0x217: {  	v26 =	vmul.f32 v19, v10;
	v58 =	vmul.f32 v58, v10;
	v46 =	vshll.u32 v0, $0x10  }
0x218: {  	v36 =	vld [tilespmem:s15+$0xC70];
	v51 =	vand.u32 $0xFFFF0000, v0;
	v55 =	vshll.u32 v1, $0x10;
	v0 =	vshll.u32 v22, $0x10  }
0x219: {  	v52 =	vand.u32 $0xFFFF0000, v1;
	v1 =	vld [tilespmem:s15+$0x1C70];
	v4 =	vmul.f32 v4, v13;
	[tilespmem:$0x1FB50] =	vst v0;
	v0 =	vand.u32 $0xFFFF0000, v22  }
0x21a: {  	v19 =	vimm.f32 $0.0e+00;
	v53 =	vmul.f32 v46, v10;
	[tilespmem:$0x1FB60] =	vst v0;
	v0 =	vmul.f32 v6, v9  }
0x21b: {  	v5 =	vld [tilespmem:s15+$0xC20];
	[tilespmem:$0x1FB40] =	vst v12;
	v52 =	vmul.f32 v52, v10;
	v6 =	vshll.u32 v54, $0x10;
	v4 =	vadd.f32 v4, v15  }
0x21c: {  	v12 =	vld [tilespmem:s15+$0xC30];
	v6 =	vmul.f32 v6, v13;
	[tilespmem:$0x1FB70] =	vst v0;
	v0 =	vmul.f32 v7, v9;
	v7 =	vand.u32 $0xFFFF0000, v54  }
0x21d: {  	v4 =	vadd.f32 v8, v4;
	v54 =	vmul.f32 v51, v10;
	v51 =	vmul.f32 v55, v10  }
0x21e: {  	v55 =	vand.u32 $0xFFFF0000, v36;
	v23 =	vshll.u32 v1, $0x10;
	v22 =	vand.u32 $0xFFFF0000, v1  }
0x21f: {  	v1 =	vshll.u32 v48, $0x10;
	v6 =	vadd.f32 v6, v15;
	v7 =	vmul.f32 v7, v13  }
0x220: {  	v48 =	vmul.f32 v27, v9;
	v27 =	vand.u32 $0xFFFF0000, v5;
	v1 =	vmul.f32 v1, v13  }
0x221: {  	v8 =	vld [tilespmem:s15+$0xC40];
	[tilespmem:$0x1FB80] =	vst v0;
	v0 =	vshll.u32 v5, $0x10;
	v5 =	vmul.f32 v32, v10;
	v32 =	vshll.u32 v12, $0x10  }
0x222: {  	v12 =	vand.u32 $0xFFFF0000, v12;
	v27 =	vmul.f32 v27, v13;
	v6 =	vadd.f32 v25, v6  }
0x223: {  	v7 =	vadd.f32 v7, v15;
	v25 =	vmul.f32 v29, v11;
	v0 =	vmul.f32 v0, v13  }
0x224: {  	v32 =	vmul.f32 v32, v13;
	v12 =	vmul.f32 v12, v13;
	v1 =	vadd.f32 v1, v15  }
0x225: {  	v25 =	vadd.f32 v25, v7;
	v7 =	vmul.f32 v35, v10;
	v31 =	vadd.f32 v31, v6  }
0x226: {  	v63 =	vshll.u32 v8, $0x10;
	v6 =	vand.u32 $0xFFFF0000, v8;
	v0 =	vadd.f32 v0, v15  }
0x227: {  	v8 =	vmul.f32 v20, v10;
	v32 =	vadd.f32 v32, v15;
	v12 =	vadd.f32 v12, v15  }
0x228: {  	v35 =	vld [tilespmem:s15+$0xC60];
	v20 =	vimm.f32 $0.0e+00;
	v1 =	vadd.f32 v24, v1;
	v24 =	vmul.f32 v30, v9  }
0x229: {  	v30 =	vld [tilespmem:s15+$0xC50];
	v4 =	vadd.f32 v7, v4;
	v7 =	vmul.f32 v45, v10;
	v45 =	vmul.f32 v21, v10  }
0x22a: {  	v34 =	vadd.f32 v61, v31;
	v31 =	vmul.f32 v57, v11;
	v57 =	vmul.f32 v63, v13  }
0x22b: {  	v21 =	vimm.f32 $0.0e+00;
	v1 =	vadd.f32 v5, v1;
	v5 =	vmul.f32 v18, v10  }
0x22c: {  	v18 =	vimm.f32 $0.0e+00;
	v33 =	vadd.f32 v3, v4;
	v3 =	vshll.u32 v36, $0x10  }
0x22d: {  	v25 =	vadd.f32 v5, v25;
	v29 =	vadd.f32 v2, v1;
	v5 =	vshll.u32 v35, $0x10  }
0x22e: {  	v1 =	vshll.u32 v30, $0x10;
	v2 =	vand.u32 $0xFFFF0000, v30;
	v30 =	vmul.f32 v56, v11  }
0x22f: {  	v56 =	vmul.f32 v38, v11;
	v28 =	vadd.f32 v62, v25;
	v25 =	vadd.f32 v27, v15  }
0x230: {  	v4 =	vand.u32 $0xFFFF0000, v35;
	v27 =	vmul.f32 v59, v11;
	v62 =	vmul.f32 v60, v11  }
0x231: {  	v30 =	vadd.f32 v30, v0;
	v0 =	vmul.f32 v16, v11;
	v25 =	vadd.f32 v31, v25  }
0x232: {  	v16 =	vimm.f32 $0.0e+00;
	v35 =	vadd.f32 v27, v32;
	v36 =	vadd.f32 v62, v12  }
0x233: {  	s15 =	simm.s32 $0x1;
	v37 =	vadd.f32 v37, v30;
	v38 =	vadd.f32 v26, v25;
	v25 =	vimm.f32 $0.0e+00  }
.LBB2_14:
0x234: {  	v7 =	vadd.f32 v7, v35;
	_ =	sdelay $0x1  }
0x235: {  	v7 =	vadd.f32 v50, v7;
	_ =	sdelay $0x1  }
0x236: {  	[tilespmem:$0x1FA60] =	vst v7;
	v7 =	vld [tilespmem:$0x1FB80];
	_ =	sdelay $0x2  }
0x237: {  	v8 =	vadd.f32 v8, v36;
	_ =	sdelay $0x1  }
0x238: {  	v6 =	vmul.f32 v6, v13;
	v7 =	vadd.f32 v7, v8  }
0x239: {  	v1 =	vmul.f32 v1, v13;
	v2 =	vmul.f32 v2, v13  }
0x23a: {  	v3 =	vmul.f32 v3, v13;
	v12 =	vadd.f32 v14, v37;
	[tilespmem:$0x1FA70] =	vst v7;
	v7 =	vadd.f32 v57, v15  }
0x23b: {  	v6 =	vadd.f32 v6, v16;
	v1 =	vadd.f32 v1, v17;
	v8 =	vmul.f32 v49, v11  }
0x23c: {  	v2 =	vadd.f32 v2, v25;
	v0 =	vadd.f32 v0, v7  }
0x23d: {  	v3 =	vadd.f32 v3, v19;
	v15 =	vmul.f32 v44, v11;
	v1 =	vadd.f32 v8, v1  }
0x23e: {  	s6 =	sshll.u32 s15, $0x6;
	v6 =	vadd.f32 v56, v6;
	v0 =	vadd.f32 v53, v0  }
0x23f: {  	s6 =	sand.u32 $0x3FFFFF80, s6;
	v2 =	vadd.f32 v15, v2;
	v1 =	vadd.f32 v51, v1  }
0x240: {  	v5 =	vmul.f32 v5, v13;
	v62 =	vld [tilespmem:s6+$0x700];
	v6 =	vadd.f32 v54, v6;
	v0 =	vadd.f32 v47, v0  }
0x241: {  	v4 =	vmul.f32 v4, v13;
	v63 =	vld [tilespmem:s6+$0x600];
	v2 =	vadd.f32 v52, v2;
	v1 =	vadd.f32 v48, v1  }
0x242: {  	s16 =	sand.u32 $0x1, s15;
	v35 =	vld [tilespmem:s6+$0x500];
	v8 =	vmul.f32 v40, v11;
	[tilespmem:$0x1FA90] =	vst v0;
	v0 =	vadd.f32 v42, v6;
	v6 =	vmul.f32 v55, v13  }
0x243: {  	s17 =	sor.u32 s0, s16;
	v36 =	vld [tilespmem:s6+$0x400];
	v7 =	vmul.f32 v41, v11;
	[tilespmem:$0x1FAD0] =	vst v1;
	v1 =	vadd.f32 v43, v2;
	v2 =	vadd.f32 v5, v21  }
0x244: {  	s31 =	sshll.u32 s15, $0xA;
	s18 =	sshll.u32 s17, $0x7;
	[tilespmem:$0x1FA20] =	vst v12;
	v12 =	vld [tilespmem:$0x1FB70];
	v5 =	vmul.f32 v23, v11;
	v11 =	vmul.f32 v22, v11;
	v6 =	vadd.f32 v6, v18  }
0x245: {  	s16 =	sand.u32 $0x3FFFF800, s31;
	s18 =	sand.u32 $0x3FFFFF80, s18;
	v4 =	vadd.f32 v4, v20;
	v2 =	vadd.f32 v7, v2;
	v7 =	vld [tilespmem:$0x1FB50]  }
0x246: {  	s16 =	sadd.s32 s18, s16;
	v3 =	vadd.f32 v5, v3;
	v5 =	vadd.f32 v11, v6;
	v6 =	vld [tilespmem:$0x1FB60]  }
0x247: {  	v16 =	vld [tilespmem:s16+$0x3C50]  }
0x248: {  	v14 =	vld [tilespmem:s16+$0x3C60];
	v4 =	vadd.f32 v8, v4;
	v2 =	vadd.f32 v58, v2  }
0x249: {  	v17 =	vld [tilespmem:s16+$0x2C60]  }
0x24a: {  	v37 =	vld [tilespmem:s16+$0x2C70];
	v4 =	vadd.f32 v45, v4;
	v2 =	vadd.f32 v24, v2  }
0x24b: {  	v49 =	vld [tilespmem:s16+$0x1C40];
	v12 =	vadd.f32 v12, v38;
	v7 =	vmul.f32 v7, v10;
	v6 =	vmul.f32 v6, v10  }
0x24c: {  	[tilespmem:$0x1FA50] =	vst v2;
	v2 =	vadd.f32 v39, v4;
	v10 =	vld [tilespmem:$0x1FB30]  }
0x24d: {  	[tilespmem:$0x1FA30] =	vst v12;
	v3 =	vadd.f32 v7, v3;
	v7 =	vmov s17;
	v5 =	vadd.f32 v6, v5;
	v6 =	vld [tilespmem:$0x1FB40]  }
0x24e: {  	v12 =	vld [tilespmem:s16+$0x3C70];
	[tilespmem:$0x1FAE0] =	vst v2;
	v2 =	vand.u32 $0xF, v7  }
0x24f: {  	v8 =	vld [tilespmem:s16+$0x3C40];
	v2 =	vbroadcast v2, $0x0  }
0x250: {  	v48 =	vld [tilespmem:s16+$0x1C30]  }
0x251: {  	v23 =	vld [tilespmem:s16+$0x3C20];
	v11 =	vperm.xlane v35, v2;
	v10 =	vmul.f32 v10, v9  }
0x252: {  	v46 =	vshll.u32 v16, $0x10;
	v22 =	vld [tilespmem:s16+$0x3C30];
	v13 =	vperm.xlane v36, v2;
	v6 =	vmul.f32 v6, v9  }
0x253: {  	[tilespmem:$0x1F9D0] =	vst v29;
	v3 =	vadd.f32 v10, v3;
	v9 =	vperm.xlane v62, v2;
	v10 =	vperm.xlane v63, v2;
	v2 =	vld [tilespmem:s16+$0x2C50]  }
0x254: {  	v51 =	vand.u32 $0xFFFF0000, v16;
	v52 =	vshll.u32 v14, $0x10;
	v53 =	vand.u32 $0xFFFF0000, v14;
	[tilespmem:$0x1FAC0] =	vst v0;
	v7 =	vld [tilespmem:s16+$0x2C40]  }
0x255: {  	v14 =	vshll.u32 v12, $0x10;
	v20 =	vshll.u32 v48, $0x10;
	[tilespmem:$0x1FAF0] =	vst v3;
	v3 =	vadd.f32 v6, v5;
	v6 =	vld [tilespmem:s16+$0x2C30]  }
0x256: {  	v12 =	vand.u32 $0xFFFF0000, v12;
	v45 =	vshll.u32 v8, $0x10;
	v0 =	vld [tilespmem:s16+$0x3C00];
	[tilespmem:$0x1FA40] =	vst v20;
	v20 =	vand.u32 $0xFFFF0000, v48  }
0x257: {  	[tilespmem:$0x1FA10] =	vst v1;
	v1 =	vld [tilespmem:s16+$0x3C10];
	v40 =	vand.u32 $0xFFFF0000, v23;
	v42 =	vshll.u32 v22, $0x10;
	v43 =	vand.u32 $0xFFFF0000, v22  }
0x258: {  	[tilespmem:$0x1FA80] =	vst v20;
	v20 =	vshll.u32 v49, $0x10;
	v61 =	vshll.u32 v2, $0x10;
	v62 =	vand.u32 $0xFFFF0000, v2;
	v2 =	vld [tilespmem:s16+$0x1C70]  }
0x259: {  	v22 =	vld [tilespmem:s16+$0x1C00];
	[tilespmem:$0x1FAB0] =	vst v20;
	v20 =	vand.u32 $0xFFFF0000, v49;
	v59 =	vshll.u32 v7, $0x10;
	v60 =	vand.u32 $0xFFFF0000, v7  }
0x25a: {  	[tilespmem:$0x1FA00] =	vst v28;
	v7 =	vshll.u32 v37, $0x10;
	v57 =	vshll.u32 v6, $0x10;
	v58 =	vand.u32 $0xFFFF0000, v6;
	v6 =	vld [tilespmem:s16+$0x1C60]  }
0x25b: {  	v39 =	vshll.u32 v23, $0x10;
	v23 =	vld [tilespmem:s16+$0x1C10];
	v28 =	vshll.u32 v0, $0x10;
	[tilespmem:$0x1FB50] =	vst v7;
	v7 =	vand.u32 $0xFFFF0000, v37  }
0x25c: {  	v29 =	vshll.u32 v1, $0x10;
	v1 =	vand.u32 $0xFFFF0000, v1;
	[tilespmem:$0x1FB60] =	vst v7;
	v7 =	vld [tilespmem:s16+$0xC00];
	v25 =	vmul.f32 v28, v9  }
0x25d: {  	[tilespmem:$0x1FB30] =	vst v14;
	v28 =	vmul.f32 v1, v9;
	v1 =	vld [tilespmem:s16+$0xC30];
	v37 =	vshll.u32 v2, $0x10;
	v2 =	vand.u32 $0xFFFF0000, v2  }
0x25e: {  	v0 =	vand.u32 $0xFFFF0000, v0;
	v44 =	vmul.f32 v45, v9;
	v45 =	vld [tilespmem:s16+$0xC50];
	[tilespmem:$0x1FB20] =	vst v2;
	v2 =	vmul.f32 v43, v9  }
0x25f: {  	v15 =	vand.u32 $0xFFFF0000, v22;
	[tilespmem:$0x1FB40] =	vst v12;
	v21 =	vshll.u32 v6, $0x10;
	v36 =	vand.u32 $0xFFFF0000, v6;
	v6 =	vld [tilespmem:s16+$0xC20]  }
0x260: {  	v14 =	vshll.u32 v22, $0x10;
	v12 =	vand.u32 $0xFFFF0000, v17;
	v16 =	vshll.u32 v23, $0x10;
	[tilespmem:$0x1FB80] =	vst v2;
	v2 =	vld [tilespmem:s16+$0xC40]  }
0x261: {  	[tilespmem:$0x1FB00] =	vst v20;
	v63 =	vshll.u32 v17, $0x10;
	v20 =	vmul.f32 v0, v9;
	v0 =	vmul.f32 v39, v9  }
0x262: {  	[tilespmem:$0x1F9E0] =	vst v33;
	v17 =	vand.u32 $0xFFFF0000, v23;
	v23 =	vld [tilespmem:s16+$0xC10];
	v27 =	vmul.f32 v29, v9;
	v26 =	vshll.u32 v7, $0x10  }
0x263: {  	v29 =	vand.u32 $0xFFFF0000, v7;
	[tilespmem:$0x1FB10] =	vst v0;
	v0 =	vmul.f32 v40, v9;
	v33 =	vshll.u32 v1, $0x10  }
0x264: {  	v40 =	vand.u32 $0xFFFF0000, v1;
	v1 =	vshll.u32 v45, $0x10;
	v31 =	vshll.u32 v6, $0x10  }
0x265: {  	v32 =	vand.u32 $0xFFFF0000, v6;
	v24 =	vshll.u32 v2, $0x10;
	v6 =	vand.u32 $0xFFFF0000, v2  }
0x266: {  	v2 =	vand.u32 $0xFFFF0000, v45;
	v45 =	vmul.f32 v12, v10;
	v12 =	vmul.f32 v14, v11  }
0x267: {  	v30 =	vshll.u32 v23, $0x10;
	v14 =	vmul.f32 v15, v11;
	v15 =	vmul.f32 v26, v13  }
0x268: {  	v26 =	vmul.f32 v29, v13;
	v29 =	vmul.f32 v30, v13;
	v30 =	vld [tilespmem:$0x1F9D0];
	_ =	sdelay $0x3  }
0x269: {  	v50 =	vld [tilespmem:s16+$0x1C50]  }
0x26a: {  	v15 =	vadd.f32 v15, v30;
	v30 =	vld [tilespmem:$0x1F9E0]  }
0x26b: {  	v38 =	vld [tilespmem:s16+$0x1C20]  }
0x26c: {  	v4 =	vld [tilespmem:s16+$0x2C00];
	_ =	sdelay $0x1  }
0x26d: {  	[tilespmem:$0x1F9F0] =	vst v34  }
0x26e: {  	v26 =	vadd.f32 v26, v30;
	v30 =	vld [tilespmem:$0x1F9F0]  }
0x26f: {  	v19 =	vand.u32 $0xFFFF0000, v38;
	v8 =	vand.u32 $0xFFFF0000, v8  }
0x270: {  	v18 =	vshll.u32 v38, $0x10;
	v49 =	vand.u32 $0xFFFF0000, v50;
	v54 =	vshll.u32 v4, $0x10  }
0x271: {  	v4 =	vand.u32 $0xFFFF0000, v4;
	v34 =	vmul.f32 v54, v10;
	[tilespmem:$0x1FAA0] =	vst v3;
	v3 =	vld [tilespmem:s16+$0x2C10];
	v12 =	vadd.f32 v12, v15  }
0x272: {  	v35 =	vshll.u32 v50, $0x10;
	v16 =	vmul.f32 v16, v11;
	v17 =	vmul.f32 v17, v11  }
0x273: {  	v50 =	vmul.f32 v8, v9;
	v12 =	vadd.f32 v34, v12;
	v29 =	vadd.f32 v29, v30;
	v30 =	vld [tilespmem:$0x1FA00]  }
0x274: {  	v39 =	vmul.f32 v4, v10;
	v23 =	vand.u32 $0xFFFF0000, v23;
	v14 =	vadd.f32 v14, v26  }
0x275: {  	[tilespmem:$0x1FB70] =	vst v0;
	v0 =	vmul.f32 v42, v9;
	v16 =	vadd.f32 v16, v29;
	v29 =	vadd.f32 v25, v12;
	v12 =	vld [tilespmem:$0x1FA20]  }
0x276: {  	v5 =	vld [tilespmem:s16+$0x2C20];
	v23 =	vmul.f32 v23, v13;
	v55 =	vshll.u32 v3, $0x10;
	v3 =	vand.u32 $0xFFFF0000, v3  }
0x277: {  	v4 =	vld [tilespmem:s16+$0xC60];
	v41 =	vmul.f32 v55, v10;
	v15 =	vmul.f32 v18, v11;
	v14 =	vadd.f32 v39, v14  }
0x278: {  	v55 =	vld [tilespmem:s16+$0xC70];
	v18 =	vmul.f32 v19, v11;
	v19 =	vmul.f32 v31, v13;
	v23 =	vadd.f32 v23, v30  }
0x279: {  	v42 =	vmul.f32 v3, v10;
	v26 =	vmul.f32 v33, v13;
	v33 =	vadd.f32 v20, v14;
	v14 =	vld [tilespmem:$0x1FA30]  }
0x27a: {  	v17 =	vadd.f32 v17, v23;
	v12 =	vadd.f32 v19, v12;
	v19 =	vld [tilespmem:$0x1FA70]  }
0x27b: {  	v48 =	vmul.f32 v46, v9;
	v38 =	vmul.f32 v51, v9;
	v25 =	vld [tilespmem:$0x1FA10];
	v16 =	vadd.f32 v41, v16  }
0x27c: {  	v46 =	vmul.f32 v52, v9;
	v41 =	vmovc v21;
	v21 =	vld [tilespmem:$0x1FA50];
	v30 =	vmul.f32 v32, v13;
	v17 =	vadd.f32 v42, v17  }
0x27d: {  	v56 =	vshll.u32 v5, $0x10;
	v34 =	vadd.f32 v27, v16;
	v16 =	vld [tilespmem:$0x1FA40];
	v42 =	vmovc v50;
	v50 =	vmovc v0;
	v0 =	vmul.f32 v40, v13  }
0x27e: {  	v43 =	vmul.f32 v56, v10;
	v14 =	vadd.f32 v30, v14;
	v28 =	vadd.f32 v28, v17;
	v17 =	vld [tilespmem:$0x1FA60]  }
0x27f: {  	v47 =	vmul.f32 v53, v9;
	v5 =	vand.u32 $0xFFFF0000, v5;
	v19 =	vadd.f32 v0, v19;
	v0 =	vld [tilespmem:$0x1FA80]  }
0x280: {  	v22 =	vmul.f32 v5, v10;
	v12 =	vadd.f32 v15, v12;
	v15 =	vld [tilespmem:$0x1FA90];
	v14 =	vadd.f32 v18, v14  }
0x281: {  	v53 =	vmul.f32 v59, v10;
	v54 =	vmul.f32 v60, v10;
	v18 =	vld [tilespmem:$0x1FAA0]  }
0x282: {  	v23 =	vmovc v37;
	v37 =	vadd.f32 v43, v12;
	v43 =	vmov v38;
	v38 =	vadd.f32 v22, v14;
	v14 =	vld [tilespmem:$0x1FB10]  }
0x283: {  	v51 =	vmul.f32 v61, v10;
	v52 =	vmul.f32 v62, v10;
	v17 =	vadd.f32 v26, v17;
	v26 =	vld [tilespmem:$0x1FB00]  }
0x284: {  	p0 =	sne.s32 s15, $0x3;
	v16 =	vmul.f32 v16, v11;
	v20 =	vmul.f32 v0, v11;
	v0 =	vld [tilespmem:$0x1FAB0]  }
.Ltmp5:
0x285: {  	v7 =	vmul.f32 v57, v10;
	v8 =	vmul.f32 v58, v10;
	v22 =	vld [tilespmem:$0x1FB20];
	(pc) =	sbr.rel @p0 .LBB2_14-.Ltmp5, $4  }
0x286: {  	v39 =	vmovc v47;
	v47 =	vmovc v44;
	v44 =	vmov v49;
	v49 =	vmov v35;
	v35 =	vadd.f32 v16, v17;
	v16 =	vld [tilespmem:$0x1FAC0]  }
0x287: {  	v5 =	vshll.u32 v4, $0x10;
	v58 =	vmul.f32 v63, v10;
	v4 =	vand.u32 $0xFFFF0000, v4;
	v17 =	vld [tilespmem:$0x1FAD0]  }
0x288: {  	v3 =	vshll.u32 v55, $0x10;
	v57 =	vmul.f32 v24, v13;
	v40 =	vmovc v36;
	v36 =	vadd.f32 v20, v19;
	v20 =	vld [tilespmem:$0x1FAE0]  }
0x289: {  	s15 =	sadd.s32 $0x1, s15;
	v55 =	vand.u32 $0xFFFF0000, v55;
	v24 =	vmovc v46;
	v19 =	vld [tilespmem:$0x1FAF0];
	v56 =	vmul.f32 v26, v11;
	v0 =	vmul.f32 v0, v11  }
0x28a: {  	v6 =	vmul.f32 v6, v13  }
0x28b: {  	v7 =	vadd.f32 v7, v35;
	v8 =	vadd.f32 v8, v36;
	v1 =	vmul.f32 v1, v13  }
0x28c: {  	v12 =	vadd.f32 v14, v37;
	v2 =	vmul.f32 v2, v13;
	v15 =	vadd.f32 v57, v15  }
0x28d: {  	v37 =	vld [tilespmem:$0x1FB70];
	s0 =	sadd.s32 $0x2A, s2;
	v5 =	vmul.f32 v5, v13;
	v7 =	vadd.f32 v50, v7;
	v6 =	vadd.f32 v6, v16  }
0x28e: {  	v26 =	vld [tilespmem:$0x1FB80];
	v4 =	vmul.f32 v4, v13;
	s6 =	sshll.u32 s0, $0x8;
	s0 =	sshll.u32 s0, $0x7;
	v1 =	vadd.f32 v1, v17;
	v2 =	vadd.f32 v2, v25  }
0x28f: {  	v46 =	vmul.f32 v44, v11;
	s6 =	sand.u32 $0x3800, s6;
	s0 =	sand.u32 $0x380, s0;
	v0 =	vadd.f32 v0, v15;
	v5 =	vadd.f32 v5, v21  }
0x290: {  	v3 =	vmul.f32 v3, v13;
	s0 =	sor.u32 s0, s6;
	v4 =	vadd.f32 v4, v20;
	v6 =	vadd.f32 v56, v6  }
0x291: {  	v50 =	vmul.f32 v40, v11;
	v2 =	vadd.f32 v46, v2;
	[tilespmem:s0+$0x8C00] =	vst v29;
	v0 =	vadd.f32 v53, v0  }
0x292: {  	[tilespmem:s0+$0x9000] =	vst v33;
	v53 =	vmul.f32 v55, v13;
	v3 =	vadd.f32 v3, v19;
	v14 =	vadd.f32 v37, v38  }
0x293: {  	[tilespmem:s0+$0x8C10] =	vst v34;
	v8 =	vadd.f32 v26, v8;
	v38 =	vmul.f32 v49, v11;
	v4 =	vadd.f32 v50, v4  }
0x294: {  	v57 =	vld [tilespmem:$0x1FB50];
	[tilespmem:s0+$0x9010] =	vst v28;
	v49 =	vmul.f32 v41, v11;
	v6 =	vadd.f32 v54, v6;
	v2 =	vadd.f32 v52, v2  }
0x295: {  	v60 =	vld [tilespmem:$0x1FB60];
	[tilespmem:s0+$0x8C20] =	vst v12;
	v0 =	vadd.f32 v47, v0;
	v55 =	vadd.f32 v53, v18  }
0x296: {  	v61 =	vld [tilespmem:$0x1FB30];
	[tilespmem:s0+$0x8C30] =	vst v7;
	v56 =	vmul.f32 v22, v11;
	v1 =	vadd.f32 v38, v1;
	v5 =	vadd.f32 v49, v5  }
0x297: {  	v62 =	vld [tilespmem:$0x1FB40];
	v54 =	vmul.f32 v23, v11;
	[tilespmem:s0+$0x9020] =	vst v14;
	v4 =	vadd.f32 v45, v4;
	v6 =	vadd.f32 v42, v6  }
0x298: {  	[tilespmem:s0+$0x9030] =	vst v8;
	v2 =	vadd.f32 v43, v2;
	v1 =	vadd.f32 v51, v1  }
0x299: {  	v8 =	vmul.f32 v57, v10;
	v3 =	vadd.f32 v54, v3;
	[tilespmem:s0+$0x8C40] =	vst v0;
	v59 =	vadd.f32 v56, v55  }
0x29a: {  	s2 =	sadd.s32 $0x1, s2;
	v7 =	vmul.f32 v60, v10;
	v5 =	vadd.f32 v58, v5;
	[tilespmem:s0+$0x9040] =	vst v6;
	v1 =	vadd.f32 v48, v1  }
0x29b: {  	p0 =	sne.s32 s2, $0x7;
	v4 =	vadd.f32 v39, v4;
	v6 =	vmul.f32 v61, v9;
	v3 =	vadd.f32 v8, v3;
	[tilespmem:s0+$0x9050] =	vst v2  }
.Ltmp6:
0x29c: {  	v0 =	vadd.f32 v7, v59;
	v5 =	vadd.f32 v24, v5;
	[tilespmem:s0+$0x8C50] =	vst v1;
	v1 =	vmul.f32 v62, v9;
	(pc) =	sbr.rel @p0 .LBB2_13-.Ltmp6, $4  }
0x29d: {  	[tilespmem:s0+$0x9060] =	vst v4;
	v63 =	vadd.f32 v6, v3  }
0x29e: {  	[tilespmem:s0+$0x8C60] =	vst v5;
	v0 =	vadd.f32 v1, v0  }
0x29f: {  	[tilespmem:s0+$0x8C70] =	vst v63  }
0x2a0: {  	[tilespmem:s0+$0x9070] =	vst v0  }
0x2a1: {  	s0 =	sadd.s32 s4, s28  }
0x2a2: {  	s28 =	sadd.s32 $0x1, s28;
	s0 =	smul.u32 $0x700, s0  }
0x2a3: {  	p0 =	sne.s32 s28, $0x10  }
.Ltmp7:
0x2a4: {  	s0 =	sadd.s32 s5, s0;
	(pc) =	sbr.rel @p0 .LBB2_2-.Ltmp7, $4  }
0x2a5: {  	[hbm4b:s0+s3] =	stream.linear.scatter [tilespmem:s25], [sflag:$0x3], $0x3800, $0x38;
	[tilespmem:$0xC400] =	vst v63  }
0x2a6: {  	_ =	swait.ge [sflag:s13], $0x3800  }
0x2a7: {  	[sflag:s13] =	ssyncset.done $0x0  }
0x2a8: {  	[sflag:s13] =	ssyncadd.s32 $0xFFFFC800  }
0x2a9: {  	s26 =	sadd.s32 $0x1, s26  }
0x2aa: {  	p0 =	sne.s32 s26, s12  }
.Ltmp8:
0x2ab: {  	_ = 	snop;
	(pc) =	sbr.rel @p0 .LBB2_1-.Ltmp8, $1  }
0x2ac: {  	_ =	sdelay $0x3  }
0x2ad: {  	_ =	sfence.sel $0x180000  }
0x2ae: {  	[bflag:$0x0] =	sbarrier.arrive $0xFFFF  }
0x2af: {  	_ =	strace $0x9000004A  }
0x2b0: {  	s0 =	stileid.u32;
	[bflag:$0x2] =	sbarrier.arrive $0xFFFF  }
0x2b1: {  	p0 =	sne.s32 s0, $0x0;
	s0 =	rddreg [dreg:$0x2]  }
0x2b2: {  	s0 =	sadd.s32 @!p0 $0x100000, s0  }
0x2b3: {  	[sflag:s0] =	ssyncadd.tile.s32 @!p0 $0x1;
	_ =	shalt  }
.Lfunc_end2:
_tile_overlayer_lowered:
.L_overlay_start_2:
0x2b4: {  	(tag) =	ssettag $0x2  }
0x2b5: {  	s0 =	rddreg [dreg:$0x0];
	s2 =	stileid.u32  }
0x2b6: {  	s1 =	rddreg [dreg:$0x1];
	p0 =	sne.s32 s2, $0x0  }
0x2b7: {  	s3 =	rddreg [dreg:$0x2];
	[bflag:$0x3] =	sbarrier.arrive $0xFFFF;
	s2 =	simm.s32 @!p0 $0x1C03  }
0x2b8: {  	[timem:s3], [sflag:s2] =	dma.local @!p0 [hbm:s0], s1  }
0x2b9: {  	s0 =	simm.s32 @!p0 $0x3  }
0x2ba: {  	_ =	swait.ge @!p0 [sflag:s0], s1  }
0x2bb: {  	s1 =	ssub.s32 @!p0 $0x0, s1;
	[sflag:s0] =	ssyncset.done @!p0 $0x0  }
0x2bc: {  	[sflag:s0] =	ssyncadd.s32 @!p0 s1  }
0x2bd: {  	[bflag:$0x3] =	sbarrier.arrive $0xFFFF  }
0x2be: {  	_ =	shalt  }

// kernel: sparse-core-data-format-call.cloned.1.call-start
scs
called_computation_lowered:
.L_overlay_start_0:
0x0: {  	s2 =	sld [smem:$0x3FD9]  }
0x1: {  	s3 =	sld [smem:$0x3FFE];
	_ =	sdelay $0x1  }
0x2: {  	s1 =	srdreg.scid  }
0x3: {  	s0 =	sand.u32 $0x1, s1  }
0x4: {  	s18 =	sshll.u32 s0, $0xA;
	s2 =	sadd.s32 s3, s2  }
0x5: {  	s2 =	sadd.s32 s2, s18  }
0x6: {  	[smem:$0x3FC2] =	sst s2  }
0x7: {  	_ = 	snop  }
0x8: {  	s2 =	sld [smem:$0x3FC9];
	(tm) =	ssettm $0x1  }
0x9: {  	s19 =	sld [smem:$0x3FFB];
	_ =	sdelay $0x3  }
0xa: {  	_ =	strace s19  }
0xb: {  	s3 =	sld [smem:$0x3FFC];
	_ =	sdelay $0x3  }
0xc: {  	_ =	strace s3  }
0xd: {  	s3 =	sld [smem:$0x3FFD];
	_ =	sdelay $0x3  }
0xe: {  	_ =	strace s3  }
0xf: {  	_ =	strace $0x8FFFFFFF  }
0x10: {  	s20 =	sld [smem:$0x3FDB];
	_ =	sdelay $0x1  }
0x11: {  	s4 =	simm.s32 $_scs_section_size  }
0x12: {  	s5 =	simm.s32 $_size__tile_overlayer_lowered;
	s6 =	simm.s32 $_tile_overlayer_lowered  }
0x13: {  	s23 =	simm.s32 $0x1BFF;
	s22 =	sshll.u32 s6, $0x1;
	s3 =	sadd.s32 s4, s20  }
0x14: {  	s7 =	simm.s32 $0x0;
	s21 =	sshll.u32 s5, $0x1;
	s5 =	sadd.s32 s22, s3  }
0x15: {  	[timem:s7], [sflag:s23] =	dma.local [hbm:s5], s21  }
0x16: {  	_ =	swait.ge [sflag:s23], s21  }
0x17: {  	s4 =	ssub.s32 $0x0, s21;
	[sflag:s23] =	ssyncset.done $0x0  }
0x18: {  	[sflag:s23] =	ssyncadd.s32 s4;
	_ =	sdelay $0x1  }
0x19: {  	s24 =	simm.s32 $0x1B8B  }
0x1a: {  	_ =	swait.ge [sflag:s24], $0x1  }
0x1b: {  	[sflag:s24] =	ssyncset.done $0x0  }
0x1c: {  	s26 =	simm.s32 $0x1B8E;
	s25 =	sld [smem:$0x3FFE];
	[sflag:s24] =	ssyncadd.s32 $0xFFFFFFFF  }
0x1d: {  	s27 =	simm.s32 $execute0_lowered;
	[smem:$0x3FD2] =	sst s26  }
0x1e: {  	s5 =	sshll.u32 s27, $0x1;
	_ =	strace $0x80000046;
	[dreg:$0x1] =	wrdreg $0xFFFFFFFF  }
0x1f: {  	s28 =	simm.s32 $_size_execute0_lowered;
	s3 =	sadd.s32 s3, s5;
	[dreg:$0x0] =	wrdreg $0x0  }
0x20: {  	s5 =	sshll.u32 s28, $0x1;
	[dreg:$0x2] =	wrdreg s3  }
0x21: {  	[dreg:$0x3] =	wrdreg s5  }
0x22: {  	[dreg:$0x4] =	wrdreg $0xC0  }
0x23: {  	_ =	task [dreg:s7], $0x5FFFF  }
0x24: {  	[dreg:$0x1] =	wrdreg $0xFFFFFFFF  }
0x25: {  	[dreg:$0x0] =	wrdreg $0x60  }
0x26: {  	[dreg:$0x2] =	wrdreg s2  }
0x27: {  	[dreg:$0x3] =	wrdreg s25  }
0x28: {  	[dreg:$0x4] =	wrdreg $0x9  }
0x29: {  	_ =	task.clear_ibuf [dreg:s7], $0x5FFFF;
	_ =	strace $0x90000046  }
0x2a: {  	s29 =	simm.s32 $0x9;
	_ =	strace $0x80000048  }
0x2b: {  	_ =	swait.ge [sflag:s29], $0x1  }
0x2c: {  	[sflag:s29] =	ssyncadd.s32 $0xFFFFFFFF  }
0x2d: {  	_ =	strace $0x90000048  }
0x2e: {  	_ =	sfence  }
0x2f: {  	s30 =	sld [smem:$0x0];
	_ =	sdelay $0x2  }
0x30: {  	s31 =	sshll.u32 s1, $0xD;
	s1 =	sshrl.u32 s1, $0x2  }
0x31: {  	s3 =	sand.u32 $0x4000, s31;
	s1 =	sadd.s32 s1, s30  }
0x32: {  	s0 =	sor.u32 s3, s0;
	s1 =	sshll.u32 s1, $0x11  }
0x33: {  	s0 =	sor.u32 s1, s0  }
0x34: {  	s0 =	sadd.s32 $0x8F2B, s0  }
0x35: {  	[sflag:s0] =	ssyncadd.remote.s32 $0x1  }
0x36: {  	_ =	sfence.sel $0xFFFF  }
0x37: {  	[dreg:$0x0] =	wrdreg $0xFFFFFFFF;
	(pc) =	sbr.abs _section_cstart, $3  }
0x38: {  	[dreg:$0x1] =	wrdreg $0xFFFFFFFF  }
0x39: {  	_ =	task.clear_ibuf [dreg:s7], $0x2FFFF;
	_ =	strace $0x9FFFFFFF  }
0x3a: {  	(tm) =	ssettm $0x7FFFFFFF  }
0x3b: {  	_ =	shalt  }
tec
execute0_lowered:
.L_overlay_start_1:
0x0: {  	(tag) =	ssettag $0x1  }
0x1: {  	s0 =	stileid.u32;
	s2 =	rddreg [dreg:$0x0]  }
0x2: {  	s5 =	rddreg [dreg:$0x1];
	s8 =	srdreg.scid  }
0x3: {  	s31 =	simm.s32 $0x2;
	s16 =	simm.s32 $0x0;
	p0 =	por $0x0, $0x0  }
0x4: {  	s15 =	simm.s32 $0x0;
	s17 =	simm.s32 $0x0;
	s14 =	simm.s32 $0x0  }
0x5: {  	s1 =	sshll.u32 s0, $0x6;
	s3 =	sand.u32 $0x1, s0;
	s8 =	sshll.u32 s8, $0x4  }
0x6: {  	s5 =	sadd.s32 $0x2000, s5;
	s4 =	sand.u32 $0x80, s1;
	s1 =	rddreg [dreg:$0x2]  }
0x7: {  	s6 =	ssub.s32 $0x2, s3;
	_ =	strace $0x80000047;
	s7 =	ssub.s32 $0x100, s4  }
0x8: {  	s8 =	sand.u32 $0x10, s8;
	s9 =	sshrl.u32 s6, $0x1;
	s10 =	sshrl.u32 s7, $0x7  }
0x9: {  	s6 =	sand.u32 $0x1, s6;
	s7 =	sshrl.u32 s7, $0x8;
	s10 =	sand.u32 $0x1, s10  }
.Ltmp0:
0xa: {  	s6 =	sadd.s32 s6, s9;
	s7 =	sadd.s32 s7, s10;
	(pc) =	sbr.rel .LBB1_1-.Ltmp0, $4  }
0xb: {  	s13 =	smov.u32 s3;
	s8 =	sor.u32 s0, s8;
	s7 =	smul.u32 s7, s6  }
0xc: {  	s12 =	smov.u32 s4;
	s8 =	sshrl.u32 s8, $0x2;
	s6 =	simm.s32 $0x1  }
0xd: {  	s11 =	smov.u32 s8;
	[sflag:s6] =	ssyncpa.u1 $0x0;
	s7 =	sshll.u32 s7, $0x4  }
0xe: {  	s10 =	simm.s32 $0x800;
	[sflag:s31] =	ssyncpa.u1 $0x0;
	s9 =	sor.u32 $0x1, s7  }
.LBB1_4:
0xf: {  	v5 =	vld [tilespmem:s21+$0xFFFFFFD0];
	[tilespmem:s20+$0x2040 ss:$0x81] =	vst.msk $0xffff, v1  }
0x10: {  	v58 =	vld [tilespmem:s21+$0xFFFFFFE0];
	[tilespmem:s20+$0x2850 ss:$0x81] =	vst.msk $0xffff, v2  }
0x11: {  	s22 =	sshra.s32 s22, $0x2;
	v59 =	vld [tilespmem:s21+$0xFFFFFFF0];
	[tilespmem:s20+$0x3060 ss:$0x81] =	vst.msk $0xffff, v3  }
0x12: {  	v60 =	vld [tilespmem:s21+$0x0];
	[tilespmem:s20+$0x0 ss:$0x81] =	vst.msk $0xffff, v0;
	s19 =	sadd.s32 s22, s19  }
0x13: {  	v61 =	vld [tilespmem:s21+$0x10];
	[tilespmem:s19+$0x3870 ss:$0x81] =	vst.msk $0xffff, v4  }
0x14: {  	v62 =	vld [tilespmem:s21+$0x20];
	[tilespmem:s19+$0x810 ss:$0x81] =	vst.msk $0xffff, v5  }
0x15: {  	v63 =	vld [tilespmem:s21+$0xFFFFFFC0];
	[tilespmem:s19+$0x1020 ss:$0x81] =	vst.msk $0xffff, v58  }
0x16: {  	s17 =	sshll.u32 s17, $0x13;
	[tilespmem:s19+$0x1830 ss:$0x81] =	vst.msk $0xffff, v59  }
0x17: {  	s28 =	sand.u32 $0xF80, s15;
	s16 =	sshll.u32 s16, $0xC;
	s17 =	sadd.s32 s5, s17;
	[tilespmem:s19+$0x2040 ss:$0x81] =	vst.msk $0xffff, v60  }
0x18: {  	s29 =	sshrl.u32 s15, $0x3;
	s30 =	sand.u32 $0x7, s15;
	s17 =	sadd.s32 s28, s17;
	[tilespmem:s19+$0x2850 ss:$0x81] =	vst.msk $0xffff, v61  }
0x19: {  	s31 =	sand.u32 $0xF, s29;
	s15 =	sshll.u32 s30, $0x12;
	s16 =	sadd.s32 s16, s17;
	[tilespmem:s19+$0x3060 ss:$0x81] =	vst.msk $0xffff, v62  }
0x1a: {  	s15 =	sor.u32 $0x400, s15;
	s16 =	sadd.s32 s31, s16;
	[tilespmem:s19+$0x0 ss:$0x81] =	vst.msk $0xffff, v63  }
0x1b: {  	[hbm4b:s16+s15] =	stream.strided.scatter [tilespmem:s18], [sflag:$0x2], $0x4000, s10, s15, $0x20;
	[tilespmem:$0x10100] =	vst v63  }
.LBB1_5:
0x1c: {  	s18 =	sadd.s32 $0x8, s11  }
0x1d: {  	s15 =	sadd.s32 $0x100, s12;
	s19 =	smov.u32 s12;
	p2 =	sgt.s32 s18, $0x7F  }
0x1e: {  	s19 =	smov.u32 @p2 s15  }
0x1f: {  	s21 =	smov.u32 s13;
	s15 =	sadd.s32 $0x2, s13;
	p3 =	sgt.s32 s19, $0xFF  }
0x20: {  	s21 =	smov.u32 @p3 s15  }
0x21: {  	s18 =	smov.u32 @p2 s8;
	p2 =	sgt.s32 s21, $0x1  }
0x22: {  	p1 =	slt.u32 s14, $0x2;
	s21 =	smov.u32 @p2 s3;
	p2 =	sne.s32 s14, s9  }
.Ltmp1:
0x23: {  	s20 =	simm.s32 @!p1 $0x2;
	(pc) =	sbr.rel @!p2 .LBB1_6-.Ltmp1, $4  }
0x24: {  	s16 =	smov.u32 s11;
	s17 =	smov.u32 s13;
	_ =	swait.ge @!p1 [sflag:s20], $0x4000  }
0x25: {  	p0 =	por !p0, !p0;
	[sflag:s20] =	ssyncset.done @!p1 $0x0;
	s11 =	smov.u32 s18  }
0x26: {  	s19 =	smov.u32 @p3 s4;
	s15 =	smov.u32 s12;
	[sflag:s20] =	ssyncadd.s32 @!p1 $0xFFFFC000  }
0x27: {  	s12 =	smov.u32 s19;
	s14 =	sadd.s32 $0x1, s14;
	s13 =	smov.u32 s21  }
.LBB1_1:
0x28: {  	p1 =	sge.u32 s14, s7;
	s31 =	sadd.s32 $0xFFFFFFFF, s14  }
0x29: {  	s18 =	sxor.u32 @!p1 $0xFFFFFFFF, s14;
	s19 =	sshll.u32 @!p1 s13, $0x13;
	s20 =	sshll.u32 @!p1 s12, $0xB  }
0x2a: {  	s21 =	sshll.u32 @!p1 s11, $0x4;
	s18 =	sshll.u32 @!p1 s18, $0xE;
	s19 =	sadd.s32 @!p1 s2, s19  }
0x2b: {  	s21 =	sand.u32 @!p1 $0x7F0, s21;
	s18 =	sand.u32 @!p1 $0x4000, s18;
	s19 =	sadd.s32 @!p1 s20, s19  }
0x2c: {  	s20 =	simm.s32 @!p1 $0x80;
	s19 =	sadd.s32 @!p1 s21, s19;
	s21 =	simm.s32 @!p1 $0x4000  }
0x2d: {  	[tilespmem:s18], [sflag:$0x1] =	stream.strided.gather @!p1 [hbm4b:s19+s20], $0x4000, s21, s20, $0x38;
	[tilespmem:$0x10100] =	vst v63  }
0x2e: {  	p1 =	sge.u32 s31, s7  }
.Ltmp2:
0x2f: {  	_ = 	snop;
	(pc) =	sbr.rel @p1 .LBB1_5-.Ltmp2, $1  }
0x30: {  	_ =	sdelay $0x3  }
0x31: {  	s18 =	simm.s32 $0x1  }
0x32: {  	_ =	swait.ge [sflag:s6], $0x4000;
	s18 =	simm.s32 @!p0 $0x0  }
0x33: {  	[sflag:s6] =	ssyncset.done $0x0;
	s19 =	sshll.u32 s18, $0xE  }
0x34: {  	[sflag:s6] =	ssyncadd.s32 $0xFFFFC000;
	s21 =	sor.u32 $0x40, s19  }
0x35: {  	s18 =	smul.u32 $0x10200, s18;
	v0 =	vld [tilespmem:s21+$0x30]  }
0x36: {  	v3 =	vld [tilespmem:s21+$0xFFFFFFD0]  }
0x37: {  	s18 =	sshrl.u32 s18, $0x2;
	v4 =	vld [tilespmem:s21+$0xFFFFFFE0]  }
0x38: {  	v5 =	vld [tilespmem:s21+$0xFFFFFFF0];
	s19 =	sor.u32 $0x8000, s18  }
0x39: {  	s31 =	sand.u32 $0x1, s14;
	v1 =	vld [tilespmem:s21+$0x0];
	s20 =	sadd.s32 $0x0, s19  }
0x3a: {  	v2 =	vld [tilespmem:s21+$0x10];
	s18 =	smul.u32 $0x10200, s31;
	[tilespmem:s20+$0x3870 ss:$0x81] =	vst.msk $0xffff, v0  }
0x3b: {  	[tilespmem:s20+$0x810 ss:$0x81] =	vst.msk $0xffff, v3;
	v3 =	vld [tilespmem:s21+$0x20]  }
0x3c: {  	s18 =	sshrl.u32 s18, $0x2;
	v0 =	vld [tilespmem:s21+$0xFFFFFFC0];
	[tilespmem:s20+$0x1020 ss:$0x81] =	vst.msk $0xffff, v4;
	s21 =	sadd.s32 $0x80, s21  }
0x3d: {  	s22 =	simm.s32 $0x4;
	s23 =	simm.s32 $0x8;
	s18 =	sor.u32 $0x8000, s18;
	[tilespmem:s20+$0x1830 ss:$0x81] =	vst.msk $0xffff, v5;
	v4 =	vld [tilespmem:s21+$0x30]  }
.LBB1_3:
0x3e: {  	p1 =	sne.s32 s23, $0x1FC;
	v5 =	vld [tilespmem:s21+$0xFFFFFFD0];
	[tilespmem:s20+$0x2040 ss:$0x81] =	vst.msk $0xffff, v1  }
0x3f: {  	v6 =	vld [tilespmem:s21+$0xFFFFFFE0];
	[tilespmem:s20+$0x2850 ss:$0x81] =	vst.msk $0xffff, v2  }
0x40: {  	s24 =	sshra.s32 s22, $0x2;
	s22 =	smov.u32 s23;
	v7 =	vld [tilespmem:s21+$0xFFFFFFF0];
	[tilespmem:s20+$0x3060 ss:$0x81] =	vst.msk $0xffff, v3  }
.Ltmp3:
0x41: {  	v1 =	vld [tilespmem:s21+$0x0];
	[tilespmem:s20+$0x0 ss:$0x81] =	vst.msk $0xffff, v0;
	s20 =	sadd.s32 s24, s19;
	(pc) =	sbr.rel @p1 .LBB1_3-.Ltmp3, $4  }
0x42: {  	v2 =	vld [tilespmem:s21+$0x10];
	[tilespmem:s20+$0x3870 ss:$0x81] =	vst.msk $0xffff, v4  }
0x43: {  	[tilespmem:s20+$0x810 ss:$0x81] =	vst.msk $0xffff, v5;
	v3 =	vld [tilespmem:s21+$0x20]  }
0x44: {  	v0 =	vld [tilespmem:s21+$0xFFFFFFC0];
	[tilespmem:s20+$0x1020 ss:$0x81] =	vst.msk $0xffff, v6;
	s21 =	sadd.s32 $0x80, s21  }
0x45: {  	s23 =	sadd.s32 $0x4, s23;
	v4 =	vld [tilespmem:s21+$0x30];
	[tilespmem:s20+$0x1830 ss:$0x81] =	vst.msk $0xffff, v7  }
.Ltmp4:
0x46: {  	_ = 	snop;
	(pc) =	sbr.rel .LBB1_4-.Ltmp4, $1  }
0x47: {  	_ =	sdelay $0x3  }
.LBB1_6:
0x48: {  	_ =	sfence.sel $0x180000  }
0x49: {  	s2 =	simm.s32 $0x1;
	[bflag:$0x0] =	sbarrier.arrive $0xFFFF  }
0x4a: {  	s31 =	simm.s32 $0x2;
	[sflag:s2] =	ssyncpa.u1 $0x1  }
0x4b: {  	[sflag:s31] =	ssyncpa.u1 $0x1  }
0x4c: {  	p0 =	sne.s32 s0, $0x0;
	_ =	strace $0x90000047  }
0x4d: {  	s0 =	sadd.s32 @!p0 $0x100000, s1;
	[bflag:$0x2] =	sbarrier.arrive $0xFFFF  }
0x4e: {  	[sflag:s0] =	ssyncadd.tile.s32 @!p0 $0x1;
	_ =	shalt  }
.Lfunc_end1:
_tile_overlayer_lowered:
.L_overlay_start_2:
0x4f: {  	(tag) =	ssettag $0x2  }
0x50: {  	s0 =	rddreg [dreg:$0x0];
	s2 =	stileid.u32  }
0x51: {  	s1 =	rddreg [dreg:$0x1];
	p0 =	sne.s32 s2, $0x0  }
0x52: {  	s3 =	rddreg [dreg:$0x2];
	[bflag:$0x3] =	sbarrier.arrive $0xFFFF;
	s2 =	simm.s32 @!p0 $0x1C01  }
0x53: {  	[timem:s3], [sflag:s2] =	dma.local @!p0 [hbm:s0], s1  }
0x54: {  	s0 =	simm.s32 @!p0 $0x1  }
0x55: {  	_ =	swait.ge @!p0 [sflag:s0], s1  }
0x56: {  	s1 =	ssub.s32 @!p0 $0x0, s1;
	[sflag:s0] =	ssyncset.done @!p0 $0x0  }
0x57: {  	[sflag:s0] =	ssyncadd.s32 @!p0 s1  }
0x58: {  	[bflag:$0x3] =	sbarrier.arrive $0xFFFF  }
0x59: {  	_ =	shalt  }

</sc_bundles>
